<compile_context>
chip_gen: v7x
topology: tpu7x:2x2x1
jax: 0.10.2.dev20260603
libtpu: 0.0.44.dev20260713+nightly
codegen_flags: <defaults>
</compile_context>

<pallas_src>
import functools
import math

import jax
import jax.numpy as jnp
from jax import lax
from jax.experimental import pallas as pl
from jax.experimental.pallas import tpu as pltpu
from jax.experimental.pallas import tpu_sc as plsc

_B, _C = 1024, 100000
_S = 64.0
_M2 = 0.3
_M3 = 0.2
_CM2 = math.cos(_M2)
_SM2 = math.sin(_M2)

_NC, _NS, _L = 2, 16, 16
_NW = _NC * _NS
_H = 24
_TS = 130
_NG = _B // _L


def _margin_values(x):
    y = jnp.maximum(1.0 - x * x, 1e-12)
    i = lax.bitcast_convert_type(y, jnp.int32)
    r = lax.bitcast_convert_type(0x5F3759DF - (i >> 1), jnp.float32)
    for _ in range(3):
        r = r * (1.5 - 0.5 * y * r * r)
    sq = y * r
    return (x * _CM2 - sq * _SM2 - _M3) * _S


def _sc_body(xt_hbm, label_hbm, out_hbm, lab_v, ibuf0, ibuf1, obuf0, obuf1,
             isem0, isem1, osem0, osem1):
    wid = lax.axis_index("s") * _NC + lax.axis_index("c")
    trb = wid * 390 + jnp.minimum(wid, 20)
    rbase = trb * 8
    pltpu.sync_copy(label_hbm, lab_v)

    ibufs = (ibuf0, ibuf1)
    obufs = (obuf0, obuf1)
    isems = (isem0, isem1)
    osems = (osem0, osem1)

    def scale_and_fix(ib, ob, r0, height):
        for r in range(height):
            @plsc.parallel_loop(0, _B // _L, unroll=8)
            def _(i):
                ob[r, pl.ds(i * _L, _L)] = ib[r, pl.ds(i * _L, _L)] * _S

        big = jnp.full((_L,), 10000, jnp.int32)
        small = jnp.full((_L,), -1, jnp.int32)

        @pl.loop(0, _NG, init_carry=(big, small))
        def acc_loop(g, carry):
            amin, amax = carry
            lab16 = lab_v[pl.ds(g * _L, _L)]
            lr = lab16 - r0
            m = (lr >= 0) & (lr < height)
            amin = jnp.minimum(amin, jnp.where(m, lr, 10000))
            amax = jnp.maximum(amax, jnp.where(m, lr, -1))
            return amin, amax

        amin, amax = acc_loop
        mn = amin[0]
        mx = amax[0]
        for l in range(1, _L):
            mn = jnp.minimum(mn, amin[l])
            mx = jnp.maximum(mx, amax[l])

        @pl.when(mn <= mx)
        def _():
            @pl.loop(mn, mx + 1)
            def _(r):
                @pl.loop(0, _NG)
                def _(g):
                    lab16 = lab_v[pl.ds(g * _L, _L)]
                    hit = lab16 == (r0 + r)
                    x16 = ib[r, pl.ds(g * _L, _L)]
                    ob[r, pl.ds(g * _L, _L)] = jnp.where(
                        hit, _margin_values(x16), x16 * _S)

    def step_slot(t, j):
        r0 = rbase + t * _H
        pltpu.make_async_copy(
            xt_hbm.at[pl.ds(r0, _H), :], ibufs[j], isems[j]).wait()

        @pl.when(t >= 2)
        def _():
            pltpu.make_async_copy(
                obufs[j], out_hbm.at[pl.ds(r0, _H), :], osems[j]).wait()

        scale_and_fix(ibufs[j], obufs[j], r0, _H)

        @pl.when(t + 2 < _TS)
        def _():
            pltpu.async_copy(
                xt_hbm.at[pl.ds(r0 + 2 * _H, _H), :], ibufs[j], isems[j])

        pltpu.async_copy(obufs[j], out_hbm.at[pl.ds(r0, _H), :], osems[j])

    pltpu.async_copy(xt_hbm.at[pl.ds(rbase, _H), :], ibuf0, isem0)
    pltpu.async_copy(xt_hbm.at[pl.ds(rbase + _H, _H), :], ibuf1, isem1)

    @pl.loop(0, _TS, step=2)
    def _(t):
        step_slot(t, 0)
        step_slot(t + 1, 1)

    pltpu.make_async_copy(
        obuf0, out_hbm.at[pl.ds(rbase, _H), :], osem0).wait()
    pltpu.make_async_copy(
        obuf1, out_hbm.at[pl.ds(rbase, _H), :], osem1).wait()

    @pl.when(wid < 20)
    def _():
        r0 = rbase + _TS * _H
        pltpu.sync_copy(xt_hbm.at[pl.ds(r0, 8), :],
                        ibuf0.at[pl.ds(0, 8), :])
        scale_and_fix(ibuf0, obuf0, r0, 8)
        pltpu.sync_copy(obuf0.at[pl.ds(0, 8), :],
                        out_hbm.at[pl.ds(r0, 8), :])


@functools.cache
def _sc_combine():
    return pl.kernel(
        _sc_body,
        mesh=plsc.VectorSubcoreMesh(core_axis_name="c", subcore_axis_name="s"),
        out_type=jax.ShapeDtypeStruct((_C, _B), jnp.float32),
        scratch_types=[
            pltpu.VMEM((_B,), jnp.int32),
            pltpu.VMEM((_H, _B), jnp.float32),
            pltpu.VMEM((_H, _B), jnp.float32),
            pltpu.VMEM((_H, _B), jnp.float32),
            pltpu.VMEM((_H, _B), jnp.float32),
            pltpu.SemaphoreType.DMA,
            pltpu.SemaphoreType.DMA,
            pltpu.SemaphoreType.DMA,
            pltpu.SemaphoreType.DMA,
        ],
    )


def kernel(cosine, label):
    return _sc_combine()(cosine.T, label).T

# --- scband reference (transcript-rebuilt; emitter-appended) ---
"""Pipeline reference for scband-combine-loss-19258633356045 (READ-ONLY COPY).

The authoritative reference and input builder live on the scoring server;
editing this copy changes nothing except your own understanding.
"""

import jax, jax.numpy as jnp
import numpy as np

B, C = 1024, 100000
S = 64.0
M2 = 0.3
M3 = 0.2

def setup_inputs(seed: int = 0) -> dict:
    key = jax.random.key(seed)
    k1, k2 = jax.random.split(key)
    # cosine similarities must lie in (-1, 1) for arccos
    cosine = jax.random.uniform(k1, (B, C), dtype=jnp.float32, minval=-0.99, maxval=0.99)
    label = jax.random.randint(k2, (B,), 0, C, dtype=jnp.int32)
    return {"cosine": cosine, "label": label}

def reference(cosine, label):
    # index = rows where label != -1; margins applied only on those rows at the label column
    valid = (label != -1)
    one_hot = (jnp.arange(C, dtype=label.dtype)[None, :] == label[:, None]) & valid[:, None]
    # cosine.acos_()
    theta = jnp.arccos(cosine)
    # cosine[index] += m_hot  (m2 at label position of valid rows)
    theta = theta + jnp.where(one_hot, jnp.float32(M2), jnp.float32(0.0))
    # cosine.cos_()
    out = jnp.cos(theta)
    # cosine[index] -= m_hot3 (m3 at label position of valid rows)
    out = out - jnp.where(one_hot, jnp.float32(M3), jnp.float32(0.0))
    # cosine.mul_(s)
    out = out * jnp.float32(S)
    return out

if __name__ == "__main__":
    import jax
    _d = setup_inputs()
    print(jax.jit(kernel)(*tuple(_d.values())))

</pallas_src>

<mosaic_0001>
#map = affine_map<(d0, d1) -> (0, 0)>
#map1 = affine_map<(d0, d1) -> (0)>
module attributes {stable_mosaic.version = 14 : i64} {
  func.func @_sc_body(%arg0: i32, %arg1: i32, %arg2: memref<100000x1024xf32, #tpu.memory_space<hbm>>, %arg3: memref<1024xi32, #tpu.memory_space<hbm>>, %arg4: memref<100000x1024xf32, #tpu.memory_space<hbm>>, %arg5: memref<1024xi32, #tpu.memory_space<vmem>>, %arg6: memref<24x1024xf32, #tpu.memory_space<vmem>>, %arg7: memref<24x1024xf32, #tpu.memory_space<vmem>>, %arg8: memref<24x1024xf32, #tpu.memory_space<vmem>>, %arg9: memref<24x1024xf32, #tpu.memory_space<vmem>>, %arg10: memref<!tpu.dma_semaphore, #tpu.memory_space<semaphore_mem>>, %arg11: memref<!tpu.dma_semaphore, #tpu.memory_space<semaphore_mem>>, %arg12: memref<!tpu.dma_semaphore, #tpu.memory_space<semaphore_mem>>, %arg13: memref<!tpu.dma_semaphore, #tpu.memory_space<semaphore_mem>>) attributes {dimension_semantics = [#tpu.dimension_semantics<core_parallel>, #tpu.dimension_semantics<subcore_parallel>], iteration_bounds = array<i64: 2, 16>, scalar_prefetch = 0 : i64, scratch_operands = 9 : i64, tpu.core_type = #tpu.core_type<sc_vector_subcore>, window_params = [{transform_indices = #map}, {transform_indices = #map1}, {transform_indices = #map}]} {
    %mul3A = arith.constant 2 : i32
    %mul3A_0 = arith.muli %arg1, %mul3A : i32
    %add3A = arith.addi %mul3A_0, %arg0 : i32
    %mul3A_1 = arith.constant 390 : i32
    %mul3A_2 = arith.muli %add3A, %mul3A_1 : i32
    %min3A = arith.constant 20 : i32
    %min3A_3 = arith.minsi %add3A, %min3A : i32
    %add3A_4 = arith.addi %mul3A_2, %min3A_3 : i32
    %mul3A_5 = arith.constant 8 : i32
    %mul3A_6 = arith.muli %add3A_4, %mul3A_5 : i32
    "tpu.region"() ({
      %run_scoped3A = tpu.sem_alloc : memref<!tpu.dma_semaphore, #tpu.memory_space<semaphore_mem>>
      tpu.enqueue_dma source(%arg3 : memref<1024xi32, #tpu.memory_space<hbm>>) target(%arg5 : memref<1024xi32, #tpu.memory_space<vmem>>) target_semaphore(%run_scoped3A : memref<!tpu.dma_semaphore, #tpu.memory_space<semaphore_mem>>)
      tpu.wait_dma2 semaphore(%run_scoped3A : memref<!tpu.dma_semaphore, #tpu.memory_space<semaphore_mem>>) src(%arg3 : memref<1024xi32, #tpu.memory_space<hbm>>) dst(%arg5 : memref<1024xi32, #tpu.memory_space<vmem>>)
      tpu.yield
    }) : () -> ()
    %dma_start3A = arith.constant 0 : i32
    %dma_start3A_7 = tpu.memref_slice %arg2[%mul3A_6, %dma_start3A] : memref<100000x1024xf32, #tpu.memory_space<hbm>> -> memref<24x1024xf32, #tpu.memory_space<hbm>>
    %dma_start3A_8 = arith.constant 0 : i32
    %dma_start3A_9 = tpu.memref_slice %arg2[%mul3A_6, %dma_start3A_8] : memref<100000x1024xf32, #tpu.memory_space<hbm>> -> memref<24x1024xf32, #tpu.memory_space<hbm>>
    tpu.enqueue_dma source(%dma_start3A_9 : memref<24x1024xf32, #tpu.memory_space<hbm>>) target(%arg6 : memref<24x1024xf32, #tpu.memory_space<vmem>>) target_semaphore(%arg10 : memref<!tpu.dma_semaphore, #tpu.memory_space<semaphore_mem>>)
    %add3A_10 = arith.constant 24 : i32
    %add3A_11 = arith.addi %mul3A_6, %add3A_10 : i32
    %dma_start3A_12 = arith.constant 0 : i32
    %dma_start3A_13 = tpu.memref_slice %arg2[%add3A_11, %dma_start3A_12] : memref<100000x1024xf32, #tpu.memory_space<hbm>> -> memref<24x1024xf32, #tpu.memory_space<hbm>>
    %dma_start3A_14 = arith.constant 0 : i32
    %dma_start3A_15 = tpu.memref_slice %arg2[%add3A_11, %dma_start3A_14] : memref<100000x1024xf32, #tpu.memory_space<hbm>> -> memref<24x1024xf32, #tpu.memory_space<hbm>>
    tpu.enqueue_dma source(%dma_start3A_15 : memref<24x1024xf32, #tpu.memory_space<hbm>>) target(%arg7 : memref<24x1024xf32, #tpu.memory_space<vmem>>) target_semaphore(%arg11 : memref<!tpu.dma_semaphore, #tpu.memory_space<semaphore_mem>>)
    %scan3A = arith.constant 0 : i32
    %scan3A_16 = arith.constant 65 : i32
    %scan3A_17 = arith.addi %scan3A, %scan3A_16 : i32
    %scan3A_18 = arith.constant 1 : i32
    scf.for %scan3A_29 = %scan3A to %scan3A_17 step %scan3A_18  : i32 {
      %mul3A_30 = arith.constant 2 : i32
      %mul3A_31 = arith.muli %scan3A_29, %mul3A_30 : i32
      %add3A_32 = arith.constant 0 : i32
      %add3A_33 = arith.addi %add3A_32, %mul3A_31 : i32
      %mul3A_34 = arith.constant 24 : i32
      %mul3A_35 = arith.muli %add3A_33, %mul3A_34 : i32
      %add3A_36 = arith.addi %mul3A_6, %mul3A_35 : i32
      %dma_wait3A_37 = arith.constant 0 : i32
      %dma_wait3A_38 = tpu.memref_slice %arg2[%add3A_36, %dma_wait3A_37] : memref<100000x1024xf32, #tpu.memory_space<hbm>> -> memref<24x1024xf32, #tpu.memory_space<hbm>>
      %dma_wait3A_39 = arith.constant 0 : i32
      %dma_wait3A_40 = tpu.memref_slice %arg2[%add3A_36, %dma_wait3A_39] : memref<100000x1024xf32, #tpu.memory_space<hbm>> -> memref<24x1024xf32, #tpu.memory_space<hbm>>
      tpu.wait_dma2 semaphore(%arg10 : memref<!tpu.dma_semaphore, #tpu.memory_space<semaphore_mem>>) src(%dma_wait3A_40 : memref<24x1024xf32, #tpu.memory_space<hbm>>) dst(%arg6 : memref<24x1024xf32, #tpu.memory_space<vmem>>)
      %ge3A = arith.constant 2 : i32
      %ge3A_41 = arith.cmpi sge, %add3A_33, %ge3A : i32
      %convert_element_type3A_42 = arith.extui %ge3A_41 : i1 to i32
      %cond3A_43 = arith.constant 0 : i32
      %cond3A_44 = arith.cmpi ne, %convert_element_type3A_42, %cond3A_43 : i32
      scf.if %cond3A_44 {
        %dma_wait3A_435 = arith.constant 0 : i32
        %dma_wait3A_436 = tpu.memref_slice %arg4[%add3A_36, %dma_wait3A_435] : memref<100000x1024xf32, #tpu.memory_space<hbm>> -> memref<24x1024xf32, #tpu.memory_space<hbm>>
        %dma_wait3A_437 = arith.constant 0 : i32
        %dma_wait3A_438 = tpu.memref_slice %arg4[%add3A_36, %dma_wait3A_437] : memref<100000x1024xf32, #tpu.memory_space<hbm>> -> memref<24x1024xf32, #tpu.memory_space<hbm>>
        tpu.wait_dma2 semaphore(%arg12 : memref<!tpu.dma_semaphore, #tpu.memory_space<semaphore_mem>>) src(%arg8 : memref<24x1024xf32, #tpu.memory_space<vmem>>) dst(%dma_wait3A_438 : memref<24x1024xf32, #tpu.memory_space<hbm>>)
      } else {
      }
      %parallel_loop3A = arith.constant 0 : i32
      %parallel_loop3A_45 = arith.constant 64 : i32
      %parallel_loop3A_46 = arith.constant 1 : i32
      scf.for %parallel_loop3A_435 = %parallel_loop3A to %parallel_loop3A_45 step %parallel_loop3A_46  : i32 {
        %parallel_loop3A_436 = arith.constant 16 : i32
        %parallel_loop3A_437 = arith.muli %parallel_loop3A_435, %parallel_loop3A_436 : i32
        %parallel_loop3A_438 = arith.constant 0 : i32
        %parallel_loop3A_439 = arith.index_cast %parallel_loop3A_438 : i32 to index
        %parallel_loop3A_440 = arith.index_cast %parallel_loop3A_437 : i32 to index
        %parallel_loop3A_441 = tpu.vector_load %arg6[%parallel_loop3A_439, %parallel_loop3A_440] {strides = array<i32>} : memref<24x1024xf32, #tpu.memory_space<vmem>>, vector<1x16xf32>,
        %parallel_loop3A_442 = vector.shape_cast %parallel_loop3A_441 : vector<1x16xf32> to vector<16xf32>
        %parallel_loop3A_443 = arith.constant 6.400000e+01 : f32
        %parallel_loop3A_444 = vector.broadcast %parallel_loop3A_443 : f32 to vector<16xf32>
        %parallel_loop3A_445 = arith.mulf %parallel_loop3A_442, %parallel_loop3A_444 : vector<16xf32>
        %parallel_loop3A_446 = arith.constant 16 : i32
        %parallel_loop3A_447 = arith.muli %parallel_loop3A_435, %parallel_loop3A_446 : i32
        %parallel_loop3A_448 = arith.constant 0 : i32
        %parallel_loop3A_449 = arith.index_cast %parallel_loop3A_448 : i32 to index
        %parallel_loop3A_450 = arith.index_cast %parallel_loop3A_447 : i32 to index
        %parallel_loop3A_451 = tpu.vector_load %arg8[%parallel_loop3A_449, %parallel_loop3A_450] {strides = array<i32>} : memref<24x1024xf32, #tpu.memory_space<vmem>>, vector<1x16xf32>,
        %parallel_loop3A_452 = vector.shape_cast %parallel_loop3A_451 : vector<1x16xf32> to vector<16xf32>
        %parallel_loop3A_453 = vector.shape_cast %parallel_loop3A_445 : vector<16xf32> to vector<1x16xf32>
        tpu.vector_store %arg8[%parallel_loop3A_449, %parallel_loop3A_450], %parallel_loop3A_453 {strides = array<i32>} : memref<24x1024xf32, #tpu.memory_space<vmem>>, vector<1x16xf32>,
      } {sc.loop_unroll_factor = 8 : i64, sc.parallel_access}
      %parallel_loop3A_47 = arith.constant 0 : i32
      %parallel_loop3A_48 = arith.constant 64 : i32
      %parallel_loop3A_49 = arith.constant 1 : i32
      scf.for %parallel_loop3A_435 = %parallel_loop3A_47 to %parallel_loop3A_48 step %parallel_loop3A_49  : i32 {
        %parallel_loop3A_436 = arith.constant 16 : i32
        %parallel_loop3A_437 = arith.muli %parallel_loop3A_435, %parallel_loop3A_436 : i32
        %parallel_loop3A_438 = arith.constant 1 : i32
        %parallel_loop3A_439 = arith.index_cast %parallel_loop3A_438 : i32 to index
        %parallel_loop3A_440 = arith.index_cast %parallel_loop3A_437 : i32 to index
        %parallel_loop3A_441 = tpu.vector_load %arg6[%parallel_loop3A_439, %parallel_loop3A_440] {strides = array<i32>} : memref<24x1024xf32, #tpu.memory_space<vmem>>, vector<1x16xf32>,
        %parallel_loop3A_442 = vector.shape_cast %parallel_loop3A_441 : vector<1x16xf32> to vector<16xf32>
        %parallel_loop3A_443 = arith.constant 6.400000e+01 : f32
        %parallel_loop3A_444 = vector.broadcast %parallel_loop3A_443 : f32 to vector<16xf32>
        %parallel_loop3A_445 = arith.mulf %parallel_loop3A_442, %parallel_loop3A_444 : vector<16xf32>
        %parallel_loop3A_446 = arith.constant 16 : i32
        %parallel_loop3A_447 = arith.muli %parallel_loop3A_435, %parallel_loop3A_446 : i32
        %parallel_loop3A_448 = arith.constant 1 : i32
        %parallel_loop3A_449 = arith.index_cast %parallel_loop3A_448 : i32 to index
        %parallel_loop3A_450 = arith.index_cast %parallel_loop3A_447 : i32 to index
        %parallel_loop3A_451 = tpu.vector_load %arg8[%parallel_loop3A_449, %parallel_loop3A_450] {strides = array<i32>} : memref<24x1024xf32, #tpu.memory_space<vmem>>, vector<1x16xf32>,
        %parallel_loop3A_452 = vector.shape_cast %parallel_loop3A_451 : vector<1x16xf32> to vector<16xf32>
        %parallel_loop3A_453 = vector.shape_cast %parallel_loop3A_445 : vector<16xf32> to vector<1x16xf32>
        tpu.vector_store %arg8[%parallel_loop3A_449, %parallel_loop3A_450], %parallel_loop3A_453 {strides = array<i32>} : memref<24x1024xf32, #tpu.memory_space<vmem>>, vector<1x16xf32>,
      } {sc.loop_unroll_factor = 8 : i64, sc.parallel_access}
      %parallel_loop3A_50 = arith.constant 0 : i32
      %parallel_loop3A_51 = arith.constant 64 : i32
      %parallel_loop3A_52 = arith.constant 1 : i32
      scf.for %parallel_loop3A_435 = %parallel_loop3A_50 to %parallel_loop3A_51 step %parallel_loop3A_52  : i32 {
        %parallel_loop3A_436 = arith.constant 16 : i32
        %parallel_loop3A_437 = arith.muli %parallel_loop3A_435, %parallel_loop3A_436 : i32
        %parallel_loop3A_438 = arith.constant 2 : i32
        %parallel_loop3A_439 = arith.index_cast %parallel_loop3A_438 : i32 to index
        %parallel_loop3A_440 = arith.index_cast %parallel_loop3A_437 : i32 to index
        %parallel_loop3A_441 = tpu.vector_load %arg6[%parallel_loop3A_439, %parallel_loop3A_440] {strides = array<i32>} : memref<24x1024xf32, #tpu.memory_space<vmem>>, vector<1x16xf32>,
        %parallel_loop3A_442 = vector.shape_cast %parallel_loop3A_441 : vector<1x16xf32> to vector<16xf32>
        %parallel_loop3A_443 = arith.constant 6.400000e+01 : f32
        %parallel_loop3A_444 = vector.broadcast %parallel_loop3A_443 : f32 to vector<16xf32>
        %parallel_loop3A_445 = arith.mulf %parallel_loop3A_442, %parallel_loop3A_444 : vector<16xf32>
        %parallel_loop3A_446 = arith.constant 16 : i32
        %parallel_loop3A_447 = arith.muli %parallel_loop3A_435, %parallel_loop3A_446 : i32
        %parallel_loop3A_448 = arith.constant 2 : i32
        %parallel_loop3A_449 = arith.index_cast %parallel_loop3A_448 : i32 to index
        %parallel_loop3A_450 = arith.index_cast %parallel_loop3A_447 : i32 to index
        %parallel_loop3A_451 = tpu.vector_load %arg8[%parallel_loop3A_449, %parallel_loop3A_450] {strides = array<i32>} : memref<24x1024xf32, #tpu.memory_space<vmem>>, vector<1x16xf32>,
        %parallel_loop3A_452 = vector.shape_cast %parallel_loop3A_451 : vector<1x16xf32> to vector<16xf32>
        %parallel_loop3A_453 = vector.shape_cast %parallel_loop3A_445 : vector<16xf32> to vector<1x16xf32>
        tpu.vector_store %arg8[%parallel_loop3A_449, %parallel_loop3A_450], %parallel_loop3A_453 {strides = array<i32>} : memref<24x1024xf32, #tpu.memory_space<vmem>>, vector<1x16xf32>,
      } {sc.loop_unroll_factor = 8 : i64, sc.parallel_access}
      %parallel_loop3A_53 = arith.constant 0 : i32
      %parallel_loop3A_54 = arith.constant 64 : i32
      %parallel_loop3A_55 = arith.constant 1 : i32
      scf.for %parallel_loop3A_435 = %parallel_loop3A_53 to %parallel_loop3A_54 step %parallel_loop3A_55  : i32 {
        %parallel_loop3A_436 = arith.constant 16 : i32
        %parallel_loop3A_437 = arith.muli %parallel_loop3A_435, %parallel_loop3A_436 : i32
        %parallel_loop3A_438 = arith.constant 3 : i32
        %parallel_loop3A_439 = arith.index_cast %parallel_loop3A_438 : i32 to index
        %parallel_loop3A_440 = arith.index_cast %parallel_loop3A_437 : i32 to index
        %parallel_loop3A_441 = tpu.vector_load %arg6[%parallel_loop3A_439, %parallel_loop3A_440] {strides = array<i32>} : memref<24x1024xf32, #tpu.memory_space<vmem>>, vector<1x16xf32>,
        %parallel_loop3A_442 = vector.shape_cast %parallel_loop3A_441 : vector<1x16xf32> to vector<16xf32>
        %parallel_loop3A_443 = arith.constant 6.400000e+01 : f32
        %parallel_loop3A_444 = vector.broadcast %parallel_loop3A_443 : f32 to vector<16xf32>
        %parallel_loop3A_445 = arith.mulf %parallel_loop3A_442, %parallel_loop3A_444 : vector<16xf32>
        %parallel_loop3A_446 = arith.constant 16 : i32
        %parallel_loop3A_447 = arith.muli %parallel_loop3A_435, %parallel_loop3A_446 : i32
        %parallel_loop3A_448 = arith.constant 3 : i32
        %parallel_loop3A_449 = arith.index_cast %parallel_loop3A_448 : i32 to index
        %parallel_loop3A_450 = arith.index_cast %parallel_loop3A_447 : i32 to index
        %parallel_loop3A_451 = tpu.vector_load %arg8[%parallel_loop3A_449, %parallel_loop3A_450] {strides = array<i32>} : memref<24x1024xf32, #tpu.memory_space<vmem>>, vector<1x16xf32>,
        %parallel_loop3A_452 = vector.shape_cast %parallel_loop3A_451 : vector<1x16xf32> to vector<16xf32>
        %parallel_loop3A_453 = vector.shape_cast %parallel_loop3A_445 : vector<16xf32> to vector<1x16xf32>
        tpu.vector_store %arg8[%parallel_loop3A_449, %parallel_loop3A_450], %parallel_loop3A_453 {strides = array<i32>} : memref<24x1024xf32, #tpu.memory_space<vmem>>, vector<1x16xf32>,
      } {sc.loop_unroll_factor = 8 : i64, sc.parallel_access}
      %parallel_loop3A_56 = arith.constant 0 : i32
      %parallel_loop3A_57 = arith.constant 64 : i32
      %parallel_loop3A_58 = arith.constant 1 : i32
      scf.for %parallel_loop3A_435 = %parallel_loop3A_56 to %parallel_loop3A_57 step %parallel_loop3A_58  : i32 {
        %parallel_loop3A_436 = arith.constant 16 : i32
        %parallel_loop3A_437 = arith.muli %parallel_loop3A_435, %parallel_loop3A_436 : i32
        %parallel_loop3A_438 = arith.constant 4 : i32
        %parallel_loop3A_439 = arith.index_cast %parallel_loop3A_438 : i32 to index
        %parallel_loop3A_440 = arith.index_cast %parallel_loop3A_437 : i32 to index
        %parallel_loop3A_441 = tpu.vector_load %arg6[%parallel_loop3A_439, %parallel_loop3A_440] {strides = array<i32>} : memref<24x1024xf32, #tpu.memory_space<vmem>>, vector<1x16xf32>,
        %parallel_loop3A_442 = vector.shape_cast %parallel_loop3A_441 : vector<1x16xf32> to vector<16xf32>
        %parallel_loop3A_443 = arith.constant 6.400000e+01 : f32
        %parallel_loop3A_444 = vector.broadcast %parallel_loop3A_443 : f32 to vector<16xf32>
        %parallel_loop3A_445 = arith.mulf %parallel_loop3A_442, %parallel_loop3A_444 : vector<16xf32>
        %parallel_loop3A_446 = arith.constant 16 : i32
        %parallel_loop3A_447 = arith.muli %parallel_loop3A_435, %parallel_loop3A_446 : i32
        %parallel_loop3A_448 = arith.constant 4 : i32
        %parallel_loop3A_449 = arith.index_cast %parallel_loop3A_448 : i32 to index
        %parallel_loop3A_450 = arith.index_cast %parallel_loop3A_447 : i32 to index
        %parallel_loop3A_451 = tpu.vector_load %arg8[%parallel_loop3A_449, %parallel_loop3A_450] {strides = array<i32>} : memref<24x1024xf32, #tpu.memory_space<vmem>>, vector<1x16xf32>,
        %parallel_loop3A_452 = vector.shape_cast %parallel_loop3A_451 : vector<1x16xf32> to vector<16xf32>
        %parallel_loop3A_453 = vector.shape_cast %parallel_loop3A_445 : vector<16xf32> to vector<1x16xf32>
        tpu.vector_store %arg8[%parallel_loop3A_449, %parallel_loop3A_450], %parallel_loop3A_453 {strides = array<i32>} : memref<24x1024xf32, #tpu.memory_space<vmem>>, vector<1x16xf32>,
      } {sc.loop_unroll_factor = 8 : i64, sc.parallel_access}
      %parallel_loop3A_59 = arith.constant 0 : i32
      %parallel_loop3A_60 = arith.constant 64 : i32
      %parallel_loop3A_61 = arith.constant 1 : i32
      scf.for %parallel_loop3A_435 = %parallel_loop3A_59 to %parallel_loop3A_60 step %parallel_loop3A_61  : i32 {
        %parallel_loop3A_436 = arith.constant 16 : i32
        %parallel_loop3A_437 = arith.muli %parallel_loop3A_435, %parallel_loop3A_436 : i32
        %parallel_loop3A_438 = arith.constant 5 : i32
        %parallel_loop3A_439 = arith.index_cast %parallel_loop3A_438 : i32 to index
        %parallel_loop3A_440 = arith.index_cast %parallel_loop3A_437 : i32 to index
        %parallel_loop3A_441 = tpu.vector_load %arg6[%parallel_loop3A_439, %parallel_loop3A_440] {strides = array<i32>} : memref<24x1024xf32, #tpu.memory_space<vmem>>, vector<1x16xf32>,
        %parallel_loop3A_442 = vector.shape_cast %parallel_loop3A_441 : vector<1x16xf32> to vector<16xf32>
        %parallel_loop3A_443 = arith.constant 6.400000e+01 : f32
        %parallel_loop3A_444 = vector.broadcast %parallel_loop3A_443 : f32 to vector<16xf32>
        %parallel_loop3A_445 = arith.mulf %parallel_loop3A_442, %parallel_loop3A_444 : vector<16xf32>
        %parallel_loop3A_446 = arith.constant 16 : i32
        %parallel_loop3A_447 = arith.muli %parallel_loop3A_435, %parallel_loop3A_446 : i32
        %parallel_loop3A_448 = arith.constant 5 : i32
        %parallel_loop3A_449 = arith.index_cast %parallel_loop3A_448 : i32 to index
        %parallel_loop3A_450 = arith.index_cast %parallel_loop3A_447 : i32 to index
        %parallel_loop3A_451 = tpu.vector_load %arg8[%parallel_loop3A_449, %parallel_loop3A_450] {strides = array<i32>} : memref<24x1024xf32, #tpu.memory_space<vmem>>, vector<1x16xf32>,
        %parallel_loop3A_452 = vector.shape_cast %parallel_loop3A_451 : vector<1x16xf32> to vector<16xf32>
        %parallel_loop3A_453 = vector.shape_cast %parallel_loop3A_445 : vector<16xf32> to vector<1x16xf32>
        tpu.vector_store %arg8[%parallel_loop3A_449, %parallel_loop3A_450], %parallel_loop3A_453 {strides = array<i32>} : memref<24x1024xf32, #tpu.memory_space<vmem>>, vector<1x16xf32>,
      } {sc.loop_unroll_factor = 8 : i64, sc.parallel_access}
      %parallel_loop3A_62 = arith.constant 0 : i32
      %parallel_loop3A_63 = arith.constant 64 : i32
      %parallel_loop3A_64 = arith.constant 1 : i32
      scf.for %parallel_loop3A_435 = %parallel_loop3A_62 to %parallel_loop3A_63 step %parallel_loop3A_64  : i32 {
        %parallel_loop3A_436 = arith.constant 16 : i32
        %parallel_loop3A_437 = arith.muli %parallel_loop3A_435, %parallel_loop3A_436 : i32
        %parallel_loop3A_438 = arith.constant 6 : i32
        %parallel_loop3A_439 = arith.index_cast %parallel_loop3A_438 : i32 to index
        %parallel_loop3A_440 = arith.index_cast %parallel_loop3A_437 : i32 to index
        %parallel_loop3A_441 = tpu.vector_load %arg6[%parallel_loop3A_439, %parallel_loop3A_440] {strides = array<i32>} : memref<24x1024xf32, #tpu.memory_space<vmem>>, vector<1x16xf32>,
        %parallel_loop3A_442 = vector.shape_cast %parallel_loop3A_441 : vector<1x16xf32> to vector<16xf32>
        %parallel_loop3A_443 = arith.constant 6.400000e+01 : f32
        %parallel_loop3A_444 = vector.broadcast %parallel_loop3A_443 : f32 to vector<16xf32>
        %parallel_loop3A_445 = arith.mulf %parallel_loop3A_442, %parallel_loop3A_444 : vector<16xf32>
        %parallel_loop3A_446 = arith.constant 16 : i32
        %parallel_loop3A_447 = arith.muli %parallel_loop3A_435, %parallel_loop3A_446 : i32
        %parallel_loop3A_448 = arith.constant 6 : i32
        %parallel_loop3A_449 = arith.index_cast %parallel_loop3A_448 : i32 to index
        %parallel_loop3A_450 = arith.index_cast %parallel_loop3A_447 : i32 to index
        %parallel_loop3A_451 = tpu.vector_load %arg8[%parallel_loop3A_449, %parallel_loop3A_450] {strides = array<i32>} : memref<24x1024xf32, #tpu.memory_space<vmem>>, vector<1x16xf32>,
        %parallel_loop3A_452 = vector.shape_cast %parallel_loop3A_451 : vector<1x16xf32> to vector<16xf32>
        %parallel_loop3A_453 = vector.shape_cast %parallel_loop3A_445 : vector<16xf32> to vector<1x16xf32>
        tpu.vector_store %arg8[%parallel_loop3A_449, %parallel_loop3A_450], %parallel_loop3A_453 {strides = array<i32>} : memref<24x1024xf32, #tpu.memory_space<vmem>>, vector<1x16xf32>,
      } {sc.loop_unroll_factor = 8 : i64, sc.parallel_access}
      %parallel_loop3A_65 = arith.constant 0 : i32
      %parallel_loop3A_66 = arith.constant 64 : i32
      %parallel_loop3A_67 = arith.constant 1 : i32
      scf.for %parallel_loop3A_435 = %parallel_loop3A_65 to %parallel_loop3A_66 step %parallel_loop3A_67  : i32 {
        %parallel_loop3A_436 = arith.constant 16 : i32
        %parallel_loop3A_437 = arith.muli %parallel_loop3A_435, %parallel_loop3A_436 : i32
        %parallel_loop3A_438 = arith.constant 7 : i32
        %parallel_loop3A_439 = arith.index_cast %parallel_loop3A_438 : i32 to index
        %parallel_loop3A_440 = arith.index_cast %parallel_loop3A_437 : i32 to index
        %parallel_loop3A_441 = tpu.vector_load %arg6[%parallel_loop3A_439, %parallel_loop3A_440] {strides = array<i32>} : memref<24x1024xf32, #tpu.memory_space<vmem>>, vector<1x16xf32>,
        %parallel_loop3A_442 = vector.shape_cast %parallel_loop3A_441 : vector<1x16xf32> to vector<16xf32>
        %parallel_loop3A_443 = arith.constant 6.400000e+01 : f32
        %parallel_loop3A_444 = vector.broadcast %parallel_loop3A_443 : f32 to vector<16xf32>
        %parallel_loop3A_445 = arith.mulf %parallel_loop3A_442, %parallel_loop3A_444 : vector<16xf32>
        %parallel_loop3A_446 = arith.constant 16 : i32
        %parallel_loop3A_447 = arith.muli %parallel_loop3A_435, %parallel_loop3A_446 : i32
        %parallel_loop3A_448 = arith.constant 7 : i32
        %parallel_loop3A_449 = arith.index_cast %parallel_loop3A_448 : i32 to index
        %parallel_loop3A_450 = arith.index_cast %parallel_loop3A_447 : i32 to index
        %parallel_loop3A_451 = tpu.vector_load %arg8[%parallel_loop3A_449, %parallel_loop3A_450] {strides = array<i32>} : memref<24x1024xf32, #tpu.memory_space<vmem>>, vector<1x16xf32>,
        %parallel_loop3A_452 = vector.shape_cast %parallel_loop3A_451 : vector<1x16xf32> to vector<16xf32>
        %parallel_loop3A_453 = vector.shape_cast %parallel_loop3A_445 : vector<16xf32> to vector<1x16xf32>
        tpu.vector_store %arg8[%parallel_loop3A_449, %parallel_loop3A_450], %parallel_loop3A_453 {strides = array<i32>} : memref<24x1024xf32, #tpu.memory_space<vmem>>, vector<1x16xf32>,
      } {sc.loop_unroll_factor = 8 : i64, sc.parallel_access}
      %parallel_loop3A_68 = arith.constant 0 : i32
      %parallel_loop3A_69 = arith.constant 64 : i32
      %parallel_loop3A_70 = arith.constant 1 : i32
      scf.for %parallel_loop3A_435 = %parallel_loop3A_68 to %parallel_loop3A_69 step %parallel_loop3A_70  : i32 {
        %parallel_loop3A_436 = arith.constant 16 : i32
        %parallel_loop3A_437 = arith.muli %parallel_loop3A_435, %parallel_loop3A_436 : i32
        %parallel_loop3A_438 = arith.constant 8 : i32
        %parallel_loop3A_439 = arith.index_cast %parallel_loop3A_438 : i32 to index
        %parallel_loop3A_440 = arith.index_cast %parallel_loop3A_437 : i32 to index
        %parallel_loop3A_441 = tpu.vector_load %arg6[%parallel_loop3A_439, %parallel_loop3A_440] {strides = array<i32>} : memref<24x1024xf32, #tpu.memory_space<vmem>>, vector<1x16xf32>,
        %parallel_loop3A_442 = vector.shape_cast %parallel_loop3A_441 : vector<1x16xf32> to vector<16xf32>
        %parallel_loop3A_443 = arith.constant 6.400000e+01 : f32
        %parallel_loop3A_444 = vector.broadcast %parallel_loop3A_443 : f32 to vector<16xf32>
        %parallel_loop3A_445 = arith.mulf %parallel_loop3A_442, %parallel_loop3A_444 : vector<16xf32>
        %parallel_loop3A_446 = arith.constant 16 : i32
        %parallel_loop3A_447 = arith.muli %parallel_loop3A_435, %parallel_loop3A_446 : i32
        %parallel_loop3A_448 = arith.constant 8 : i32
        %parallel_loop3A_449 = arith.index_cast %parallel_loop3A_448 : i32 to index
        %parallel_loop3A_450 = arith.index_cast %parallel_loop3A_447 : i32 to index
        %parallel_loop3A_451 = tpu.vector_load %arg8[%parallel_loop3A_449, %parallel_loop3A_450] {strides = array<i32>} : memref<24x1024xf32, #tpu.memory_space<vmem>>, vector<1x16xf32>,
        %parallel_loop3A_452 = vector.shape_cast %parallel_loop3A_451 : vector<1x16xf32> to vector<16xf32>
        %parallel_loop3A_453 = vector.shape_cast %parallel_loop3A_445 : vector<16xf32> to vector<1x16xf32>
        tpu.vector_store %arg8[%parallel_loop3A_449, %parallel_loop3A_450], %parallel_loop3A_453 {strides = array<i32>} : memref<24x1024xf32, #tpu.memory_space<vmem>>, vector<1x16xf32>,
      } {sc.loop_unroll_factor = 8 : i64, sc.parallel_access}
      %parallel_loop3A_71 = arith.constant 0 : i32
      %parallel_loop3A_72 = arith.constant 64 : i32
      %parallel_loop3A_73 = arith.constant 1 : i32
      scf.for %parallel_loop3A_435 = %parallel_loop3A_71 to %parallel_loop3A_72 step %parallel_loop3A_73  : i32 {
        %parallel_loop3A_436 = arith.constant 16 : i32
        %parallel_loop3A_437 = arith.muli %parallel_loop3A_435, %parallel_loop3A_436 : i32
        %parallel_loop3A_438 = arith.constant 9 : i32
        %parallel_loop3A_439 = arith.index_cast %parallel_loop3A_438 : i32 to index
        %parallel_loop3A_440 = arith.index_cast %parallel_loop3A_437 : i32 to index
        %parallel_loop3A_441 = tpu.vector_load %arg6[%parallel_loop3A_439, %parallel_loop3A_440] {strides = array<i32>} : memref<24x1024xf32, #tpu.memory_space<vmem>>, vector<1x16xf32>,
        %parallel_loop3A_442 = vector.shape_cast %parallel_loop3A_441 : vector<1x16xf32> to vector<16xf32>
        %parallel_loop3A_443 = arith.constant 6.400000e+01 : f32
        %parallel_loop3A_444 = vector.broadcast %parallel_loop3A_443 : f32 to vector<16xf32>
        %parallel_loop3A_445 = arith.mulf %parallel_loop3A_442, %parallel_loop3A_444 : vector<16xf32>
        %parallel_loop3A_446 = arith.constant 16 : i32
        %parallel_loop3A_447 = arith.muli %parallel_loop3A_435, %parallel_loop3A_446 : i32
        %parallel_loop3A_448 = arith.constant 9 : i32
        %parallel_loop3A_449 = arith.index_cast %parallel_loop3A_448 : i32 to index
        %parallel_loop3A_450 = arith.index_cast %parallel_loop3A_447 : i32 to index
        %parallel_loop3A_451 = tpu.vector_load %arg8[%parallel_loop3A_449, %parallel_loop3A_450] {strides = array<i32>} : memref<24x1024xf32, #tpu.memory_space<vmem>>, vector<1x16xf32>,
        %parallel_loop3A_452 = vector.shape_cast %parallel_loop3A_451 : vector<1x16xf32> to vector<16xf32>
        %parallel_loop3A_453 = vector.shape_cast %parallel_loop3A_445 : vector<16xf32> to vector<1x16xf32>
        tpu.vector_store %arg8[%parallel_loop3A_449, %parallel_loop3A_450], %parallel_loop3A_453 {strides = array<i32>} : memref<24x1024xf32, #tpu.memory_space<vmem>>, vector<1x16xf32>,
      } {sc.loop_unroll_factor = 8 : i64, sc.parallel_access}
      %parallel_loop3A_74 = arith.constant 0 : i32
      %parallel_loop3A_75 = arith.constant 64 : i32
      %parallel_loop3A_76 = arith.constant 1 : i32
      scf.for %parallel_loop3A_435 = %parallel_loop3A_74 to %parallel_loop3A_75 step %parallel_loop3A_76  : i32 {
        %parallel_loop3A_436 = arith.constant 16 : i32
        %parallel_loop3A_437 = arith.muli %parallel_loop3A_435, %parallel_loop3A_436 : i32
        %parallel_loop3A_438 = arith.constant 10 : i32
        %parallel_loop3A_439 = arith.index_cast %parallel_loop3A_438 : i32 to index
        %parallel_loop3A_440 = arith.index_cast %parallel_loop3A_437 : i32 to index
        %parallel_loop3A_441 = tpu.vector_load %arg6[%parallel_loop3A_439, %parallel_loop3A_440] {strides = array<i32>} : memref<24x1024xf32, #tpu.memory_space<vmem>>, vector<1x16xf32>,
        %parallel_loop3A_442 = vector.shape_cast %parallel_loop3A_441 : vector<1x16xf32> to vector<16xf32>
        %parallel_loop3A_443 = arith.constant 6.400000e+01 : f32
        %parallel_loop3A_444 = vector.broadcast %parallel_loop3A_443 : f32 to vector<16xf32>
        %parallel_loop3A_445 = arith.mulf %parallel_loop3A_442, %parallel_loop3A_444 : vector<16xf32>
        %parallel_loop3A_446 = arith.constant 16 : i32
        %parallel_loop3A_447 = arith.muli %parallel_loop3A_435, %parallel_loop3A_446 : i32
        %parallel_loop3A_448 = arith.constant 10 : i32
        %parallel_loop3A_449 = arith.index_cast %parallel_loop3A_448 : i32 to index
        %parallel_loop3A_450 = arith.index_cast %parallel_loop3A_447 : i32 to index
        %parallel_loop3A_451 = tpu.vector_load %arg8[%parallel_loop3A_449, %parallel_loop3A_450] {strides = array<i32>} : memref<24x1024xf32, #tpu.memory_space<vmem>>, vector<1x16xf32>,
        %parallel_loop3A_452 = vector.shape_cast %parallel_loop3A_451 : vector<1x16xf32> to vector<16xf32>
        %parallel_loop3A_453 = vector.shape_cast %parallel_loop3A_445 : vector<16xf32> to vector<1x16xf32>
        tpu.vector_store %arg8[%parallel_loop3A_449, %parallel_loop3A_450], %parallel_loop3A_453 {strides = array<i32>} : memref<24x1024xf32, #tpu.memory_space<vmem>>, vector<1x16xf32>,
      } {sc.loop_unroll_factor = 8 : i64, sc.parallel_access}
      %parallel_loop3A_77 = arith.constant 0 : i32
      %parallel_loop3A_78 = arith.constant 64 : i32
      %parallel_loop3A_79 = arith.constant 1 : i32
      scf.for %parallel_loop3A_435 = %parallel_loop3A_77 to %parallel_loop3A_78 step %parallel_loop3A_79  : i32 {
        %parallel_loop3A_436 = arith.constant 16 : i32
        %parallel_loop3A_437 = arith.muli %parallel_loop3A_435, %parallel_loop3A_436 : i32
        %parallel_loop3A_438 = arith.constant 11 : i32
        %parallel_loop3A_439 = arith.index_cast %parallel_loop3A_438 : i32 to index
        %parallel_loop3A_440 = arith.index_cast %parallel_loop3A_437 : i32 to index
        %parallel_loop3A_441 = tpu.vector_load %arg6[%parallel_loop3A_439, %parallel_loop3A_440] {strides = array<i32>} : memref<24x1024xf32, #tpu.memory_space<vmem>>, vector<1x16xf32>,
        %parallel_loop3A_442 = vector.shape_cast %parallel_loop3A_441 : vector<1x16xf32> to vector<16xf32>
        %parallel_loop3A_443 = arith.constant 6.400000e+01 : f32
        %parallel_loop3A_444 = vector.broadcast %parallel_loop3A_443 : f32 to vector<16xf32>
        %parallel_loop3A_445 = arith.mulf %parallel_loop3A_442, %parallel_loop3A_444 : vector<16xf32>
        %parallel_loop3A_446 = arith.constant 16 : i32
        %parallel_loop3A_447 = arith.muli %parallel_loop3A_435, %parallel_loop3A_446 : i32
        %parallel_loop3A_448 = arith.constant 11 : i32
        %parallel_loop3A_449 = arith.index_cast %parallel_loop3A_448 : i32 to index
        %parallel_loop3A_450 = arith.index_cast %parallel_loop3A_447 : i32 to index
        %parallel_loop3A_451 = tpu.vector_load %arg8[%parallel_loop3A_449, %parallel_loop3A_450] {strides = array<i32>} : memref<24x1024xf32, #tpu.memory_space<vmem>>, vector<1x16xf32>,
        %parallel_loop3A_452 = vector.shape_cast %parallel_loop3A_451 : vector<1x16xf32> to vector<16xf32>
        %parallel_loop3A_453 = vector.shape_cast %parallel_loop3A_445 : vector<16xf32> to vector<1x16xf32>
        tpu.vector_store %arg8[%parallel_loop3A_449, %parallel_loop3A_450], %parallel_loop3A_453 {strides = array<i32>} : memref<24x1024xf32, #tpu.memory_space<vmem>>, vector<1x16xf32>,
      } {sc.loop_unroll_factor = 8 : i64, sc.parallel_access}
      %parallel_loop3A_80 = arith.constant 0 : i32
      %parallel_loop3A_81 = arith.constant 64 : i32
      %parallel_loop3A_82 = arith.constant 1 : i32
      scf.for %parallel_loop3A_435 = %parallel_loop3A_80 to %parallel_loop3A_81 step %parallel_loop3A_82  : i32 {
        %parallel_loop3A_436 = arith.constant 16 : i32
        %parallel_loop3A_437 = arith.muli %parallel_loop3A_435, %parallel_loop3A_436 : i32
        %parallel_loop3A_438 = arith.constant 12 : i32
        %parallel_loop3A_439 = arith.index_cast %parallel_loop3A_438 : i32 to index
        %parallel_loop3A_440 = arith.index_cast %parallel_loop3A_437 : i32 to index
        %parallel_loop3A_441 = tpu.vector_load %arg6[%parallel_loop3A_439, %parallel_loop3A_440] {strides = array<i32>} : memref<24x1024xf32, #tpu.memory_space<vmem>>, vector<1x16xf32>,
        %parallel_loop3A_442 = vector.shape_cast %parallel_loop3A_441 : vector<1x16xf32> to vector<16xf32>
        %parallel_loop3A_443 = arith.constant 6.400000e+01 : f32
        %parallel_loop3A_444 = vector.broadcast %parallel_loop3A_443 : f32 to vector<16xf32>
        %parallel_loop3A_445 = arith.mulf %parallel_loop3A_442, %parallel_loop3A_444 : vector<16xf32>
        %parallel_loop3A_446 = arith.constant 16 : i32
        %parallel_loop3A_447 = arith.muli %parallel_loop3A_435, %parallel_loop3A_446 : i32
        %parallel_loop3A_448 = arith.constant 12 : i32
        %parallel_loop3A_449 = arith.index_cast %parallel_loop3A_448 : i32 to index
        %parallel_loop3A_450 = arith.index_cast %parallel_loop3A_447 : i32 to index
        %parallel_loop3A_451 = tpu.vector_load %arg8[%parallel_loop3A_449, %parallel_loop3A_450] {strides = array<i32>} : memref<24x1024xf32, #tpu.memory_space<vmem>>, vector<1x16xf32>,
        %parallel_loop3A_452 = vector.shape_cast %parallel_loop3A_451 : vector<1x16xf32> to vector<16xf32>
        %parallel_loop3A_453 = vector.shape_cast %parallel_loop3A_445 : vector<16xf32> to vector<1x16xf32>
        tpu.vector_store %arg8[%parallel_loop3A_449, %parallel_loop3A_450], %parallel_loop3A_453 {strides = array<i32>} : memref<24x1024xf32, #tpu.memory_space<vmem>>, vector<1x16xf32>,
      } {sc.loop_unroll_factor = 8 : i64, sc.parallel_access}
      %parallel_loop3A_83 = arith.constant 0 : i32
      %parallel_loop3A_84 = arith.constant 64 : i32
      %parallel_loop3A_85 = arith.constant 1 : i32
      scf.for %parallel_loop3A_435 = %parallel_loop3A_83 to %parallel_loop3A_84 step %parallel_loop3A_85  : i32 {
        %parallel_loop3A_436 = arith.constant 16 : i32
        %parallel_loop3A_437 = arith.muli %parallel_loop3A_435, %parallel_loop3A_436 : i32
        %parallel_loop3A_438 = arith.constant 13 : i32
        %parallel_loop3A_439 = arith.index_cast %parallel_loop3A_438 : i32 to index
        %parallel_loop3A_440 = arith.index_cast %parallel_loop3A_437 : i32 to index
        %parallel_loop3A_441 = tpu.vector_load %arg6[%parallel_loop3A_439, %parallel_loop3A_440] {strides = array<i32>} : memref<24x1024xf32, #tpu.memory_space<vmem>>, vector<1x16xf32>,
        %parallel_loop3A_442 = vector.shape_cast %parallel_loop3A_441 : vector<1x16xf32> to vector<16xf32>
        %parallel_loop3A_443 = arith.constant 6.400000e+01 : f32
        %parallel_loop3A_444 = vector.broadcast %parallel_loop3A_443 : f32 to vector<16xf32>
        %parallel_loop3A_445 = arith.mulf %parallel_loop3A_442, %parallel_loop3A_444 : vector<16xf32>
        %parallel_loop3A_446 = arith.constant 16 : i32
        %parallel_loop3A_447 = arith.muli %parallel_loop3A_435, %parallel_loop3A_446 : i32
        %parallel_loop3A_448 = arith.constant 13 : i32
        %parallel_loop3A_449 = arith.index_cast %parallel_loop3A_448 : i32 to index
        %parallel_loop3A_450 = arith.index_cast %parallel_loop3A_447 : i32 to index
        %parallel_loop3A_451 = tpu.vector_load %arg8[%parallel_loop3A_449, %parallel_loop3A_450] {strides = array<i32>} : memref<24x1024xf32, #tpu.memory_space<vmem>>, vector<1x16xf32>,
        %parallel_loop3A_452 = vector.shape_cast %parallel_loop3A_451 : vector<1x16xf32> to vector<16xf32>
        %parallel_loop3A_453 = vector.shape_cast %parallel_loop3A_445 : vector<16xf32> to vector<1x16xf32>
        tpu.vector_store %arg8[%parallel_loop3A_449, %parallel_loop3A_450], %parallel_loop3A_453 {strides = array<i32>} : memref<24x1024xf32, #tpu.memory_space<vmem>>, vector<1x16xf32>,
      } {sc.loop_unroll_factor = 8 : i64, sc.parallel_access}
      %parallel_loop3A_86 = arith.constant 0 : i32
      %parallel_loop3A_87 = arith.constant 64 : i32
      %parallel_loop3A_88 = arith.constant 1 : i32
      scf.for %parallel_loop3A_435 = %parallel_loop3A_86 to %parallel_loop3A_87 step %parallel_loop3A_88  : i32 {
        %parallel_loop3A_436 = arith.constant 16 : i32
        %parallel_loop3A_437 = arith.muli %parallel_loop3A_435, %parallel_loop3A_436 : i32
        %parallel_loop3A_438 = arith.constant 14 : i32
        %parallel_loop3A_439 = arith.index_cast %parallel_loop3A_438 : i32 to index
        %parallel_loop3A_440 = arith.index_cast %parallel_loop3A_437 : i32 to index
        %parallel_loop3A_441 = tpu.vector_load %arg6[%parallel_loop3A_439, %parallel_loop3A_440] {strides = array<i32>} : memref<24x1024xf32, #tpu.memory_space<vmem>>, vector<1x16xf32>,
        %parallel_loop3A_442 = vector.shape_cast %parallel_loop3A_441 : vector<1x16xf32> to vector<16xf32>
        %parallel_loop3A_443 = arith.constant 6.400000e+01 : f32
        %parallel_loop3A_444 = vector.broadcast %parallel_loop3A_443 : f32 to vector<16xf32>
        %parallel_loop3A_445 = arith.mulf %parallel_loop3A_442, %parallel_loop3A_444 : vector<16xf32>
        %parallel_loop3A_446 = arith.constant 16 : i32
        %parallel_loop3A_447 = arith.muli %parallel_loop3A_435, %parallel_loop3A_446 : i32
        %parallel_loop3A_448 = arith.constant 14 : i32
        %parallel_loop3A_449 = arith.index_cast %parallel_loop3A_448 : i32 to index
        %parallel_loop3A_450 = arith.index_cast %parallel_loop3A_447 : i32 to index
        %parallel_loop3A_451 = tpu.vector_load %arg8[%parallel_loop3A_449, %parallel_loop3A_450] {strides = array<i32>} : memref<24x1024xf32, #tpu.memory_space<vmem>>, vector<1x16xf32>,
        %parallel_loop3A_452 = vector.shape_cast %parallel_loop3A_451 : vector<1x16xf32> to vector<16xf32>
        %parallel_loop3A_453 = vector.shape_cast %parallel_loop3A_445 : vector<16xf32> to vector<1x16xf32>
        tpu.vector_store %arg8[%parallel_loop3A_449, %parallel_loop3A_450], %parallel_loop3A_453 {strides = array<i32>} : memref<24x1024xf32, #tpu.memory_space<vmem>>, vector<1x16xf32>,
      } {sc.loop_unroll_factor = 8 : i64, sc.parallel_access}
      %parallel_loop3A_89 = arith.constant 0 : i32
      %parallel_loop3A_90 = arith.constant 64 : i32
      %parallel_loop3A_91 = arith.constant 1 : i32
      scf.for %parallel_loop3A_435 = %parallel_loop3A_89 to %parallel_loop3A_90 step %parallel_loop3A_91  : i32 {
        %parallel_loop3A_436 = arith.constant 16 : i32
        %parallel_loop3A_437 = arith.muli %parallel_loop3A_435, %parallel_loop3A_436 : i32
        %parallel_loop3A_438 = arith.constant 15 : i32
        %parallel_loop3A_439 = arith.index_cast %parallel_loop3A_438 : i32 to index
        %parallel_loop3A_440 = arith.index_cast %parallel_loop3A_437 : i32 to index
        %parallel_loop3A_441 = tpu.vector_load %arg6[%parallel_loop3A_439, %parallel_loop3A_440] {strides = array<i32>} : memref<24x1024xf32, #tpu.memory_space<vmem>>, vector<1x16xf32>,
        %parallel_loop3A_442 = vector.shape_cast %parallel_loop3A_441 : vector<1x16xf32> to vector<16xf32>
        %parallel_loop3A_443 = arith.constant 6.400000e+01 : f32
        %parallel_loop3A_444 = vector.broadcast %parallel_loop3A_443 : f32 to vector<16xf32>
        %parallel_loop3A_445 = arith.mulf %parallel_loop3A_442, %parallel_loop3A_444 : vector<16xf32>
        %parallel_loop3A_446 = arith.constant 16 : i32
        %parallel_loop3A_447 = arith.muli %parallel_loop3A_435, %parallel_loop3A_446 : i32
        %parallel_loop3A_448 = arith.constant 15 : i32
        %parallel_loop3A_449 = arith.index_cast %parallel_loop3A_448 : i32 to index
        %parallel_loop3A_450 = arith.index_cast %parallel_loop3A_447 : i32 to index
        %parallel_loop3A_451 = tpu.vector_load %arg8[%parallel_loop3A_449, %parallel_loop3A_450] {strides = array<i32>} : memref<24x1024xf32, #tpu.memory_space<vmem>>, vector<1x16xf32>,
        %parallel_loop3A_452 = vector.shape_cast %parallel_loop3A_451 : vector<1x16xf32> to vector<16xf32>
        %parallel_loop3A_453 = vector.shape_cast %parallel_loop3A_445 : vector<16xf32> to vector<1x16xf32>
        tpu.vector_store %arg8[%parallel_loop3A_449, %parallel_loop3A_450], %parallel_loop3A_453 {strides = array<i32>} : memref<24x1024xf32, #tpu.memory_space<vmem>>, vector<1x16xf32>,
      } {sc.loop_unroll_factor = 8 : i64, sc.parallel_access}
      %parallel_loop3A_92 = arith.constant 0 : i32
      %parallel_loop3A_93 = arith.constant 64 : i32
      %parallel_loop3A_94 = arith.constant 1 : i32
      scf.for %parallel_loop3A_435 = %parallel_loop3A_92 to %parallel_loop3A_93 step %parallel_loop3A_94  : i32 {
        %parallel_loop3A_436 = arith.constant 16 : i32
        %parallel_loop3A_437 = arith.muli %parallel_loop3A_435, %parallel_loop3A_436 : i32
        %parallel_loop3A_438 = arith.constant 16 : i32
        %parallel_loop3A_439 = arith.index_cast %parallel_loop3A_438 : i32 to index
        %parallel_loop3A_440 = arith.index_cast %parallel_loop3A_437 : i32 to index
        %parallel_loop3A_441 = tpu.vector_load %arg6[%parallel_loop3A_439, %parallel_loop3A_440] {strides = array<i32>} : memref<24x1024xf32, #tpu.memory_space<vmem>>, vector<1x16xf32>,
        %parallel_loop3A_442 = vector.shape_cast %parallel_loop3A_441 : vector<1x16xf32> to vector<16xf32>
        %parallel_loop3A_443 = arith.constant 6.400000e+01 : f32
        %parallel_loop3A_444 = vector.broadcast %parallel_loop3A_443 : f32 to vector<16xf32>
        %parallel_loop3A_445 = arith.mulf %parallel_loop3A_442, %parallel_loop3A_444 : vector<16xf32>
        %parallel_loop3A_446 = arith.constant 16 : i32
        %parallel_loop3A_447 = arith.muli %parallel_loop3A_435, %parallel_loop3A_446 : i32
        %parallel_loop3A_448 = arith.constant 16 : i32
        %parallel_loop3A_449 = arith.index_cast %parallel_loop3A_448 : i32 to index
        %parallel_loop3A_450 = arith.index_cast %parallel_loop3A_447 : i32 to index
        %parallel_loop3A_451 = tpu.vector_load %arg8[%parallel_loop3A_449, %parallel_loop3A_450] {strides = array<i32>} : memref<24x1024xf32, #tpu.memory_space<vmem>>, vector<1x16xf32>,
        %parallel_loop3A_452 = vector.shape_cast %parallel_loop3A_451 : vector<1x16xf32> to vector<16xf32>
        %parallel_loop3A_453 = vector.shape_cast %parallel_loop3A_445 : vector<16xf32> to vector<1x16xf32>
        tpu.vector_store %arg8[%parallel_loop3A_449, %parallel_loop3A_450], %parallel_loop3A_453 {strides = array<i32>} : memref<24x1024xf32, #tpu.memory_space<vmem>>, vector<1x16xf32>,
      } {sc.loop_unroll_factor = 8 : i64, sc.parallel_access}
      %parallel_loop3A_95 = arith.constant 0 : i32
      %parallel_loop3A_96 = arith.constant 64 : i32
      %parallel_loop3A_97 = arith.constant 1 : i32
      scf.for %parallel_loop3A_435 = %parallel_loop3A_95 to %parallel_loop3A_96 step %parallel_loop3A_97  : i32 {
        %parallel_loop3A_436 = arith.constant 16 : i32
        %parallel_loop3A_437 = arith.muli %parallel_loop3A_435, %parallel_loop3A_436 : i32
        %parallel_loop3A_438 = arith.constant 17 : i32
        %parallel_loop3A_439 = arith.index_cast %parallel_loop3A_438 : i32 to index
        %parallel_loop3A_440 = arith.index_cast %parallel_loop3A_437 : i32 to index
        %parallel_loop3A_441 = tpu.vector_load %arg6[%parallel_loop3A_439, %parallel_loop3A_440] {strides = array<i32>} : memref<24x1024xf32, #tpu.memory_space<vmem>>, vector<1x16xf32>,
        %parallel_loop3A_442 = vector.shape_cast %parallel_loop3A_441 : vector<1x16xf32> to vector<16xf32>
        %parallel_loop3A_443 = arith.constant 6.400000e+01 : f32
        %parallel_loop3A_444 = vector.broadcast %parallel_loop3A_443 : f32 to vector<16xf32>
        %parallel_loop3A_445 = arith.mulf %parallel_loop3A_442, %parallel_loop3A_444 : vector<16xf32>
        %parallel_loop3A_446 = arith.constant 16 : i32
        %parallel_loop3A_447 = arith.muli %parallel_loop3A_435, %parallel_loop3A_446 : i32
        %parallel_loop3A_448 = arith.constant 17 : i32
        %parallel_loop3A_449 = arith.index_cast %parallel_loop3A_448 : i32 to index
        %parallel_loop3A_450 = arith.index_cast %parallel_loop3A_447 : i32 to index
        %parallel_loop3A_451 = tpu.vector_load %arg8[%parallel_loop3A_449, %parallel_loop3A_450] {strides = array<i32>} : memref<24x1024xf32, #tpu.memory_space<vmem>>, vector<1x16xf32>,
        %parallel_loop3A_452 = vector.shape_cast %parallel_loop3A_451 : vector<1x16xf32> to vector<16xf32>
        %parallel_loop3A_453 = vector.shape_cast %parallel_loop3A_445 : vector<16xf32> to vector<1x16xf32>
        tpu.vector_store %arg8[%parallel_loop3A_449, %parallel_loop3A_450], %parallel_loop3A_453 {strides = array<i32>} : memref<24x1024xf32, #tpu.memory_space<vmem>>, vector<1x16xf32>,
      } {sc.loop_unroll_factor = 8 : i64, sc.parallel_access}
      %parallel_loop3A_98 = arith.constant 0 : i32
      %parallel_loop3A_99 = arith.constant 64 : i32
      %parallel_loop3A_100 = arith.constant 1 : i32
      scf.for %parallel_loop3A_435 = %parallel_loop3A_98 to %parallel_loop3A_99 step %parallel_loop3A_100  : i32 {
        %parallel_loop3A_436 = arith.constant 16 : i32
        %parallel_loop3A_437 = arith.muli %parallel_loop3A_435, %parallel_loop3A_436 : i32
        %parallel_loop3A_438 = arith.constant 18 : i32
        %parallel_loop3A_439 = arith.index_cast %parallel_loop3A_438 : i32 to index
        %parallel_loop3A_440 = arith.index_cast %parallel_loop3A_437 : i32 to index
        %parallel_loop3A_441 = tpu.vector_load %arg6[%parallel_loop3A_439, %parallel_loop3A_440] {strides = array<i32>} : memref<24x1024xf32, #tpu.memory_space<vmem>>, vector<1x16xf32>,
        %parallel_loop3A_442 = vector.shape_cast %parallel_loop3A_441 : vector<1x16xf32> to vector<16xf32>
        %parallel_loop3A_443 = arith.constant 6.400000e+01 : f32
        %parallel_loop3A_444 = vector.broadcast %parallel_loop3A_443 : f32 to vector<16xf32>
        %parallel_loop3A_445 = arith.mulf %parallel_loop3A_442, %parallel_loop3A_444 : vector<16xf32>
        %parallel_loop3A_446 = arith.constant 16 : i32
        %parallel_loop3A_447 = arith.muli %parallel_loop3A_435, %parallel_loop3A_446 : i32
        %parallel_loop3A_448 = arith.constant 18 : i32
        %parallel_loop3A_449 = arith.index_cast %parallel_loop3A_448 : i32 to index
        %parallel_loop3A_450 = arith.index_cast %parallel_loop3A_447 : i32 to index
        %parallel_loop3A_451 = tpu.vector_load %arg8[%parallel_loop3A_449, %parallel_loop3A_450] {strides = array<i32>} : memref<24x1024xf32, #tpu.memory_space<vmem>>, vector<1x16xf32>,
        %parallel_loop3A_452 = vector.shape_cast %parallel_loop3A_451 : vector<1x16xf32> to vector<16xf32>
        %parallel_loop3A_453 = vector.shape_cast %parallel_loop3A_445 : vector<16xf32> to vector<1x16xf32>
        tpu.vector_store %arg8[%parallel_loop3A_449, %parallel_loop3A_450], %parallel_loop3A_453 {strides = array<i32>} : memref<24x1024xf32, #tpu.memory_space<vmem>>, vector<1x16xf32>,
      } {sc.loop_unroll_factor = 8 : i64, sc.parallel_access}
      %parallel_loop3A_101 = arith.constant 0 : i32
      %parallel_loop3A_102 = arith.constant 64 : i32
      %parallel_loop3A_103 = arith.constant 1 : i32
      scf.for %parallel_loop3A_435 = %parallel_loop3A_101 to %parallel_loop3A_102 step %parallel_loop3A_103  : i32 {
        %parallel_loop3A_436 = arith.constant 16 : i32
        %parallel_loop3A_437 = arith.muli %parallel_loop3A_435, %parallel_loop3A_436 : i32
        %parallel_loop3A_438 = arith.constant 19 : i32
        %parallel_loop3A_439 = arith.index_cast %parallel_loop3A_438 : i32 to index
        %parallel_loop3A_440 = arith.index_cast %parallel_loop3A_437 : i32 to index
        %parallel_loop3A_441 = tpu.vector_load %arg6[%parallel_loop3A_439, %parallel_loop3A_440] {strides = array<i32>} : memref<24x1024xf32, #tpu.memory_space<vmem>>, vector<1x16xf32>,
        %parallel_loop3A_442 = vector.shape_cast %parallel_loop3A_441 : vector<1x16xf32> to vector<16xf32>
        %parallel_loop3A_443 = arith.constant 6.400000e+01 : f32
        %parallel_loop3A_444 = vector.broadcast %parallel_loop3A_443 : f32 to vector<16xf32>
        %parallel_loop3A_445 = arith.mulf %parallel_loop3A_442, %parallel_loop3A_444 : vector<16xf32>
        %parallel_loop3A_446 = arith.constant 16 : i32
        %parallel_loop3A_447 = arith.muli %parallel_loop3A_435, %parallel_loop3A_446 : i32
        %parallel_loop3A_448 = arith.constant 19 : i32
        %parallel_loop3A_449 = arith.index_cast %parallel_loop3A_448 : i32 to index
        %parallel_loop3A_450 = arith.index_cast %parallel_loop3A_447 : i32 to index
        %parallel_loop3A_451 = tpu.vector_load %arg8[%parallel_loop3A_449, %parallel_loop3A_450] {strides = array<i32>} : memref<24x1024xf32, #tpu.memory_space<vmem>>, vector<1x16xf32>,
        %parallel_loop3A_452 = vector.shape_cast %parallel_loop3A_451 : vector<1x16xf32> to vector<16xf32>
        %parallel_loop3A_453 = vector.shape_cast %parallel_loop3A_445 : vector<16xf32> to vector<1x16xf32>
        tpu.vector_store %arg8[%parallel_loop3A_449, %parallel_loop3A_450], %parallel_loop3A_453 {strides = array<i32>} : memref<24x1024xf32, #tpu.memory_space<vmem>>, vector<1x16xf32>,
      } {sc.loop_unroll_factor = 8 : i64, sc.parallel_access}
      %parallel_loop3A_104 = arith.constant 0 : i32
      %parallel_loop3A_105 = arith.constant 64 : i32
      %parallel_loop3A_106 = arith.constant 1 : i32
      scf.for %parallel_loop3A_435 = %parallel_loop3A_104 to %parallel_loop3A_105 step %parallel_loop3A_106  : i32 {
        %parallel_loop3A_436 = arith.constant 16 : i32
        %parallel_loop3A_437 = arith.muli %parallel_loop3A_435, %parallel_loop3A_436 : i32
        %parallel_loop3A_438 = arith.constant 20 : i32
        %parallel_loop3A_439 = arith.index_cast %parallel_loop3A_438 : i32 to index
        %parallel_loop3A_440 = arith.index_cast %parallel_loop3A_437 : i32 to index
        %parallel_loop3A_441 = tpu.vector_load %arg6[%parallel_loop3A_439, %parallel_loop3A_440] {strides = array<i32>} : memref<24x1024xf32, #tpu.memory_space<vmem>>, vector<1x16xf32>,
        %parallel_loop3A_442 = vector.shape_cast %parallel_loop3A_441 : vector<1x16xf32> to vector<16xf32>
        %parallel_loop3A_443 = arith.constant 6.400000e+01 : f32
        %parallel_loop3A_444 = vector.broadcast %parallel_loop3A_443 : f32 to vector<16xf32>
        %parallel_loop3A_445 = arith.mulf %parallel_loop3A_442, %parallel_loop3A_444 : vector<16xf32>
        %parallel_loop3A_446 = arith.constant 16 : i32
        %parallel_loop3A_447 = arith.muli %parallel_loop3A_435, %parallel_loop3A_446 : i32
        %parallel_loop3A_448 = arith.constant 20 : i32
        %parallel_loop3A_449 = arith.index_cast %parallel_loop3A_448 : i32 to index
        %parallel_loop3A_450 = arith.index_cast %parallel_loop3A_447 : i32 to index
        %parallel_loop3A_451 = tpu.vector_load %arg8[%parallel_loop3A_449, %parallel_loop3A_450] {strides = array<i32>} : memref<24x1024xf32, #tpu.memory_space<vmem>>, vector<1x16xf32>,
        %parallel_loop3A_452 = vector.shape_cast %parallel_loop3A_451 : vector<1x16xf32> to vector<16xf32>
        %parallel_loop3A_453 = vector.shape_cast %parallel_loop3A_445 : vector<16xf32> to vector<1x16xf32>
        tpu.vector_store %arg8[%parallel_loop3A_449, %parallel_loop3A_450], %parallel_loop3A_453 {strides = array<i32>} : memref<24x1024xf32, #tpu.memory_space<vmem>>, vector<1x16xf32>,
      } {sc.loop_unroll_factor = 8 : i64, sc.parallel_access}
      %parallel_loop3A_107 = arith.constant 0 : i32
      %parallel_loop3A_108 = arith.constant 64 : i32
      %parallel_loop3A_109 = arith.constant 1 : i32
      scf.for %parallel_loop3A_435 = %parallel_loop3A_107 to %parallel_loop3A_108 step %parallel_loop3A_109  : i32 {
        %parallel_loop3A_436 = arith.constant 16 : i32
        %parallel_loop3A_437 = arith.muli %parallel_loop3A_435, %parallel_loop3A_436 : i32
        %parallel_loop3A_438 = arith.constant 21 : i32
        %parallel_loop3A_439 = arith.index_cast %parallel_loop3A_438 : i32 to index
        %parallel_loop3A_440 = arith.index_cast %parallel_loop3A_437 : i32 to index
        %parallel_loop3A_441 = tpu.vector_load %arg6[%parallel_loop3A_439, %parallel_loop3A_440] {strides = array<i32>} : memref<24x1024xf32, #tpu.memory_space<vmem>>, vector<1x16xf32>,
        %parallel_loop3A_442 = vector.shape_cast %parallel_loop3A_441 : vector<1x16xf32> to vector<16xf32>
        %parallel_loop3A_443 = arith.constant 6.400000e+01 : f32
        %parallel_loop3A_444 = vector.broadcast %parallel_loop3A_443 : f32 to vector<16xf32>
        %parallel_loop3A_445 = arith.mulf %parallel_loop3A_442, %parallel_loop3A_444 : vector<16xf32>
        %parallel_loop3A_446 = arith.constant 16 : i32
        %parallel_loop3A_447 = arith.muli %parallel_loop3A_435, %parallel_loop3A_446 : i32
        %parallel_loop3A_448 = arith.constant 21 : i32
        %parallel_loop3A_449 = arith.index_cast %parallel_loop3A_448 : i32 to index
        %parallel_loop3A_450 = arith.index_cast %parallel_loop3A_447 : i32 to index
        %parallel_loop3A_451 = tpu.vector_load %arg8[%parallel_loop3A_449, %parallel_loop3A_450] {strides = array<i32>} : memref<24x1024xf32, #tpu.memory_space<vmem>>, vector<1x16xf32>,
        %parallel_loop3A_452 = vector.shape_cast %parallel_loop3A_451 : vector<1x16xf32> to vector<16xf32>
        %parallel_loop3A_453 = vector.shape_cast %parallel_loop3A_445 : vector<16xf32> to vector<1x16xf32>
        tpu.vector_store %arg8[%parallel_loop3A_449, %parallel_loop3A_450], %parallel_loop3A_453 {strides = array<i32>} : memref<24x1024xf32, #tpu.memory_space<vmem>>, vector<1x16xf32>,
      } {sc.loop_unroll_factor = 8 : i64, sc.parallel_access}
      %parallel_loop3A_110 = arith.constant 0 : i32
      %parallel_loop3A_111 = arith.constant 64 : i32
      %parallel_loop3A_112 = arith.constant 1 : i32
      scf.for %parallel_loop3A_435 = %parallel_loop3A_110 to %parallel_loop3A_111 step %parallel_loop3A_112  : i32 {
        %parallel_loop3A_436 = arith.constant 16 : i32
        %parallel_loop3A_437 = arith.muli %parallel_loop3A_435, %parallel_loop3A_436 : i32
        %parallel_loop3A_438 = arith.constant 22 : i32
        %parallel_loop3A_439 = arith.index_cast %parallel_loop3A_438 : i32 to index
        %parallel_loop3A_440 = arith.index_cast %parallel_loop3A_437 : i32 to index
        %parallel_loop3A_441 = tpu.vector_load %arg6[%parallel_loop3A_439, %parallel_loop3A_440] {strides = array<i32>} : memref<24x1024xf32, #tpu.memory_space<vmem>>, vector<1x16xf32>,
        %parallel_loop3A_442 = vector.shape_cast %parallel_loop3A_441 : vector<1x16xf32> to vector<16xf32>
        %parallel_loop3A_443 = arith.constant 6.400000e+01 : f32
        %parallel_loop3A_444 = vector.broadcast %parallel_loop3A_443 : f32 to vector<16xf32>
        %parallel_loop3A_445 = arith.mulf %parallel_loop3A_442, %parallel_loop3A_444 : vector<16xf32>
        %parallel_loop3A_446 = arith.constant 16 : i32
        %parallel_loop3A_447 = arith.muli %parallel_loop3A_435, %parallel_loop3A_446 : i32
        %parallel_loop3A_448 = arith.constant 22 : i32
        %parallel_loop3A_449 = arith.index_cast %parallel_loop3A_448 : i32 to index
        %parallel_loop3A_450 = arith.index_cast %parallel_loop3A_447 : i32 to index
        %parallel_loop3A_451 = tpu.vector_load %arg8[%parallel_loop3A_449, %parallel_loop3A_450] {strides = array<i32>} : memref<24x1024xf32, #tpu.memory_space<vmem>>, vector<1x16xf32>,
        %parallel_loop3A_452 = vector.shape_cast %parallel_loop3A_451 : vector<1x16xf32> to vector<16xf32>
        %parallel_loop3A_453 = vector.shape_cast %parallel_loop3A_445 : vector<16xf32> to vector<1x16xf32>
        tpu.vector_store %arg8[%parallel_loop3A_449, %parallel_loop3A_450], %parallel_loop3A_453 {strides = array<i32>} : memref<24x1024xf32, #tpu.memory_space<vmem>>, vector<1x16xf32>,
      } {sc.loop_unroll_factor = 8 : i64, sc.parallel_access}
      %parallel_loop3A_113 = arith.constant 0 : i32
      %parallel_loop3A_114 = arith.constant 64 : i32
      %parallel_loop3A_115 = arith.constant 1 : i32
      scf.for %parallel_loop3A_435 = %parallel_loop3A_113 to %parallel_loop3A_114 step %parallel_loop3A_115  : i32 {
        %parallel_loop3A_436 = arith.constant 16 : i32
        %parallel_loop3A_437 = arith.muli %parallel_loop3A_435, %parallel_loop3A_436 : i32
        %parallel_loop3A_438 = arith.constant 23 : i32
        %parallel_loop3A_439 = arith.index_cast %parallel_loop3A_438 : i32 to index
        %parallel_loop3A_440 = arith.index_cast %parallel_loop3A_437 : i32 to index
        %parallel_loop3A_441 = tpu.vector_load %arg6[%parallel_loop3A_439, %parallel_loop3A_440] {strides = array<i32>} : memref<24x1024xf32, #tpu.memory_space<vmem>>, vector<1x16xf32>,
        %parallel_loop3A_442 = vector.shape_cast %parallel_loop3A_441 : vector<1x16xf32> to vector<16xf32>
        %parallel_loop3A_443 = arith.constant 6.400000e+01 : f32
        %parallel_loop3A_444 = vector.broadcast %parallel_loop3A_443 : f32 to vector<16xf32>
        %parallel_loop3A_445 = arith.mulf %parallel_loop3A_442, %parallel_loop3A_444 : vector<16xf32>
        %parallel_loop3A_446 = arith.constant 16 : i32
        %parallel_loop3A_447 = arith.muli %parallel_loop3A_435, %parallel_loop3A_446 : i32
        %parallel_loop3A_448 = arith.constant 23 : i32
        %parallel_loop3A_449 = arith.index_cast %parallel_loop3A_448 : i32 to index
        %parallel_loop3A_450 = arith.index_cast %parallel_loop3A_447 : i32 to index
        %parallel_loop3A_451 = tpu.vector_load %arg8[%parallel_loop3A_449, %parallel_loop3A_450] {strides = array<i32>} : memref<24x1024xf32, #tpu.memory_space<vmem>>, vector<1x16xf32>,
        %parallel_loop3A_452 = vector.shape_cast %parallel_loop3A_451 : vector<1x16xf32> to vector<16xf32>
        %parallel_loop3A_453 = vector.shape_cast %parallel_loop3A_445 : vector<16xf32> to vector<1x16xf32>
        tpu.vector_store %arg8[%parallel_loop3A_449, %parallel_loop3A_450], %parallel_loop3A_453 {strides = array<i32>} : memref<24x1024xf32, #tpu.memory_space<vmem>>, vector<1x16xf32>,
      } {sc.loop_unroll_factor = 8 : i64, sc.parallel_access}
      %broadcast_in_dim3A = arith.constant 10000 : i32
      %broadcast_in_dim3A_116 = vector.broadcast %broadcast_in_dim3A : i32 to vector<16xi32>
      %broadcast_in_dim3A_117 = arith.constant -1 : i32
      %broadcast_in_dim3A_118 = vector.broadcast %broadcast_in_dim3A_117 : i32 to vector<16xi32>
      %scan3A_119 = arith.constant 0 : i32
      %scan3A_120 = arith.constant 64 : i32
      %scan3A_121 = arith.addi %scan3A_119, %scan3A_120 : i32
      %scan3A_122 = arith.constant 1 : i32
      %scan3A_123:2 = scf.for %scan3A_435 = %scan3A_119 to %scan3A_121 step %scan3A_122 iter_args(%scan3A_436 = %broadcast_in_dim3A_116, %scan3A_437 = %broadcast_in_dim3A_118) -> (vector<16xi32>, vector<16xi32>)  : i32 {
        %mul3A_438 = arith.constant 1 : i32
        %mul3A_439 = arith.muli %scan3A_435, %mul3A_438 : i32
        %add3A_440 = arith.constant 0 : i32
        %add3A_441 = arith.addi %add3A_440, %mul3A_439 : i32
        %mul3A_442 = arith.constant 16 : i32
        %mul3A_443 = arith.muli %add3A_441, %mul3A_442 : i32
        %get3A = arith.index_cast %mul3A_443 : i32 to index
        %get3A_444 = tpu.vector_load %arg5[%get3A] {strides = array<i32>} : memref<1024xi32, #tpu.memory_space<vmem>>, vector<16xi32>,
        %get3A_445 = vector.shape_cast %get3A_444 : vector<16xi32> to vector<16xi32>
        %sub3A = vector.broadcast %add3A_36 : i32 to vector<16xi32>
        %sub3A_446 = arith.subi %get3A_445, %sub3A : vector<16xi32>
        %ge3A_447 = arith.constant 0 : i32
        %ge3A_448 = vector.broadcast %ge3A_447 : i32 to vector<16xi32>
        %ge3A_449 = arith.cmpi sge, %sub3A_446, %ge3A_448 : vector<16xi32>
        %lt3A_450 = arith.constant 24 : i32
        %lt3A_451 = vector.broadcast %lt3A_450 : i32 to vector<16xi32>
        %lt3A_452 = arith.cmpi slt, %sub3A_446, %lt3A_451 : vector<16xi32>
        %and3A = arith.andi %ge3A_449, %lt3A_452 : vector<16xi1>
        %jit3A = arith.constant 10000 : i32
        %broadcast_in_dim3A_453 = vector.broadcast %jit3A : i32 to vector<16xi32>
        %select_n3A = arith.select %and3A, %sub3A_446, %broadcast_in_dim3A_453 : vector<16xi1>, vector<16xi32>
        %min3A_454 = arith.minsi %scan3A_436, %select_n3A : vector<16xi32>
        %jit3A_455 = arith.constant -1 : i32
        %broadcast_in_dim3A_456 = vector.broadcast %jit3A_455 : i32 to vector<16xi32>
        %select_n3A_457 = arith.select %and3A, %sub3A_446, %broadcast_in_dim3A_456 : vector<16xi1>, vector<16xi32>
        %max3A_458 = arith.maxsi %scan3A_437, %select_n3A_457 : vector<16xi32>
        scf.yield %min3A_454, %max3A_458 : vector<16xi32>, vector<16xi32>
      }
      %scan3A_124 = arith.constant 64 : i32
      %slice3A = vector.extract_strided_slice %scan3A_123#0 {offsets = [0], sizes = [1], strides = [1]} : vector<16xi32> to vector<1xi32>
      %squeeze3A = vector.extract %slice3A[0] : i32 from vector<1xi32>
      %slice3A_125 = vector.extract_strided_slice %scan3A_123#1 {offsets = [0], sizes = [1], strides = [1]} : vector<16xi32> to vector<1xi32>
      %squeeze3A_126 = vector.extract %slice3A_125[0] : i32 from vector<1xi32>
      %slice3A_127 = vector.extract_strided_slice %scan3A_123#0 {offsets = [1], sizes = [1], strides = [1]} : vector<16xi32> to vector<1xi32>
      %squeeze3A_128 = vector.extract %slice3A_127[0] : i32 from vector<1xi32>
      %min3A_129 = arith.minsi %squeeze3A, %squeeze3A_128 : i32
      %slice3A_130 = vector.extract_strided_slice %scan3A_123#1 {offsets = [1], sizes = [1], strides = [1]} : vector<16xi32> to vector<1xi32>
      %squeeze3A_131 = vector.extract %slice3A_130[0] : i32 from vector<1xi32>
      %max3A = arith.maxsi %squeeze3A_126, %squeeze3A_131 : i32
      %slice3A_132 = vector.extract_strided_slice %scan3A_123#0 {offsets = [2], sizes = [1], strides = [1]} : vector<16xi32> to vector<1xi32>
      %squeeze3A_133 = vector.extract %slice3A_132[0] : i32 from vector<1xi32>
      %min3A_134 = arith.minsi %min3A_129, %squeeze3A_133 : i32
      %slice3A_135 = vector.extract_strided_slice %scan3A_123#1 {offsets = [2], sizes = [1], strides = [1]} : vector<16xi32> to vector<1xi32>
      %squeeze3A_136 = vector.extract %slice3A_135[0] : i32 from vector<1xi32>
      %max3A_137 = arith.maxsi %max3A, %squeeze3A_136 : i32
      %slice3A_138 = vector.extract_strided_slice %scan3A_123#0 {offsets = [3], sizes = [1], strides = [1]} : vector<16xi32> to vector<1xi32>
      %squeeze3A_139 = vector.extract %slice3A_138[0] : i32 from vector<1xi32>
      %min3A_140 = arith.minsi %min3A_134, %squeeze3A_139 : i32
      %slice3A_141 = vector.extract_strided_slice %scan3A_123#1 {offsets = [3], sizes = [1], strides = [1]} : vector<16xi32> to vector<1xi32>
      %squeeze3A_142 = vector.extract %slice3A_141[0] : i32 from vector<1xi32>
      %max3A_143 = arith.maxsi %max3A_137, %squeeze3A_142 : i32
      %slice3A_144 = vector.extract_strided_slice %scan3A_123#0 {offsets = [4], sizes = [1], strides = [1]} : vector<16xi32> to vector<1xi32>
      %squeeze3A_145 = vector.extract %slice3A_144[0] : i32 from vector<1xi32>
      %min3A_146 = arith.minsi %min3A_140, %squeeze3A_145 : i32
      %slice3A_147 = vector.extract_strided_slice %scan3A_123#1 {offsets = [4], sizes = [1], strides = [1]} : vector<16xi32> to vector<1xi32>
      %squeeze3A_148 = vector.extract %slice3A_147[0] : i32 from vector<1xi32>
      %max3A_149 = arith.maxsi %max3A_143, %squeeze3A_148 : i32
      %slice3A_150 = vector.extract_strided_slice %scan3A_123#0 {offsets = [5], sizes = [1], strides = [1]} : vector<16xi32> to vector<1xi32>
      %squeeze3A_151 = vector.extract %slice3A_150[0] : i32 from vector<1xi32>
      %min3A_152 = arith.minsi %min3A_146, %squeeze3A_151 : i32
      %slice3A_153 = vector.extract_strided_slice %scan3A_123#1 {offsets = [5], sizes = [1], strides = [1]} : vector<16xi32> to vector<1xi32>
      %squeeze3A_154 = vector.extract %slice3A_153[0] : i32 from vector<1xi32>
      %max3A_155 = arith.maxsi %max3A_149, %squeeze3A_154 : i32
      %slice3A_156 = vector.extract_strided_slice %scan3A_123#0 {offsets = [6], sizes = [1], strides = [1]} : vector<16xi32> to vector<1xi32>
      %squeeze3A_157 = vector.extract %slice3A_156[0] : i32 from vector<1xi32>
      %min3A_158 = arith.minsi %min3A_152, %squeeze3A_157 : i32
      %slice3A_159 = vector.extract_strided_slice %scan3A_123#1 {offsets = [6], sizes = [1], strides = [1]} : vector<16xi32> to vector<1xi32>
      %squeeze3A_160 = vector.extract %slice3A_159[0] : i32 from vector<1xi32>
      %max3A_161 = arith.maxsi %max3A_155, %squeeze3A_160 : i32
      %slice3A_162 = vector.extract_strided_slice %scan3A_123#0 {offsets = [7], sizes = [1], strides = [1]} : vector<16xi32> to vector<1xi32>
      %squeeze3A_163 = vector.extract %slice3A_162[0] : i32 from vector<1xi32>
      %min3A_164 = arith.minsi %min3A_158, %squeeze3A_163 : i32
      %slice3A_165 = vector.extract_strided_slice %scan3A_123#1 {offsets = [7], sizes = [1], strides = [1]} : vector<16xi32> to vector<1xi32>
      %squeeze3A_166 = vector.extract %slice3A_165[0] : i32 from vector<1xi32>
      %max3A_167 = arith.maxsi %max3A_161, %squeeze3A_166 : i32
      %slice3A_168 = vector.extract_strided_slice %scan3A_123#0 {offsets = [8], sizes = [1], strides = [1]} : vector<16xi32> to vector<1xi32>
      %squeeze3A_169 = vector.extract %slice3A_168[0] : i32 from vector<1xi32>
      %min3A_170 = arith.minsi %min3A_164, %squeeze3A_169 : i32
      %slice3A_171 = vector.extract_strided_slice %scan3A_123#1 {offsets = [8], sizes = [1], strides = [1]} : vector<16xi32> to vector<1xi32>
      %squeeze3A_172 = vector.extract %slice3A_171[0] : i32 from vector<1xi32>
      %max3A_173 = arith.maxsi %max3A_167, %squeeze3A_172 : i32
      %slice3A_174 = vector.extract_strided_slice %scan3A_123#0 {offsets = [9], sizes = [1], strides = [1]} : vector<16xi32> to vector<1xi32>
      %squeeze3A_175 = vector.extract %slice3A_174[0] : i32 from vector<1xi32>
      %min3A_176 = arith.minsi %min3A_170, %squeeze3A_175 : i32
      %slice3A_177 = vector.extract_strided_slice %scan3A_123#1 {offsets = [9], sizes = [1], strides = [1]} : vector<16xi32> to vector<1xi32>
      %squeeze3A_178 = vector.extract %slice3A_177[0] : i32 from vector<1xi32>
      %max3A_179 = arith.maxsi %max3A_173, %squeeze3A_178 : i32
      %slice3A_180 = vector.extract_strided_slice %scan3A_123#0 {offsets = [10], sizes = [1], strides = [1]} : vector<16xi32> to vector<1xi32>
      %squeeze3A_181 = vector.extract %slice3A_180[0] : i32 from vector<1xi32>
      %min3A_182 = arith.minsi %min3A_176, %squeeze3A_181 : i32
      %slice3A_183 = vector.extract_strided_slice %scan3A_123#1 {offsets = [10], sizes = [1], strides = [1]} : vector<16xi32> to vector<1xi32>
      %squeeze3A_184 = vector.extract %slice3A_183[0] : i32 from vector<1xi32>
      %max3A_185 = arith.maxsi %max3A_179, %squeeze3A_184 : i32
      %slice3A_186 = vector.extract_strided_slice %scan3A_123#0 {offsets = [11], sizes = [1], strides = [1]} : vector<16xi32> to vector<1xi32>
      %squeeze3A_187 = vector.extract %slice3A_186[0] : i32 from vector<1xi32>
      %min3A_188 = arith.minsi %min3A_182, %squeeze3A_187 : i32
      %slice3A_189 = vector.extract_strided_slice %scan3A_123#1 {offsets = [11], sizes = [1], strides = [1]} : vector<16xi32> to vector<1xi32>
      %squeeze3A_190 = vector.extract %slice3A_189[0] : i32 from vector<1xi32>
      %max3A_191 = arith.maxsi %max3A_185, %squeeze3A_190 : i32
      %slice3A_192 = vector.extract_strided_slice %scan3A_123#0 {offsets = [12], sizes = [1], strides = [1]} : vector<16xi32> to vector<1xi32>
      %squeeze3A_193 = vector.extract %slice3A_192[0] : i32 from vector<1xi32>
      %min3A_194 = arith.minsi %min3A_188, %squeeze3A_193 : i32
      %slice3A_195 = vector.extract_strided_slice %scan3A_123#1 {offsets = [12], sizes = [1], strides = [1]} : vector<16xi32> to vector<1xi32>
      %squeeze3A_196 = vector.extract %slice3A_195[0] : i32 from vector<1xi32>
      %max3A_197 = arith.maxsi %max3A_191, %squeeze3A_196 : i32
      %slice3A_198 = vector.extract_strided_slice %scan3A_123#0 {offsets = [13], sizes = [1], strides = [1]} : vector<16xi32> to vector<1xi32>
      %squeeze3A_199 = vector.extract %slice3A_198[0] : i32 from vector<1xi32>
      %min3A_200 = arith.minsi %min3A_194, %squeeze3A_199 : i32
      %slice3A_201 = vector.extract_strided_slice %scan3A_123#1 {offsets = [13], sizes = [1], strides = [1]} : vector<16xi32> to vector<1xi32>
      %squeeze3A_202 = vector.extract %slice3A_201[0] : i32 from vector<1xi32>
      %max3A_203 = arith.maxsi %max3A_197, %squeeze3A_202 : i32
      %slice3A_204 = vector.extract_strided_slice %scan3A_123#0 {offsets = [14], sizes = [1], strides = [1]} : vector<16xi32> to vector<1xi32>
      %squeeze3A_205 = vector.extract %slice3A_204[0] : i32 from vector<1xi32>
      %min3A_206 = arith.minsi %min3A_200, %squeeze3A_205 : i32
      %slice3A_207 = vector.extract_strided_slice %scan3A_123#1 {offsets = [14], sizes = [1], strides = [1]} : vector<16xi32> to vector<1xi32>
      %squeeze3A_208 = vector.extract %slice3A_207[0] : i32 from vector<1xi32>
      %max3A_209 = arith.maxsi %max3A_203, %squeeze3A_208 : i32
      %slice3A_210 = vector.extract_strided_slice %scan3A_123#0 {offsets = [15], sizes = [1], strides = [1]} : vector<16xi32> to vector<1xi32>
      %squeeze3A_211 = vector.extract %slice3A_210[0] : i32 from vector<1xi32>
      %min3A_212 = arith.minsi %min3A_206, %squeeze3A_211 : i32
      %slice3A_213 = vector.extract_strided_slice %scan3A_123#1 {offsets = [15], sizes = [1], strides = [1]} : vector<16xi32> to vector<1xi32>
      %squeeze3A_214 = vector.extract %slice3A_213[0] : i32 from vector<1xi32>
      %max3A_215 = arith.maxsi %max3A_209, %squeeze3A_214 : i32
      %le3A = arith.cmpi sle, %min3A_212, %max3A_215 : i32
      %convert_element_type3A_216 = arith.extui %le3A : i1 to i32
      %cond3A_217 = arith.constant 0 : i32
      %cond3A_218 = arith.cmpi ne, %convert_element_type3A_216, %cond3A_217 : i32
      scf.if %cond3A_218 {
        %add3A_435 = arith.constant 1 : i32
        %add3A_436 = arith.addi %max3A_215, %add3A_435 : i32
        %sub3A = arith.subi %add3A_436, %min3A_212 : i32
        %sub3A_437 = arith.constant 1 : i32
        %sub3A_438 = arith.constant 1 : i32
        %sub3A_439 = arith.subi %sub3A_437, %sub3A_438 : i32
        %add3A_440 = arith.addi %sub3A, %sub3A_439 : i32
        %div3A = arith.constant 1 : i32
        %div3A_441 = arith.divsi %add3A_440, %div3A : i32
        %while3A = arith.constant 1 : i32
        %while3A_442 = arith.constant 0 : i32
        %while3A_443 = arith.subi %div3A_441, %while3A_442 : i32
        %while3A_444 = arith.addi %while3A_442, %while3A_443 : i32
        %while3A_445 = arith.constant 1 : i32
        %while3A_446 = arith.divsi %while3A_443, %while3A_445 : i32
        %while3A_447 = arith.muli %while3A_446, %while3A_445 : i32
        %while3A_448 = arith.addi %while3A_442, %while3A_447 : i32
        %while3A_449 = arith.constant 1 : i32
        scf.for %while3A_451 = %while3A_442 to %while3A_448 step %while3A_449  : i32 {
          %mul3A_452 = arith.muli %while3A_451, %while3A : i32
          %add3A_453 = arith.addi %min3A_212, %mul3A_452 : i32
          %scan3A_454 = arith.constant 0 : i32
          %scan3A_455 = arith.constant 64 : i32
          %scan3A_456 = arith.addi %scan3A_454, %scan3A_455 : i32
          %scan3A_457 = arith.constant 1 : i32
          scf.for %scan3A_459 = %scan3A_454 to %scan3A_456 step %scan3A_457  : i32 {
            %mul3A_460 = arith.constant 1 : i32
            %mul3A_461 = arith.muli %scan3A_459, %mul3A_460 : i32
            %add3A_462 = arith.constant 0 : i32
            %add3A_463 = arith.addi %add3A_462, %mul3A_461 : i32
            %mul3A_464 = arith.constant 16 : i32
            %mul3A_465 = arith.muli %add3A_463, %mul3A_464 : i32
            %get3A = arith.index_cast %mul3A_465 : i32 to index
            %get3A_466 = tpu.vector_load %arg5[%get3A] {strides = array<i32>} : memref<1024xi32, #tpu.memory_space<vmem>>, vector<16xi32>,
            %get3A_467 = vector.shape_cast %get3A_466 : vector<16xi32> to vector<16xi32>
            %add3A_468 = arith.addi %add3A_36, %add3A_453 : i32
            %eq3A = vector.broadcast %add3A_468 : i32 to vector<16xi32>
            %eq3A_469 = arith.cmpi eq, %get3A_467, %eq3A : vector<16xi32>
            %mul3A_470 = arith.constant 16 : i32
            %mul3A_471 = arith.muli %add3A_463, %mul3A_470 : i32
            %get3A_472 = arith.index_cast %add3A_453 : i32 to index
            %get3A_473 = arith.index_cast %mul3A_471 : i32 to index
            %get3A_474 = tpu.vector_load %arg6[%get3A_472, %get3A_473] {strides = array<i32>} : memref<24x1024xf32, #tpu.memory_space<vmem>>, vector<1x16xf32>,
            %get3A_475 = vector.shape_cast %get3A_474 : vector<1x16xf32> to vector<16xf32>
            %mul3A_476 = arith.mulf %get3A_475, %get3A_475 : vector<16xf32>
            %sub3A_477 = arith.constant 1.000000e+00 : f32
            %sub3A_478 = vector.broadcast %sub3A_477 : f32 to vector<16xf32>
            %sub3A_479 = arith.subf %sub3A_478, %mul3A_476 : vector<16xf32>
            %max3A_480 = arith.constant 9.99999996E-13 : f32
            %max3A_481 = vector.broadcast %max3A_480 : f32 to vector<16xf32>
            %max3A_482 = arith.maximumf %sub3A_479, %max3A_481 : vector<16xf32>
            %bitcast_convert_type3A = tpu.bitcast %max3A_482 : vector<16xf32> -> vector<16xi32>
            %shift_right_arithmetic3A = arith.constant 1 : i32
            %shift_right_arithmetic3A_483 = vector.broadcast %shift_right_arithmetic3A : i32 to vector<16xi32>
            %shift_right_arithmetic3A_484 = arith.shrsi %bitcast_convert_type3A, %shift_right_arithmetic3A_483 : vector<16xi32>
            %sub3A_485 = arith.constant 1597463007 : i32
            %sub3A_486 = vector.broadcast %sub3A_485 : i32 to vector<16xi32>
            %sub3A_487 = arith.subi %sub3A_486, %shift_right_arithmetic3A_484 : vector<16xi32>
            %bitcast_convert_type3A_488 = tpu.bitcast %sub3A_487 : vector<16xi32> -> vector<16xf32>
            %mul3A_489 = arith.constant 5.000000e-01 : f32
            %mul3A_490 = vector.broadcast %mul3A_489 : f32 to vector<16xf32>
            %mul3A_491 = arith.mulf %mul3A_490, %max3A_482 : vector<16xf32>
            %mul3A_492 = arith.mulf %mul3A_491, %bitcast_convert_type3A_488 : vector<16xf32>
            %mul3A_493 = arith.mulf %mul3A_492, %bitcast_convert_type3A_488 : vector<16xf32>
            %sub3A_494 = arith.constant 1.500000e+00 : f32
            %sub3A_495 = vector.broadcast %sub3A_494 : f32 to vector<16xf32>
            %sub3A_496 = arith.subf %sub3A_495, %mul3A_493 : vector<16xf32>
            %mul3A_497 = arith.mulf %bitcast_convert_type3A_488, %sub3A_496 : vector<16xf32>
            %mul3A_498 = arith.constant 5.000000e-01 : f32
            %mul3A_499 = vector.broadcast %mul3A_498 : f32 to vector<16xf32>
            %mul3A_500 = arith.mulf %mul3A_499, %max3A_482 : vector<16xf32>
            %mul3A_501 = arith.mulf %mul3A_500, %mul3A_497 : vector<16xf32>
            %mul3A_502 = arith.mulf %mul3A_501, %mul3A_497 : vector<16xf32>
            %sub3A_503 = arith.constant 1.500000e+00 : f32
            %sub3A_504 = vector.broadcast %sub3A_503 : f32 to vector<16xf32>
            %sub3A_505 = arith.subf %sub3A_504, %mul3A_502 : vector<16xf32>
            %mul3A_506 = arith.mulf %mul3A_497, %sub3A_505 : vector<16xf32>
            %mul3A_507 = arith.constant 5.000000e-01 : f32
            %mul3A_508 = vector.broadcast %mul3A_507 : f32 to vector<16xf32>
            %mul3A_509 = arith.mulf %mul3A_508, %max3A_482 : vector<16xf32>
            %mul3A_510 = arith.mulf %mul3A_509, %mul3A_506 : vector<16xf32>
            %mul3A_511 = arith.mulf %mul3A_510, %mul3A_506 : vector<16xf32>
            %sub3A_512 = arith.constant 1.500000e+00 : f32
            %sub3A_513 = vector.broadcast %sub3A_512 : f32 to vector<16xf32>
            %sub3A_514 = arith.subf %sub3A_513, %mul3A_511 : vector<16xf32>
            %mul3A_515 = arith.mulf %mul3A_506, %sub3A_514 : vector<16xf32>
            %mul3A_516 = arith.mulf %max3A_482, %mul3A_515 : vector<16xf32>
            %mul3A_517 = arith.constant 0.955336511 : f32
            %mul3A_518 = vector.broadcast %mul3A_517 : f32 to vector<16xf32>
            %mul3A_519 = arith.mulf %get3A_475, %mul3A_518 : vector<16xf32>
            %mul3A_520 = arith.constant 0.295520216 : f32
            %mul3A_521 = vector.broadcast %mul3A_520 : f32 to vector<16xf32>
            %mul3A_522 = arith.mulf %mul3A_516, %mul3A_521 : vector<16xf32>
            %sub3A_523 = arith.subf %mul3A_519, %mul3A_522 : vector<16xf32>
            %sub3A_524 = arith.constant 2.000000e-01 : f32
            %sub3A_525 = vector.broadcast %sub3A_524 : f32 to vector<16xf32>
            %sub3A_526 = arith.subf %sub3A_523, %sub3A_525 : vector<16xf32>
            %mul3A_527 = arith.constant 6.400000e+01 : f32
            %mul3A_528 = vector.broadcast %mul3A_527 : f32 to vector<16xf32>
            %mul3A_529 = arith.mulf %sub3A_526, %mul3A_528 : vector<16xf32>
            %mul3A_530 = arith.constant 6.400000e+01 : f32
            %mul3A_531 = vector.broadcast %mul3A_530 : f32 to vector<16xf32>
            %mul3A_532 = arith.mulf %get3A_475, %mul3A_531 : vector<16xf32>
            %select_n3A = arith.select %eq3A_469, %mul3A_529, %mul3A_532 : vector<16xi1>, vector<16xf32>
            %mul3A_533 = arith.constant 16 : i32
            %mul3A_534 = arith.muli %add3A_463, %mul3A_533 : i32
            %swap3A = arith.index_cast %add3A_453 : i32 to index
            %swap3A_535 = arith.index_cast %mul3A_534 : i32 to index
            %swap3A_536 = tpu.vector_load %arg8[%swap3A, %swap3A_535] {strides = array<i32>} : memref<24x1024xf32, #tpu.memory_space<vmem>>, vector<1x16xf32>,
            %swap3A_537 = vector.shape_cast %swap3A_536 : vector<1x16xf32> to vector<16xf32>
            %swap3A_538 = vector.shape_cast %select_n3A : vector<16xf32> to vector<1x16xf32>
            tpu.vector_store %arg8[%swap3A, %swap3A_535], %swap3A_538 {strides = array<i32>} : memref<24x1024xf32, #tpu.memory_space<vmem>>, vector<1x16xf32>,
          }
          %scan3A_458 = arith.constant 64 : i32
        }
        %while3A_450 = arith.constant 1 : i32
        scf.for %while3A_451 = %while3A_448 to %while3A_444 step %while3A_450  : i32 {
          %mul3A_452 = arith.muli %while3A_451, %while3A : i32
          %add3A_453 = arith.addi %min3A_212, %mul3A_452 : i32
          %scan3A_454 = arith.constant 0 : i32
          %scan3A_455 = arith.constant 64 : i32
          %scan3A_456 = arith.addi %scan3A_454, %scan3A_455 : i32
          %scan3A_457 = arith.constant 1 : i32
          scf.for %scan3A_459 = %scan3A_454 to %scan3A_456 step %scan3A_457  : i32 {
            %mul3A_460 = arith.constant 1 : i32
            %mul3A_461 = arith.muli %scan3A_459, %mul3A_460 : i32
            %add3A_462 = arith.constant 0 : i32
            %add3A_463 = arith.addi %add3A_462, %mul3A_461 : i32
            %mul3A_464 = arith.constant 16 : i32
            %mul3A_465 = arith.muli %add3A_463, %mul3A_464 : i32
            %get3A = arith.index_cast %mul3A_465 : i32 to index
            %get3A_466 = tpu.vector_load %arg5[%get3A] {strides = array<i32>} : memref<1024xi32, #tpu.memory_space<vmem>>, vector<16xi32>,
            %get3A_467 = vector.shape_cast %get3A_466 : vector<16xi32> to vector<16xi32>
            %add3A_468 = arith.addi %add3A_36, %add3A_453 : i32
            %eq3A = vector.broadcast %add3A_468 : i32 to vector<16xi32>
            %eq3A_469 = arith.cmpi eq, %get3A_467, %eq3A : vector<16xi32>
            %mul3A_470 = arith.constant 16 : i32
            %mul3A_471 = arith.muli %add3A_463, %mul3A_470 : i32
            %get3A_472 = arith.index_cast %add3A_453 : i32 to index
            %get3A_473 = arith.index_cast %mul3A_471 : i32 to index
            %get3A_474 = tpu.vector_load %arg6[%get3A_472, %get3A_473] {strides = array<i32>} : memref<24x1024xf32, #tpu.memory_space<vmem>>, vector<1x16xf32>,
            %get3A_475 = vector.shape_cast %get3A_474 : vector<1x16xf32> to vector<16xf32>
            %mul3A_476 = arith.mulf %get3A_475, %get3A_475 : vector<16xf32>
            %sub3A_477 = arith.constant 1.000000e+00 : f32
            %sub3A_478 = vector.broadcast %sub3A_477 : f32 to vector<16xf32>
            %sub3A_479 = arith.subf %sub3A_478, %mul3A_476 : vector<16xf32>
            %max3A_480 = arith.constant 9.99999996E-13 : f32
            %max3A_481 = vector.broadcast %max3A_480 : f32 to vector<16xf32>
            %max3A_482 = arith.maximumf %sub3A_479, %max3A_481 : vector<16xf32>
            %bitcast_convert_type3A = tpu.bitcast %max3A_482 : vector<16xf32> -> vector<16xi32>
            %shift_right_arithmetic3A = arith.constant 1 : i32
            %shift_right_arithmetic3A_483 = vector.broadcast %shift_right_arithmetic3A : i32 to vector<16xi32>
            %shift_right_arithmetic3A_484 = arith.shrsi %bitcast_convert_type3A, %shift_right_arithmetic3A_483 : vector<16xi32>
            %sub3A_485 = arith.constant 1597463007 : i32
            %sub3A_486 = vector.broadcast %sub3A_485 : i32 to vector<16xi32>
            %sub3A_487 = arith.subi %sub3A_486, %shift_right_arithmetic3A_484 : vector<16xi32>
            %bitcast_convert_type3A_488 = tpu.bitcast %sub3A_487 : vector<16xi32> -> vector<16xf32>
            %mul3A_489 = arith.constant 5.000000e-01 : f32
            %mul3A_490 = vector.broadcast %mul3A_489 : f32 to vector<16xf32>
            %mul3A_491 = arith.mulf %mul3A_490, %max3A_482 : vector<16xf32>
            %mul3A_492 = arith.mulf %mul3A_491, %bitcast_convert_type3A_488 : vector<16xf32>
            %mul3A_493 = arith.mulf %mul3A_492, %bitcast_convert_type3A_488 : vector<16xf32>
            %sub3A_494 = arith.constant 1.500000e+00 : f32
            %sub3A_495 = vector.broadcast %sub3A_494 : f32 to vector<16xf32>
            %sub3A_496 = arith.subf %sub3A_495, %mul3A_493 : vector<16xf32>
            %mul3A_497 = arith.mulf %bitcast_convert_type3A_488, %sub3A_496 : vector<16xf32>
            %mul3A_498 = arith.constant 5.000000e-01 : f32
            %mul3A_499 = vector.broadcast %mul3A_498 : f32 to vector<16xf32>
            %mul3A_500 = arith.mulf %mul3A_499, %max3A_482 : vector<16xf32>
            %mul3A_501 = arith.mulf %mul3A_500, %mul3A_497 : vector<16xf32>
            %mul3A_502 = arith.mulf %mul3A_501, %mul3A_497 : vector<16xf32>
            %sub3A_503 = arith.constant 1.500000e+00 : f32
            %sub3A_504 = vector.broadcast %sub3A_503 : f32 to vector<16xf32>
            %sub3A_505 = arith.subf %sub3A_504, %mul3A_502 : vector<16xf32>
            %mul3A_506 = arith.mulf %mul3A_497, %sub3A_505 : vector<16xf32>
            %mul3A_507 = arith.constant 5.000000e-01 : f32
            %mul3A_508 = vector.broadcast %mul3A_507 : f32 to vector<16xf32>
            %mul3A_509 = arith.mulf %mul3A_508, %max3A_482 : vector<16xf32>
            %mul3A_510 = arith.mulf %mul3A_509, %mul3A_506 : vector<16xf32>
            %mul3A_511 = arith.mulf %mul3A_510, %mul3A_506 : vector<16xf32>
            %sub3A_512 = arith.constant 1.500000e+00 : f32
            %sub3A_513 = vector.broadcast %sub3A_512 : f32 to vector<16xf32>
            %sub3A_514 = arith.subf %sub3A_513, %mul3A_511 : vector<16xf32>
            %mul3A_515 = arith.mulf %mul3A_506, %sub3A_514 : vector<16xf32>
            %mul3A_516 = arith.mulf %max3A_482, %mul3A_515 : vector<16xf32>
            %mul3A_517 = arith.constant 0.955336511 : f32
            %mul3A_518 = vector.broadcast %mul3A_517 : f32 to vector<16xf32>
            %mul3A_519 = arith.mulf %get3A_475, %mul3A_518 : vector<16xf32>
            %mul3A_520 = arith.constant 0.295520216 : f32
            %mul3A_521 = vector.broadcast %mul3A_520 : f32 to vector<16xf32>
            %mul3A_522 = arith.mulf %mul3A_516, %mul3A_521 : vector<16xf32>
            %sub3A_523 = arith.subf %mul3A_519, %mul3A_522 : vector<16xf32>
            %sub3A_524 = arith.constant 2.000000e-01 : f32
            %sub3A_525 = vector.broadcast %sub3A_524 : f32 to vector<16xf32>
            %sub3A_526 = arith.subf %sub3A_523, %sub3A_525 : vector<16xf32>
            %mul3A_527 = arith.constant 6.400000e+01 : f32
            %mul3A_528 = vector.broadcast %mul3A_527 : f32 to vector<16xf32>
            %mul3A_529 = arith.mulf %sub3A_526, %mul3A_528 : vector<16xf32>
            %mul3A_530 = arith.constant 6.400000e+01 : f32
            %mul3A_531 = vector.broadcast %mul3A_530 : f32 to vector<16xf32>
            %mul3A_532 = arith.mulf %get3A_475, %mul3A_531 : vector<16xf32>
            %select_n3A = arith.select %eq3A_469, %mul3A_529, %mul3A_532 : vector<16xi1>, vector<16xf32>
            %mul3A_533 = arith.constant 16 : i32
            %mul3A_534 = arith.muli %add3A_463, %mul3A_533 : i32
            %swap3A = arith.index_cast %add3A_453 : i32 to index
            %swap3A_535 = arith.index_cast %mul3A_534 : i32 to index
            %swap3A_536 = tpu.vector_load %arg8[%swap3A, %swap3A_535] {strides = array<i32>} : memref<24x1024xf32, #tpu.memory_space<vmem>>, vector<1x16xf32>,
            %swap3A_537 = vector.shape_cast %swap3A_536 : vector<1x16xf32> to vector<16xf32>
            %swap3A_538 = vector.shape_cast %select_n3A : vector<16xf32> to vector<1x16xf32>
            tpu.vector_store %arg8[%swap3A, %swap3A_535], %swap3A_538 {strides = array<i32>} : memref<24x1024xf32, #tpu.memory_space<vmem>>, vector<1x16xf32>,
          }
          %scan3A_458 = arith.constant 64 : i32
        }
      } else {
      }
      %add3A_219 = arith.constant 2 : i32
      %add3A_220 = arith.addi %add3A_33, %add3A_219 : i32
      %lt3A_221 = arith.constant 130 : i32
      %lt3A_222 = arith.cmpi slt, %add3A_220, %lt3A_221 : i32
      %convert_element_type3A_223 = arith.extui %lt3A_222 : i1 to i32
      %cond3A_224 = arith.constant 0 : i32
      %cond3A_225 = arith.cmpi ne, %convert_element_type3A_223, %cond3A_224 : i32
      scf.if %cond3A_225 {
        %add3A_435 = arith.constant 48 : i32
        %add3A_436 = arith.addi %add3A_36, %add3A_435 : i32
        %dma_start3A_437 = arith.constant 0 : i32
        %dma_start3A_438 = tpu.memref_slice %arg2[%add3A_436, %dma_start3A_437] : memref<100000x1024xf32, #tpu.memory_space<hbm>> -> memref<24x1024xf32, #tpu.memory_space<hbm>>
        %dma_start3A_439 = arith.constant 0 : i32
        %dma_start3A_440 = tpu.memref_slice %arg2[%add3A_436, %dma_start3A_439] : memref<100000x1024xf32, #tpu.memory_space<hbm>> -> memref<24x1024xf32, #tpu.memory_space<hbm>>
        tpu.enqueue_dma source(%dma_start3A_440 : memref<24x1024xf32, #tpu.memory_space<hbm>>) target(%arg6 : memref<24x1024xf32, #tpu.memory_space<vmem>>) target_semaphore(%arg10 : memref<!tpu.dma_semaphore, #tpu.memory_space<semaphore_mem>>)
      } else {
      }
      %dma_start3A_226 = arith.constant 0 : i32
      %dma_start3A_227 = tpu.memref_slice %arg4[%add3A_36, %dma_start3A_226] : memref<100000x1024xf32, #tpu.memory_space<hbm>> -> memref<24x1024xf32, #tpu.memory_space<hbm>>
      %dma_start3A_228 = arith.constant 0 : i32
      %dma_start3A_229 = tpu.memref_slice %arg4[%add3A_36, %dma_start3A_228] : memref<100000x1024xf32, #tpu.memory_space<hbm>> -> memref<24x1024xf32, #tpu.memory_space<hbm>>
      tpu.enqueue_dma source(%arg8 : memref<24x1024xf32, #tpu.memory_space<vmem>>) target(%dma_start3A_229 : memref<24x1024xf32, #tpu.memory_space<hbm>>) target_semaphore(%arg12 : memref<!tpu.dma_semaphore, #tpu.memory_space<semaphore_mem>>)
      %add3A_230 = arith.constant 1 : i32
      %add3A_231 = arith.addi %add3A_33, %add3A_230 : i32
      %mul3A_232 = arith.constant 24 : i32
      %mul3A_233 = arith.muli %add3A_231, %mul3A_232 : i32
      %add3A_234 = arith.addi %mul3A_6, %mul3A_233 : i32
      %dma_wait3A_235 = arith.constant 0 : i32
      %dma_wait3A_236 = tpu.memref_slice %arg2[%add3A_234, %dma_wait3A_235] : memref<100000x1024xf32, #tpu.memory_space<hbm>> -> memref<24x1024xf32, #tpu.memory_space<hbm>>
      %dma_wait3A_237 = arith.constant 0 : i32
      %dma_wait3A_238 = tpu.memref_slice %arg2[%add3A_234, %dma_wait3A_237] : memref<100000x1024xf32, #tpu.memory_space<hbm>> -> memref<24x1024xf32, #tpu.memory_space<hbm>>
      tpu.wait_dma2 semaphore(%arg11 : memref<!tpu.dma_semaphore, #tpu.memory_space<semaphore_mem>>) src(%dma_wait3A_238 : memref<24x1024xf32, #tpu.memory_space<hbm>>) dst(%arg7 : memref<24x1024xf32, #tpu.memory_space<vmem>>)
      %ge3A_239 = arith.constant 2 : i32
      %ge3A_240 = arith.cmpi sge, %add3A_231, %ge3A_239 : i32
      %convert_element_type3A_241 = arith.extui %ge3A_240 : i1 to i32
      %cond3A_242 = arith.constant 0 : i32
      %cond3A_243 = arith.cmpi ne, %convert_element_type3A_241, %cond3A_242 : i32
      scf.if %cond3A_243 {
        %dma_wait3A_435 = arith.constant 0 : i32
        %dma_wait3A_436 = tpu.memref_slice %arg4[%add3A_234, %dma_wait3A_435] : memref<100000x1024xf32, #tpu.memory_space<hbm>> -> memref<24x1024xf32, #tpu.memory_space<hbm>>
        %dma_wait3A_437 = arith.constant 0 : i32
        %dma_wait3A_438 = tpu.memref_slice %arg4[%add3A_234, %dma_wait3A_437] : memref<100000x1024xf32, #tpu.memory_space<hbm>> -> memref<24x1024xf32, #tpu.memory_space<hbm>>
        tpu.wait_dma2 semaphore(%arg13 : memref<!tpu.dma_semaphore, #tpu.memory_space<semaphore_mem>>) src(%arg9 : memref<24x1024xf32, #tpu.memory_space<vmem>>) dst(%dma_wait3A_438 : memref<24x1024xf32, #tpu.memory_space<hbm>>)
      } else {
      }
      %parallel_loop3A_244 = arith.constant 0 : i32
      %parallel_loop3A_245 = arith.constant 64 : i32
      %parallel_loop3A_246 = arith.constant 1 : i32
      scf.for %parallel_loop3A_435 = %parallel_loop3A_244 to %parallel_loop3A_245 step %parallel_loop3A_246  : i32 {
        %parallel_loop3A_436 = arith.constant 16 : i32
        %parallel_loop3A_437 = arith.muli %parallel_loop3A_435, %parallel_loop3A_436 : i32
        %parallel_loop3A_438 = arith.constant 0 : i32
        %parallel_loop3A_439 = arith.index_cast %parallel_loop3A_438 : i32 to index
        %parallel_loop3A_440 = arith.index_cast %parallel_loop3A_437 : i32 to index
        %parallel_loop3A_441 = tpu.vector_load %arg7[%parallel_loop3A_439, %parallel_loop3A_440] {strides = array<i32>} : memref<24x1024xf32, #tpu.memory_space<vmem>>, vector<1x16xf32>,
        %parallel_loop3A_442 = vector.shape_cast %parallel_loop3A_441 : vector<1x16xf32> to vector<16xf32>
        %parallel_loop3A_443 = arith.constant 6.400000e+01 : f32
        %parallel_loop3A_444 = vector.broadcast %parallel_loop3A_443 : f32 to vector<16xf32>
        %parallel_loop3A_445 = arith.mulf %parallel_loop3A_442, %parallel_loop3A_444 : vector<16xf32>
        %parallel_loop3A_446 = arith.constant 16 : i32
        %parallel_loop3A_447 = arith.muli %parallel_loop3A_435, %parallel_loop3A_446 : i32
        %parallel_loop3A_448 = arith.constant 0 : i32
        %parallel_loop3A_449 = arith.index_cast %parallel_loop3A_448 : i32 to index
        %parallel_loop3A_450 = arith.index_cast %parallel_loop3A_447 : i32 to index
        %parallel_loop3A_451 = tpu.vector_load %arg9[%parallel_loop3A_449, %parallel_loop3A_450] {strides = array<i32>} : memref<24x1024xf32, #tpu.memory_space<vmem>>, vector<1x16xf32>,
        %parallel_loop3A_452 = vector.shape_cast %parallel_loop3A_451 : vector<1x16xf32> to vector<16xf32>
        %parallel_loop3A_453 = vector.shape_cast %parallel_loop3A_445 : vector<16xf32> to vector<1x16xf32>
        tpu.vector_store %arg9[%parallel_loop3A_449, %parallel_loop3A_450], %parallel_loop3A_453 {strides = array<i32>} : memref<24x1024xf32, #tpu.memory_space<vmem>>, vector<1x16xf32>,
      } {sc.loop_unroll_factor = 8 : i64, sc.parallel_access}
      %parallel_loop3A_247 = arith.constant 0 : i32
      %parallel_loop3A_248 = arith.constant 64 : i32
      %parallel_loop3A_249 = arith.constant 1 : i32
      scf.for %parallel_loop3A_435 = %parallel_loop3A_247 to %parallel_loop3A_248 step %parallel_loop3A_249  : i32 {
        %parallel_loop3A_436 = arith.constant 16 : i32
        %parallel_loop3A_437 = arith.muli %parallel_loop3A_435, %parallel_loop3A_436 : i32
        %parallel_loop3A_438 = arith.constant 1 : i32
        %parallel_loop3A_439 = arith.index_cast %parallel_loop3A_438 : i32 to index
        %parallel_loop3A_440 = arith.index_cast %parallel_loop3A_437 : i32 to index
        %parallel_loop3A_441 = tpu.vector_load %arg7[%parallel_loop3A_439, %parallel_loop3A_440] {strides = array<i32>} : memref<24x1024xf32, #tpu.memory_space<vmem>>, vector<1x16xf32>,
        %parallel_loop3A_442 = vector.shape_cast %parallel_loop3A_441 : vector<1x16xf32> to vector<16xf32>
        %parallel_loop3A_443 = arith.constant 6.400000e+01 : f32
        %parallel_loop3A_444 = vector.broadcast %parallel_loop3A_443 : f32 to vector<16xf32>
        %parallel_loop3A_445 = arith.mulf %parallel_loop3A_442, %parallel_loop3A_444 : vector<16xf32>
        %parallel_loop3A_446 = arith.constant 16 : i32
        %parallel_loop3A_447 = arith.muli %parallel_loop3A_435, %parallel_loop3A_446 : i32
        %parallel_loop3A_448 = arith.constant 1 : i32
        %parallel_loop3A_449 = arith.index_cast %parallel_loop3A_448 : i32 to index
        %parallel_loop3A_450 = arith.index_cast %parallel_loop3A_447 : i32 to index
        %parallel_loop3A_451 = tpu.vector_load %arg9[%parallel_loop3A_449, %parallel_loop3A_450] {strides = array<i32>} : memref<24x1024xf32, #tpu.memory_space<vmem>>, vector<1x16xf32>,
        %parallel_loop3A_452 = vector.shape_cast %parallel_loop3A_451 : vector<1x16xf32> to vector<16xf32>
        %parallel_loop3A_453 = vector.shape_cast %parallel_loop3A_445 : vector<16xf32> to vector<1x16xf32>
        tpu.vector_store %arg9[%parallel_loop3A_449, %parallel_loop3A_450], %parallel_loop3A_453 {strides = array<i32>} : memref<24x1024xf32, #tpu.memory_space<vmem>>, vector<1x16xf32>,
      } {sc.loop_unroll_factor = 8 : i64, sc.parallel_access}
      %parallel_loop3A_250 = arith.constant 0 : i32
      %parallel_loop3A_251 = arith.constant 64 : i32
      %parallel_loop3A_252 = arith.constant 1 : i32
      scf.for %parallel_loop3A_435 = %parallel_loop3A_250 to %parallel_loop3A_251 step %parallel_loop3A_252  : i32 {
        %parallel_loop3A_436 = arith.constant 16 : i32
        %parallel_loop3A_437 = arith.muli %parallel_loop3A_435, %parallel_loop3A_436 : i32
        %parallel_loop3A_438 = arith.constant 2 : i32
        %parallel_loop3A_439 = arith.index_cast %parallel_loop3A_438 : i32 to index
        %parallel_loop3A_440 = arith.index_cast %parallel_loop3A_437 : i32 to index
        %parallel_loop3A_441 = tpu.vector_load %arg7[%parallel_loop3A_439, %parallel_loop3A_440] {strides = array<i32>} : memref<24x1024xf32, #tpu.memory_space<vmem>>, vector<1x16xf32>,
        %parallel_loop3A_442 = vector.shape_cast %parallel_loop3A_441 : vector<1x16xf32> to vector<16xf32>
        %parallel_loop3A_443 = arith.constant 6.400000e+01 : f32
        %parallel_loop3A_444 = vector.broadcast %parallel_loop3A_443 : f32 to vector<16xf32>
        %parallel_loop3A_445 = arith.mulf %parallel_loop3A_442, %parallel_loop3A_444 : vector<16xf32>
        %parallel_loop3A_446 = arith.constant 16 : i32
        %parallel_loop3A_447 = arith.muli %parallel_loop3A_435, %parallel_loop3A_446 : i32
        %parallel_loop3A_448 = arith.constant 2 : i32
        %parallel_loop3A_449 = arith.index_cast %parallel_loop3A_448 : i32 to index
        %parallel_loop3A_450 = arith.index_cast %parallel_loop3A_447 : i32 to index
        %parallel_loop3A_451 = tpu.vector_load %arg9[%parallel_loop3A_449, %parallel_loop3A_450] {strides = array<i32>} : memref<24x1024xf32, #tpu.memory_space<vmem>>, vector<1x16xf32>,
        %parallel_loop3A_452 = vector.shape_cast %parallel_loop3A_451 : vector<1x16xf32> to vector<16xf32>
        %parallel_loop3A_453 = vector.shape_cast %parallel_loop3A_445 : vector<16xf32> to vector<1x16xf32>
        tpu.vector_store %arg9[%parallel_loop3A_449, %parallel_loop3A_450], %parallel_loop3A_453 {strides = array<i32>} : memref<24x1024xf32, #tpu.memory_space<vmem>>, vector<1x16xf32>,
      } {sc.loop_unroll_factor = 8 : i64, sc.parallel_access}
      %parallel_loop3A_253 = arith.constant 0 : i32
      %parallel_loop3A_254 = arith.constant 64 : i32
      %parallel_loop3A_255 = arith.constant 1 : i32
      scf.for %parallel_loop3A_435 = %parallel_loop3A_253 to %parallel_loop3A_254 step %parallel_loop3A_255  : i32 {
        %parallel_loop3A_436 = arith.constant 16 : i32
        %parallel_loop3A_437 = arith.muli %parallel_loop3A_435, %parallel_loop3A_436 : i32
        %parallel_loop3A_438 = arith.constant 3 : i32
        %parallel_loop3A_439 = arith.index_cast %parallel_loop3A_438 : i32 to index
        %parallel_loop3A_440 = arith.index_cast %parallel_loop3A_437 : i32 to index
        %parallel_loop3A_441 = tpu.vector_load %arg7[%parallel_loop3A_439, %parallel_loop3A_440] {strides = array<i32>} : memref<24x1024xf32, #tpu.memory_space<vmem>>, vector<1x16xf32>,
        %parallel_loop3A_442 = vector.shape_cast %parallel_loop3A_441 : vector<1x16xf32> to vector<16xf32>
        %parallel_loop3A_443 = arith.constant 6.400000e+01 : f32
        %parallel_loop3A_444 = vector.broadcast %parallel_loop3A_443 : f32 to vector<16xf32>
        %parallel_loop3A_445 = arith.mulf %parallel_loop3A_442, %parallel_loop3A_444 : vector<16xf32>
        %parallel_loop3A_446 = arith.constant 16 : i32
        %parallel_loop3A_447 = arith.muli %parallel_loop3A_435, %parallel_loop3A_446 : i32
        %parallel_loop3A_448 = arith.constant 3 : i32
        %parallel_loop3A_449 = arith.index_cast %parallel_loop3A_448 : i32 to index
        %parallel_loop3A_450 = arith.index_cast %parallel_loop3A_447 : i32 to index
        %parallel_loop3A_451 = tpu.vector_load %arg9[%parallel_loop3A_449, %parallel_loop3A_450] {strides = array<i32>} : memref<24x1024xf32, #tpu.memory_space<vmem>>, vector<1x16xf32>,
        %parallel_loop3A_452 = vector.shape_cast %parallel_loop3A_451 : vector<1x16xf32> to vector<16xf32>
        %parallel_loop3A_453 = vector.shape_cast %parallel_loop3A_445 : vector<16xf32> to vector<1x16xf32>
        tpu.vector_store %arg9[%parallel_loop3A_449, %parallel_loop3A_450], %parallel_loop3A_453 {strides = array<i32>} : memref<24x1024xf32, #tpu.memory_space<vmem>>, vector<1x16xf32>,
      } {sc.loop_unroll_factor = 8 : i64, sc.parallel_access}
      %parallel_loop3A_256 = arith.constant 0 : i32
      %parallel_loop3A_257 = arith.constant 64 : i32
      %parallel_loop3A_258 = arith.constant 1 : i32
      scf.for %parallel_loop3A_435 = %parallel_loop3A_256 to %parallel_loop3A_257 step %parallel_loop3A_258  : i32 {
        %parallel_loop3A_436 = arith.constant 16 : i32
        %parallel_loop3A_437 = arith.muli %parallel_loop3A_435, %parallel_loop3A_436 : i32
        %parallel_loop3A_438 = arith.constant 4 : i32
        %parallel_loop3A_439 = arith.index_cast %parallel_loop3A_438 : i32 to index
        %parallel_loop3A_440 = arith.index_cast %parallel_loop3A_437 : i32 to index
        %parallel_loop3A_441 = tpu.vector_load %arg7[%parallel_loop3A_439, %parallel_loop3A_440] {strides = array<i32>} : memref<24x1024xf32, #tpu.memory_space<vmem>>, vector<1x16xf32>,
        %parallel_loop3A_442 = vector.shape_cast %parallel_loop3A_441 : vector<1x16xf32> to vector<16xf32>
        %parallel_loop3A_443 = arith.constant 6.400000e+01 : f32
        %parallel_loop3A_444 = vector.broadcast %parallel_loop3A_443 : f32 to vector<16xf32>
        %parallel_loop3A_445 = arith.mulf %parallel_loop3A_442, %parallel_loop3A_444 : vector<16xf32>
        %parallel_loop3A_446 = arith.constant 16 : i32
        %parallel_loop3A_447 = arith.muli %parallel_loop3A_435, %parallel_loop3A_446 : i32
        %parallel_loop3A_448 = arith.constant 4 : i32
        %parallel_loop3A_449 = arith.index_cast %parallel_loop3A_448 : i32 to index
        %parallel_loop3A_450 = arith.index_cast %parallel_loop3A_447 : i32 to index
        %parallel_loop3A_451 = tpu.vector_load %arg9[%parallel_loop3A_449, %parallel_loop3A_450] {strides = array<i32>} : memref<24x1024xf32, #tpu.memory_space<vmem>>, vector<1x16xf32>,
        %parallel_loop3A_452 = vector.shape_cast %parallel_loop3A_451 : vector<1x16xf32> to vector<16xf32>
        %parallel_loop3A_453 = vector.shape_cast %parallel_loop3A_445 : vector<16xf32> to vector<1x16xf32>
        tpu.vector_store %arg9[%parallel_loop3A_449, %parallel_loop3A_450], %parallel_loop3A_453 {strides = array<i32>} : memref<24x1024xf32, #tpu.memory_space<vmem>>, vector<1x16xf32>,
      } {sc.loop_unroll_factor = 8 : i64, sc.parallel_access}
      %parallel_loop3A_259 = arith.constant 0 : i32
      %parallel_loop3A_260 = arith.constant 64 : i32
      %parallel_loop3A_261 = arith.constant 1 : i32
      scf.for %parallel_loop3A_435 = %parallel_loop3A_259 to %parallel_loop3A_260 step %parallel_loop3A_261  : i32 {
        %parallel_loop3A_436 = arith.constant 16 : i32
        %parallel_loop3A_437 = arith.muli %parallel_loop3A_435, %parallel_loop3A_436 : i32
        %parallel_loop3A_438 = arith.constant 5 : i32
        %parallel_loop3A_439 = arith.index_cast %parallel_loop3A_438 : i32 to index
        %parallel_loop3A_440 = arith.index_cast %parallel_loop3A_437 : i32 to index
        %parallel_loop3A_441 = tpu.vector_load %arg7[%parallel_loop3A_439, %parallel_loop3A_440] {strides = array<i32>} : memref<24x1024xf32, #tpu.memory_space<vmem>>, vector<1x16xf32>,
        %parallel_loop3A_442 = vector.shape_cast %parallel_loop3A_441 : vector<1x16xf32> to vector<16xf32>
        %parallel_loop3A_443 = arith.constant 6.400000e+01 : f32
        %parallel_loop3A_444 = vector.broadcast %parallel_loop3A_443 : f32 to vector<16xf32>
        %parallel_loop3A_445 = arith.mulf %parallel_loop3A_442, %parallel_loop3A_444 : vector<16xf32>
        %parallel_loop3A_446 = arith.constant 16 : i32
        %parallel_loop3A_447 = arith.muli %parallel_loop3A_435, %parallel_loop3A_446 : i32
        %parallel_loop3A_448 = arith.constant 5 : i32
        %parallel_loop3A_449 = arith.index_cast %parallel_loop3A_448 : i32 to index
        %parallel_loop3A_450 = arith.index_cast %parallel_loop3A_447 : i32 to index
        %parallel_loop3A_451 = tpu.vector_load %arg9[%parallel_loop3A_449, %parallel_loop3A_450] {strides = array<i32>} : memref<24x1024xf32, #tpu.memory_space<vmem>>, vector<1x16xf32>,
        %parallel_loop3A_452 = vector.shape_cast %parallel_loop3A_451 : vector<1x16xf32> to vector<16xf32>
        %parallel_loop3A_453 = vector.shape_cast %parallel_loop3A_445 : vector<16xf32> to vector<1x16xf32>
        tpu.vector_store %arg9[%parallel_loop3A_449, %parallel_loop3A_450], %parallel_loop3A_453 {strides = array<i32>} : memref<24x1024xf32, #tpu.memory_space<vmem>>, vector<1x16xf32>,
      } {sc.loop_unroll_factor = 8 : i64, sc.parallel_access}
      %parallel_loop3A_262 = arith.constant 0 : i32
      %parallel_loop3A_263 = arith.constant 64 : i32
      %parallel_loop3A_264 = arith.constant 1 : i32
      scf.for %parallel_loop3A_435 = %parallel_loop3A_262 to %parallel_loop3A_263 step %parallel_loop3A_264  : i32 {
        %parallel_loop3A_436 = arith.constant 16 : i32
        %parallel_loop3A_437 = arith.muli %parallel_loop3A_435, %parallel_loop3A_436 : i32
        %parallel_loop3A_438 = arith.constant 6 : i32
        %parallel_loop3A_439 = arith.index_cast %parallel_loop3A_438 : i32 to index
        %parallel_loop3A_440 = arith.index_cast %parallel_loop3A_437 : i32 to index
        %parallel_loop3A_441 = tpu.vector_load %arg7[%parallel_loop3A_439, %parallel_loop3A_440] {strides = array<i32>} : memref<24x1024xf32, #tpu.memory_space<vmem>>, vector<1x16xf32>,
        %parallel_loop3A_442 = vector.shape_cast %parallel_loop3A_441 : vector<1x16xf32> to vector<16xf32>
        %parallel_loop3A_443 = arith.constant 6.400000e+01 : f32
        %parallel_loop3A_444 = vector.broadcast %parallel_loop3A_443 : f32 to vector<16xf32>
        %parallel_loop3A_445 = arith.mulf %parallel_loop3A_442, %parallel_loop3A_444 : vector<16xf32>
        %parallel_loop3A_446 = arith.constant 16 : i32
        %parallel_loop3A_447 = arith.muli %parallel_loop3A_435, %parallel_loop3A_446 : i32
        %parallel_loop3A_448 = arith.constant 6 : i32
        %parallel_loop3A_449 = arith.index_cast %parallel_loop3A_448 : i32 to index
        %parallel_loop3A_450 = arith.index_cast %parallel_loop3A_447 : i32 to index
        %parallel_loop3A_451 = tpu.vector_load %arg9[%parallel_loop3A_449, %parallel_loop3A_450] {strides = array<i32>} : memref<24x1024xf32, #tpu.memory_space<vmem>>, vector<1x16xf32>,
        %parallel_loop3A_452 = vector.shape_cast %parallel_loop3A_451 : vector<1x16xf32> to vector<16xf32>
        %parallel_loop3A_453 = vector.shape_cast %parallel_loop3A_445 : vector<16xf32> to vector<1x16xf32>
        tpu.vector_store %arg9[%parallel_loop3A_449, %parallel_loop3A_450], %parallel_loop3A_453 {strides = array<i32>} : memref<24x1024xf32, #tpu.memory_space<vmem>>, vector<1x16xf32>,
      } {sc.loop_unroll_factor = 8 : i64, sc.parallel_access}
      %parallel_loop3A_265 = arith.constant 0 : i32
      %parallel_loop3A_266 = arith.constant 64 : i32
      %parallel_loop3A_267 = arith.constant 1 : i32
      scf.for %parallel_loop3A_435 = %parallel_loop3A_265 to %parallel_loop3A_266 step %parallel_loop3A_267  : i32 {
        %parallel_loop3A_436 = arith.constant 16 : i32
        %parallel_loop3A_437 = arith.muli %parallel_loop3A_435, %parallel_loop3A_436 : i32
        %parallel_loop3A_438 = arith.constant 7 : i32
        %parallel_loop3A_439 = arith.index_cast %parallel_loop3A_438 : i32 to index
        %parallel_loop3A_440 = arith.index_cast %parallel_loop3A_437 : i32 to index
        %parallel_loop3A_441 = tpu.vector_load %arg7[%parallel_loop3A_439, %parallel_loop3A_440] {strides = array<i32>} : memref<24x1024xf32, #tpu.memory_space<vmem>>, vector<1x16xf32>,
        %parallel_loop3A_442 = vector.shape_cast %parallel_loop3A_441 : vector<1x16xf32> to vector<16xf32>
        %parallel_loop3A_443 = arith.constant 6.400000e+01 : f32
        %parallel_loop3A_444 = vector.broadcast %parallel_loop3A_443 : f32 to vector<16xf32>
        %parallel_loop3A_445 = arith.mulf %parallel_loop3A_442, %parallel_loop3A_444 : vector<16xf32>
        %parallel_loop3A_446 = arith.constant 16 : i32
        %parallel_loop3A_447 = arith.muli %parallel_loop3A_435, %parallel_loop3A_446 : i32
        %parallel_loop3A_448 = arith.constant 7 : i32
        %parallel_loop3A_449 = arith.index_cast %parallel_loop3A_448 : i32 to index
        %parallel_loop3A_450 = arith.index_cast %parallel_loop3A_447 : i32 to index
        %parallel_loop3A_451 = tpu.vector_load %arg9[%parallel_loop3A_449, %parallel_loop3A_450] {strides = array<i32>} : memref<24x1024xf32, #tpu.memory_space<vmem>>, vector<1x16xf32>,
        %parallel_loop3A_452 = vector.shape_cast %parallel_loop3A_451 : vector<1x16xf32> to vector<16xf32>
        %parallel_loop3A_453 = vector.shape_cast %parallel_loop3A_445 : vector<16xf32> to vector<1x16xf32>
        tpu.vector_store %arg9[%parallel_loop3A_449, %parallel_loop3A_450], %parallel_loop3A_453 {strides = array<i32>} : memref<24x1024xf32, #tpu.memory_space<vmem>>, vector<1x16xf32>,
      } {sc.loop_unroll_factor = 8 : i64, sc.parallel_access}
      %parallel_loop3A_268 = arith.constant 0 : i32
      %parallel_loop3A_269 = arith.constant 64 : i32
      %parallel_loop3A_270 = arith.constant 1 : i32
      scf.for %parallel_loop3A_435 = %parallel_loop3A_268 to %parallel_loop3A_269 step %parallel_loop3A_270  : i32 {
        %parallel_loop3A_436 = arith.constant 16 : i32
        %parallel_loop3A_437 = arith.muli %parallel_loop3A_435, %parallel_loop3A_436 : i32
        %parallel_loop3A_438 = arith.constant 8 : i32
        %parallel_loop3A_439 = arith.index_cast %parallel_loop3A_438 : i32 to index
        %parallel_loop3A_440 = arith.index_cast %parallel_loop3A_437 : i32 to index
        %parallel_loop3A_441 = tpu.vector_load %arg7[%parallel_loop3A_439, %parallel_loop3A_440] {strides = array<i32>} : memref<24x1024xf32, #tpu.memory_space<vmem>>, vector<1x16xf32>,
        %parallel_loop3A_442 = vector.shape_cast %parallel_loop3A_441 : vector<1x16xf32> to vector<16xf32>
        %parallel_loop3A_443 = arith.constant 6.400000e+01 : f32
        %parallel_loop3A_444 = vector.broadcast %parallel_loop3A_443 : f32 to vector<16xf32>
        %parallel_loop3A_445 = arith.mulf %parallel_loop3A_442, %parallel_loop3A_444 : vector<16xf32>
        %parallel_loop3A_446 = arith.constant 16 : i32
        %parallel_loop3A_447 = arith.muli %parallel_loop3A_435, %parallel_loop3A_446 : i32
        %parallel_loop3A_448 = arith.constant 8 : i32
        %parallel_loop3A_449 = arith.index_cast %parallel_loop3A_448 : i32 to index
        %parallel_loop3A_450 = arith.index_cast %parallel_loop3A_447 : i32 to index
        %parallel_loop3A_451 = tpu.vector_load %arg9[%parallel_loop3A_449, %parallel_loop3A_450] {strides = array<i32>} : memref<24x1024xf32, #tpu.memory_space<vmem>>, vector<1x16xf32>,
        %parallel_loop3A_452 = vector.shape_cast %parallel_loop3A_451 : vector<1x16xf32> to vector<16xf32>
        %parallel_loop3A_453 = vector.shape_cast %parallel_loop3A_445 : vector<16xf32> to vector<1x16xf32>
        tpu.vector_store %arg9[%parallel_loop3A_449, %parallel_loop3A_450], %parallel_loop3A_453 {strides = array<i32>} : memref<24x1024xf32, #tpu.memory_space<vmem>>, vector<1x16xf32>,
      } {sc.loop_unroll_factor = 8 : i64, sc.parallel_access}
      %parallel_loop3A_271 = arith.constant 0 : i32
      %parallel_loop3A_272 = arith.constant 64 : i32
      %parallel_loop3A_273 = arith.constant 1 : i32
      scf.for %parallel_loop3A_435 = %parallel_loop3A_271 to %parallel_loop3A_272 step %parallel_loop3A_273  : i32 {
        %parallel_loop3A_436 = arith.constant 16 : i32
        %parallel_loop3A_437 = arith.muli %parallel_loop3A_435, %parallel_loop3A_436 : i32
        %parallel_loop3A_438 = arith.constant 9 : i32
        %parallel_loop3A_439 = arith.index_cast %parallel_loop3A_438 : i32 to index
        %parallel_loop3A_440 = arith.index_cast %parallel_loop3A_437 : i32 to index
        %parallel_loop3A_441 = tpu.vector_load %arg7[%parallel_loop3A_439, %parallel_loop3A_440] {strides = array<i32>} : memref<24x1024xf32, #tpu.memory_space<vmem>>, vector<1x16xf32>,
        %parallel_loop3A_442 = vector.shape_cast %parallel_loop3A_441 : vector<1x16xf32> to vector<16xf32>
        %parallel_loop3A_443 = arith.constant 6.400000e+01 : f32
        %parallel_loop3A_444 = vector.broadcast %parallel_loop3A_443 : f32 to vector<16xf32>
        %parallel_loop3A_445 = arith.mulf %parallel_loop3A_442, %parallel_loop3A_444 : vector<16xf32>
        %parallel_loop3A_446 = arith.constant 16 : i32
        %parallel_loop3A_447 = arith.muli %parallel_loop3A_435, %parallel_loop3A_446 : i32
        %parallel_loop3A_448 = arith.constant 9 : i32
        %parallel_loop3A_449 = arith.index_cast %parallel_loop3A_448 : i32 to index
        %parallel_loop3A_450 = arith.index_cast %parallel_loop3A_447 : i32 to index
        %parallel_loop3A_451 = tpu.vector_load %arg9[%parallel_loop3A_449, %parallel_loop3A_450] {strides = array<i32>} : memref<24x1024xf32, #tpu.memory_space<vmem>>, vector<1x16xf32>,
        %parallel_loop3A_452 = vector.shape_cast %parallel_loop3A_451 : vector<1x16xf32> to vector<16xf32>
        %parallel_loop3A_453 = vector.shape_cast %parallel_loop3A_445 : vector<16xf32> to vector<1x16xf32>
        tpu.vector_store %arg9[%parallel_loop3A_449, %parallel_loop3A_450], %parallel_loop3A_453 {strides = array<i32>} : memref<24x1024xf32, #tpu.memory_space<vmem>>, vector<1x16xf32>,
      } {sc.loop_unroll_factor = 8 : i64, sc.parallel_access}
      %parallel_loop3A_274 = arith.constant 0 : i32
      %parallel_loop3A_275 = arith.constant 64 : i32
      %parallel_loop3A_276 = arith.constant 1 : i32
      scf.for %parallel_loop3A_435 = %parallel_loop3A_274 to %parallel_loop3A_275 step %parallel_loop3A_276  : i32 {
        %parallel_loop3A_436 = arith.constant 16 : i32
        %parallel_loop3A_437 = arith.muli %parallel_loop3A_435, %parallel_loop3A_436 : i32
        %parallel_loop3A_438 = arith.constant 10 : i32
        %parallel_loop3A_439 = arith.index_cast %parallel_loop3A_438 : i32 to index
        %parallel_loop3A_440 = arith.index_cast %parallel_loop3A_437 : i32 to index
        %parallel_loop3A_441 = tpu.vector_load %arg7[%parallel_loop3A_439, %parallel_loop3A_440] {strides = array<i32>} : memref<24x1024xf32, #tpu.memory_space<vmem>>, vector<1x16xf32>,
        %parallel_loop3A_442 = vector.shape_cast %parallel_loop3A_441 : vector<1x16xf32> to vector<16xf32>
        %parallel_loop3A_443 = arith.constant 6.400000e+01 : f32
        %parallel_loop3A_444 = vector.broadcast %parallel_loop3A_443 : f32 to vector<16xf32>
        %parallel_loop3A_445 = arith.mulf %parallel_loop3A_442, %parallel_loop3A_444 : vector<16xf32>
        %parallel_loop3A_446 = arith.constant 16 : i32
        %parallel_loop3A_447 = arith.muli %parallel_loop3A_435, %parallel_loop3A_446 : i32
        %parallel_loop3A_448 = arith.constant 10 : i32
        %parallel_loop3A_449 = arith.index_cast %parallel_loop3A_448 : i32 to index
        %parallel_loop3A_450 = arith.index_cast %parallel_loop3A_447 : i32 to index
        %parallel_loop3A_451 = tpu.vector_load %arg9[%parallel_loop3A_449, %parallel_loop3A_450] {strides = array<i32>} : memref<24x1024xf32, #tpu.memory_space<vmem>>, vector<1x16xf32>,
        %parallel_loop3A_452 = vector.shape_cast %parallel_loop3A_451 : vector<1x16xf32> to vector<16xf32>
        %parallel_loop3A_453 = vector.shape_cast %parallel_loop3A_445 : vector<16xf32> to vector<1x16xf32>
        tpu.vector_store %arg9[%parallel_loop3A_449, %parallel_loop3A_450], %parallel_loop3A_453 {strides = array<i32>} : memref<24x1024xf32, #tpu.memory_space<vmem>>, vector<1x16xf32>,
      } {sc.loop_unroll_factor = 8 : i64, sc.parallel_access}
      %parallel_loop3A_277 = arith.constant 0 : i32
      %parallel_loop3A_278 = arith.constant 64 : i32
      %parallel_loop3A_279 = arith.constant 1 : i32
      scf.for %parallel_loop3A_435 = %parallel_loop3A_277 to %parallel_loop3A_278 step %parallel_loop3A_279  : i32 {
        %parallel_loop3A_436 = arith.constant 16 : i32
        %parallel_loop3A_437 = arith.muli %parallel_loop3A_435, %parallel_loop3A_436 : i32
        %parallel_loop3A_438 = arith.constant 11 : i32
        %parallel_loop3A_439 = arith.index_cast %parallel_loop3A_438 : i32 to index
        %parallel_loop3A_440 = arith.index_cast %parallel_loop3A_437 : i32 to index
        %parallel_loop3A_441 = tpu.vector_load %arg7[%parallel_loop3A_439, %parallel_loop3A_440] {strides = array<i32>} : memref<24x1024xf32, #tpu.memory_space<vmem>>, vector<1x16xf32>,
        %parallel_loop3A_442 = vector.shape_cast %parallel_loop3A_441 : vector<1x16xf32> to vector<16xf32>
        %parallel_loop3A_443 = arith.constant 6.400000e+01 : f32
        %parallel_loop3A_444 = vector.broadcast %parallel_loop3A_443 : f32 to vector<16xf32>
        %parallel_loop3A_445 = arith.mulf %parallel_loop3A_442, %parallel_loop3A_444 : vector<16xf32>
        %parallel_loop3A_446 = arith.constant 16 : i32
        %parallel_loop3A_447 = arith.muli %parallel_loop3A_435, %parallel_loop3A_446 : i32
        %parallel_loop3A_448 = arith.constant 11 : i32
        %parallel_loop3A_449 = arith.index_cast %parallel_loop3A_448 : i32 to index
        %parallel_loop3A_450 = arith.index_cast %parallel_loop3A_447 : i32 to index
        %parallel_loop3A_451 = tpu.vector_load %arg9[%parallel_loop3A_449, %parallel_loop3A_450] {strides = array<i32>} : memref<24x1024xf32, #tpu.memory_space<vmem>>, vector<1x16xf32>,
        %parallel_loop3A_452 = vector.shape_cast %parallel_loop3A_451 : vector<1x16xf32> to vector<16xf32>
        %parallel_loop3A_453 = vector.shape_cast %parallel_loop3A_445 : vector<16xf32> to vector<1x16xf32>
        tpu.vector_store %arg9[%parallel_loop3A_449, %parallel_loop3A_450], %parallel_loop3A_453 {strides = array<i32>} : memref<24x1024xf32, #tpu.memory_space<vmem>>, vector<1x16xf32>,
      } {sc.loop_unroll_factor = 8 : i64, sc.parallel_access}
      %parallel_loop3A_280 = arith.constant 0 : i32
      %parallel_loop3A_281 = arith.constant 64 : i32
      %parallel_loop3A_282 = arith.constant 1 : i32
      scf.for %parallel_loop3A_435 = %parallel_loop3A_280 to %parallel_loop3A_281 step %parallel_loop3A_282  : i32 {
        %parallel_loop3A_436 = arith.constant 16 : i32
        %parallel_loop3A_437 = arith.muli %parallel_loop3A_435, %parallel_loop3A_436 : i32
        %parallel_loop3A_438 = arith.constant 12 : i32
        %parallel_loop3A_439 = arith.index_cast %parallel_loop3A_438 : i32 to index
        %parallel_loop3A_440 = arith.index_cast %parallel_loop3A_437 : i32 to index
        %parallel_loop3A_441 = tpu.vector_load %arg7[%parallel_loop3A_439, %parallel_loop3A_440] {strides = array<i32>} : memref<24x1024xf32, #tpu.memory_space<vmem>>, vector<1x16xf32>,
        %parallel_loop3A_442 = vector.shape_cast %parallel_loop3A_441 : vector<1x16xf32> to vector<16xf32>
        %parallel_loop3A_443 = arith.constant 6.400000e+01 : f32
        %parallel_loop3A_444 = vector.broadcast %parallel_loop3A_443 : f32 to vector<16xf32>
        %parallel_loop3A_445 = arith.mulf %parallel_loop3A_442, %parallel_loop3A_444 : vector<16xf32>
        %parallel_loop3A_446 = arith.constant 16 : i32
        %parallel_loop3A_447 = arith.muli %parallel_loop3A_435, %parallel_loop3A_446 : i32
        %parallel_loop3A_448 = arith.constant 12 : i32
        %parallel_loop3A_449 = arith.index_cast %parallel_loop3A_448 : i32 to index
        %parallel_loop3A_450 = arith.index_cast %parallel_loop3A_447 : i32 to index
        %parallel_loop3A_451 = tpu.vector_load %arg9[%parallel_loop3A_449, %parallel_loop3A_450] {strides = array<i32>} : memref<24x1024xf32, #tpu.memory_space<vmem>>, vector<1x16xf32>,
        %parallel_loop3A_452 = vector.shape_cast %parallel_loop3A_451 : vector<1x16xf32> to vector<16xf32>
        %parallel_loop3A_453 = vector.shape_cast %parallel_loop3A_445 : vector<16xf32> to vector<1x16xf32>
        tpu.vector_store %arg9[%parallel_loop3A_449, %parallel_loop3A_450], %parallel_loop3A_453 {strides = array<i32>} : memref<24x1024xf32, #tpu.memory_space<vmem>>, vector<1x16xf32>,
      } {sc.loop_unroll_factor = 8 : i64, sc.parallel_access}
      %parallel_loop3A_283 = arith.constant 0 : i32
      %parallel_loop3A_284 = arith.constant 64 : i32
      %parallel_loop3A_285 = arith.constant 1 : i32
      scf.for %parallel_loop3A_435 = %parallel_loop3A_283 to %parallel_loop3A_284 step %parallel_loop3A_285  : i32 {
        %parallel_loop3A_436 = arith.constant 16 : i32
        %parallel_loop3A_437 = arith.muli %parallel_loop3A_435, %parallel_loop3A_436 : i32
        %parallel_loop3A_438 = arith.constant 13 : i32
        %parallel_loop3A_439 = arith.index_cast %parallel_loop3A_438 : i32 to index
        %parallel_loop3A_440 = arith.index_cast %parallel_loop3A_437 : i32 to index
        %parallel_loop3A_441 = tpu.vector_load %arg7[%parallel_loop3A_439, %parallel_loop3A_440] {strides = array<i32>} : memref<24x1024xf32, #tpu.memory_space<vmem>>, vector<1x16xf32>,
        %parallel_loop3A_442 = vector.shape_cast %parallel_loop3A_441 : vector<1x16xf32> to vector<16xf32>
        %parallel_loop3A_443 = arith.constant 6.400000e+01 : f32
        %parallel_loop3A_444 = vector.broadcast %parallel_loop3A_443 : f32 to vector<16xf32>
        %parallel_loop3A_445 = arith.mulf %parallel_loop3A_442, %parallel_loop3A_444 : vector<16xf32>
        %parallel_loop3A_446 = arith.constant 16 : i32
        %parallel_loop3A_447 = arith.muli %parallel_loop3A_435, %parallel_loop3A_446 : i32
        %parallel_loop3A_448 = arith.constant 13 : i32
        %parallel_loop3A_449 = arith.index_cast %parallel_loop3A_448 : i32 to index
        %parallel_loop3A_450 = arith.index_cast %parallel_loop3A_447 : i32 to index
        %parallel_loop3A_451 = tpu.vector_load %arg9[%parallel_loop3A_449, %parallel_loop3A_450] {strides = array<i32>} : memref<24x1024xf32, #tpu.memory_space<vmem>>, vector<1x16xf32>,
        %parallel_loop3A_452 = vector.shape_cast %parallel_loop3A_451 : vector<1x16xf32> to vector<16xf32>
        %parallel_loop3A_453 = vector.shape_cast %parallel_loop3A_445 : vector<16xf32> to vector<1x16xf32>
        tpu.vector_store %arg9[%parallel_loop3A_449, %parallel_loop3A_450], %parallel_loop3A_453 {strides = array<i32>} : memref<24x1024xf32, #tpu.memory_space<vmem>>, vector<1x16xf32>,
      } {sc.loop_unroll_factor = 8 : i64, sc.parallel_access}
      %parallel_loop3A_286 = arith.constant 0 : i32
      %parallel_loop3A_287 = arith.constant 64 : i32
      %parallel_loop3A_288 = arith.constant 1 : i32
      scf.for %parallel_loop3A_435 = %parallel_loop3A_286 to %parallel_loop3A_287 step %parallel_loop3A_288  : i32 {
        %parallel_loop3A_436 = arith.constant 16 : i32
        %parallel_loop3A_437 = arith.muli %parallel_loop3A_435, %parallel_loop3A_436 : i32
        %parallel_loop3A_438 = arith.constant 14 : i32
        %parallel_loop3A_439 = arith.index_cast %parallel_loop3A_438 : i32 to index
        %parallel_loop3A_440 = arith.index_cast %parallel_loop3A_437 : i32 to index
        %parallel_loop3A_441 = tpu.vector_load %arg7[%parallel_loop3A_439, %parallel_loop3A_440] {strides = array<i32>} : memref<24x1024xf32, #tpu.memory_space<vmem>>, vector<1x16xf32>,
        %parallel_loop3A_442 = vector.shape_cast %parallel_loop3A_441 : vector<1x16xf32> to vector<16xf32>
        %parallel_loop3A_443 = arith.constant 6.400000e+01 : f32
        %parallel_loop3A_444 = vector.broadcast %parallel_loop3A_443 : f32 to vector<16xf32>
        %parallel_loop3A_445 = arith.mulf %parallel_loop3A_442, %parallel_loop3A_444 : vector<16xf32>
        %parallel_loop3A_446 = arith.constant 16 : i32
        %parallel_loop3A_447 = arith.muli %parallel_loop3A_435, %parallel_loop3A_446 : i32
        %parallel_loop3A_448 = arith.constant 14 : i32
        %parallel_loop3A_449 = arith.index_cast %parallel_loop3A_448 : i32 to index
        %parallel_loop3A_450 = arith.index_cast %parallel_loop3A_447 : i32 to index
        %parallel_loop3A_451 = tpu.vector_load %arg9[%parallel_loop3A_449, %parallel_loop3A_450] {strides = array<i32>} : memref<24x1024xf32, #tpu.memory_space<vmem>>, vector<1x16xf32>,
        %parallel_loop3A_452 = vector.shape_cast %parallel_loop3A_451 : vector<1x16xf32> to vector<16xf32>
        %parallel_loop3A_453 = vector.shape_cast %parallel_loop3A_445 : vector<16xf32> to vector<1x16xf32>
        tpu.vector_store %arg9[%parallel_loop3A_449, %parallel_loop3A_450], %parallel_loop3A_453 {strides = array<i32>} : memref<24x1024xf32, #tpu.memory_space<vmem>>, vector<1x16xf32>,
      } {sc.loop_unroll_factor = 8 : i64, sc.parallel_access}
      %parallel_loop3A_289 = arith.constant 0 : i32
      %parallel_loop3A_290 = arith.constant 64 : i32
      %parallel_loop3A_291 = arith.constant 1 : i32
      scf.for %parallel_loop3A_435 = %parallel_loop3A_289 to %parallel_loop3A_290 step %parallel_loop3A_291  : i32 {
        %parallel_loop3A_436 = arith.constant 16 : i32
        %parallel_loop3A_437 = arith.muli %parallel_loop3A_435, %parallel_loop3A_436 : i32
        %parallel_loop3A_438 = arith.constant 15 : i32
        %parallel_loop3A_439 = arith.index_cast %parallel_loop3A_438 : i32 to index
        %parallel_loop3A_440 = arith.index_cast %parallel_loop3A_437 : i32 to index
        %parallel_loop3A_441 = tpu.vector_load %arg7[%parallel_loop3A_439, %parallel_loop3A_440] {strides = array<i32>} : memref<24x1024xf32, #tpu.memory_space<vmem>>, vector<1x16xf32>,
        %parallel_loop3A_442 = vector.shape_cast %parallel_loop3A_441 : vector<1x16xf32> to vector<16xf32>
        %parallel_loop3A_443 = arith.constant 6.400000e+01 : f32
        %parallel_loop3A_444 = vector.broadcast %parallel_loop3A_443 : f32 to vector<16xf32>
        %parallel_loop3A_445 = arith.mulf %parallel_loop3A_442, %parallel_loop3A_444 : vector<16xf32>
        %parallel_loop3A_446 = arith.constant 16 : i32
        %parallel_loop3A_447 = arith.muli %parallel_loop3A_435, %parallel_loop3A_446 : i32
        %parallel_loop3A_448 = arith.constant 15 : i32
        %parallel_loop3A_449 = arith.index_cast %parallel_loop3A_448 : i32 to index
        %parallel_loop3A_450 = arith.index_cast %parallel_loop3A_447 : i32 to index
        %parallel_loop3A_451 = tpu.vector_load %arg9[%parallel_loop3A_449, %parallel_loop3A_450] {strides = array<i32>} : memref<24x1024xf32, #tpu.memory_space<vmem>>, vector<1x16xf32>,
        %parallel_loop3A_452 = vector.shape_cast %parallel_loop3A_451 : vector<1x16xf32> to vector<16xf32>
        %parallel_loop3A_453 = vector.shape_cast %parallel_loop3A_445 : vector<16xf32> to vector<1x16xf32>
        tpu.vector_store %arg9[%parallel_loop3A_449, %parallel_loop3A_450], %parallel_loop3A_453 {strides = array<i32>} : memref<24x1024xf32, #tpu.memory_space<vmem>>, vector<1x16xf32>,
      } {sc.loop_unroll_factor = 8 : i64, sc.parallel_access}
      %parallel_loop3A_292 = arith.constant 0 : i32
      %parallel_loop3A_293 = arith.constant 64 : i32
      %parallel_loop3A_294 = arith.constant 1 : i32
      scf.for %parallel_loop3A_435 = %parallel_loop3A_292 to %parallel_loop3A_293 step %parallel_loop3A_294  : i32 {
        %parallel_loop3A_436 = arith.constant 16 : i32
        %parallel_loop3A_437 = arith.muli %parallel_loop3A_435, %parallel_loop3A_436 : i32
        %parallel_loop3A_438 = arith.constant 16 : i32
        %parallel_loop3A_439 = arith.index_cast %parallel_loop3A_438 : i32 to index
        %parallel_loop3A_440 = arith.index_cast %parallel_loop3A_437 : i32 to index
        %parallel_loop3A_441 = tpu.vector_load %arg7[%parallel_loop3A_439, %parallel_loop3A_440] {strides = array<i32>} : memref<24x1024xf32, #tpu.memory_space<vmem>>, vector<1x16xf32>,
        %parallel_loop3A_442 = vector.shape_cast %parallel_loop3A_441 : vector<1x16xf32> to vector<16xf32>
        %parallel_loop3A_443 = arith.constant 6.400000e+01 : f32
        %parallel_loop3A_444 = vector.broadcast %parallel_loop3A_443 : f32 to vector<16xf32>
        %parallel_loop3A_445 = arith.mulf %parallel_loop3A_442, %parallel_loop3A_444 : vector<16xf32>
        %parallel_loop3A_446 = arith.constant 16 : i32
        %parallel_loop3A_447 = arith.muli %parallel_loop3A_435, %parallel_loop3A_446 : i32
        %parallel_loop3A_448 = arith.constant 16 : i32
        %parallel_loop3A_449 = arith.index_cast %parallel_loop3A_448 : i32 to index
        %parallel_loop3A_450 = arith.index_cast %parallel_loop3A_447 : i32 to index
        %parallel_loop3A_451 = tpu.vector_load %arg9[%parallel_loop3A_449, %parallel_loop3A_450] {strides = array<i32>} : memref<24x1024xf32, #tpu.memory_space<vmem>>, vector<1x16xf32>,
        %parallel_loop3A_452 = vector.shape_cast %parallel_loop3A_451 : vector<1x16xf32> to vector<16xf32>
        %parallel_loop3A_453 = vector.shape_cast %parallel_loop3A_445 : vector<16xf32> to vector<1x16xf32>
        tpu.vector_store %arg9[%parallel_loop3A_449, %parallel_loop3A_450], %parallel_loop3A_453 {strides = array<i32>} : memref<24x1024xf32, #tpu.memory_space<vmem>>, vector<1x16xf32>,
      } {sc.loop_unroll_factor = 8 : i64, sc.parallel_access}
      %parallel_loop3A_295 = arith.constant 0 : i32
      %parallel_loop3A_296 = arith.constant 64 : i32
      %parallel_loop3A_297 = arith.constant 1 : i32
      scf.for %parallel_loop3A_435 = %parallel_loop3A_295 to %parallel_loop3A_296 step %parallel_loop3A_297  : i32 {
        %parallel_loop3A_436 = arith.constant 16 : i32
        %parallel_loop3A_437 = arith.muli %parallel_loop3A_435, %parallel_loop3A_436 : i32
        %parallel_loop3A_438 = arith.constant 17 : i32
        %parallel_loop3A_439 = arith.index_cast %parallel_loop3A_438 : i32 to index
        %parallel_loop3A_440 = arith.index_cast %parallel_loop3A_437 : i32 to index
        %parallel_loop3A_441 = tpu.vector_load %arg7[%parallel_loop3A_439, %parallel_loop3A_440] {strides = array<i32>} : memref<24x1024xf32, #tpu.memory_space<vmem>>, vector<1x16xf32>,
        %parallel_loop3A_442 = vector.shape_cast %parallel_loop3A_441 : vector<1x16xf32> to vector<16xf32>
        %parallel_loop3A_443 = arith.constant 6.400000e+01 : f32
        %parallel_loop3A_444 = vector.broadcast %parallel_loop3A_443 : f32 to vector<16xf32>
        %parallel_loop3A_445 = arith.mulf %parallel_loop3A_442, %parallel_loop3A_444 : vector<16xf32>
        %parallel_loop3A_446 = arith.constant 16 : i32
        %parallel_loop3A_447 = arith.muli %parallel_loop3A_435, %parallel_loop3A_446 : i32
        %parallel_loop3A_448 = arith.constant 17 : i32
        %parallel_loop3A_449 = arith.index_cast %parallel_loop3A_448 : i32 to index
        %parallel_loop3A_450 = arith.index_cast %parallel_loop3A_447 : i32 to index
        %parallel_loop3A_451 = tpu.vector_load %arg9[%parallel_loop3A_449, %parallel_loop3A_450] {strides = array<i32>} : memref<24x1024xf32, #tpu.memory_space<vmem>>, vector<1x16xf32>,
        %parallel_loop3A_452 = vector.shape_cast %parallel_loop3A_451 : vector<1x16xf32> to vector<16xf32>
        %parallel_loop3A_453 = vector.shape_cast %parallel_loop3A_445 : vector<16xf32> to vector<1x16xf32>
        tpu.vector_store %arg9[%parallel_loop3A_449, %parallel_loop3A_450], %parallel_loop3A_453 {strides = array<i32>} : memref<24x1024xf32, #tpu.memory_space<vmem>>, vector<1x16xf32>,
      } {sc.loop_unroll_factor = 8 : i64, sc.parallel_access}
      %parallel_loop3A_298 = arith.constant 0 : i32
      %parallel_loop3A_299 = arith.constant 64 : i32
      %parallel_loop3A_300 = arith.constant 1 : i32
      scf.for %parallel_loop3A_435 = %parallel_loop3A_298 to %parallel_loop3A_299 step %parallel_loop3A_300  : i32 {
        %parallel_loop3A_436 = arith.constant 16 : i32
        %parallel_loop3A_437 = arith.muli %parallel_loop3A_435, %parallel_loop3A_436 : i32
        %parallel_loop3A_438 = arith.constant 18 : i32
        %parallel_loop3A_439 = arith.index_cast %parallel_loop3A_438 : i32 to index
        %parallel_loop3A_440 = arith.index_cast %parallel_loop3A_437 : i32 to index
        %parallel_loop3A_441 = tpu.vector_load %arg7[%parallel_loop3A_439, %parallel_loop3A_440] {strides = array<i32>} : memref<24x1024xf32, #tpu.memory_space<vmem>>, vector<1x16xf32>,
        %parallel_loop3A_442 = vector.shape_cast %parallel_loop3A_441 : vector<1x16xf32> to vector<16xf32>
        %parallel_loop3A_443 = arith.constant 6.400000e+01 : f32
        %parallel_loop3A_444 = vector.broadcast %parallel_loop3A_443 : f32 to vector<16xf32>
        %parallel_loop3A_445 = arith.mulf %parallel_loop3A_442, %parallel_loop3A_444 : vector<16xf32>
        %parallel_loop3A_446 = arith.constant 16 : i32
        %parallel_loop3A_447 = arith.muli %parallel_loop3A_435, %parallel_loop3A_446 : i32
        %parallel_loop3A_448 = arith.constant 18 : i32
        %parallel_loop3A_449 = arith.index_cast %parallel_loop3A_448 : i32 to index
        %parallel_loop3A_450 = arith.index_cast %parallel_loop3A_447 : i32 to index
        %parallel_loop3A_451 = tpu.vector_load %arg9[%parallel_loop3A_449, %parallel_loop3A_450] {strides = array<i32>} : memref<24x1024xf32, #tpu.memory_space<vmem>>, vector<1x16xf32>,
        %parallel_loop3A_452 = vector.shape_cast %parallel_loop3A_451 : vector<1x16xf32> to vector<16xf32>
        %parallel_loop3A_453 = vector.shape_cast %parallel_loop3A_445 : vector<16xf32> to vector<1x16xf32>
        tpu.vector_store %arg9[%parallel_loop3A_449, %parallel_loop3A_450], %parallel_loop3A_453 {strides = array<i32>} : memref<24x1024xf32, #tpu.memory_space<vmem>>, vector<1x16xf32>,
      } {sc.loop_unroll_factor = 8 : i64, sc.parallel_access}
      %parallel_loop3A_301 = arith.constant 0 : i32
      %parallel_loop3A_302 = arith.constant 64 : i32
      %parallel_loop3A_303 = arith.constant 1 : i32
      scf.for %parallel_loop3A_435 = %parallel_loop3A_301 to %parallel_loop3A_302 step %parallel_loop3A_303  : i32 {
        %parallel_loop3A_436 = arith.constant 16 : i32
        %parallel_loop3A_437 = arith.muli %parallel_loop3A_435, %parallel_loop3A_436 : i32
        %parallel_loop3A_438 = arith.constant 19 : i32
        %parallel_loop3A_439 = arith.index_cast %parallel_loop3A_438 : i32 to index
        %parallel_loop3A_440 = arith.index_cast %parallel_loop3A_437 : i32 to index
        %parallel_loop3A_441 = tpu.vector_load %arg7[%parallel_loop3A_439, %parallel_loop3A_440] {strides = array<i32>} : memref<24x1024xf32, #tpu.memory_space<vmem>>, vector<1x16xf32>,
        %parallel_loop3A_442 = vector.shape_cast %parallel_loop3A_441 : vector<1x16xf32> to vector<16xf32>
        %parallel_loop3A_443 = arith.constant 6.400000e+01 : f32
        %parallel_loop3A_444 = vector.broadcast %parallel_loop3A_443 : f32 to vector<16xf32>
        %parallel_loop3A_445 = arith.mulf %parallel_loop3A_442, %parallel_loop3A_444 : vector<16xf32>
        %parallel_loop3A_446 = arith.constant 16 : i32
        %parallel_loop3A_447 = arith.muli %parallel_loop3A_435, %parallel_loop3A_446 : i32
        %parallel_loop3A_448 = arith.constant 19 : i32
        %parallel_loop3A_449 = arith.index_cast %parallel_loop3A_448 : i32 to index
        %parallel_loop3A_450 = arith.index_cast %parallel_loop3A_447 : i32 to index
        %parallel_loop3A_451 = tpu.vector_load %arg9[%parallel_loop3A_449, %parallel_loop3A_450] {strides = array<i32>} : memref<24x1024xf32, #tpu.memory_space<vmem>>, vector<1x16xf32>,
        %parallel_loop3A_452 = vector.shape_cast %parallel_loop3A_451 : vector<1x16xf32> to vector<16xf32>
        %parallel_loop3A_453 = vector.shape_cast %parallel_loop3A_445 : vector<16xf32> to vector<1x16xf32>
        tpu.vector_store %arg9[%parallel_loop3A_449, %parallel_loop3A_450], %parallel_loop3A_453 {strides = array<i32>} : memref<24x1024xf32, #tpu.memory_space<vmem>>, vector<1x16xf32>,
      } {sc.loop_unroll_factor = 8 : i64, sc.parallel_access}
      %parallel_loop3A_304 = arith.constant 0 : i32
      %parallel_loop3A_305 = arith.constant 64 : i32
      %parallel_loop3A_306 = arith.constant 1 : i32
      scf.for %parallel_loop3A_435 = %parallel_loop3A_304 to %parallel_loop3A_305 step %parallel_loop3A_306  : i32 {
        %parallel_loop3A_436 = arith.constant 16 : i32
        %parallel_loop3A_437 = arith.muli %parallel_loop3A_435, %parallel_loop3A_436 : i32
        %parallel_loop3A_438 = arith.constant 20 : i32
        %parallel_loop3A_439 = arith.index_cast %parallel_loop3A_438 : i32 to index
        %parallel_loop3A_440 = arith.index_cast %parallel_loop3A_437 : i32 to index
        %parallel_loop3A_441 = tpu.vector_load %arg7[%parallel_loop3A_439, %parallel_loop3A_440] {strides = array<i32>} : memref<24x1024xf32, #tpu.memory_space<vmem>>, vector<1x16xf32>,
        %parallel_loop3A_442 = vector.shape_cast %parallel_loop3A_441 : vector<1x16xf32> to vector<16xf32>
        %parallel_loop3A_443 = arith.constant 6.400000e+01 : f32
        %parallel_loop3A_444 = vector.broadcast %parallel_loop3A_443 : f32 to vector<16xf32>
        %parallel_loop3A_445 = arith.mulf %parallel_loop3A_442, %parallel_loop3A_444 : vector<16xf32>
        %parallel_loop3A_446 = arith.constant 16 : i32
        %parallel_loop3A_447 = arith.muli %parallel_loop3A_435, %parallel_loop3A_446 : i32
        %parallel_loop3A_448 = arith.constant 20 : i32
        %parallel_loop3A_449 = arith.index_cast %parallel_loop3A_448 : i32 to index
        %parallel_loop3A_450 = arith.index_cast %parallel_loop3A_447 : i32 to index
        %parallel_loop3A_451 = tpu.vector_load %arg9[%parallel_loop3A_449, %parallel_loop3A_450] {strides = array<i32>} : memref<24x1024xf32, #tpu.memory_space<vmem>>, vector<1x16xf32>,
        %parallel_loop3A_452 = vector.shape_cast %parallel_loop3A_451 : vector<1x16xf32> to vector<16xf32>
        %parallel_loop3A_453 = vector.shape_cast %parallel_loop3A_445 : vector<16xf32> to vector<1x16xf32>
        tpu.vector_store %arg9[%parallel_loop3A_449, %parallel_loop3A_450], %parallel_loop3A_453 {strides = array<i32>} : memref<24x1024xf32, #tpu.memory_space<vmem>>, vector<1x16xf32>,
      } {sc.loop_unroll_factor = 8 : i64, sc.parallel_access}
      %parallel_loop3A_307 = arith.constant 0 : i32
      %parallel_loop3A_308 = arith.constant 64 : i32
      %parallel_loop3A_309 = arith.constant 1 : i32
      scf.for %parallel_loop3A_435 = %parallel_loop3A_307 to %parallel_loop3A_308 step %parallel_loop3A_309  : i32 {
        %parallel_loop3A_436 = arith.constant 16 : i32
        %parallel_loop3A_437 = arith.muli %parallel_loop3A_435, %parallel_loop3A_436 : i32
        %parallel_loop3A_438 = arith.constant 21 : i32
        %parallel_loop3A_439 = arith.index_cast %parallel_loop3A_438 : i32 to index
        %parallel_loop3A_440 = arith.index_cast %parallel_loop3A_437 : i32 to index
        %parallel_loop3A_441 = tpu.vector_load %arg7[%parallel_loop3A_439, %parallel_loop3A_440] {strides = array<i32>} : memref<24x1024xf32, #tpu.memory_space<vmem>>, vector<1x16xf32>,
        %parallel_loop3A_442 = vector.shape_cast %parallel_loop3A_441 : vector<1x16xf32> to vector<16xf32>
        %parallel_loop3A_443 = arith.constant 6.400000e+01 : f32
        %parallel_loop3A_444 = vector.broadcast %parallel_loop3A_443 : f32 to vector<16xf32>
        %parallel_loop3A_445 = arith.mulf %parallel_loop3A_442, %parallel_loop3A_444 : vector<16xf32>
        %parallel_loop3A_446 = arith.constant 16 : i32
        %parallel_loop3A_447 = arith.muli %parallel_loop3A_435, %parallel_loop3A_446 : i32
        %parallel_loop3A_448 = arith.constant 21 : i32
        %parallel_loop3A_449 = arith.index_cast %parallel_loop3A_448 : i32 to index
        %parallel_loop3A_450 = arith.index_cast %parallel_loop3A_447 : i32 to index
        %parallel_loop3A_451 = tpu.vector_load %arg9[%parallel_loop3A_449, %parallel_loop3A_450] {strides = array<i32>} : memref<24x1024xf32, #tpu.memory_space<vmem>>, vector<1x16xf32>,
        %parallel_loop3A_452 = vector.shape_cast %parallel_loop3A_451 : vector<1x16xf32> to vector<16xf32>
        %parallel_loop3A_453 = vector.shape_cast %parallel_loop3A_445 : vector<16xf32> to vector<1x16xf32>
        tpu.vector_store %arg9[%parallel_loop3A_449, %parallel_loop3A_450], %parallel_loop3A_453 {strides = array<i32>} : memref<24x1024xf32, #tpu.memory_space<vmem>>, vector<1x16xf32>,
      } {sc.loop_unroll_factor = 8 : i64, sc.parallel_access}
      %parallel_loop3A_310 = arith.constant 0 : i32
      %parallel_loop3A_311 = arith.constant 64 : i32
      %parallel_loop3A_312 = arith.constant 1 : i32
      scf.for %parallel_loop3A_435 = %parallel_loop3A_310 to %parallel_loop3A_311 step %parallel_loop3A_312  : i32 {
        %parallel_loop3A_436 = arith.constant 16 : i32
        %parallel_loop3A_437 = arith.muli %parallel_loop3A_435, %parallel_loop3A_436 : i32
        %parallel_loop3A_438 = arith.constant 22 : i32
        %parallel_loop3A_439 = arith.index_cast %parallel_loop3A_438 : i32 to index
        %parallel_loop3A_440 = arith.index_cast %parallel_loop3A_437 : i32 to index
        %parallel_loop3A_441 = tpu.vector_load %arg7[%parallel_loop3A_439, %parallel_loop3A_440] {strides = array<i32>} : memref<24x1024xf32, #tpu.memory_space<vmem>>, vector<1x16xf32>,
        %parallel_loop3A_442 = vector.shape_cast %parallel_loop3A_441 : vector<1x16xf32> to vector<16xf32>
        %parallel_loop3A_443 = arith.constant 6.400000e+01 : f32
        %parallel_loop3A_444 = vector.broadcast %parallel_loop3A_443 : f32 to vector<16xf32>
        %parallel_loop3A_445 = arith.mulf %parallel_loop3A_442, %parallel_loop3A_444 : vector<16xf32>
        %parallel_loop3A_446 = arith.constant 16 : i32
        %parallel_loop3A_447 = arith.muli %parallel_loop3A_435, %parallel_loop3A_446 : i32
        %parallel_loop3A_448 = arith.constant 22 : i32
        %parallel_loop3A_449 = arith.index_cast %parallel_loop3A_448 : i32 to index
        %parallel_loop3A_450 = arith.index_cast %parallel_loop3A_447 : i32 to index
        %parallel_loop3A_451 = tpu.vector_load %arg9[%parallel_loop3A_449, %parallel_loop3A_450] {strides = array<i32>} : memref<24x1024xf32, #tpu.memory_space<vmem>>, vector<1x16xf32>,
        %parallel_loop3A_452 = vector.shape_cast %parallel_loop3A_451 : vector<1x16xf32> to vector<16xf32>
        %parallel_loop3A_453 = vector.shape_cast %parallel_loop3A_445 : vector<16xf32> to vector<1x16xf32>
        tpu.vector_store %arg9[%parallel_loop3A_449, %parallel_loop3A_450], %parallel_loop3A_453 {strides = array<i32>} : memref<24x1024xf32, #tpu.memory_space<vmem>>, vector<1x16xf32>,
      } {sc.loop_unroll_factor = 8 : i64, sc.parallel_access}
      %parallel_loop3A_313 = arith.constant 0 : i32
      %parallel_loop3A_314 = arith.constant 64 : i32
      %parallel_loop3A_315 = arith.constant 1 : i32
      scf.for %parallel_loop3A_435 = %parallel_loop3A_313 to %parallel_loop3A_314 step %parallel_loop3A_315  : i32 {
        %parallel_loop3A_436 = arith.constant 16 : i32
        %parallel_loop3A_437 = arith.muli %parallel_loop3A_435, %parallel_loop3A_436 : i32
        %parallel_loop3A_438 = arith.constant 23 : i32
        %parallel_loop3A_439 = arith.index_cast %parallel_loop3A_438 : i32 to index
        %parallel_loop3A_440 = arith.index_cast %parallel_loop3A_437 : i32 to index
        %parallel_loop3A_441 = tpu.vector_load %arg7[%parallel_loop3A_439, %parallel_loop3A_440] {strides = array<i32>} : memref<24x1024xf32, #tpu.memory_space<vmem>>, vector<1x16xf32>,
        %parallel_loop3A_442 = vector.shape_cast %parallel_loop3A_441 : vector<1x16xf32> to vector<16xf32>
        %parallel_loop3A_443 = arith.constant 6.400000e+01 : f32
        %parallel_loop3A_444 = vector.broadcast %parallel_loop3A_443 : f32 to vector<16xf32>
        %parallel_loop3A_445 = arith.mulf %parallel_loop3A_442, %parallel_loop3A_444 : vector<16xf32>
        %parallel_loop3A_446 = arith.constant 16 : i32
        %parallel_loop3A_447 = arith.muli %parallel_loop3A_435, %parallel_loop3A_446 : i32
        %parallel_loop3A_448 = arith.constant 23 : i32
        %parallel_loop3A_449 = arith.index_cast %parallel_loop3A_448 : i32 to index
        %parallel_loop3A_450 = arith.index_cast %parallel_loop3A_447 : i32 to index
        %parallel_loop3A_451 = tpu.vector_load %arg9[%parallel_loop3A_449, %parallel_loop3A_450] {strides = array<i32>} : memref<24x1024xf32, #tpu.memory_space<vmem>>, vector<1x16xf32>,
        %parallel_loop3A_452 = vector.shape_cast %parallel_loop3A_451 : vector<1x16xf32> to vector<16xf32>
        %parallel_loop3A_453 = vector.shape_cast %parallel_loop3A_445 : vector<16xf32> to vector<1x16xf32>
        tpu.vector_store %arg9[%parallel_loop3A_449, %parallel_loop3A_450], %parallel_loop3A_453 {strides = array<i32>} : memref<24x1024xf32, #tpu.memory_space<vmem>>, vector<1x16xf32>,
      } {sc.loop_unroll_factor = 8 : i64, sc.parallel_access}
      %broadcast_in_dim3A_316 = arith.constant 10000 : i32
      %broadcast_in_dim3A_317 = vector.broadcast %broadcast_in_dim3A_316 : i32 to vector<16xi32>
      %broadcast_in_dim3A_318 = arith.constant -1 : i32
      %broadcast_in_dim3A_319 = vector.broadcast %broadcast_in_dim3A_318 : i32 to vector<16xi32>
      %scan3A_320 = arith.constant 0 : i32
      %scan3A_321 = arith.constant 64 : i32
      %scan3A_322 = arith.addi %scan3A_320, %scan3A_321 : i32
      %scan3A_323 = arith.constant 1 : i32
      %scan3A_324:2 = scf.for %scan3A_435 = %scan3A_320 to %scan3A_322 step %scan3A_323 iter_args(%scan3A_436 = %broadcast_in_dim3A_317, %scan3A_437 = %broadcast_in_dim3A_319) -> (vector<16xi32>, vector<16xi32>)  : i32 {
        %mul3A_438 = arith.constant 1 : i32
        %mul3A_439 = arith.muli %scan3A_435, %mul3A_438 : i32
        %add3A_440 = arith.constant 0 : i32
        %add3A_441 = arith.addi %add3A_440, %mul3A_439 : i32
        %mul3A_442 = arith.constant 16 : i32
        %mul3A_443 = arith.muli %add3A_441, %mul3A_442 : i32
        %get3A = arith.index_cast %mul3A_443 : i32 to index
        %get3A_444 = tpu.vector_load %arg5[%get3A] {strides = array<i32>} : memref<1024xi32, #tpu.memory_space<vmem>>, vector<16xi32>,
        %get3A_445 = vector.shape_cast %get3A_444 : vector<16xi32> to vector<16xi32>
        %sub3A = vector.broadcast %add3A_234 : i32 to vector<16xi32>
        %sub3A_446 = arith.subi %get3A_445, %sub3A : vector<16xi32>
        %ge3A_447 = arith.constant 0 : i32
        %ge3A_448 = vector.broadcast %ge3A_447 : i32 to vector<16xi32>
        %ge3A_449 = arith.cmpi sge, %sub3A_446, %ge3A_448 : vector<16xi32>
        %lt3A_450 = arith.constant 24 : i32
        %lt3A_451 = vector.broadcast %lt3A_450 : i32 to vector<16xi32>
        %lt3A_452 = arith.cmpi slt, %sub3A_446, %lt3A_451 : vector<16xi32>
        %and3A = arith.andi %ge3A_449, %lt3A_452 : vector<16xi1>
        %jit3A = arith.constant 10000 : i32
        %broadcast_in_dim3A_453 = vector.broadcast %jit3A : i32 to vector<16xi32>
        %select_n3A = arith.select %and3A, %sub3A_446, %broadcast_in_dim3A_453 : vector<16xi1>, vector<16xi32>
        %min3A_454 = arith.minsi %scan3A_436, %select_n3A : vector<16xi32>
        %jit3A_455 = arith.constant -1 : i32
        %broadcast_in_dim3A_456 = vector.broadcast %jit3A_455 : i32 to vector<16xi32>
        %select_n3A_457 = arith.select %and3A, %sub3A_446, %broadcast_in_dim3A_456 : vector<16xi1>, vector<16xi32>
        %max3A_458 = arith.maxsi %scan3A_437, %select_n3A_457 : vector<16xi32>
        scf.yield %min3A_454, %max3A_458 : vector<16xi32>, vector<16xi32>
      }
      %scan3A_325 = arith.constant 64 : i32
      %slice3A_326 = vector.extract_strided_slice %scan3A_324#0 {offsets = [0], sizes = [1], strides = [1]} : vector<16xi32> to vector<1xi32>
      %squeeze3A_327 = vector.extract %slice3A_326[0] : i32 from vector<1xi32>
      %slice3A_328 = vector.extract_strided_slice %scan3A_324#1 {offsets = [0], sizes = [1], strides = [1]} : vector<16xi32> to vector<1xi32>
      %squeeze3A_329 = vector.extract %slice3A_328[0] : i32 from vector<1xi32>
      %slice3A_330 = vector.extract_strided_slice %scan3A_324#0 {offsets = [1], sizes = [1], strides = [1]} : vector<16xi32> to vector<1xi32>
      %squeeze3A_331 = vector.extract %slice3A_330[0] : i32 from vector<1xi32>
      %min3A_332 = arith.minsi %squeeze3A_327, %squeeze3A_331 : i32
      %slice3A_333 = vector.extract_strided_slice %scan3A_324#1 {offsets = [1], sizes = [1], strides = [1]} : vector<16xi32> to vector<1xi32>
      %squeeze3A_334 = vector.extract %slice3A_333[0] : i32 from vector<1xi32>
      %max3A_335 = arith.maxsi %squeeze3A_329, %squeeze3A_334 : i32
      %slice3A_336 = vector.extract_strided_slice %scan3A_324#0 {offsets = [2], sizes = [1], strides = [1]} : vector<16xi32> to vector<1xi32>
      %squeeze3A_337 = vector.extract %slice3A_336[0] : i32 from vector<1xi32>
      %min3A_338 = arith.minsi %min3A_332, %squeeze3A_337 : i32
      %slice3A_339 = vector.extract_strided_slice %scan3A_324#1 {offsets = [2], sizes = [1], strides = [1]} : vector<16xi32> to vector<1xi32>
      %squeeze3A_340 = vector.extract %slice3A_339[0] : i32 from vector<1xi32>
      %max3A_341 = arith.maxsi %max3A_335, %squeeze3A_340 : i32
      %slice3A_342 = vector.extract_strided_slice %scan3A_324#0 {offsets = [3], sizes = [1], strides = [1]} : vector<16xi32> to vector<1xi32>
      %squeeze3A_343 = vector.extract %slice3A_342[0] : i32 from vector<1xi32>
      %min3A_344 = arith.minsi %min3A_338, %squeeze3A_343 : i32
      %slice3A_345 = vector.extract_strided_slice %scan3A_324#1 {offsets = [3], sizes = [1], strides = [1]} : vector<16xi32> to vector<1xi32>
      %squeeze3A_346 = vector.extract %slice3A_345[0] : i32 from vector<1xi32>
      %max3A_347 = arith.maxsi %max3A_341, %squeeze3A_346 : i32
      %slice3A_348 = vector.extract_strided_slice %scan3A_324#0 {offsets = [4], sizes = [1], strides = [1]} : vector<16xi32> to vector<1xi32>
      %squeeze3A_349 = vector.extract %slice3A_348[0] : i32 from vector<1xi32>
      %min3A_350 = arith.minsi %min3A_344, %squeeze3A_349 : i32
      %slice3A_351 = vector.extract_strided_slice %scan3A_324#1 {offsets = [4], sizes = [1], strides = [1]} : vector<16xi32> to vector<1xi32>
      %squeeze3A_352 = vector.extract %slice3A_351[0] : i32 from vector<1xi32>
      %max3A_353 = arith.maxsi %max3A_347, %squeeze3A_352 : i32
      %slice3A_354 = vector.extract_strided_slice %scan3A_324#0 {offsets = [5], sizes = [1], strides = [1]} : vector<16xi32> to vector<1xi32>
      %squeeze3A_355 = vector.extract %slice3A_354[0] : i32 from vector<1xi32>
      %min3A_356 = arith.minsi %min3A_350, %squeeze3A_355 : i32
      %slice3A_357 = vector.extract_strided_slice %scan3A_324#1 {offsets = [5], sizes = [1], strides = [1]} : vector<16xi32> to vector<1xi32>
      %squeeze3A_358 = vector.extract %slice3A_357[0] : i32 from vector<1xi32>
      %max3A_359 = arith.maxsi %max3A_353, %squeeze3A_358 : i32
      %slice3A_360 = vector.extract_strided_slice %scan3A_324#0 {offsets = [6], sizes = [1], strides = [1]} : vector<16xi32> to vector<1xi32>
      %squeeze3A_361 = vector.extract %slice3A_360[0] : i32 from vector<1xi32>
      %min3A_362 = arith.minsi %min3A_356, %squeeze3A_361 : i32
      %slice3A_363 = vector.extract_strided_slice %scan3A_324#1 {offsets = [6], sizes = [1], strides = [1]} : vector<16xi32> to vector<1xi32>
      %squeeze3A_364 = vector.extract %slice3A_363[0] : i32 from vector<1xi32>
      %max3A_365 = arith.maxsi %max3A_359, %squeeze3A_364 : i32
      %slice3A_366 = vector.extract_strided_slice %scan3A_324#0 {offsets = [7], sizes = [1], strides = [1]} : vector<16xi32> to vector<1xi32>
      %squeeze3A_367 = vector.extract %slice3A_366[0] : i32 from vector<1xi32>
      %min3A_368 = arith.minsi %min3A_362, %squeeze3A_367 : i32
      %slice3A_369 = vector.extract_strided_slice %scan3A_324#1 {offsets = [7], sizes = [1], strides = [1]} : vector<16xi32> to vector<1xi32>
      %squeeze3A_370 = vector.extract %slice3A_369[0] : i32 from vector<1xi32>
      %max3A_371 = arith.maxsi %max3A_365, %squeeze3A_370 : i32
      %slice3A_372 = vector.extract_strided_slice %scan3A_324#0 {offsets = [8], sizes = [1], strides = [1]} : vector<16xi32> to vector<1xi32>
      %squeeze3A_373 = vector.extract %slice3A_372[0] : i32 from vector<1xi32>
      %min3A_374 = arith.minsi %min3A_368, %squeeze3A_373 : i32
      %slice3A_375 = vector.extract_strided_slice %scan3A_324#1 {offsets = [8], sizes = [1], strides = [1]} : vector<16xi32> to vector<1xi32>
      %squeeze3A_376 = vector.extract %slice3A_375[0] : i32 from vector<1xi32>
      %max3A_377 = arith.maxsi %max3A_371, %squeeze3A_376 : i32
      %slice3A_378 = vector.extract_strided_slice %scan3A_324#0 {offsets = [9], sizes = [1], strides = [1]} : vector<16xi32> to vector<1xi32>
      %squeeze3A_379 = vector.extract %slice3A_378[0] : i32 from vector<1xi32>
      %min3A_380 = arith.minsi %min3A_374, %squeeze3A_379 : i32
      %slice3A_381 = vector.extract_strided_slice %scan3A_324#1 {offsets = [9], sizes = [1], strides = [1]} : vector<16xi32> to vector<1xi32>
      %squeeze3A_382 = vector.extract %slice3A_381[0] : i32 from vector<1xi32>
      %max3A_383 = arith.maxsi %max3A_377, %squeeze3A_382 : i32
      %slice3A_384 = vector.extract_strided_slice %scan3A_324#0 {offsets = [10], sizes = [1], strides = [1]} : vector<16xi32> to vector<1xi32>
      %squeeze3A_385 = vector.extract %slice3A_384[0] : i32 from vector<1xi32>
      %min3A_386 = arith.minsi %min3A_380, %squeeze3A_385 : i32
      %slice3A_387 = vector.extract_strided_slice %scan3A_324#1 {offsets = [10], sizes = [1], strides = [1]} : vector<16xi32> to vector<1xi32>
      %squeeze3A_388 = vector.extract %slice3A_387[0] : i32 from vector<1xi32>
      %max3A_389 = arith.maxsi %max3A_383, %squeeze3A_388 : i32
      %slice3A_390 = vector.extract_strided_slice %scan3A_324#0 {offsets = [11], sizes = [1], strides = [1]} : vector<16xi32> to vector<1xi32>
      %squeeze3A_391 = vector.extract %slice3A_390[0] : i32 from vector<1xi32>
      %min3A_392 = arith.minsi %min3A_386, %squeeze3A_391 : i32
      %slice3A_393 = vector.extract_strided_slice %scan3A_324#1 {offsets = [11], sizes = [1], strides = [1]} : vector<16xi32> to vector<1xi32>
      %squeeze3A_394 = vector.extract %slice3A_393[0] : i32 from vector<1xi32>
      %max3A_395 = arith.maxsi %max3A_389, %squeeze3A_394 : i32
      %slice3A_396 = vector.extract_strided_slice %scan3A_324#0 {offsets = [12], sizes = [1], strides = [1]} : vector<16xi32> to vector<1xi32>
      %squeeze3A_397 = vector.extract %slice3A_396[0] : i32 from vector<1xi32>
      %min3A_398 = arith.minsi %min3A_392, %squeeze3A_397 : i32
      %slice3A_399 = vector.extract_strided_slice %scan3A_324#1 {offsets = [12], sizes = [1], strides = [1]} : vector<16xi32> to vector<1xi32>
      %squeeze3A_400 = vector.extract %slice3A_399[0] : i32 from vector<1xi32>
      %max3A_401 = arith.maxsi %max3A_395, %squeeze3A_400 : i32
      %slice3A_402 = vector.extract_strided_slice %scan3A_324#0 {offsets = [13], sizes = [1], strides = [1]} : vector<16xi32> to vector<1xi32>
      %squeeze3A_403 = vector.extract %slice3A_402[0] : i32 from vector<1xi32>
      %min3A_404 = arith.minsi %min3A_398, %squeeze3A_403 : i32
      %slice3A_405 = vector.extract_strided_slice %scan3A_324#1 {offsets = [13], sizes = [1], strides = [1]} : vector<16xi32> to vector<1xi32>
      %squeeze3A_406 = vector.extract %slice3A_405[0] : i32 from vector<1xi32>
      %max3A_407 = arith.maxsi %max3A_401, %squeeze3A_406 : i32
      %slice3A_408 = vector.extract_strided_slice %scan3A_324#0 {offsets = [14], sizes = [1], strides = [1]} : vector<16xi32> to vector<1xi32>
      %squeeze3A_409 = vector.extract %slice3A_408[0] : i32 from vector<1xi32>
      %min3A_410 = arith.minsi %min3A_404, %squeeze3A_409 : i32
      %slice3A_411 = vector.extract_strided_slice %scan3A_324#1 {offsets = [14], sizes = [1], strides = [1]} : vector<16xi32> to vector<1xi32>
      %squeeze3A_412 = vector.extract %slice3A_411[0] : i32 from vector<1xi32>
      %max3A_413 = arith.maxsi %max3A_407, %squeeze3A_412 : i32
      %slice3A_414 = vector.extract_strided_slice %scan3A_324#0 {offsets = [15], sizes = [1], strides = [1]} : vector<16xi32> to vector<1xi32>
      %squeeze3A_415 = vector.extract %slice3A_414[0] : i32 from vector<1xi32>
      %min3A_416 = arith.minsi %min3A_410, %squeeze3A_415 : i32
      %slice3A_417 = vector.extract_strided_slice %scan3A_324#1 {offsets = [15], sizes = [1], strides = [1]} : vector<16xi32> to vector<1xi32>
      %squeeze3A_418 = vector.extract %slice3A_417[0] : i32 from vector<1xi32>
      %max3A_419 = arith.maxsi %max3A_413, %squeeze3A_418 : i32
      %le3A_420 = arith.cmpi sle, %min3A_416, %max3A_419 : i32
      %convert_element_type3A_421 = arith.extui %le3A_420 : i1 to i32
      %cond3A_422 = arith.constant 0 : i32
      %cond3A_423 = arith.cmpi ne, %convert_element_type3A_421, %cond3A_422 : i32
      scf.if %cond3A_423 {
        %add3A_435 = arith.constant 1 : i32
        %add3A_436 = arith.addi %max3A_419, %add3A_435 : i32
        %sub3A = arith.subi %add3A_436, %min3A_416 : i32
        %sub3A_437 = arith.constant 1 : i32
        %sub3A_438 = arith.constant 1 : i32
        %sub3A_439 = arith.subi %sub3A_437, %sub3A_438 : i32
        %add3A_440 = arith.addi %sub3A, %sub3A_439 : i32
        %div3A = arith.constant 1 : i32
        %div3A_441 = arith.divsi %add3A_440, %div3A : i32
        %while3A = arith.constant 1 : i32
        %while3A_442 = arith.constant 0 : i32
        %while3A_443 = arith.subi %div3A_441, %while3A_442 : i32
        %while3A_444 = arith.addi %while3A_442, %while3A_443 : i32
        %while3A_445 = arith.constant 1 : i32
        %while3A_446 = arith.divsi %while3A_443, %while3A_445 : i32
        %while3A_447 = arith.muli %while3A_446, %while3A_445 : i32
        %while3A_448 = arith.addi %while3A_442, %while3A_447 : i32
        %while3A_449 = arith.constant 1 : i32
        scf.for %while3A_451 = %while3A_442 to %while3A_448 step %while3A_449  : i32 {
          %mul3A_452 = arith.muli %while3A_451, %while3A : i32
          %add3A_453 = arith.addi %min3A_416, %mul3A_452 : i32
          %scan3A_454 = arith.constant 0 : i32
          %scan3A_455 = arith.constant 64 : i32
          %scan3A_456 = arith.addi %scan3A_454, %scan3A_455 : i32
          %scan3A_457 = arith.constant 1 : i32
          scf.for %scan3A_459 = %scan3A_454 to %scan3A_456 step %scan3A_457  : i32 {
            %mul3A_460 = arith.constant 1 : i32
            %mul3A_461 = arith.muli %scan3A_459, %mul3A_460 : i32
            %add3A_462 = arith.constant 0 : i32
            %add3A_463 = arith.addi %add3A_462, %mul3A_461 : i32
            %mul3A_464 = arith.constant 16 : i32
            %mul3A_465 = arith.muli %add3A_463, %mul3A_464 : i32
            %get3A = arith.index_cast %mul3A_465 : i32 to index
            %get3A_466 = tpu.vector_load %arg5[%get3A] {strides = array<i32>} : memref<1024xi32, #tpu.memory_space<vmem>>, vector<16xi32>,
            %get3A_467 = vector.shape_cast %get3A_466 : vector<16xi32> to vector<16xi32>
            %add3A_468 = arith.addi %add3A_234, %add3A_453 : i32
            %eq3A = vector.broadcast %add3A_468 : i32 to vector<16xi32>
            %eq3A_469 = arith.cmpi eq, %get3A_467, %eq3A : vector<16xi32>
            %mul3A_470 = arith.constant 16 : i32
            %mul3A_471 = arith.muli %add3A_463, %mul3A_470 : i32
            %get3A_472 = arith.index_cast %add3A_453 : i32 to index
            %get3A_473 = arith.index_cast %mul3A_471 : i32 to index
            %get3A_474 = tpu.vector_load %arg7[%get3A_472, %get3A_473] {strides = array<i32>} : memref<24x1024xf32, #tpu.memory_space<vmem>>, vector<1x16xf32>,
            %get3A_475 = vector.shape_cast %get3A_474 : vector<1x16xf32> to vector<16xf32>
            %mul3A_476 = arith.mulf %get3A_475, %get3A_475 : vector<16xf32>
            %sub3A_477 = arith.constant 1.000000e+00 : f32
            %sub3A_478 = vector.broadcast %sub3A_477 : f32 to vector<16xf32>
            %sub3A_479 = arith.subf %sub3A_478, %mul3A_476 : vector<16xf32>
            %max3A_480 = arith.constant 9.99999996E-13 : f32
            %max3A_481 = vector.broadcast %max3A_480 : f32 to vector<16xf32>
            %max3A_482 = arith.maximumf %sub3A_479, %max3A_481 : vector<16xf32>
            %bitcast_convert_type3A = tpu.bitcast %max3A_482 : vector<16xf32> -> vector<16xi32>
            %shift_right_arithmetic3A = arith.constant 1 : i32
            %shift_right_arithmetic3A_483 = vector.broadcast %shift_right_arithmetic3A : i32 to vector<16xi32>
            %shift_right_arithmetic3A_484 = arith.shrsi %bitcast_convert_type3A, %shift_right_arithmetic3A_483 : vector<16xi32>
            %sub3A_485 = arith.constant 1597463007 : i32
            %sub3A_486 = vector.broadcast %sub3A_485 : i32 to vector<16xi32>
            %sub3A_487 = arith.subi %sub3A_486, %shift_right_arithmetic3A_484 : vector<16xi32>
            %bitcast_convert_type3A_488 = tpu.bitcast %sub3A_487 : vector<16xi32> -> vector<16xf32>
            %mul3A_489 = arith.constant 5.000000e-01 : f32
            %mul3A_490 = vector.broadcast %mul3A_489 : f32 to vector<16xf32>
            %mul3A_491 = arith.mulf %mul3A_490, %max3A_482 : vector<16xf32>
            %mul3A_492 = arith.mulf %mul3A_491, %bitcast_convert_type3A_488 : vector<16xf32>
            %mul3A_493 = arith.mulf %mul3A_492, %bitcast_convert_type3A_488 : vector<16xf32>
            %sub3A_494 = arith.constant 1.500000e+00 : f32
            %sub3A_495 = vector.broadcast %sub3A_494 : f32 to vector<16xf32>
            %sub3A_496 = arith.subf %sub3A_495, %mul3A_493 : vector<16xf32>
            %mul3A_497 = arith.mulf %bitcast_convert_type3A_488, %sub3A_496 : vector<16xf32>
            %mul3A_498 = arith.constant 5.000000e-01 : f32
            %mul3A_499 = vector.broadcast %mul3A_498 : f32 to vector<16xf32>
            %mul3A_500 = arith.mulf %mul3A_499, %max3A_482 : vector<16xf32>
            %mul3A_501 = arith.mulf %mul3A_500, %mul3A_497 : vector<16xf32>
            %mul3A_502 = arith.mulf %mul3A_501, %mul3A_497 : vector<16xf32>
            %sub3A_503 = arith.constant 1.500000e+00 : f32
            %sub3A_504 = vector.broadcast %sub3A_503 : f32 to vector<16xf32>
            %sub3A_505 = arith.subf %sub3A_504, %mul3A_502 : vector<16xf32>
            %mul3A_506 = arith.mulf %mul3A_497, %sub3A_505 : vector<16xf32>
            %mul3A_507 = arith.constant 5.000000e-01 : f32
            %mul3A_508 = vector.broadcast %mul3A_507 : f32 to vector<16xf32>
            %mul3A_509 = arith.mulf %mul3A_508, %max3A_482 : vector<16xf32>
            %mul3A_510 = arith.mulf %mul3A_509, %mul3A_506 : vector<16xf32>
            %mul3A_511 = arith.mulf %mul3A_510, %mul3A_506 : vector<16xf32>
            %sub3A_512 = arith.constant 1.500000e+00 : f32
            %sub3A_513 = vector.broadcast %sub3A_512 : f32 to vector<16xf32>
            %sub3A_514 = arith.subf %sub3A_513, %mul3A_511 : vector<16xf32>
            %mul3A_515 = arith.mulf %mul3A_506, %sub3A_514 : vector<16xf32>
            %mul3A_516 = arith.mulf %max3A_482, %mul3A_515 : vector<16xf32>
            %mul3A_517 = arith.constant 0.955336511 : f32
            %mul3A_518 = vector.broadcast %mul3A_517 : f32 to vector<16xf32>
            %mul3A_519 = arith.mulf %get3A_475, %mul3A_518 : vector<16xf32>
            %mul3A_520 = arith.constant 0.295520216 : f32
            %mul3A_521 = vector.broadcast %mul3A_520 : f32 to vector<16xf32>
            %mul3A_522 = arith.mulf %mul3A_516, %mul3A_521 : vector<16xf32>
            %sub3A_523 = arith.subf %mul3A_519, %mul3A_522 : vector<16xf32>
            %sub3A_524 = arith.constant 2.000000e-01 : f32
            %sub3A_525 = vector.broadcast %sub3A_524 : f32 to vector<16xf32>
            %sub3A_526 = arith.subf %sub3A_523, %sub3A_525 : vector<16xf32>
            %mul3A_527 = arith.constant 6.400000e+01 : f32
            %mul3A_528 = vector.broadcast %mul3A_527 : f32 to vector<16xf32>
            %mul3A_529 = arith.mulf %sub3A_526, %mul3A_528 : vector<16xf32>
            %mul3A_530 = arith.constant 6.400000e+01 : f32
            %mul3A_531 = vector.broadcast %mul3A_530 : f32 to vector<16xf32>
            %mul3A_532 = arith.mulf %get3A_475, %mul3A_531 : vector<16xf32>
            %select_n3A = arith.select %eq3A_469, %mul3A_529, %mul3A_532 : vector<16xi1>, vector<16xf32>
            %mul3A_533 = arith.constant 16 : i32
            %mul3A_534 = arith.muli %add3A_463, %mul3A_533 : i32
            %swap3A = arith.index_cast %add3A_453 : i32 to index
            %swap3A_535 = arith.index_cast %mul3A_534 : i32 to index
            %swap3A_536 = tpu.vector_load %arg9[%swap3A, %swap3A_535] {strides = array<i32>} : memref<24x1024xf32, #tpu.memory_space<vmem>>, vector<1x16xf32>,
            %swap3A_537 = vector.shape_cast %swap3A_536 : vector<1x16xf32> to vector<16xf32>
            %swap3A_538 = vector.shape_cast %select_n3A : vector<16xf32> to vector<1x16xf32>
            tpu.vector_store %arg9[%swap3A, %swap3A_535], %swap3A_538 {strides = array<i32>} : memref<24x1024xf32, #tpu.memory_space<vmem>>, vector<1x16xf32>,
          }
          %scan3A_458 = arith.constant 64 : i32
        }
        %while3A_450 = arith.constant 1 : i32
        scf.for %while3A_451 = %while3A_448 to %while3A_444 step %while3A_450  : i32 {
          %mul3A_452 = arith.muli %while3A_451, %while3A : i32
          %add3A_453 = arith.addi %min3A_416, %mul3A_452 : i32
          %scan3A_454 = arith.constant 0 : i32
          %scan3A_455 = arith.constant 64 : i32
          %scan3A_456 = arith.addi %scan3A_454, %scan3A_455 : i32
          %scan3A_457 = arith.constant 1 : i32
          scf.for %scan3A_459 = %scan3A_454 to %scan3A_456 step %scan3A_457  : i32 {
            %mul3A_460 = arith.constant 1 : i32
            %mul3A_461 = arith.muli %scan3A_459, %mul3A_460 : i32
            %add3A_462 = arith.constant 0 : i32
            %add3A_463 = arith.addi %add3A_462, %mul3A_461 : i32
            %mul3A_464 = arith.constant 16 : i32
            %mul3A_465 = arith.muli %add3A_463, %mul3A_464 : i32
            %get3A = arith.index_cast %mul3A_465 : i32 to index
            %get3A_466 = tpu.vector_load %arg5[%get3A] {strides = array<i32>} : memref<1024xi32, #tpu.memory_space<vmem>>, vector<16xi32>,
            %get3A_467 = vector.shape_cast %get3A_466 : vector<16xi32> to vector<16xi32>
            %add3A_468 = arith.addi %add3A_234, %add3A_453 : i32
            %eq3A = vector.broadcast %add3A_468 : i32 to vector<16xi32>
            %eq3A_469 = arith.cmpi eq, %get3A_467, %eq3A : vector<16xi32>
            %mul3A_470 = arith.constant 16 : i32
            %mul3A_471 = arith.muli %add3A_463, %mul3A_470 : i32
            %get3A_472 = arith.index_cast %add3A_453 : i32 to index
            %get3A_473 = arith.index_cast %mul3A_471 : i32 to index
            %get3A_474 = tpu.vector_load %arg7[%get3A_472, %get3A_473] {strides = array<i32>} : memref<24x1024xf32, #tpu.memory_space<vmem>>, vector<1x16xf32>,
            %get3A_475 = vector.shape_cast %get3A_474 : vector<1x16xf32> to vector<16xf32>
            %mul3A_476 = arith.mulf %get3A_475, %get3A_475 : vector<16xf32>
            %sub3A_477 = arith.constant 1.000000e+00 : f32
            %sub3A_478 = vector.broadcast %sub3A_477 : f32 to vector<16xf32>
            %sub3A_479 = arith.subf %sub3A_478, %mul3A_476 : vector<16xf32>
            %max3A_480 = arith.constant 9.99999996E-13 : f32
            %max3A_481 = vector.broadcast %max3A_480 : f32 to vector<16xf32>
            %max3A_482 = arith.maximumf %sub3A_479, %max3A_481 : vector<16xf32>
            %bitcast_convert_type3A = tpu.bitcast %max3A_482 : vector<16xf32> -> vector<16xi32>
            %shift_right_arithmetic3A = arith.constant 1 : i32
            %shift_right_arithmetic3A_483 = vector.broadcast %shift_right_arithmetic3A : i32 to vector<16xi32>
            %shift_right_arithmetic3A_484 = arith.shrsi %bitcast_convert_type3A, %shift_right_arithmetic3A_483 : vector<16xi32>
            %sub3A_485 = arith.constant 1597463007 : i32
            %sub3A_486 = vector.broadcast %sub3A_485 : i32 to vector<16xi32>
            %sub3A_487 = arith.subi %sub3A_486, %shift_right_arithmetic3A_484 : vector<16xi32>
            %bitcast_convert_type3A_488 = tpu.bitcast %sub3A_487 : vector<16xi32> -> vector<16xf32>
            %mul3A_489 = arith.constant 5.000000e-01 : f32
            %mul3A_490 = vector.broadcast %mul3A_489 : f32 to vector<16xf32>
            %mul3A_491 = arith.mulf %mul3A_490, %max3A_482 : vector<16xf32>
            %mul3A_492 = arith.mulf %mul3A_491, %bitcast_convert_type3A_488 : vector<16xf32>
            %mul3A_493 = arith.mulf %mul3A_492, %bitcast_convert_type3A_488 : vector<16xf32>
            %sub3A_494 = arith.constant 1.500000e+00 : f32
            %sub3A_495 = vector.broadcast %sub3A_494 : f32 to vector<16xf32>
            %sub3A_496 = arith.subf %sub3A_495, %mul3A_493 : vector<16xf32>
            %mul3A_497 = arith.mulf %bitcast_convert_type3A_488, %sub3A_496 : vector<16xf32>
            %mul3A_498 = arith.constant 5.000000e-01 : f32
            %mul3A_499 = vector.broadcast %mul3A_498 : f32 to vector<16xf32>
            %mul3A_500 = arith.mulf %mul3A_499, %max3A_482 : vector<16xf32>
            %mul3A_501 = arith.mulf %mul3A_500, %mul3A_497 : vector<16xf32>
            %mul3A_502 = arith.mulf %mul3A_501, %mul3A_497 : vector<16xf32>
            %sub3A_503 = arith.constant 1.500000e+00 : f32
            %sub3A_504 = vector.broadcast %sub3A_503 : f32 to vector<16xf32>
            %sub3A_505 = arith.subf %sub3A_504, %mul3A_502 : vector<16xf32>
            %mul3A_506 = arith.mulf %mul3A_497, %sub3A_505 : vector<16xf32>
            %mul3A_507 = arith.constant 5.000000e-01 : f32
            %mul3A_508 = vector.broadcast %mul3A_507 : f32 to vector<16xf32>
            %mul3A_509 = arith.mulf %mul3A_508, %max3A_482 : vector<16xf32>
            %mul3A_510 = arith.mulf %mul3A_509, %mul3A_506 : vector<16xf32>
            %mul3A_511 = arith.mulf %mul3A_510, %mul3A_506 : vector<16xf32>
            %sub3A_512 = arith.constant 1.500000e+00 : f32
            %sub3A_513 = vector.broadcast %sub3A_512 : f32 to vector<16xf32>
            %sub3A_514 = arith.subf %sub3A_513, %mul3A_511 : vector<16xf32>
            %mul3A_515 = arith.mulf %mul3A_506, %sub3A_514 : vector<16xf32>
            %mul3A_516 = arith.mulf %max3A_482, %mul3A_515 : vector<16xf32>
            %mul3A_517 = arith.constant 0.955336511 : f32
            %mul3A_518 = vector.broadcast %mul3A_517 : f32 to vector<16xf32>
            %mul3A_519 = arith.mulf %get3A_475, %mul3A_518 : vector<16xf32>
            %mul3A_520 = arith.constant 0.295520216 : f32
            %mul3A_521 = vector.broadcast %mul3A_520 : f32 to vector<16xf32>
            %mul3A_522 = arith.mulf %mul3A_516, %mul3A_521 : vector<16xf32>
            %sub3A_523 = arith.subf %mul3A_519, %mul3A_522 : vector<16xf32>
            %sub3A_524 = arith.constant 2.000000e-01 : f32
            %sub3A_525 = vector.broadcast %sub3A_524 : f32 to vector<16xf32>
            %sub3A_526 = arith.subf %sub3A_523, %sub3A_525 : vector<16xf32>
            %mul3A_527 = arith.constant 6.400000e+01 : f32
            %mul3A_528 = vector.broadcast %mul3A_527 : f32 to vector<16xf32>
            %mul3A_529 = arith.mulf %sub3A_526, %mul3A_528 : vector<16xf32>
            %mul3A_530 = arith.constant 6.400000e+01 : f32
            %mul3A_531 = vector.broadcast %mul3A_530 : f32 to vector<16xf32>
            %mul3A_532 = arith.mulf %get3A_475, %mul3A_531 : vector<16xf32>
            %select_n3A = arith.select %eq3A_469, %mul3A_529, %mul3A_532 : vector<16xi1>, vector<16xf32>
            %mul3A_533 = arith.constant 16 : i32
            %mul3A_534 = arith.muli %add3A_463, %mul3A_533 : i32
            %swap3A = arith.index_cast %add3A_453 : i32 to index
            %swap3A_535 = arith.index_cast %mul3A_534 : i32 to index
            %swap3A_536 = tpu.vector_load %arg9[%swap3A, %swap3A_535] {strides = array<i32>} : memref<24x1024xf32, #tpu.memory_space<vmem>>, vector<1x16xf32>,
            %swap3A_537 = vector.shape_cast %swap3A_536 : vector<1x16xf32> to vector<16xf32>
            %swap3A_538 = vector.shape_cast %select_n3A : vector<16xf32> to vector<1x16xf32>
            tpu.vector_store %arg9[%swap3A, %swap3A_535], %swap3A_538 {strides = array<i32>} : memref<24x1024xf32, #tpu.memory_space<vmem>>, vector<1x16xf32>,
          }
          %scan3A_458 = arith.constant 64 : i32
        }
      } else {
      }
      %add3A_424 = arith.constant 2 : i32
      %add3A_425 = arith.addi %add3A_231, %add3A_424 : i32
      %lt3A_426 = arith.constant 130 : i32
      %lt3A_427 = arith.cmpi slt, %add3A_425, %lt3A_426 : i32
      %convert_element_type3A_428 = arith.extui %lt3A_427 : i1 to i32
      %cond3A_429 = arith.constant 0 : i32
      %cond3A_430 = arith.cmpi ne, %convert_element_type3A_428, %cond3A_429 : i32
      scf.if %cond3A_430 {
        %add3A_435 = arith.constant 48 : i32
        %add3A_436 = arith.addi %add3A_234, %add3A_435 : i32
        %dma_start3A_437 = arith.constant 0 : i32
        %dma_start3A_438 = tpu.memref_slice %arg2[%add3A_436, %dma_start3A_437] : memref<100000x1024xf32, #tpu.memory_space<hbm>> -> memref<24x1024xf32, #tpu.memory_space<hbm>>
        %dma_start3A_439 = arith.constant 0 : i32
        %dma_start3A_440 = tpu.memref_slice %arg2[%add3A_436, %dma_start3A_439] : memref<100000x1024xf32, #tpu.memory_space<hbm>> -> memref<24x1024xf32, #tpu.memory_space<hbm>>
        tpu.enqueue_dma source(%dma_start3A_440 : memref<24x1024xf32, #tpu.memory_space<hbm>>) target(%arg7 : memref<24x1024xf32, #tpu.memory_space<vmem>>) target_semaphore(%arg11 : memref<!tpu.dma_semaphore, #tpu.memory_space<semaphore_mem>>)
      } else {
      }
      %dma_start3A_431 = arith.constant 0 : i32
      %dma_start3A_432 = tpu.memref_slice %arg4[%add3A_234, %dma_start3A_431] : memref<100000x1024xf32, #tpu.memory_space<hbm>> -> memref<24x1024xf32, #tpu.memory_space<hbm>>
      %dma_start3A_433 = arith.constant 0 : i32
      %dma_start3A_434 = tpu.memref_slice %arg4[%add3A_234, %dma_start3A_433] : memref<100000x1024xf32, #tpu.memory_space<hbm>> -> memref<24x1024xf32, #tpu.memory_space<hbm>>
      tpu.enqueue_dma source(%arg9 : memref<24x1024xf32, #tpu.memory_space<vmem>>) target(%dma_start3A_434 : memref<24x1024xf32, #tpu.memory_space<hbm>>) target_semaphore(%arg13 : memref<!tpu.dma_semaphore, #tpu.memory_space<semaphore_mem>>)
    }
    %scan3A_19 = arith.constant 65 : i32
    %dma_wait3A = arith.constant 0 : i32
    %dma_wait3A_20 = tpu.memref_slice %arg4[%mul3A_6, %dma_wait3A] : memref<100000x1024xf32, #tpu.memory_space<hbm>> -> memref<24x1024xf32, #tpu.memory_space<hbm>>
    %dma_wait3A_21 = arith.constant 0 : i32
    %dma_wait3A_22 = tpu.memref_slice %arg4[%mul3A_6, %dma_wait3A_21] : memref<100000x1024xf32, #tpu.memory_space<hbm>> -> memref<24x1024xf32, #tpu.memory_space<hbm>>
    tpu.wait_dma2 semaphore(%arg12 : memref<!tpu.dma_semaphore, #tpu.memory_space<semaphore_mem>>) src(%arg8 : memref<24x1024xf32, #tpu.memory_space<vmem>>) dst(%dma_wait3A_22 : memref<24x1024xf32, #tpu.memory_space<hbm>>)
    %dma_wait3A_23 = arith.constant 0 : i32
    %dma_wait3A_24 = tpu.memref_slice %arg4[%mul3A_6, %dma_wait3A_23] : memref<100000x1024xf32, #tpu.memory_space<hbm>> -> memref<24x1024xf32, #tpu.memory_space<hbm>>
    %dma_wait3A_25 = arith.constant 0 : i32
    %dma_wait3A_26 = tpu.memref_slice %arg4[%mul3A_6, %dma_wait3A_25] : memref<100000x1024xf32, #tpu.memory_space<hbm>> -> memref<24x1024xf32, #tpu.memory_space<hbm>>
    tpu.wait_dma2 semaphore(%arg13 : memref<!tpu.dma_semaphore, #tpu.memory_space<semaphore_mem>>) src(%arg9 : memref<24x1024xf32, #tpu.memory_space<vmem>>) dst(%dma_wait3A_26 : memref<24x1024xf32, #tpu.memory_space<hbm>>)
    %lt3A = arith.constant 20 : i32
    %lt3A_27 = arith.cmpi slt, %add3A, %lt3A : i32
    %convert_element_type3A = arith.extui %lt3A_27 : i1 to i32
    %cond3A = arith.constant 0 : i32
    %cond3A_28 = arith.cmpi ne, %convert_element_type3A, %cond3A : i32
    scf.if %cond3A_28 {
      %add3A_29 = arith.constant 3120 : i32
      %add3A_30 = arith.addi %mul3A_6, %add3A_29 : i32
      "tpu.region"() ({
        %run_scoped3A = tpu.sem_alloc : memref<!tpu.dma_semaphore, #tpu.memory_space<semaphore_mem>>
        %dma_start3A_157 = arith.constant 0 : i32
        %dma_start3A_158 = arith.constant 0 : i32
        %dma_start3A_159 = tpu.memref_slice %arg6[%dma_start3A_157, %dma_start3A_158] : memref<24x1024xf32, #tpu.memory_space<vmem>> -> memref<8x1024xf32, #tpu.memory_space<vmem>>
        %dma_start3A_160 = arith.constant 0 : i32
        %dma_start3A_161 = tpu.memref_slice %arg2[%add3A_30, %dma_start3A_160] : memref<100000x1024xf32, #tpu.memory_space<hbm>> -> memref<8x1024xf32, #tpu.memory_space<hbm>>
        %dma_start3A_162 = arith.constant 0 : i32
        %dma_start3A_163 = arith.constant 0 : i32
        %dma_start3A_164 = tpu.memref_slice %arg6[%dma_start3A_162, %dma_start3A_163] : memref<24x1024xf32, #tpu.memory_space<vmem>> -> memref<8x1024xf32, #tpu.memory_space<vmem>>
        %dma_start3A_165 = arith.constant 0 : i32
        %dma_start3A_166 = tpu.memref_slice %arg2[%add3A_30, %dma_start3A_165] : memref<100000x1024xf32, #tpu.memory_space<hbm>> -> memref<8x1024xf32, #tpu.memory_space<hbm>>
        tpu.enqueue_dma source(%dma_start3A_166 : memref<8x1024xf32, #tpu.memory_space<hbm>>) target(%dma_start3A_164 : memref<8x1024xf32, #tpu.memory_space<vmem>>) target_semaphore(%run_scoped3A : memref<!tpu.dma_semaphore, #tpu.memory_space<semaphore_mem>>)
        %dma_wait3A_167 = arith.constant 0 : i32
        %dma_wait3A_168 = arith.constant 0 : i32
        %dma_wait3A_169 = tpu.memref_slice %arg6[%dma_wait3A_167, %dma_wait3A_168] : memref<24x1024xf32, #tpu.memory_space<vmem>> -> memref<8x1024xf32, #tpu.memory_space<vmem>>
        %dma_wait3A_170 = arith.constant 0 : i32
        %dma_wait3A_171 = tpu.memref_slice %arg2[%add3A_30, %dma_wait3A_170] : memref<100000x1024xf32, #tpu.memory_space<hbm>> -> memref<8x1024xf32, #tpu.memory_space<hbm>>
        %dma_wait3A_172 = arith.constant 0 : i32
        %dma_wait3A_173 = arith.constant 0 : i32
        %dma_wait3A_174 = tpu.memref_slice %arg6[%dma_wait3A_172, %dma_wait3A_173] : memref<24x1024xf32, #tpu.memory_space<vmem>> -> memref<8x1024xf32, #tpu.memory_space<vmem>>
        %dma_wait3A_175 = arith.constant 0 : i32
        %dma_wait3A_176 = tpu.memref_slice %arg2[%add3A_30, %dma_wait3A_175] : memref<100000x1024xf32, #tpu.memory_space<hbm>> -> memref<8x1024xf32, #tpu.memory_space<hbm>>
        tpu.wait_dma2 semaphore(%run_scoped3A : memref<!tpu.dma_semaphore, #tpu.memory_space<semaphore_mem>>) src(%dma_wait3A_176 : memref<8x1024xf32, #tpu.memory_space<hbm>>) dst(%dma_wait3A_174 : memref<8x1024xf32, #tpu.memory_space<vmem>>)
        tpu.yield
      }) : () -> ()
      %parallel_loop3A = arith.constant 0 : i32
      %parallel_loop3A_31 = arith.constant 64 : i32
      %parallel_loop3A_32 = arith.constant 1 : i32
      scf.for %parallel_loop3A_157 = %parallel_loop3A to %parallel_loop3A_31 step %parallel_loop3A_32  : i32 {
        %parallel_loop3A_158 = arith.constant 16 : i32
        %parallel_loop3A_159 = arith.muli %parallel_loop3A_157, %parallel_loop3A_158 : i32
        %parallel_loop3A_160 = arith.constant 0 : i32
        %parallel_loop3A_161 = arith.index_cast %parallel_loop3A_160 : i32 to index
        %parallel_loop3A_162 = arith.index_cast %parallel_loop3A_159 : i32 to index
        %parallel_loop3A_163 = tpu.vector_load %arg6[%parallel_loop3A_161, %parallel_loop3A_162] {strides = array<i32>} : memref<24x1024xf32, #tpu.memory_space<vmem>>, vector<1x16xf32>,
        %parallel_loop3A_164 = vector.shape_cast %parallel_loop3A_163 : vector<1x16xf32> to vector<16xf32>
        %parallel_loop3A_165 = arith.constant 6.400000e+01 : f32
        %parallel_loop3A_166 = vector.broadcast %parallel_loop3A_165 : f32 to vector<16xf32>
        %parallel_loop3A_167 = arith.mulf %parallel_loop3A_164, %parallel_loop3A_166 : vector<16xf32>
        %parallel_loop3A_168 = arith.constant 16 : i32
        %parallel_loop3A_169 = arith.muli %parallel_loop3A_157, %parallel_loop3A_168 : i32
        %parallel_loop3A_170 = arith.constant 0 : i32
        %parallel_loop3A_171 = arith.index_cast %parallel_loop3A_170 : i32 to index
        %parallel_loop3A_172 = arith.index_cast %parallel_loop3A_169 : i32 to index
        %parallel_loop3A_173 = tpu.vector_load %arg8[%parallel_loop3A_171, %parallel_loop3A_172] {strides = array<i32>} : memref<24x1024xf32, #tpu.memory_space<vmem>>, vector<1x16xf32>,
        %parallel_loop3A_174 = vector.shape_cast %parallel_loop3A_173 : vector<1x16xf32> to vector<16xf32>
        %parallel_loop3A_175 = vector.shape_cast %parallel_loop3A_167 : vector<16xf32> to vector<1x16xf32>
        tpu.vector_store %arg8[%parallel_loop3A_171, %parallel_loop3A_172], %parallel_loop3A_175 {strides = array<i32>} : memref<24x1024xf32, #tpu.memory_space<vmem>>, vector<1x16xf32>,
      } {sc.loop_unroll_factor = 8 : i64, sc.parallel_access}
      %parallel_loop3A_33 = arith.constant 0 : i32
      %parallel_loop3A_34 = arith.constant 64 : i32
      %parallel_loop3A_35 = arith.constant 1 : i32
      scf.for %parallel_loop3A_157 = %parallel_loop3A_33 to %parallel_loop3A_34 step %parallel_loop3A_35  : i32 {
        %parallel_loop3A_158 = arith.constant 16 : i32
        %parallel_loop3A_159 = arith.muli %parallel_loop3A_157, %parallel_loop3A_158 : i32
        %parallel_loop3A_160 = arith.constant 1 : i32
        %parallel_loop3A_161 = arith.index_cast %parallel_loop3A_160 : i32 to index
        %parallel_loop3A_162 = arith.index_cast %parallel_loop3A_159 : i32 to index
        %parallel_loop3A_163 = tpu.vector_load %arg6[%parallel_loop3A_161, %parallel_loop3A_162] {strides = array<i32>} : memref<24x1024xf32, #tpu.memory_space<vmem>>, vector<1x16xf32>,
        %parallel_loop3A_164 = vector.shape_cast %parallel_loop3A_163 : vector<1x16xf32> to vector<16xf32>
        %parallel_loop3A_165 = arith.constant 6.400000e+01 : f32
        %parallel_loop3A_166 = vector.broadcast %parallel_loop3A_165 : f32 to vector<16xf32>
        %parallel_loop3A_167 = arith.mulf %parallel_loop3A_164, %parallel_loop3A_166 : vector<16xf32>
        %parallel_loop3A_168 = arith.constant 16 : i32
        %parallel_loop3A_169 = arith.muli %parallel_loop3A_157, %parallel_loop3A_168 : i32
        %parallel_loop3A_170 = arith.constant 1 : i32
        %parallel_loop3A_171 = arith.index_cast %parallel_loop3A_170 : i32 to index
        %parallel_loop3A_172 = arith.index_cast %parallel_loop3A_169 : i32 to index
        %parallel_loop3A_173 = tpu.vector_load %arg8[%parallel_loop3A_171, %parallel_loop3A_172] {strides = array<i32>} : memref<24x1024xf32, #tpu.memory_space<vmem>>, vector<1x16xf32>,
        %parallel_loop3A_174 = vector.shape_cast %parallel_loop3A_173 : vector<1x16xf32> to vector<16xf32>
        %parallel_loop3A_175 = vector.shape_cast %parallel_loop3A_167 : vector<16xf32> to vector<1x16xf32>
        tpu.vector_store %arg8[%parallel_loop3A_171, %parallel_loop3A_172], %parallel_loop3A_175 {strides = array<i32>} : memref<24x1024xf32, #tpu.memory_space<vmem>>, vector<1x16xf32>,
      } {sc.loop_unroll_factor = 8 : i64, sc.parallel_access}
      %parallel_loop3A_36 = arith.constant 0 : i32
      %parallel_loop3A_37 = arith.constant 64 : i32
      %parallel_loop3A_38 = arith.constant 1 : i32
      scf.for %parallel_loop3A_157 = %parallel_loop3A_36 to %parallel_loop3A_37 step %parallel_loop3A_38  : i32 {
        %parallel_loop3A_158 = arith.constant 16 : i32
        %parallel_loop3A_159 = arith.muli %parallel_loop3A_157, %parallel_loop3A_158 : i32
        %parallel_loop3A_160 = arith.constant 2 : i32
        %parallel_loop3A_161 = arith.index_cast %parallel_loop3A_160 : i32 to index
        %parallel_loop3A_162 = arith.index_cast %parallel_loop3A_159 : i32 to index
        %parallel_loop3A_163 = tpu.vector_load %arg6[%parallel_loop3A_161, %parallel_loop3A_162] {strides = array<i32>} : memref<24x1024xf32, #tpu.memory_space<vmem>>, vector<1x16xf32>,
        %parallel_loop3A_164 = vector.shape_cast %parallel_loop3A_163 : vector<1x16xf32> to vector<16xf32>
        %parallel_loop3A_165 = arith.constant 6.400000e+01 : f32
        %parallel_loop3A_166 = vector.broadcast %parallel_loop3A_165 : f32 to vector<16xf32>
        %parallel_loop3A_167 = arith.mulf %parallel_loop3A_164, %parallel_loop3A_166 : vector<16xf32>
        %parallel_loop3A_168 = arith.constant 16 : i32
        %parallel_loop3A_169 = arith.muli %parallel_loop3A_157, %parallel_loop3A_168 : i32
        %parallel_loop3A_170 = arith.constant 2 : i32
        %parallel_loop3A_171 = arith.index_cast %parallel_loop3A_170 : i32 to index
        %parallel_loop3A_172 = arith.index_cast %parallel_loop3A_169 : i32 to index
        %parallel_loop3A_173 = tpu.vector_load %arg8[%parallel_loop3A_171, %parallel_loop3A_172] {strides = array<i32>} : memref<24x1024xf32, #tpu.memory_space<vmem>>, vector<1x16xf32>,
        %parallel_loop3A_174 = vector.shape_cast %parallel_loop3A_173 : vector<1x16xf32> to vector<16xf32>
        %parallel_loop3A_175 = vector.shape_cast %parallel_loop3A_167 : vector<16xf32> to vector<1x16xf32>
        tpu.vector_store %arg8[%parallel_loop3A_171, %parallel_loop3A_172], %parallel_loop3A_175 {strides = array<i32>} : memref<24x1024xf32, #tpu.memory_space<vmem>>, vector<1x16xf32>,
      } {sc.loop_unroll_factor = 8 : i64, sc.parallel_access}
      %parallel_loop3A_39 = arith.constant 0 : i32
      %parallel_loop3A_40 = arith.constant 64 : i32
      %parallel_loop3A_41 = arith.constant 1 : i32
      scf.for %parallel_loop3A_157 = %parallel_loop3A_39 to %parallel_loop3A_40 step %parallel_loop3A_41  : i32 {
        %parallel_loop3A_158 = arith.constant 16 : i32
        %parallel_loop3A_159 = arith.muli %parallel_loop3A_157, %parallel_loop3A_158 : i32
        %parallel_loop3A_160 = arith.constant 3 : i32
        %parallel_loop3A_161 = arith.index_cast %parallel_loop3A_160 : i32 to index
        %parallel_loop3A_162 = arith.index_cast %parallel_loop3A_159 : i32 to index
        %parallel_loop3A_163 = tpu.vector_load %arg6[%parallel_loop3A_161, %parallel_loop3A_162] {strides = array<i32>} : memref<24x1024xf32, #tpu.memory_space<vmem>>, vector<1x16xf32>,
        %parallel_loop3A_164 = vector.shape_cast %parallel_loop3A_163 : vector<1x16xf32> to vector<16xf32>
        %parallel_loop3A_165 = arith.constant 6.400000e+01 : f32
        %parallel_loop3A_166 = vector.broadcast %parallel_loop3A_165 : f32 to vector<16xf32>
        %parallel_loop3A_167 = arith.mulf %parallel_loop3A_164, %parallel_loop3A_166 : vector<16xf32>
        %parallel_loop3A_168 = arith.constant 16 : i32
        %parallel_loop3A_169 = arith.muli %parallel_loop3A_157, %parallel_loop3A_168 : i32
        %parallel_loop3A_170 = arith.constant 3 : i32
        %parallel_loop3A_171 = arith.index_cast %parallel_loop3A_170 : i32 to index
        %parallel_loop3A_172 = arith.index_cast %parallel_loop3A_169 : i32 to index
        %parallel_loop3A_173 = tpu.vector_load %arg8[%parallel_loop3A_171, %parallel_loop3A_172] {strides = array<i32>} : memref<24x1024xf32, #tpu.memory_space<vmem>>, vector<1x16xf32>,
        %parallel_loop3A_174 = vector.shape_cast %parallel_loop3A_173 : vector<1x16xf32> to vector<16xf32>
        %parallel_loop3A_175 = vector.shape_cast %parallel_loop3A_167 : vector<16xf32> to vector<1x16xf32>
        tpu.vector_store %arg8[%parallel_loop3A_171, %parallel_loop3A_172], %parallel_loop3A_175 {strides = array<i32>} : memref<24x1024xf32, #tpu.memory_space<vmem>>, vector<1x16xf32>,
      } {sc.loop_unroll_factor = 8 : i64, sc.parallel_access}
      %parallel_loop3A_42 = arith.constant 0 : i32
      %parallel_loop3A_43 = arith.constant 64 : i32
      %parallel_loop3A_44 = arith.constant 1 : i32
      scf.for %parallel_loop3A_157 = %parallel_loop3A_42 to %parallel_loop3A_43 step %parallel_loop3A_44  : i32 {
        %parallel_loop3A_158 = arith.constant 16 : i32
        %parallel_loop3A_159 = arith.muli %parallel_loop3A_157, %parallel_loop3A_158 : i32
        %parallel_loop3A_160 = arith.constant 4 : i32
        %parallel_loop3A_161 = arith.index_cast %parallel_loop3A_160 : i32 to index
        %parallel_loop3A_162 = arith.index_cast %parallel_loop3A_159 : i32 to index
        %parallel_loop3A_163 = tpu.vector_load %arg6[%parallel_loop3A_161, %parallel_loop3A_162] {strides = array<i32>} : memref<24x1024xf32, #tpu.memory_space<vmem>>, vector<1x16xf32>,
        %parallel_loop3A_164 = vector.shape_cast %parallel_loop3A_163 : vector<1x16xf32> to vector<16xf32>
        %parallel_loop3A_165 = arith.constant 6.400000e+01 : f32
        %parallel_loop3A_166 = vector.broadcast %parallel_loop3A_165 : f32 to vector<16xf32>
        %parallel_loop3A_167 = arith.mulf %parallel_loop3A_164, %parallel_loop3A_166 : vector<16xf32>
        %parallel_loop3A_168 = arith.constant 16 : i32
        %parallel_loop3A_169 = arith.muli %parallel_loop3A_157, %parallel_loop3A_168 : i32
        %parallel_loop3A_170 = arith.constant 4 : i32
        %parallel_loop3A_171 = arith.index_cast %parallel_loop3A_170 : i32 to index
        %parallel_loop3A_172 = arith.index_cast %parallel_loop3A_169 : i32 to index
        %parallel_loop3A_173 = tpu.vector_load %arg8[%parallel_loop3A_171, %parallel_loop3A_172] {strides = array<i32>} : memref<24x1024xf32, #tpu.memory_space<vmem>>, vector<1x16xf32>,
        %parallel_loop3A_174 = vector.shape_cast %parallel_loop3A_173 : vector<1x16xf32> to vector<16xf32>
        %parallel_loop3A_175 = vector.shape_cast %parallel_loop3A_167 : vector<16xf32> to vector<1x16xf32>
        tpu.vector_store %arg8[%parallel_loop3A_171, %parallel_loop3A_172], %parallel_loop3A_175 {strides = array<i32>} : memref<24x1024xf32, #tpu.memory_space<vmem>>, vector<1x16xf32>,
      } {sc.loop_unroll_factor = 8 : i64, sc.parallel_access}
      %parallel_loop3A_45 = arith.constant 0 : i32
      %parallel_loop3A_46 = arith.constant 64 : i32
      %parallel_loop3A_47 = arith.constant 1 : i32
      scf.for %parallel_loop3A_157 = %parallel_loop3A_45 to %parallel_loop3A_46 step %parallel_loop3A_47  : i32 {
        %parallel_loop3A_158 = arith.constant 16 : i32
        %parallel_loop3A_159 = arith.muli %parallel_loop3A_157, %parallel_loop3A_158 : i32
        %parallel_loop3A_160 = arith.constant 5 : i32
        %parallel_loop3A_161 = arith.index_cast %parallel_loop3A_160 : i32 to index
        %parallel_loop3A_162 = arith.index_cast %parallel_loop3A_159 : i32 to index
        %parallel_loop3A_163 = tpu.vector_load %arg6[%parallel_loop3A_161, %parallel_loop3A_162] {strides = array<i32>} : memref<24x1024xf32, #tpu.memory_space<vmem>>, vector<1x16xf32>,
        %parallel_loop3A_164 = vector.shape_cast %parallel_loop3A_163 : vector<1x16xf32> to vector<16xf32>
        %parallel_loop3A_165 = arith.constant 6.400000e+01 : f32
        %parallel_loop3A_166 = vector.broadcast %parallel_loop3A_165 : f32 to vector<16xf32>
        %parallel_loop3A_167 = arith.mulf %parallel_loop3A_164, %parallel_loop3A_166 : vector<16xf32>
        %parallel_loop3A_168 = arith.constant 16 : i32
        %parallel_loop3A_169 = arith.muli %parallel_loop3A_157, %parallel_loop3A_168 : i32
        %parallel_loop3A_170 = arith.constant 5 : i32
        %parallel_loop3A_171 = arith.index_cast %parallel_loop3A_170 : i32 to index
        %parallel_loop3A_172 = arith.index_cast %parallel_loop3A_169 : i32 to index
        %parallel_loop3A_173 = tpu.vector_load %arg8[%parallel_loop3A_171, %parallel_loop3A_172] {strides = array<i32>} : memref<24x1024xf32, #tpu.memory_space<vmem>>, vector<1x16xf32>,
        %parallel_loop3A_174 = vector.shape_cast %parallel_loop3A_173 : vector<1x16xf32> to vector<16xf32>
        %parallel_loop3A_175 = vector.shape_cast %parallel_loop3A_167 : vector<16xf32> to vector<1x16xf32>
        tpu.vector_store %arg8[%parallel_loop3A_171, %parallel_loop3A_172], %parallel_loop3A_175 {strides = array<i32>} : memref<24x1024xf32, #tpu.memory_space<vmem>>, vector<1x16xf32>,
      } {sc.loop_unroll_factor = 8 : i64, sc.parallel_access}
      %parallel_loop3A_48 = arith.constant 0 : i32
      %parallel_loop3A_49 = arith.constant 64 : i32
      %parallel_loop3A_50 = arith.constant 1 : i32
      scf.for %parallel_loop3A_157 = %parallel_loop3A_48 to %parallel_loop3A_49 step %parallel_loop3A_50  : i32 {
        %parallel_loop3A_158 = arith.constant 16 : i32
        %parallel_loop3A_159 = arith.muli %parallel_loop3A_157, %parallel_loop3A_158 : i32
        %parallel_loop3A_160 = arith.constant 6 : i32
        %parallel_loop3A_161 = arith.index_cast %parallel_loop3A_160 : i32 to index
        %parallel_loop3A_162 = arith.index_cast %parallel_loop3A_159 : i32 to index
        %parallel_loop3A_163 = tpu.vector_load %arg6[%parallel_loop3A_161, %parallel_loop3A_162] {strides = array<i32>} : memref<24x1024xf32, #tpu.memory_space<vmem>>, vector<1x16xf32>,
        %parallel_loop3A_164 = vector.shape_cast %parallel_loop3A_163 : vector<1x16xf32> to vector<16xf32>
        %parallel_loop3A_165 = arith.constant 6.400000e+01 : f32
        %parallel_loop3A_166 = vector.broadcast %parallel_loop3A_165 : f32 to vector<16xf32>
        %parallel_loop3A_167 = arith.mulf %parallel_loop3A_164, %parallel_loop3A_166 : vector<16xf32>
        %parallel_loop3A_168 = arith.constant 16 : i32
        %parallel_loop3A_169 = arith.muli %parallel_loop3A_157, %parallel_loop3A_168 : i32
        %parallel_loop3A_170 = arith.constant 6 : i32
        %parallel_loop3A_171 = arith.index_cast %parallel_loop3A_170 : i32 to index
        %parallel_loop3A_172 = arith.index_cast %parallel_loop3A_169 : i32 to index
        %parallel_loop3A_173 = tpu.vector_load %arg8[%parallel_loop3A_171, %parallel_loop3A_172] {strides = array<i32>} : memref<24x1024xf32, #tpu.memory_space<vmem>>, vector<1x16xf32>,
        %parallel_loop3A_174 = vector.shape_cast %parallel_loop3A_173 : vector<1x16xf32> to vector<16xf32>
        %parallel_loop3A_175 = vector.shape_cast %parallel_loop3A_167 : vector<16xf32> to vector<1x16xf32>
        tpu.vector_store %arg8[%parallel_loop3A_171, %parallel_loop3A_172], %parallel_loop3A_175 {strides = array<i32>} : memref<24x1024xf32, #tpu.memory_space<vmem>>, vector<1x16xf32>,
      } {sc.loop_unroll_factor = 8 : i64, sc.parallel_access}
      %parallel_loop3A_51 = arith.constant 0 : i32
      %parallel_loop3A_52 = arith.constant 64 : i32
      %parallel_loop3A_53 = arith.constant 1 : i32
      scf.for %parallel_loop3A_157 = %parallel_loop3A_51 to %parallel_loop3A_52 step %parallel_loop3A_53  : i32 {
        %parallel_loop3A_158 = arith.constant 16 : i32
        %parallel_loop3A_159 = arith.muli %parallel_loop3A_157, %parallel_loop3A_158 : i32
        %parallel_loop3A_160 = arith.constant 7 : i32
        %parallel_loop3A_161 = arith.index_cast %parallel_loop3A_160 : i32 to index
        %parallel_loop3A_162 = arith.index_cast %parallel_loop3A_159 : i32 to index
        %parallel_loop3A_163 = tpu.vector_load %arg6[%parallel_loop3A_161, %parallel_loop3A_162] {strides = array<i32>} : memref<24x1024xf32, #tpu.memory_space<vmem>>, vector<1x16xf32>,
        %parallel_loop3A_164 = vector.shape_cast %parallel_loop3A_163 : vector<1x16xf32> to vector<16xf32>
        %parallel_loop3A_165 = arith.constant 6.400000e+01 : f32
        %parallel_loop3A_166 = vector.broadcast %parallel_loop3A_165 : f32 to vector<16xf32>
        %parallel_loop3A_167 = arith.mulf %parallel_loop3A_164, %parallel_loop3A_166 : vector<16xf32>
        %parallel_loop3A_168 = arith.constant 16 : i32
        %parallel_loop3A_169 = arith.muli %parallel_loop3A_157, %parallel_loop3A_168 : i32
        %parallel_loop3A_170 = arith.constant 7 : i32
        %parallel_loop3A_171 = arith.index_cast %parallel_loop3A_170 : i32 to index
        %parallel_loop3A_172 = arith.index_cast %parallel_loop3A_169 : i32 to index
        %parallel_loop3A_173 = tpu.vector_load %arg8[%parallel_loop3A_171, %parallel_loop3A_172] {strides = array<i32>} : memref<24x1024xf32, #tpu.memory_space<vmem>>, vector<1x16xf32>,
        %parallel_loop3A_174 = vector.shape_cast %parallel_loop3A_173 : vector<1x16xf32> to vector<16xf32>
        %parallel_loop3A_175 = vector.shape_cast %parallel_loop3A_167 : vector<16xf32> to vector<1x16xf32>
        tpu.vector_store %arg8[%parallel_loop3A_171, %parallel_loop3A_172], %parallel_loop3A_175 {strides = array<i32>} : memref<24x1024xf32, #tpu.memory_space<vmem>>, vector<1x16xf32>,
      } {sc.loop_unroll_factor = 8 : i64, sc.parallel_access}
      %broadcast_in_dim3A = arith.constant 10000 : i32
      %broadcast_in_dim3A_54 = vector.broadcast %broadcast_in_dim3A : i32 to vector<16xi32>
      %broadcast_in_dim3A_55 = arith.constant -1 : i32
      %broadcast_in_dim3A_56 = vector.broadcast %broadcast_in_dim3A_55 : i32 to vector<16xi32>
      %scan3A_57 = arith.constant 0 : i32
      %scan3A_58 = arith.constant 64 : i32
      %scan3A_59 = arith.addi %scan3A_57, %scan3A_58 : i32
      %scan3A_60 = arith.constant 1 : i32
      %scan3A_61:2 = scf.for %scan3A_157 = %scan3A_57 to %scan3A_59 step %scan3A_60 iter_args(%scan3A_158 = %broadcast_in_dim3A_54, %scan3A_159 = %broadcast_in_dim3A_56) -> (vector<16xi32>, vector<16xi32>)  : i32 {
        %mul3A_160 = arith.constant 1 : i32
        %mul3A_161 = arith.muli %scan3A_157, %mul3A_160 : i32
        %add3A_162 = arith.constant 0 : i32
        %add3A_163 = arith.addi %add3A_162, %mul3A_161 : i32
        %mul3A_164 = arith.constant 16 : i32
        %mul3A_165 = arith.muli %add3A_163, %mul3A_164 : i32
        %get3A = arith.index_cast %mul3A_165 : i32 to index
        %get3A_166 = tpu.vector_load %arg5[%get3A] {strides = array<i32>} : memref<1024xi32, #tpu.memory_space<vmem>>, vector<16xi32>,
        %get3A_167 = vector.shape_cast %get3A_166 : vector<16xi32> to vector<16xi32>
        %sub3A = vector.broadcast %add3A_30 : i32 to vector<16xi32>
        %sub3A_168 = arith.subi %get3A_167, %sub3A : vector<16xi32>
        %ge3A = arith.constant 0 : i32
        %ge3A_169 = vector.broadcast %ge3A : i32 to vector<16xi32>
        %ge3A_170 = arith.cmpi sge, %sub3A_168, %ge3A_169 : vector<16xi32>
        %lt3A_171 = arith.constant 8 : i32
        %lt3A_172 = vector.broadcast %lt3A_171 : i32 to vector<16xi32>
        %lt3A_173 = arith.cmpi slt, %sub3A_168, %lt3A_172 : vector<16xi32>
        %and3A = arith.andi %ge3A_170, %lt3A_173 : vector<16xi1>
        %jit3A = arith.constant 10000 : i32
        %broadcast_in_dim3A_174 = vector.broadcast %jit3A : i32 to vector<16xi32>
        %select_n3A = arith.select %and3A, %sub3A_168, %broadcast_in_dim3A_174 : vector<16xi1>, vector<16xi32>
        %min3A_175 = arith.minsi %scan3A_158, %select_n3A : vector<16xi32>
        %jit3A_176 = arith.constant -1 : i32
        %broadcast_in_dim3A_177 = vector.broadcast %jit3A_176 : i32 to vector<16xi32>
        %select_n3A_178 = arith.select %and3A, %sub3A_168, %broadcast_in_dim3A_177 : vector<16xi1>, vector<16xi32>
        %max3A_179 = arith.maxsi %scan3A_159, %select_n3A_178 : vector<16xi32>
        scf.yield %min3A_175, %max3A_179 : vector<16xi32>, vector<16xi32>
      }
      %scan3A_62 = arith.constant 64 : i32
      %slice3A = vector.extract_strided_slice %scan3A_61#0 {offsets = [0], sizes = [1], strides = [1]} : vector<16xi32> to vector<1xi32>
      %squeeze3A = vector.extract %slice3A[0] : i32 from vector<1xi32>
      %slice3A_63 = vector.extract_strided_slice %scan3A_61#1 {offsets = [0], sizes = [1], strides = [1]} : vector<16xi32> to vector<1xi32>
      %squeeze3A_64 = vector.extract %slice3A_63[0] : i32 from vector<1xi32>
      %slice3A_65 = vector.extract_strided_slice %scan3A_61#0 {offsets = [1], sizes = [1], strides = [1]} : vector<16xi32> to vector<1xi32>
      %squeeze3A_66 = vector.extract %slice3A_65[0] : i32 from vector<1xi32>
      %min3A_67 = arith.minsi %squeeze3A, %squeeze3A_66 : i32
      %slice3A_68 = vector.extract_strided_slice %scan3A_61#1 {offsets = [1], sizes = [1], strides = [1]} : vector<16xi32> to vector<1xi32>
      %squeeze3A_69 = vector.extract %slice3A_68[0] : i32 from vector<1xi32>
      %max3A = arith.maxsi %squeeze3A_64, %squeeze3A_69 : i32
      %slice3A_70 = vector.extract_strided_slice %scan3A_61#0 {offsets = [2], sizes = [1], strides = [1]} : vector<16xi32> to vector<1xi32>
      %squeeze3A_71 = vector.extract %slice3A_70[0] : i32 from vector<1xi32>
      %min3A_72 = arith.minsi %min3A_67, %squeeze3A_71 : i32
      %slice3A_73 = vector.extract_strided_slice %scan3A_61#1 {offsets = [2], sizes = [1], strides = [1]} : vector<16xi32> to vector<1xi32>
      %squeeze3A_74 = vector.extract %slice3A_73[0] : i32 from vector<1xi32>
      %max3A_75 = arith.maxsi %max3A, %squeeze3A_74 : i32
      %slice3A_76 = vector.extract_strided_slice %scan3A_61#0 {offsets = [3], sizes = [1], strides = [1]} : vector<16xi32> to vector<1xi32>
      %squeeze3A_77 = vector.extract %slice3A_76[0] : i32 from vector<1xi32>
      %min3A_78 = arith.minsi %min3A_72, %squeeze3A_77 : i32
      %slice3A_79 = vector.extract_strided_slice %scan3A_61#1 {offsets = [3], sizes = [1], strides = [1]} : vector<16xi32> to vector<1xi32>
      %squeeze3A_80 = vector.extract %slice3A_79[0] : i32 from vector<1xi32>
      %max3A_81 = arith.maxsi %max3A_75, %squeeze3A_80 : i32
      %slice3A_82 = vector.extract_strided_slice %scan3A_61#0 {offsets = [4], sizes = [1], strides = [1]} : vector<16xi32> to vector<1xi32>
      %squeeze3A_83 = vector.extract %slice3A_82[0] : i32 from vector<1xi32>
      %min3A_84 = arith.minsi %min3A_78, %squeeze3A_83 : i32
      %slice3A_85 = vector.extract_strided_slice %scan3A_61#1 {offsets = [4], sizes = [1], strides = [1]} : vector<16xi32> to vector<1xi32>
      %squeeze3A_86 = vector.extract %slice3A_85[0] : i32 from vector<1xi32>
      %max3A_87 = arith.maxsi %max3A_81, %squeeze3A_86 : i32
      %slice3A_88 = vector.extract_strided_slice %scan3A_61#0 {offsets = [5], sizes = [1], strides = [1]} : vector<16xi32> to vector<1xi32>
      %squeeze3A_89 = vector.extract %slice3A_88[0] : i32 from vector<1xi32>
      %min3A_90 = arith.minsi %min3A_84, %squeeze3A_89 : i32
      %slice3A_91 = vector.extract_strided_slice %scan3A_61#1 {offsets = [5], sizes = [1], strides = [1]} : vector<16xi32> to vector<1xi32>
      %squeeze3A_92 = vector.extract %slice3A_91[0] : i32 from vector<1xi32>
      %max3A_93 = arith.maxsi %max3A_87, %squeeze3A_92 : i32
      %slice3A_94 = vector.extract_strided_slice %scan3A_61#0 {offsets = [6], sizes = [1], strides = [1]} : vector<16xi32> to vector<1xi32>
      %squeeze3A_95 = vector.extract %slice3A_94[0] : i32 from vector<1xi32>
      %min3A_96 = arith.minsi %min3A_90, %squeeze3A_95 : i32
      %slice3A_97 = vector.extract_strided_slice %scan3A_61#1 {offsets = [6], sizes = [1], strides = [1]} : vector<16xi32> to vector<1xi32>
      %squeeze3A_98 = vector.extract %slice3A_97[0] : i32 from vector<1xi32>
      %max3A_99 = arith.maxsi %max3A_93, %squeeze3A_98 : i32
      %slice3A_100 = vector.extract_strided_slice %scan3A_61#0 {offsets = [7], sizes = [1], strides = [1]} : vector<16xi32> to vector<1xi32>
      %squeeze3A_101 = vector.extract %slice3A_100[0] : i32 from vector<1xi32>
      %min3A_102 = arith.minsi %min3A_96, %squeeze3A_101 : i32
      %slice3A_103 = vector.extract_strided_slice %scan3A_61#1 {offsets = [7], sizes = [1], strides = [1]} : vector<16xi32> to vector<1xi32>
      %squeeze3A_104 = vector.extract %slice3A_103[0] : i32 from vector<1xi32>
      %max3A_105 = arith.maxsi %max3A_99, %squeeze3A_104 : i32
      %slice3A_106 = vector.extract_strided_slice %scan3A_61#0 {offsets = [8], sizes = [1], strides = [1]} : vector<16xi32> to vector<1xi32>
      %squeeze3A_107 = vector.extract %slice3A_106[0] : i32 from vector<1xi32>
      %min3A_108 = arith.minsi %min3A_102, %squeeze3A_107 : i32
      %slice3A_109 = vector.extract_strided_slice %scan3A_61#1 {offsets = [8], sizes = [1], strides = [1]} : vector<16xi32> to vector<1xi32>
      %squeeze3A_110 = vector.extract %slice3A_109[0] : i32 from vector<1xi32>
      %max3A_111 = arith.maxsi %max3A_105, %squeeze3A_110 : i32
      %slice3A_112 = vector.extract_strided_slice %scan3A_61#0 {offsets = [9], sizes = [1], strides = [1]} : vector<16xi32> to vector<1xi32>
      %squeeze3A_113 = vector.extract %slice3A_112[0] : i32 from vector<1xi32>
      %min3A_114 = arith.minsi %min3A_108, %squeeze3A_113 : i32
      %slice3A_115 = vector.extract_strided_slice %scan3A_61#1 {offsets = [9], sizes = [1], strides = [1]} : vector<16xi32> to vector<1xi32>
      %squeeze3A_116 = vector.extract %slice3A_115[0] : i32 from vector<1xi32>
      %max3A_117 = arith.maxsi %max3A_111, %squeeze3A_116 : i32
      %slice3A_118 = vector.extract_strided_slice %scan3A_61#0 {offsets = [10], sizes = [1], strides = [1]} : vector<16xi32> to vector<1xi32>
      %squeeze3A_119 = vector.extract %slice3A_118[0] : i32 from vector<1xi32>
      %min3A_120 = arith.minsi %min3A_114, %squeeze3A_119 : i32
      %slice3A_121 = vector.extract_strided_slice %scan3A_61#1 {offsets = [10], sizes = [1], strides = [1]} : vector<16xi32> to vector<1xi32>
      %squeeze3A_122 = vector.extract %slice3A_121[0] : i32 from vector<1xi32>
      %max3A_123 = arith.maxsi %max3A_117, %squeeze3A_122 : i32
      %slice3A_124 = vector.extract_strided_slice %scan3A_61#0 {offsets = [11], sizes = [1], strides = [1]} : vector<16xi32> to vector<1xi32>
      %squeeze3A_125 = vector.extract %slice3A_124[0] : i32 from vector<1xi32>
      %min3A_126 = arith.minsi %min3A_120, %squeeze3A_125 : i32
      %slice3A_127 = vector.extract_strided_slice %scan3A_61#1 {offsets = [11], sizes = [1], strides = [1]} : vector<16xi32> to vector<1xi32>
      %squeeze3A_128 = vector.extract %slice3A_127[0] : i32 from vector<1xi32>
      %max3A_129 = arith.maxsi %max3A_123, %squeeze3A_128 : i32
      %slice3A_130 = vector.extract_strided_slice %scan3A_61#0 {offsets = [12], sizes = [1], strides = [1]} : vector<16xi32> to vector<1xi32>
      %squeeze3A_131 = vector.extract %slice3A_130[0] : i32 from vector<1xi32>
      %min3A_132 = arith.minsi %min3A_126, %squeeze3A_131 : i32
      %slice3A_133 = vector.extract_strided_slice %scan3A_61#1 {offsets = [12], sizes = [1], strides = [1]} : vector<16xi32> to vector<1xi32>
      %squeeze3A_134 = vector.extract %slice3A_133[0] : i32 from vector<1xi32>
      %max3A_135 = arith.maxsi %max3A_129, %squeeze3A_134 : i32
      %slice3A_136 = vector.extract_strided_slice %scan3A_61#0 {offsets = [13], sizes = [1], strides = [1]} : vector<16xi32> to vector<1xi32>
      %squeeze3A_137 = vector.extract %slice3A_136[0] : i32 from vector<1xi32>
      %min3A_138 = arith.minsi %min3A_132, %squeeze3A_137 : i32
      %slice3A_139 = vector.extract_strided_slice %scan3A_61#1 {offsets = [13], sizes = [1], strides = [1]} : vector<16xi32> to vector<1xi32>
      %squeeze3A_140 = vector.extract %slice3A_139[0] : i32 from vector<1xi32>
      %max3A_141 = arith.maxsi %max3A_135, %squeeze3A_140 : i32
      %slice3A_142 = vector.extract_strided_slice %scan3A_61#0 {offsets = [14], sizes = [1], strides = [1]} : vector<16xi32> to vector<1xi32>
      %squeeze3A_143 = vector.extract %slice3A_142[0] : i32 from vector<1xi32>
      %min3A_144 = arith.minsi %min3A_138, %squeeze3A_143 : i32
      %slice3A_145 = vector.extract_strided_slice %scan3A_61#1 {offsets = [14], sizes = [1], strides = [1]} : vector<16xi32> to vector<1xi32>
      %squeeze3A_146 = vector.extract %slice3A_145[0] : i32 from vector<1xi32>
      %max3A_147 = arith.maxsi %max3A_141, %squeeze3A_146 : i32
      %slice3A_148 = vector.extract_strided_slice %scan3A_61#0 {offsets = [15], sizes = [1], strides = [1]} : vector<16xi32> to vector<1xi32>
      %squeeze3A_149 = vector.extract %slice3A_148[0] : i32 from vector<1xi32>
      %min3A_150 = arith.minsi %min3A_144, %squeeze3A_149 : i32
      %slice3A_151 = vector.extract_strided_slice %scan3A_61#1 {offsets = [15], sizes = [1], strides = [1]} : vector<16xi32> to vector<1xi32>
      %squeeze3A_152 = vector.extract %slice3A_151[0] : i32 from vector<1xi32>
      %max3A_153 = arith.maxsi %max3A_147, %squeeze3A_152 : i32
      %le3A = arith.cmpi sle, %min3A_150, %max3A_153 : i32
      %convert_element_type3A_154 = arith.extui %le3A : i1 to i32
      %cond3A_155 = arith.constant 0 : i32
      %cond3A_156 = arith.cmpi ne, %convert_element_type3A_154, %cond3A_155 : i32
      scf.if %cond3A_156 {
        %add3A_157 = arith.constant 1 : i32
        %add3A_158 = arith.addi %max3A_153, %add3A_157 : i32
        %sub3A = arith.subi %add3A_158, %min3A_150 : i32
        %sub3A_159 = arith.constant 1 : i32
        %sub3A_160 = arith.constant 1 : i32
        %sub3A_161 = arith.subi %sub3A_159, %sub3A_160 : i32
        %add3A_162 = arith.addi %sub3A, %sub3A_161 : i32
        %div3A = arith.constant 1 : i32
        %div3A_163 = arith.divsi %add3A_162, %div3A : i32
        %while3A = arith.constant 1 : i32
        %while3A_164 = arith.constant 0 : i32
        %while3A_165 = arith.subi %div3A_163, %while3A_164 : i32
        %while3A_166 = arith.addi %while3A_164, %while3A_165 : i32
        %while3A_167 = arith.constant 1 : i32
        %while3A_168 = arith.divsi %while3A_165, %while3A_167 : i32
        %while3A_169 = arith.muli %while3A_168, %while3A_167 : i32
        %while3A_170 = arith.addi %while3A_164, %while3A_169 : i32
        %while3A_171 = arith.constant 1 : i32
        scf.for %while3A_173 = %while3A_164 to %while3A_170 step %while3A_171  : i32 {
          %mul3A_174 = arith.muli %while3A_173, %while3A : i32
          %add3A_175 = arith.addi %min3A_150, %mul3A_174 : i32
          %scan3A_176 = arith.constant 0 : i32
          %scan3A_177 = arith.constant 64 : i32
          %scan3A_178 = arith.addi %scan3A_176, %scan3A_177 : i32
          %scan3A_179 = arith.constant 1 : i32
          scf.for %scan3A_181 = %scan3A_176 to %scan3A_178 step %scan3A_179  : i32 {
            %mul3A_182 = arith.constant 1 : i32
            %mul3A_183 = arith.muli %scan3A_181, %mul3A_182 : i32
            %add3A_184 = arith.constant 0 : i32
            %add3A_185 = arith.addi %add3A_184, %mul3A_183 : i32
            %mul3A_186 = arith.constant 16 : i32
            %mul3A_187 = arith.muli %add3A_185, %mul3A_186 : i32
            %get3A = arith.index_cast %mul3A_187 : i32 to index
            %get3A_188 = tpu.vector_load %arg5[%get3A] {strides = array<i32>} : memref<1024xi32, #tpu.memory_space<vmem>>, vector<16xi32>,
            %get3A_189 = vector.shape_cast %get3A_188 : vector<16xi32> to vector<16xi32>
            %add3A_190 = arith.addi %add3A_30, %add3A_175 : i32
            %eq3A = vector.broadcast %add3A_190 : i32 to vector<16xi32>
            %eq3A_191 = arith.cmpi eq, %get3A_189, %eq3A : vector<16xi32>
            %mul3A_192 = arith.constant 16 : i32
            %mul3A_193 = arith.muli %add3A_185, %mul3A_192 : i32
            %get3A_194 = arith.index_cast %add3A_175 : i32 to index
            %get3A_195 = arith.index_cast %mul3A_193 : i32 to index
            %get3A_196 = tpu.vector_load %arg6[%get3A_194, %get3A_195] {strides = array<i32>} : memref<24x1024xf32, #tpu.memory_space<vmem>>, vector<1x16xf32>,
            %get3A_197 = vector.shape_cast %get3A_196 : vector<1x16xf32> to vector<16xf32>
            %mul3A_198 = arith.mulf %get3A_197, %get3A_197 : vector<16xf32>
            %sub3A_199 = arith.constant 1.000000e+00 : f32
            %sub3A_200 = vector.broadcast %sub3A_199 : f32 to vector<16xf32>
            %sub3A_201 = arith.subf %sub3A_200, %mul3A_198 : vector<16xf32>
            %max3A_202 = arith.constant 9.99999996E-13 : f32
            %max3A_203 = vector.broadcast %max3A_202 : f32 to vector<16xf32>
            %max3A_204 = arith.maximumf %sub3A_201, %max3A_203 : vector<16xf32>
            %bitcast_convert_type3A = tpu.bitcast %max3A_204 : vector<16xf32> -> vector<16xi32>
            %shift_right_arithmetic3A = arith.constant 1 : i32
            %shift_right_arithmetic3A_205 = vector.broadcast %shift_right_arithmetic3A : i32 to vector<16xi32>
            %shift_right_arithmetic3A_206 = arith.shrsi %bitcast_convert_type3A, %shift_right_arithmetic3A_205 : vector<16xi32>
            %sub3A_207 = arith.constant 1597463007 : i32
            %sub3A_208 = vector.broadcast %sub3A_207 : i32 to vector<16xi32>
            %sub3A_209 = arith.subi %sub3A_208, %shift_right_arithmetic3A_206 : vector<16xi32>
            %bitcast_convert_type3A_210 = tpu.bitcast %sub3A_209 : vector<16xi32> -> vector<16xf32>
            %mul3A_211 = arith.constant 5.000000e-01 : f32
            %mul3A_212 = vector.broadcast %mul3A_211 : f32 to vector<16xf32>
            %mul3A_213 = arith.mulf %mul3A_212, %max3A_204 : vector<16xf32>
            %mul3A_214 = arith.mulf %mul3A_213, %bitcast_convert_type3A_210 : vector<16xf32>
            %mul3A_215 = arith.mulf %mul3A_214, %bitcast_convert_type3A_210 : vector<16xf32>
            %sub3A_216 = arith.constant 1.500000e+00 : f32
            %sub3A_217 = vector.broadcast %sub3A_216 : f32 to vector<16xf32>
            %sub3A_218 = arith.subf %sub3A_217, %mul3A_215 : vector<16xf32>
            %mul3A_219 = arith.mulf %bitcast_convert_type3A_210, %sub3A_218 : vector<16xf32>
            %mul3A_220 = arith.constant 5.000000e-01 : f32
            %mul3A_221 = vector.broadcast %mul3A_220 : f32 to vector<16xf32>
            %mul3A_222 = arith.mulf %mul3A_221, %max3A_204 : vector<16xf32>
            %mul3A_223 = arith.mulf %mul3A_222, %mul3A_219 : vector<16xf32>
            %mul3A_224 = arith.mulf %mul3A_223, %mul3A_219 : vector<16xf32>
            %sub3A_225 = arith.constant 1.500000e+00 : f32
            %sub3A_226 = vector.broadcast %sub3A_225 : f32 to vector<16xf32>
            %sub3A_227 = arith.subf %sub3A_226, %mul3A_224 : vector<16xf32>
            %mul3A_228 = arith.mulf %mul3A_219, %sub3A_227 : vector<16xf32>
            %mul3A_229 = arith.constant 5.000000e-01 : f32
            %mul3A_230 = vector.broadcast %mul3A_229 : f32 to vector<16xf32>
            %mul3A_231 = arith.mulf %mul3A_230, %max3A_204 : vector<16xf32>
            %mul3A_232 = arith.mulf %mul3A_231, %mul3A_228 : vector<16xf32>
            %mul3A_233 = arith.mulf %mul3A_232, %mul3A_228 : vector<16xf32>
            %sub3A_234 = arith.constant 1.500000e+00 : f32
            %sub3A_235 = vector.broadcast %sub3A_234 : f32 to vector<16xf32>
            %sub3A_236 = arith.subf %sub3A_235, %mul3A_233 : vector<16xf32>
            %mul3A_237 = arith.mulf %mul3A_228, %sub3A_236 : vector<16xf32>
            %mul3A_238 = arith.mulf %max3A_204, %mul3A_237 : vector<16xf32>
            %mul3A_239 = arith.constant 0.955336511 : f32
            %mul3A_240 = vector.broadcast %mul3A_239 : f32 to vector<16xf32>
            %mul3A_241 = arith.mulf %get3A_197, %mul3A_240 : vector<16xf32>
            %mul3A_242 = arith.constant 0.295520216 : f32
            %mul3A_243 = vector.broadcast %mul3A_242 : f32 to vector<16xf32>
            %mul3A_244 = arith.mulf %mul3A_238, %mul3A_243 : vector<16xf32>
            %sub3A_245 = arith.subf %mul3A_241, %mul3A_244 : vector<16xf32>
            %sub3A_246 = arith.constant 2.000000e-01 : f32
            %sub3A_247 = vector.broadcast %sub3A_246 : f32 to vector<16xf32>
            %sub3A_248 = arith.subf %sub3A_245, %sub3A_247 : vector<16xf32>
            %mul3A_249 = arith.constant 6.400000e+01 : f32
            %mul3A_250 = vector.broadcast %mul3A_249 : f32 to vector<16xf32>
            %mul3A_251 = arith.mulf %sub3A_248, %mul3A_250 : vector<16xf32>
            %mul3A_252 = arith.constant 6.400000e+01 : f32
            %mul3A_253 = vector.broadcast %mul3A_252 : f32 to vector<16xf32>
            %mul3A_254 = arith.mulf %get3A_197, %mul3A_253 : vector<16xf32>
            %select_n3A = arith.select %eq3A_191, %mul3A_251, %mul3A_254 : vector<16xi1>, vector<16xf32>
            %mul3A_255 = arith.constant 16 : i32
            %mul3A_256 = arith.muli %add3A_185, %mul3A_255 : i32
            %swap3A = arith.index_cast %add3A_175 : i32 to index
            %swap3A_257 = arith.index_cast %mul3A_256 : i32 to index
            %swap3A_258 = tpu.vector_load %arg8[%swap3A, %swap3A_257] {strides = array<i32>} : memref<24x1024xf32, #tpu.memory_space<vmem>>, vector<1x16xf32>,
            %swap3A_259 = vector.shape_cast %swap3A_258 : vector<1x16xf32> to vector<16xf32>
            %swap3A_260 = vector.shape_cast %select_n3A : vector<16xf32> to vector<1x16xf32>
            tpu.vector_store %arg8[%swap3A, %swap3A_257], %swap3A_260 {strides = array<i32>} : memref<24x1024xf32, #tpu.memory_space<vmem>>, vector<1x16xf32>,
          }
          %scan3A_180 = arith.constant 64 : i32
        }
        %while3A_172 = arith.constant 1 : i32
        scf.for %while3A_173 = %while3A_170 to %while3A_166 step %while3A_172  : i32 {
          %mul3A_174 = arith.muli %while3A_173, %while3A : i32
          %add3A_175 = arith.addi %min3A_150, %mul3A_174 : i32
          %scan3A_176 = arith.constant 0 : i32
          %scan3A_177 = arith.constant 64 : i32
          %scan3A_178 = arith.addi %scan3A_176, %scan3A_177 : i32
          %scan3A_179 = arith.constant 1 : i32
          scf.for %scan3A_181 = %scan3A_176 to %scan3A_178 step %scan3A_179  : i32 {
            %mul3A_182 = arith.constant 1 : i32
            %mul3A_183 = arith.muli %scan3A_181, %mul3A_182 : i32
            %add3A_184 = arith.constant 0 : i32
            %add3A_185 = arith.addi %add3A_184, %mul3A_183 : i32
            %mul3A_186 = arith.constant 16 : i32
            %mul3A_187 = arith.muli %add3A_185, %mul3A_186 : i32
            %get3A = arith.index_cast %mul3A_187 : i32 to index
            %get3A_188 = tpu.vector_load %arg5[%get3A] {strides = array<i32>} : memref<1024xi32, #tpu.memory_space<vmem>>, vector<16xi32>,
            %get3A_189 = vector.shape_cast %get3A_188 : vector<16xi32> to vector<16xi32>
            %add3A_190 = arith.addi %add3A_30, %add3A_175 : i32
            %eq3A = vector.broadcast %add3A_190 : i32 to vector<16xi32>
            %eq3A_191 = arith.cmpi eq, %get3A_189, %eq3A : vector<16xi32>
            %mul3A_192 = arith.constant 16 : i32
            %mul3A_193 = arith.muli %add3A_185, %mul3A_192 : i32
            %get3A_194 = arith.index_cast %add3A_175 : i32 to index
            %get3A_195 = arith.index_cast %mul3A_193 : i32 to index
            %get3A_196 = tpu.vector_load %arg6[%get3A_194, %get3A_195] {strides = array<i32>} : memref<24x1024xf32, #tpu.memory_space<vmem>>, vector<1x16xf32>,
            %get3A_197 = vector.shape_cast %get3A_196 : vector<1x16xf32> to vector<16xf32>
            %mul3A_198 = arith.mulf %get3A_197, %get3A_197 : vector<16xf32>
            %sub3A_199 = arith.constant 1.000000e+00 : f32
            %sub3A_200 = vector.broadcast %sub3A_199 : f32 to vector<16xf32>
            %sub3A_201 = arith.subf %sub3A_200, %mul3A_198 : vector<16xf32>
            %max3A_202 = arith.constant 9.99999996E-13 : f32
            %max3A_203 = vector.broadcast %max3A_202 : f32 to vector<16xf32>
            %max3A_204 = arith.maximumf %sub3A_201, %max3A_203 : vector<16xf32>
            %bitcast_convert_type3A = tpu.bitcast %max3A_204 : vector<16xf32> -> vector<16xi32>
            %shift_right_arithmetic3A = arith.constant 1 : i32
            %shift_right_arithmetic3A_205 = vector.broadcast %shift_right_arithmetic3A : i32 to vector<16xi32>
            %shift_right_arithmetic3A_206 = arith.shrsi %bitcast_convert_type3A, %shift_right_arithmetic3A_205 : vector<16xi32>
            %sub3A_207 = arith.constant 1597463007 : i32
            %sub3A_208 = vector.broadcast %sub3A_207 : i32 to vector<16xi32>
            %sub3A_209 = arith.subi %sub3A_208, %shift_right_arithmetic3A_206 : vector<16xi32>
            %bitcast_convert_type3A_210 = tpu.bitcast %sub3A_209 : vector<16xi32> -> vector<16xf32>
            %mul3A_211 = arith.constant 5.000000e-01 : f32
            %mul3A_212 = vector.broadcast %mul3A_211 : f32 to vector<16xf32>
            %mul3A_213 = arith.mulf %mul3A_212, %max3A_204 : vector<16xf32>
            %mul3A_214 = arith.mulf %mul3A_213, %bitcast_convert_type3A_210 : vector<16xf32>
            %mul3A_215 = arith.mulf %mul3A_214, %bitcast_convert_type3A_210 : vector<16xf32>
            %sub3A_216 = arith.constant 1.500000e+00 : f32
            %sub3A_217 = vector.broadcast %sub3A_216 : f32 to vector<16xf32>
            %sub3A_218 = arith.subf %sub3A_217, %mul3A_215 : vector<16xf32>
            %mul3A_219 = arith.mulf %bitcast_convert_type3A_210, %sub3A_218 : vector<16xf32>
            %mul3A_220 = arith.constant 5.000000e-01 : f32
            %mul3A_221 = vector.broadcast %mul3A_220 : f32 to vector<16xf32>
            %mul3A_222 = arith.mulf %mul3A_221, %max3A_204 : vector<16xf32>
            %mul3A_223 = arith.mulf %mul3A_222, %mul3A_219 : vector<16xf32>
            %mul3A_224 = arith.mulf %mul3A_223, %mul3A_219 : vector<16xf32>
            %sub3A_225 = arith.constant 1.500000e+00 : f32
            %sub3A_226 = vector.broadcast %sub3A_225 : f32 to vector<16xf32>
            %sub3A_227 = arith.subf %sub3A_226, %mul3A_224 : vector<16xf32>
            %mul3A_228 = arith.mulf %mul3A_219, %sub3A_227 : vector<16xf32>
            %mul3A_229 = arith.constant 5.000000e-01 : f32
            %mul3A_230 = vector.broadcast %mul3A_229 : f32 to vector<16xf32>
            %mul3A_231 = arith.mulf %mul3A_230, %max3A_204 : vector<16xf32>
            %mul3A_232 = arith.mulf %mul3A_231, %mul3A_228 : vector<16xf32>
            %mul3A_233 = arith.mulf %mul3A_232, %mul3A_228 : vector<16xf32>
            %sub3A_234 = arith.constant 1.500000e+00 : f32
            %sub3A_235 = vector.broadcast %sub3A_234 : f32 to vector<16xf32>
            %sub3A_236 = arith.subf %sub3A_235, %mul3A_233 : vector<16xf32>
            %mul3A_237 = arith.mulf %mul3A_228, %sub3A_236 : vector<16xf32>
            %mul3A_238 = arith.mulf %max3A_204, %mul3A_237 : vector<16xf32>
            %mul3A_239 = arith.constant 0.955336511 : f32
            %mul3A_240 = vector.broadcast %mul3A_239 : f32 to vector<16xf32>
            %mul3A_241 = arith.mulf %get3A_197, %mul3A_240 : vector<16xf32>
            %mul3A_242 = arith.constant 0.295520216 : f32
            %mul3A_243 = vector.broadcast %mul3A_242 : f32 to vector<16xf32>
            %mul3A_244 = arith.mulf %mul3A_238, %mul3A_243 : vector<16xf32>
            %sub3A_245 = arith.subf %mul3A_241, %mul3A_244 : vector<16xf32>
            %sub3A_246 = arith.constant 2.000000e-01 : f32
            %sub3A_247 = vector.broadcast %sub3A_246 : f32 to vector<16xf32>
            %sub3A_248 = arith.subf %sub3A_245, %sub3A_247 : vector<16xf32>
            %mul3A_249 = arith.constant 6.400000e+01 : f32
            %mul3A_250 = vector.broadcast %mul3A_249 : f32 to vector<16xf32>
            %mul3A_251 = arith.mulf %sub3A_248, %mul3A_250 : vector<16xf32>
            %mul3A_252 = arith.constant 6.400000e+01 : f32
            %mul3A_253 = vector.broadcast %mul3A_252 : f32 to vector<16xf32>
            %mul3A_254 = arith.mulf %get3A_197, %mul3A_253 : vector<16xf32>
            %select_n3A = arith.select %eq3A_191, %mul3A_251, %mul3A_254 : vector<16xi1>, vector<16xf32>
            %mul3A_255 = arith.constant 16 : i32
            %mul3A_256 = arith.muli %add3A_185, %mul3A_255 : i32
            %swap3A = arith.index_cast %add3A_175 : i32 to index
            %swap3A_257 = arith.index_cast %mul3A_256 : i32 to index
            %swap3A_258 = tpu.vector_load %arg8[%swap3A, %swap3A_257] {strides = array<i32>} : memref<24x1024xf32, #tpu.memory_space<vmem>>, vector<1x16xf32>,
            %swap3A_259 = vector.shape_cast %swap3A_258 : vector<1x16xf32> to vector<16xf32>
            %swap3A_260 = vector.shape_cast %select_n3A : vector<16xf32> to vector<1x16xf32>
            tpu.vector_store %arg8[%swap3A, %swap3A_257], %swap3A_260 {strides = array<i32>} : memref<24x1024xf32, #tpu.memory_space<vmem>>, vector<1x16xf32>,
          }
          %scan3A_180 = arith.constant 64 : i32
        }
      } else {
      }
      "tpu.region"() ({
        %run_scoped3A = tpu.sem_alloc : memref<!tpu.dma_semaphore, #tpu.memory_space<semaphore_mem>>
        %dma_start3A_157 = arith.constant 0 : i32
        %dma_start3A_158 = arith.constant 0 : i32
        %dma_start3A_159 = tpu.memref_slice %arg8[%dma_start3A_157, %dma_start3A_158] : memref<24x1024xf32, #tpu.memory_space<vmem>> -> memref<8x1024xf32, #tpu.memory_space<vmem>>
        %dma_start3A_160 = arith.constant 0 : i32
        %dma_start3A_161 = tpu.memref_slice %arg4[%add3A_30, %dma_start3A_160] : memref<100000x1024xf32, #tpu.memory_space<hbm>> -> memref<8x1024xf32, #tpu.memory_space<hbm>>
        %dma_start3A_162 = arith.constant 0 : i32
        %dma_start3A_163 = tpu.memref_slice %arg4[%add3A_30, %dma_start3A_162] : memref<100000x1024xf32, #tpu.memory_space<hbm>> -> memref<8x1024xf32, #tpu.memory_space<hbm>>
        %dma_start3A_164 = arith.constant 0 : i32
        %dma_start3A_165 = arith.constant 0 : i32
        %dma_start3A_166 = tpu.memref_slice %arg8[%dma_start3A_164, %dma_start3A_165] : memref<24x1024xf32, #tpu.memory_space<vmem>> -> memref<8x1024xf32, #tpu.memory_space<vmem>>
        tpu.enqueue_dma source(%dma_start3A_166 : memref<8x1024xf32, #tpu.memory_space<vmem>>) target(%dma_start3A_163 : memref<8x1024xf32, #tpu.memory_space<hbm>>) target_semaphore(%run_scoped3A : memref<!tpu.dma_semaphore, #tpu.memory_space<semaphore_mem>>)
        %dma_wait3A_167 = arith.constant 0 : i32
        %dma_wait3A_168 = arith.constant 0 : i32
        %dma_wait3A_169 = tpu.memref_slice %arg8[%dma_wait3A_167, %dma_wait3A_168] : memref<24x1024xf32, #tpu.memory_space<vmem>> -> memref<8x1024xf32, #tpu.memory_space<vmem>>
        %dma_wait3A_170 = arith.constant 0 : i32
        %dma_wait3A_171 = tpu.memref_slice %arg4[%add3A_30, %dma_wait3A_170] : memref<100000x1024xf32, #tpu.memory_space<hbm>> -> memref<8x1024xf32, #tpu.memory_space<hbm>>
        %dma_wait3A_172 = arith.constant 0 : i32
        %dma_wait3A_173 = tpu.memref_slice %arg4[%add3A_30, %dma_wait3A_172] : memref<100000x1024xf32, #tpu.memory_space<hbm>> -> memref<8x1024xf32, #tpu.memory_space<hbm>>
        %dma_wait3A_174 = arith.constant 0 : i32
        %dma_wait3A_175 = arith.constant 0 : i32
        %dma_wait3A_176 = tpu.memref_slice %arg8[%dma_wait3A_174, %dma_wait3A_175] : memref<24x1024xf32, #tpu.memory_space<vmem>> -> memref<8x1024xf32, #tpu.memory_space<vmem>>
        tpu.wait_dma2 semaphore(%run_scoped3A : memref<!tpu.dma_semaphore, #tpu.memory_space<semaphore_mem>>) src(%dma_wait3A_176 : memref<8x1024xf32, #tpu.memory_space<vmem>>) dst(%dma_wait3A_173 : memref<8x1024xf32, #tpu.memory_space<hbm>>)
        tpu.yield
      }) : () -> ()
    } else {
    }
    return
  }
}

</mosaic_0001>

<sc_bundles>
// kernel: kernel.3.cloned.1.call-start
scs
__scs_entry_jumppad:
0x0: {  	(pc) =	sbr.rel $0x88, $3  }
0x1: {  	(tag) =	ssettag $0x0;
	lr =	simm.s32 $0x1  }
0x2: {  	[smem:$0x3F9F] =	sst lr;
	_ =	strace $0xD0000000  }
0x3: {  	_ = 	snop  }
0x4: {  	_ = 	snop  }
0x5: {  	_ = 	snop  }
0x6: {  	_ = 	snop  }
0x7: {  	_ = 	snop  }
__scs_overlays_trampoline_lowered:
0x8: {  	[smem:$0x3FAE] =	sst s0  }
0x9: {  	[smem:$0x3FAF] =	sst s1  }
0xa: {  	[smem:$0x3FB0] =	sst s2  }
0xb: {  	[smem:$0x3FB1] =	sst s3  }
0xc: {  	[smem:$0x3FB2] =	sst s4  }
0xd: {  	[smem:$0x3FB3] =	sst s5  }
0xe: {  	[smem:$0x3FB4] =	sst s6  }
0xf: {  	[smem:$0x3FB5] =	sst s7  }
0x10: {  	[smem:$0x3FB6] =	sst s8  }
0x11: {  	[smem:$0x3FB7] =	sst s9;
	s0 =	simm.s32 @!p0 $0x0  }
0x12: {  	s1 =	sld [smem:$0x3F9D];
	s0 =	simm.s32 @p0 $0x1  }
0x13: {  	[smem:$0x3FB8] =	sst s0;
	s0 =	simm.s32 @!p1 $0x0  }
0x14: {  	s2 =	sld [smem:$0x3F9C];
	s0 =	simm.s32 @p1 $0x1  }
0x15: {  	[smem:$0x3FB9] =	sst s0;
	s0 =	simm.s32 @!p2 $0x0  }
0x16: {  	s3 =	sld [smem:$0x3FDB];
	s0 =	simm.s32 @p2 $0x1  }
0x17: {  	s4 =	simm.s32 $0x1BF5;
	[smem:$0x3FBB] =	sst s0  }
0x18: {  	s0 =	sld [smem:$0x3F9E];
	_ =	swait.ge [sflag:s4], $0x0  }
0x19: {  	s7 =	sld [smem:$0x3F9F]  }
0x1a: {  	s8 =	sadd.s32 $0xFFFFE003, lr  }
0x1b: {  	s9 =	sadd.s32 $0xFFFFFEF7, lr;
	s5 =	simm.s32 $0xFFFFFFFF;
	p2 =	slt.u32 s8, $0xFFFFF086  }
0x1c: {  	p1 =	slt.u32 s9, $0xF7A;
	s5 =	simm.s32 @!p2 $0x0  }
0x1d: {  	s5 =	simm.s32 @p1 $0x1;
	p0 =	seq.s32 s7, s2  }
0x1e: {  	s7 =	smul.u32 @!p0 $0xF7A, s2;
	p2 =	seq.s32 @!p0 s5, $0x0  }
0x1f: {  	s9 =	smul.u32 $0xF7A, s1;
	s8 =	simm.s32 @!p0 $0x1BF5;
	p2 =	por !p2, p0  }
0x20: {  	[sflag:s8] =	ssyncset.s32 @!p0 $0xFFFFF086;
	s6 =	sadd.s32 @!p0 s3, s7;
	s7 =	simm.s32 @!p0 $0x108  }
0x21: {  	s3 =	sadd.s32 s3, s9;
	s6 =	sadd.s32 @!p0 $0x88, s6;
	s7 =	simm.s32 @p2 $0x1082  }
0x22: {  	[simem:s7], [sflag:s8] =	dma.local @!p0 [hbm:s6], $0xF7A  }
0x23: {  	s9 =	sor.u32 $0xD0000000, s2;
	s6 =	simm.s32 $0x108;
	_ =	swait.ge @!p0 [sflag:s8], $0x0  }
0x24: {  	s3 =	sadd.s32 $0x88, s3;
	s6 =	simm.s32 @!p1 $0x1082;
	[sflag:s4] =	ssyncset.s32 $0xFFFFF086  }
0x25: {  	[simem:s6], [sflag:s4] =	dma.local [hbm:s3], $0xF7A  }
0x26: {  	[smem:$0x3F9F] =	sst s1;
	(tag) =	ssettag s2;
	_ =	strace s9  }
0x27: {  	s1 =	sld [smem:$0x3FAF]  }
0x28: {  	s2 =	sld [smem:$0x3FB0]  }
0x29: {  	s4 =	sld [smem:$0x3FB2]  }
0x2a: {  	p0 =	seq.s32 s5, $0x0;
	s5 =	sld [smem:$0x3FB3]  }
0x2b: {  	s6 =	sld [smem:$0x3FB4]  }
0x2c: {  	s7 =	sld [smem:$0x3FB5]  }
0x2d: {  	s3 =	simm.s32 $0x108;
	s8 =	sld [smem:$0x3FB6]  }
0x2e: {  	s3 =	simm.s32 @!p0 $0x1082;
	s9 =	sld [smem:$0x3FB7]  }
0x2f: {  	lr =	sadd.s32 s0, s3;
	s0 =	sld [smem:$0x3FAE]  }
0x30: {  	s3 =	sld [smem:$0x3FB1]  }
0x31: {  	[smem:$0x3FBA] =	sst s10  }
0x32: {  	s10 =	sld [smem:$0x3FB8];
	_ =	sdelay $0x3  }
0x33: {  	p0 =	seq.s32 s10, $0x1;
	s10 =	sld [smem:$0x3FBA];
	_ =	sdelay $0x3  }
0x34: {  	[smem:$0x3FBA] =	sst s10  }
0x35: {  	s10 =	sld [smem:$0x3FB9];
	_ =	sdelay $0x3  }
0x36: {  	p1 =	seq.s32 s10, $0x1;
	s10 =	sld [smem:$0x3FBA];
	_ =	sdelay $0x3  }
0x37: {  	[smem:$0x3FBA] =	sst s10  }
0x38: {  	s10 =	sld [smem:$0x3FBB]  }
0x39: {  	_ = 	snop;
	(pc) =	sbr.ind lr, $3  }
0x3a: {  	_ = 	snop  }
0x3b: {  	_ = 	snop  }
0x3c: {  	p2 =	seq.s32 s10, $0x1;
	s10 =	sld [smem:$0x3FBA]  }
0x3d: {  	_ =	shalt  }
0x3e: {  	_ =	shalt  }
0x3f: {  	_ =	shalt  }
0x40: {  	_ =	shalt  }
0x41: {  	_ =	shalt  }
0x42: {  	_ =	shalt  }
0x43: {  	_ =	shalt  }
0x44: {  	_ =	shalt  }
0x45: {  	_ =	shalt  }
0x46: {  	_ =	shalt  }
0x47: {  	_ =	shalt  }
0x48: {  	_ =	shalt  }
0x49: {  	_ =	shalt  }
0x4a: {  	_ =	shalt  }
0x4b: {  	_ =	shalt  }
0x4c: {  	_ =	shalt  }
0x4d: {  	_ =	shalt  }
0x4e: {  	_ =	shalt  }
0x4f: {  	_ =	shalt  }
0x50: {  	_ =	shalt  }
0x51: {  	_ =	shalt  }
0x52: {  	_ =	shalt  }
0x53: {  	_ =	shalt  }
0x54: {  	_ =	shalt  }
0x55: {  	_ =	shalt  }
0x56: {  	_ =	shalt  }
0x57: {  	_ =	shalt  }
0x58: {  	_ =	shalt  }
0x59: {  	_ =	shalt  }
0x5a: {  	_ =	shalt  }
0x5b: {  	_ =	shalt  }
0x5c: {  	_ =	shalt  }
0x5d: {  	_ =	shalt  }
0x5e: {  	_ =	shalt  }
0x5f: {  	_ =	shalt  }
0x60: {  	_ =	shalt  }
0x61: {  	_ =	shalt  }
0x62: {  	_ =	shalt  }
0x63: {  	_ =	shalt  }
0x64: {  	_ =	shalt  }
0x65: {  	_ =	shalt  }
0x66: {  	_ =	shalt  }
0x67: {  	_ =	shalt  }
0x68: {  	_ =	shalt  }
0x69: {  	_ =	shalt  }
0x6a: {  	_ =	shalt  }
0x6b: {  	_ =	shalt  }
0x6c: {  	_ =	shalt  }
0x6d: {  	_ =	shalt  }
0x6e: {  	_ =	shalt  }
0x6f: {  	_ =	shalt  }
0x70: {  	_ =	shalt  }
0x71: {  	_ =	shalt  }
0x72: {  	_ =	shalt  }
0x73: {  	_ =	shalt  }
0x74: {  	_ =	shalt  }
0x75: {  	_ =	shalt  }
0x76: {  	_ =	shalt  }
0x77: {  	_ =	shalt  }
0x78: {  	_ =	shalt  }
0x79: {  	_ =	shalt  }
0x7a: {  	_ =	shalt  }
0x7b: {  	_ =	shalt  }
0x7c: {  	_ =	shalt  }
0x7d: {  	_ =	shalt  }
0x7e: {  	_ =	shalt  }
0x7f: {  	_ =	shalt  }
0x80: {  	_ =	shalt  }
0x81: {  	_ =	shalt  }
0x82: {  	_ =	shalt  }
0x83: {  	_ =	shalt  }
0x84: {  	_ =	shalt  }
0x85: {  	_ =	shalt  }
0x86: {  	_ =	shalt  }
0x87: {  	_ =	shalt  }
.Lfunc_end0:
.L_simem_size_0:
called_computation_lowered:
.L_overlay_start_0:
0x88: {  	s2 =	sld [smem:$0x3FD9]  }
0x89: {  	s3 =	sld [smem:$0x3FFE];
	_ =	sdelay $0x1  }
0x8a: {  	s1 =	srdreg.scid  }
0x8b: {  	s0 =	sand.u32 $0x1, s1  }
0x8c: {  	s18 =	sshll.u32 s0, $0xA;
	s2 =	sadd.s32 s3, s2  }
0x8d: {  	s2 =	sadd.s32 s2, s18  }
0x8e: {  	[smem:$0x3FC6] =	sst s2  }
0x8f: {  	_ = 	snop  }
0x90: {  	s2 =	sld [smem:$0x3FC9]  }
0x91: {  	s19 =	sld [smem:$0x3FC8]  }
0x92: {  	s4 =	sld [smem:$0x3FD0];
	(tm) =	ssettm $0x1  }
0x93: {  	s5 =	sld [smem:$0x3FFB];
	_ =	sdelay $0x3  }
0x94: {  	_ =	strace s5  }
0x95: {  	s5 =	sld [smem:$0x3FFC];
	_ =	sdelay $0x3  }
0x96: {  	_ =	strace s5  }
0x97: {  	s5 =	sld [smem:$0x3FFD];
	_ =	sdelay $0x3  }
0x98: {  	_ =	strace s5  }
0x99: {  	_ =	strace $0x8FFFFFFF  }
0x9a: {  	s20 =	sld [smem:$0x3FDB];
	_ =	sdelay $0x1  }
0x9b: {  	s6 =	simm.s32 $_scs_section_size  }
0x9c: {  	s7 =	simm.s32 $_size__tile_overlayer_lowered;
	s8 =	simm.s32 $_tile_overlayer_lowered  }
0x9d: {  	s23 =	simm.s32 $0x1BFF;
	s22 =	sshll.u32 s8, $0x1;
	s5 =	sadd.s32 s6, s20  }
0x9e: {  	s9 =	simm.s32 $0x0;
	s21 =	sshll.u32 s7, $0x1;
	s7 =	sadd.s32 s22, s5  }
0x9f: {  	[timem:s9], [sflag:s23] =	dma.local [hbm:s7], s21  }
0xa0: {  	_ =	swait.ge [sflag:s23], s21  }
0xa1: {  	s6 =	ssub.s32 $0x0, s21;
	[sflag:s23] =	ssyncset.done $0x0  }
0xa2: {  	[sflag:s23] =	ssyncadd.s32 s6;
	_ =	sdelay $0x1  }
0xa3: {  	s24 =	simm.s32 $0x1B8B  }
0xa4: {  	_ =	swait.ge [sflag:s24], $0x1  }
0xa5: {  	[sflag:s24] =	ssyncset.done $0x0  }
0xa6: {  	s25 =	simm.s32 $0x1B8E;
	[sflag:s24] =	ssyncadd.s32 $0xFFFFFFFF  }
0xa7: {  	s26 =	simm.s32 $execute0_lowered;
	[smem:$0x3FD2] =	sst s25  }
0xa8: {  	s6 =	sshll.u32 s26, $0x1;
	_ =	strace $0x80000046;
	[dreg:$0x1] =	wrdreg $0xFFFFFFFF  }
0xa9: {  	s28 =	simm.s32 $_size_execute0_lowered;
	s5 =	sadd.s32 s5, s6;
	[dreg:$0x0] =	wrdreg $0x0  }
0xaa: {  	s6 =	sshll.u32 s28, $0x1;
	[dreg:$0x2] =	wrdreg s5  }
0xab: {  	[dreg:$0x3] =	wrdreg s6  }
0xac: {  	[dreg:$0x4] =	wrdreg $0xC0  }
0xad: {  	_ =	task [dreg:s9], $0x5FFFF  }
0xae: {  	[dreg:$0x1] =	wrdreg $0xFFFFFFFF  }
0xaf: {  	[dreg:$0x0] =	wrdreg $0x60  }
0xb0: {  	[dreg:$0x2] =	wrdreg s2  }
0xb1: {  	[dreg:$0x3] =	wrdreg s19  }
0xb2: {  	[dreg:$0x4] =	wrdreg s4  }
0xb3: {  	[dreg:$0x5] =	wrdreg $0x9  }
0xb4: {  	_ =	task.clear_ibuf [dreg:s9], $0x6FFFF;
	_ =	strace $0x90000046  }
0xb5: {  	s29 =	simm.s32 $0x9;
	_ =	strace $0x80000048  }
0xb6: {  	_ =	swait.ge [sflag:s29], $0x1  }
0xb7: {  	[sflag:s29] =	ssyncadd.s32 $0xFFFFFFFF  }
0xb8: {  	_ =	strace $0x90000048  }
0xb9: {  	_ =	sfence  }
0xba: {  	s30 =	sld [smem:$0x0];
	_ =	sdelay $0x2  }
0xbb: {  	s31 =	sshll.u32 s1, $0xD;
	s1 =	sshrl.u32 s1, $0x2  }
0xbc: {  	s3 =	sand.u32 $0x4000, s31;
	s1 =	sadd.s32 s1, s30  }
0xbd: {  	s0 =	sor.u32 s3, s0;
	s1 =	sshll.u32 s1, $0x11  }
0xbe: {  	s0 =	sor.u32 s1, s0  }
0xbf: {  	s0 =	sadd.s32 $0x8F2B, s0  }
0xc0: {  	[sflag:s0] =	ssyncadd.remote.s32 $0x1  }
0xc1: {  	_ =	sfence.sel $0xFFFF  }
0xc2: {  	[dreg:$0x0] =	wrdreg $0xFFFFFFFF;
	(pc) =	sbr.abs _section_cstart, $3  }
0xc3: {  	[dreg:$0x1] =	wrdreg $0xFFFFFFFF  }
0xc4: {  	_ =	task.clear_ibuf [dreg:s9], $0x2FFFF;
	_ =	strace $0x9FFFFFFF  }
0xc5: {  	(tm) =	ssettm $0x7FFFFFFF  }
tec
execute0_lowered:
.L_overlay_start_1:
0x0: {  	(tag) =	ssettag $0x1  }
0x1: {  	s1 =	rddreg [dreg:$0x0];
	s0 =	srdreg.scid  }
0x2: {  	s7 =	stileid.u32;
	s4 =	rddreg [dreg:$0x2];
	s5 =	simm.s32 $0x0  }
0x3: {  	s14 =	simm.s32 $0x5;
	s17 =	simm.s32 $0x1;
	s18 =	simm.s32 $0xC400  }
0x4: {  	s19 =	simm.s32 $0x2;
	s0 =	sand.u32 $0x1, s0;
	s2 =	sshll.u32 s7, $0x1  }
0x5: {  	s20 =	simm.s32 $0x12400;
	s2 =	sor.u32 s0, s2;
	s0 =	ssub.s32 $0x2, s0  }
0x6: {  	s21 =	simm.s32 $0x3;
	s3 =	smul.u32 $0x186, s2;
	s29 =	sshrl.u32 s0, $0x1  }
0x7: {  	[smem:$0x7FF] =	sst s5;
	s2 =	smin.u32 s2, $0x14;
	s0 =	ssub.s32 s0, s29  }
0x8: {  	_ =	strace $0x80000047;
	s2 =	sadd.s32 s2, s3;
	s0 =	smax.u32 s0, $0x1  }
0x9: {  	s6 =	sshll.u32 s2, $0x3;
	s2 =	sshll.u32 s2, $0xA;
	[dreg:$0x8] =	wrdreg s0  }
.Ltmp0:
0xa: {  	s2 =	sadd.s32 s1, s2;
	s8 =	sadd.s32 $0xC30, s6;
	(pc) =	sbr.rel .LBB2_1-.Ltmp0, $4  }
0xb: {  	[dreg:$0x4] =	wrdreg s2;
	s2 =	sadd.s32 $0xC00, s2;
	s30 =	sshll.u32 s8, $0x7  }
0xc: {  	s22 =	simm.s32 $0x4;
	[dreg:$0x5] =	wrdreg s2;
	s31 =	sadd.s32 s1, s30  }
0xd: {  	s23 =	simm.s32 $0x0;
	s2 =	sadd.s32 s4, s30;
	[dreg:$0x6] =	wrdreg s31  }
0xe: {  	p0 =	sgt.u32 s7, $0x9;
	s10 =	sadd.s32 $0x18, s6;
	v0 =	vmov s8;
	[dreg:$0x7] =	wrdreg s2  }
.LBB2_134:
0xf: {  	s0 =	rddreg [dreg:$0x7]  }
0x10: {  	[hbm4b:s0+s5] =	stream.linear.scatter [tilespmem:s18], [sflag:$0x5], $0x2000, $0x38;
	[tilespmem:$0x18400] =	vst v63  }
0x11: {  	_ =	swait.ge [sflag:s14], $0x2000  }
0x12: {  	[sflag:s14] =	ssyncset.done $0x0  }
0x13: {  	[sflag:s14] =	ssyncadd.s32 $0xFFFFE000  }
.LBB2_135:
0x14: {  	s23 =	sadd.s32 $0x1, s23;
	s0 =	rddreg [dreg:$0x8]  }
0x15: {  	p1 =	sne.s32 s23, s0  }
.Ltmp1:
0x16: {  	_ = 	snop;
	(pc) =	sbr.rel @!p1 .LBB2_136-.Ltmp1, $1  }
0x17: {  	_ =	sdelay $0x3  }
.LBB2_1:
0x18: {  	s0 =	rddreg [dreg:$0x1]  }
0x19: {  	[tilespmem:s5], [sflag:$0x5] =	stream.linear.gather [hbm4b:s0+s5], $0x400, $0x38;
	[tilespmem:$0x18400] =	vst v63  }
0x1a: {  	_ =	swait.ge [sflag:s14], $0x400  }
.Ltmp2:
0x1b: {  	[sflag:s14] =	ssyncset.done $0x0;
	(pc) =	sbr.rel .LBB2_2-.Ltmp2, $4  }
0x1c: {  	s2 =	simm.s32 $0x400;
	s29 =	rddreg [dreg:$0x4];
	[sflag:s14] =	ssyncadd.s32 $0xFFFFFC00  }
0x1d: {  	[tilespmem:s2], [sflag:$0x1] =	stream.linear.gather [hbm4b:s29+s5], $0x6000, $0x38;
	[tilespmem:$0x18400] =	vst v63  }
0x1e: {  	s31 =	simm.s32 $0x6400;
	s24 =	simm.s32 $0x0;
	s30 =	rddreg [dreg:$0x5]  }
0x1f: {  	[tilespmem:s31], [sflag:$0x2] =	stream.linear.gather [hbm4b:s30+s5], $0x6000, $0x38;
	[tilespmem:$0x18400] =	vst v63  }
.LBB2_110:
0x20: {  	s0 =	sshll.u32 @!p2 s25, $0x7;
	s24 =	sadd.s32 $0x1, s24  }
0x21: {  	s0 =	sand.u32 @!p2 $0x1FFFFF80, s0;
	p1 =	sne.s32 s24, $0x41  }
.Ltmp3:
0x22: {  	s2 =	simm.s32 @!p2 $0x0;
	s0 =	sadd.s32 @!p2 s1, s0;
	(pc) =	sbr.rel @!p1 .LBB2_111-.Ltmp3, $4  }
0x23: {  	s3 =	simm.s32 @!p2 $0x6400;
	s31 =	sshll.u32 s25, $0x7;
	s0 =	sadd.s32 @!p2 $0x1800, s0  }
0x24: {  	[tilespmem:s3], [sflag:$0x2] =	stream.linear.gather @!p2 [hbm4b:s0+s2], $0x6000, $0x38;
	[tilespmem:$0x18400] =	vst v63  }
0x25: {  	s0 =	sadd.s32 s4, s31  }
0x26: {  	[hbm4b:s0+s5] =	stream.linear.scatter [tilespmem:s20], [sflag:$0x4], $0x6000, $0x38;
	[tilespmem:$0x18400] =	vst v63  }
.LBB2_2:
0x27: {  	_ =	swait.ge [sflag:s17], $0x6000  }
0x28: {  	p1 =	seq.s32 s24, $0x0;
	[sflag:s17] =	ssyncset.done $0x0  }
0x29: {  	s0 =	simm.s32 @!p1 $0x3;
	[sflag:s17] =	ssyncadd.s32 $0xFFFFA000  }
0x2a: {  	_ =	swait.ge @!p1 [sflag:s0], $0x6000  }
0x2b: {  	[sflag:s0] =	ssyncset.done @!p1 $0x0  }
0x2c: {  	s31 =	simm.s32 $0x440;
	[sflag:s0] =	ssyncadd.s32 @!p1 $0xFFFFA000  }
0x2d: {  	v4 =	vld [tilespmem:s31+$0x30]  }
0x2e: {  	v5 =	vld [tilespmem:s31+$0xFFFFFFD0]  }
0x2f: {  	v7 =	vld [tilespmem:s31+$0xFFFFFFE0]  }
0x30: {  	v3 =	vld [tilespmem:s31+$0xFFFFFFF0]  }
0x31: {  	v2 =	vld [tilespmem:s31+$0x0]  }
0x32: {  	s25 =	smul.u32 $0x30, s24;
	v1 =	vld [tilespmem:s31+$0x10];
	v8 =	vmul.f32 $6.400000000e+01, v4  }
0x33: {  	s3 =	simm.s32 $0xC440;
	s9 =	simm.s32 $0x0;
	s11 =	simm.s32 $0x840;
	v4 =	vld [tilespmem:s31+$0x20];
	v6 =	vmul.f32 $6.400000000e+01, v5  }
0x34: {  	s2 =	simm.s32 $0x4F0;
	s26 =	sadd.s32 s6, s25;
	s0 =	simm.s32 $0xC4F0;
	v5 =	vld [tilespmem:s31+$0xFFFFFFC0];
	v7 =	vmul.f32 $6.400000000e+01, v7;
	[tilespmem:s3+$0x30] =	vst v8  }
.LBB2_3:
0x35: {  	v8 =	vld [tilespmem:s11+$0x30];
	s9 =	sadd.s32 $0x8, s9;
	[tilespmem:s3+$0xFFFFFFD0] =	vst v6;
	v3 =	vmul.f32 $6.400000000e+01, v3  }
0x36: {  	v6 =	vld [tilespmem:s11+$0xFFFFFFD0];
	p2 =	slt.u32 s9, $0x38;
	[tilespmem:s3+$0xFFFFFFE0] =	vst v7;
	v2 =	vmul.f32 $6.400000000e+01, v2  }
0x37: {  	v7 =	vld [tilespmem:s11+$0xFFFFFFE0];
	[tilespmem:s3+$0xFFFFFFF0] =	vst v3;
	v1 =	vmul.f32 $6.400000000e+01, v1  }
.Ltmp4:
0x38: {  	v3 =	vld [tilespmem:s11+$0xFFFFFFF0];
	[tilespmem:s3+$0x0] =	vst v2;
	v4 =	vmul.f32 $6.400000000e+01, v4;
	(pc) =	sbr.rel @p2 .LBB2_3-.Ltmp4, $4  }
0x39: {  	v2 =	vld [tilespmem:s11+$0x0];
	v5 =	vmul.f32 $6.400000000e+01, v5;
	[tilespmem:s3+$0x10] =	vst v1  }
0x3a: {  	v1 =	vld [tilespmem:s11+$0x10];
	v8 =	vmul.f32 $6.400000000e+01, v8;
	[tilespmem:s3+$0x20] =	vst v4  }
0x3b: {  	v6 =	vmul.f32 $6.400000000e+01, v6;
	v4 =	vld [tilespmem:s11+$0x20];
	[tilespmem:s3+$0xFFFFFFC0] =	vst v5;
	s3 =	sadd.s32 $0x400, s3  }
0x3c: {  	v5 =	vld [tilespmem:s11+$0xFFFFFFC0];
	v7 =	vmul.f32 $6.400000000e+01, v7;
	[tilespmem:s3+$0x30] =	vst v8;
	s11 =	sadd.s32 $0x400, s11  }
0x3d: {  	[tilespmem:s3+$0xFFFFFFD0] =	vst v6;
	v3 =	vmul.f32 $6.400000000e+01, v3  }
0x3e: {  	[tilespmem:s3+$0xFFFFFFE0] =	vst v7;
	v2 =	vmul.f32 $6.400000000e+01, v2  }
0x3f: {  	[tilespmem:s3+$0xFFFFFFF0] =	vst v3;
	v1 =	vmul.f32 $6.400000000e+01, v1  }
0x40: {  	[tilespmem:s3+$0x0] =	vst v2;
	v2 =	vmul.f32 $6.400000000e+01, v4  }
0x41: {  	v3 =	vmul.f32 $6.400000000e+01, v5;
	[tilespmem:s3+$0x10] =	vst v1  }
0x42: {  	[tilespmem:s3+$0x20] =	vst v2  }
0x43: {  	[tilespmem:s3+$0xFFFFFFC0] =	vst v3  }
0x44: {  	v3 =	vld [tilespmem:s2+$0x0]  }
0x45: {  	v5 =	vld [tilespmem:s2+$0xFFFFFFA0]  }
0x46: {  	v7 =	vld [tilespmem:s2+$0xFFFFFFB0]  }
0x47: {  	v4 =	vld [tilespmem:s2+$0xFFFFFFC0]  }
0x48: {  	v2 =	vld [tilespmem:s2+$0xFFFFFFD0]  }
0x49: {  	v1 =	vld [tilespmem:s2+$0xFFFFFFE0];
	v8 =	vmul.f32 $6.400000000e+01, v3  }
0x4a: {  	s9 =	simm.s32 $0x0;
	v3 =	vld [tilespmem:s2+$0xFFFFFFF0];
	v6 =	vmul.f32 $6.400000000e+01, v5  }
0x4b: {  	s11 =	simm.s32 $0x8F0;
	s3 =	simm.s32 $0x570;
	v5 =	vld [tilespmem:s2+$0xFFFFFF90];
	v7 =	vmul.f32 $6.400000000e+01, v7;
	s2 =	simm.s32 $0xC570;
	[tilespmem:s0+$0x0] =	vst v8  }
.LBB2_5:
0x4c: {  	v8 =	vld [tilespmem:s11+$0x0];
	s9 =	sadd.s32 $0x8, s9;
	[tilespmem:s0+$0xFFFFFFA0] =	vst v6;
	v4 =	vmul.f32 $6.400000000e+01, v4  }
0x4d: {  	v6 =	vld [tilespmem:s11+$0xFFFFFFA0];
	p2 =	slt.u32 s9, $0x38;
	[tilespmem:s0+$0xFFFFFFB0] =	vst v7;
	v2 =	vmul.f32 $6.400000000e+01, v2  }
0x4e: {  	v7 =	vld [tilespmem:s11+$0xFFFFFFB0];
	[tilespmem:s0+$0xFFFFFFC0] =	vst v4;
	v1 =	vmul.f32 $6.400000000e+01, v1  }
.Ltmp5:
0x4f: {  	v4 =	vld [tilespmem:s11+$0xFFFFFFC0];
	[tilespmem:s0+$0xFFFFFFD0] =	vst v2;
	v3 =	vmul.f32 $6.400000000e+01, v3;
	(pc) =	sbr.rel @p2 .LBB2_5-.Ltmp5, $4  }
0x50: {  	v2 =	vld [tilespmem:s11+$0xFFFFFFD0];
	v5 =	vmul.f32 $6.400000000e+01, v5;
	[tilespmem:s0+$0xFFFFFFE0] =	vst v1  }
0x51: {  	v1 =	vld [tilespmem:s11+$0xFFFFFFE0];
	v8 =	vmul.f32 $6.400000000e+01, v8;
	[tilespmem:s0+$0xFFFFFFF0] =	vst v3  }
0x52: {  	v6 =	vmul.f32 $6.400000000e+01, v6;
	v3 =	vld [tilespmem:s11+$0xFFFFFFF0];
	[tilespmem:s0+$0xFFFFFF90] =	vst v5;
	s0 =	sadd.s32 $0x400, s0  }
0x53: {  	v5 =	vld [tilespmem:s11+$0xFFFFFF90];
	v7 =	vmul.f32 $6.400000000e+01, v7;
	[tilespmem:s0+$0x0] =	vst v8;
	s11 =	sadd.s32 $0x400, s11  }
0x54: {  	[tilespmem:s0+$0xFFFFFFA0] =	vst v6;
	v4 =	vmul.f32 $6.400000000e+01, v4  }
0x55: {  	[tilespmem:s0+$0xFFFFFFB0] =	vst v7;
	v2 =	vmul.f32 $6.400000000e+01, v2  }
0x56: {  	[tilespmem:s0+$0xFFFFFFC0] =	vst v4;
	v1 =	vmul.f32 $6.400000000e+01, v1  }
0x57: {  	[tilespmem:s0+$0xFFFFFFD0] =	vst v2;
	v2 =	vmul.f32 $6.400000000e+01, v3  }
0x58: {  	v3 =	vmul.f32 $6.400000000e+01, v5;
	[tilespmem:s0+$0xFFFFFFE0] =	vst v1  }
0x59: {  	[tilespmem:s0+$0xFFFFFFF0] =	vst v2  }
0x5a: {  	[tilespmem:s0+$0xFFFFFF90] =	vst v3  }
0x5b: {  	v3 =	vld [tilespmem:s3+$0x0]  }
0x5c: {  	v5 =	vld [tilespmem:s3+$0xFFFFFFA0]  }
0x5d: {  	v7 =	vld [tilespmem:s3+$0xFFFFFFB0]  }
0x5e: {  	v4 =	vld [tilespmem:s3+$0xFFFFFFC0]  }
0x5f: {  	v2 =	vld [tilespmem:s3+$0xFFFFFFD0]  }
0x60: {  	v1 =	vld [tilespmem:s3+$0xFFFFFFE0];
	v8 =	vmul.f32 $6.400000000e+01, v3  }
0x61: {  	s11 =	simm.s32 $0x0;
	v3 =	vld [tilespmem:s3+$0xFFFFFFF0];
	v6 =	vmul.f32 $6.400000000e+01, v5  }
0x62: {  	s9 =	simm.s32 $0x5F0;
	s0 =	simm.s32 $0xC5F0;
	v5 =	vld [tilespmem:s3+$0xFFFFFF90];
	v7 =	vmul.f32 $6.400000000e+01, v7;
	s3 =	simm.s32 $0x970;
	[tilespmem:s2+$0x0] =	vst v8  }
.LBB2_7:
0x63: {  	v8 =	vld [tilespmem:s3+$0x0];
	s11 =	sadd.s32 $0x8, s11;
	[tilespmem:s2+$0xFFFFFFA0] =	vst v6;
	v4 =	vmul.f32 $6.400000000e+01, v4  }
0x64: {  	v6 =	vld [tilespmem:s3+$0xFFFFFFA0];
	p2 =	slt.u32 s11, $0x38;
	[tilespmem:s2+$0xFFFFFFB0] =	vst v7;
	v2 =	vmul.f32 $6.400000000e+01, v2  }
0x65: {  	v7 =	vld [tilespmem:s3+$0xFFFFFFB0];
	[tilespmem:s2+$0xFFFFFFC0] =	vst v4;
	v1 =	vmul.f32 $6.400000000e+01, v1  }
.Ltmp6:
0x66: {  	v4 =	vld [tilespmem:s3+$0xFFFFFFC0];
	[tilespmem:s2+$0xFFFFFFD0] =	vst v2;
	v3 =	vmul.f32 $6.400000000e+01, v3;
	(pc) =	sbr.rel @p2 .LBB2_7-.Ltmp6, $4  }
0x67: {  	v2 =	vld [tilespmem:s3+$0xFFFFFFD0];
	v5 =	vmul.f32 $6.400000000e+01, v5;
	[tilespmem:s2+$0xFFFFFFE0] =	vst v1  }
0x68: {  	v1 =	vld [tilespmem:s3+$0xFFFFFFE0];
	v8 =	vmul.f32 $6.400000000e+01, v8;
	[tilespmem:s2+$0xFFFFFFF0] =	vst v3  }
0x69: {  	v6 =	vmul.f32 $6.400000000e+01, v6;
	v3 =	vld [tilespmem:s3+$0xFFFFFFF0];
	[tilespmem:s2+$0xFFFFFF90] =	vst v5;
	s2 =	sadd.s32 $0x400, s2  }
0x6a: {  	v5 =	vld [tilespmem:s3+$0xFFFFFF90];
	v7 =	vmul.f32 $6.400000000e+01, v7;
	[tilespmem:s2+$0x0] =	vst v8;
	s3 =	sadd.s32 $0x400, s3  }
0x6b: {  	[tilespmem:s2+$0xFFFFFFA0] =	vst v6;
	v4 =	vmul.f32 $6.400000000e+01, v4  }
0x6c: {  	[tilespmem:s2+$0xFFFFFFB0] =	vst v7;
	v2 =	vmul.f32 $6.400000000e+01, v2  }
0x6d: {  	[tilespmem:s2+$0xFFFFFFC0] =	vst v4;
	v1 =	vmul.f32 $6.400000000e+01, v1  }
0x6e: {  	[tilespmem:s2+$0xFFFFFFD0] =	vst v2;
	v2 =	vmul.f32 $6.400000000e+01, v3  }
0x6f: {  	v3 =	vmul.f32 $6.400000000e+01, v5;
	[tilespmem:s2+$0xFFFFFFE0] =	vst v1  }
0x70: {  	[tilespmem:s2+$0xFFFFFFF0] =	vst v2  }
0x71: {  	[tilespmem:s2+$0xFFFFFF90] =	vst v3  }
0x72: {  	v3 =	vld [tilespmem:s9+$0x0]  }
0x73: {  	v5 =	vld [tilespmem:s9+$0xFFFFFFA0]  }
0x74: {  	v7 =	vld [tilespmem:s9+$0xFFFFFFB0]  }
0x75: {  	v4 =	vld [tilespmem:s9+$0xFFFFFFC0]  }
0x76: {  	v2 =	vld [tilespmem:s9+$0xFFFFFFD0]  }
0x77: {  	v1 =	vld [tilespmem:s9+$0xFFFFFFE0];
	v8 =	vmul.f32 $6.400000000e+01, v3  }
0x78: {  	s11 =	simm.s32 $0x0;
	v3 =	vld [tilespmem:s9+$0xFFFFFFF0];
	v6 =	vmul.f32 $6.400000000e+01, v5  }
0x79: {  	s3 =	simm.s32 $0x670;
	s2 =	simm.s32 $0xC670;
	v5 =	vld [tilespmem:s9+$0xFFFFFF90];
	v7 =	vmul.f32 $6.400000000e+01, v7;
	s9 =	simm.s32 $0x9F0;
	[tilespmem:s0+$0x0] =	vst v8  }
.LBB2_9:
0x7a: {  	v8 =	vld [tilespmem:s9+$0x0];
	s11 =	sadd.s32 $0x8, s11;
	[tilespmem:s0+$0xFFFFFFA0] =	vst v6;
	v4 =	vmul.f32 $6.400000000e+01, v4  }
0x7b: {  	v6 =	vld [tilespmem:s9+$0xFFFFFFA0];
	p2 =	slt.u32 s11, $0x38;
	[tilespmem:s0+$0xFFFFFFB0] =	vst v7;
	v2 =	vmul.f32 $6.400000000e+01, v2  }
0x7c: {  	v7 =	vld [tilespmem:s9+$0xFFFFFFB0];
	[tilespmem:s0+$0xFFFFFFC0] =	vst v4;
	v1 =	vmul.f32 $6.400000000e+01, v1  }
.Ltmp7:
0x7d: {  	v4 =	vld [tilespmem:s9+$0xFFFFFFC0];
	[tilespmem:s0+$0xFFFFFFD0] =	vst v2;
	v3 =	vmul.f32 $6.400000000e+01, v3;
	(pc) =	sbr.rel @p2 .LBB2_9-.Ltmp7, $4  }
0x7e: {  	v2 =	vld [tilespmem:s9+$0xFFFFFFD0];
	v5 =	vmul.f32 $6.400000000e+01, v5;
	[tilespmem:s0+$0xFFFFFFE0] =	vst v1  }
0x7f: {  	v1 =	vld [tilespmem:s9+$0xFFFFFFE0];
	v8 =	vmul.f32 $6.400000000e+01, v8;
	[tilespmem:s0+$0xFFFFFFF0] =	vst v3  }
0x80: {  	v6 =	vmul.f32 $6.400000000e+01, v6;
	v3 =	vld [tilespmem:s9+$0xFFFFFFF0];
	[tilespmem:s0+$0xFFFFFF90] =	vst v5;
	s0 =	sadd.s32 $0x400, s0  }
0x81: {  	v5 =	vld [tilespmem:s9+$0xFFFFFF90];
	v7 =	vmul.f32 $6.400000000e+01, v7;
	[tilespmem:s0+$0x0] =	vst v8;
	s9 =	sadd.s32 $0x400, s9  }
0x82: {  	[tilespmem:s0+$0xFFFFFFA0] =	vst v6;
	v4 =	vmul.f32 $6.400000000e+01, v4  }
0x83: {  	[tilespmem:s0+$0xFFFFFFB0] =	vst v7;
	v2 =	vmul.f32 $6.400000000e+01, v2  }
0x84: {  	[tilespmem:s0+$0xFFFFFFC0] =	vst v4;
	v1 =	vmul.f32 $6.400000000e+01, v1  }
0x85: {  	[tilespmem:s0+$0xFFFFFFD0] =	vst v2;
	v2 =	vmul.f32 $6.400000000e+01, v3  }
0x86: {  	v3 =	vmul.f32 $6.400000000e+01, v5;
	[tilespmem:s0+$0xFFFFFFE0] =	vst v1  }
0x87: {  	[tilespmem:s0+$0xFFFFFFF0] =	vst v2  }
0x88: {  	[tilespmem:s0+$0xFFFFFF90] =	vst v3  }
0x89: {  	v3 =	vld [tilespmem:s3+$0x0]  }
0x8a: {  	v5 =	vld [tilespmem:s3+$0xFFFFFFA0]  }
0x8b: {  	v7 =	vld [tilespmem:s3+$0xFFFFFFB0]  }
0x8c: {  	v4 =	vld [tilespmem:s3+$0xFFFFFFC0]  }
0x8d: {  	v2 =	vld [tilespmem:s3+$0xFFFFFFD0]  }
0x8e: {  	v1 =	vld [tilespmem:s3+$0xFFFFFFE0];
	v8 =	vmul.f32 $6.400000000e+01, v3  }
0x8f: {  	s9 =	simm.s32 $0x0;
	v3 =	vld [tilespmem:s3+$0xFFFFFFF0];
	v6 =	vmul.f32 $6.400000000e+01, v5  }
0x90: {  	s11 =	simm.s32 $0xA70;
	s0 =	simm.s32 $0xC6F0;
	v5 =	vld [tilespmem:s3+$0xFFFFFF90];
	v7 =	vmul.f32 $6.400000000e+01, v7;
	s3 =	simm.s32 $0x6F0;
	[tilespmem:s2+$0x0] =	vst v8  }
.LBB2_11:
0x91: {  	v8 =	vld [tilespmem:s11+$0x0];
	s9 =	sadd.s32 $0x8, s9;
	[tilespmem:s2+$0xFFFFFFA0] =	vst v6;
	v4 =	vmul.f32 $6.400000000e+01, v4  }
0x92: {  	v6 =	vld [tilespmem:s11+$0xFFFFFFA0];
	p2 =	slt.u32 s9, $0x38;
	[tilespmem:s2+$0xFFFFFFB0] =	vst v7;
	v2 =	vmul.f32 $6.400000000e+01, v2  }
0x93: {  	v7 =	vld [tilespmem:s11+$0xFFFFFFB0];
	[tilespmem:s2+$0xFFFFFFC0] =	vst v4;
	v1 =	vmul.f32 $6.400000000e+01, v1  }
.Ltmp8:
0x94: {  	v4 =	vld [tilespmem:s11+$0xFFFFFFC0];
	[tilespmem:s2+$0xFFFFFFD0] =	vst v2;
	v3 =	vmul.f32 $6.400000000e+01, v3;
	(pc) =	sbr.rel @p2 .LBB2_11-.Ltmp8, $4  }
0x95: {  	v2 =	vld [tilespmem:s11+$0xFFFFFFD0];
	v5 =	vmul.f32 $6.400000000e+01, v5;
	[tilespmem:s2+$0xFFFFFFE0] =	vst v1  }
0x96: {  	v1 =	vld [tilespmem:s11+$0xFFFFFFE0];
	v8 =	vmul.f32 $6.400000000e+01, v8;
	[tilespmem:s2+$0xFFFFFFF0] =	vst v3  }
0x97: {  	v6 =	vmul.f32 $6.400000000e+01, v6;
	v3 =	vld [tilespmem:s11+$0xFFFFFFF0];
	[tilespmem:s2+$0xFFFFFF90] =	vst v5;
	s2 =	sadd.s32 $0x400, s2  }
0x98: {  	v5 =	vld [tilespmem:s11+$0xFFFFFF90];
	v7 =	vmul.f32 $6.400000000e+01, v7;
	[tilespmem:s2+$0x0] =	vst v8;
	s11 =	sadd.s32 $0x400, s11  }
0x99: {  	[tilespmem:s2+$0xFFFFFFA0] =	vst v6;
	v4 =	vmul.f32 $6.400000000e+01, v4  }
0x9a: {  	[tilespmem:s2+$0xFFFFFFB0] =	vst v7;
	v2 =	vmul.f32 $6.400000000e+01, v2  }
0x9b: {  	[tilespmem:s2+$0xFFFFFFC0] =	vst v4;
	v1 =	vmul.f32 $6.400000000e+01, v1  }
0x9c: {  	[tilespmem:s2+$0xFFFFFFD0] =	vst v2;
	v2 =	vmul.f32 $6.400000000e+01, v3  }
0x9d: {  	v3 =	vmul.f32 $6.400000000e+01, v5;
	[tilespmem:s2+$0xFFFFFFE0] =	vst v1  }
0x9e: {  	[tilespmem:s2+$0xFFFFFFF0] =	vst v2  }
0x9f: {  	[tilespmem:s2+$0xFFFFFF90] =	vst v3  }
0xa0: {  	v3 =	vld [tilespmem:s3+$0x0]  }
0xa1: {  	v5 =	vld [tilespmem:s3+$0xFFFFFFA0]  }
0xa2: {  	v7 =	vld [tilespmem:s3+$0xFFFFFFB0]  }
0xa3: {  	v4 =	vld [tilespmem:s3+$0xFFFFFFC0]  }
0xa4: {  	v2 =	vld [tilespmem:s3+$0xFFFFFFD0]  }
0xa5: {  	v1 =	vld [tilespmem:s3+$0xFFFFFFE0];
	v8 =	vmul.f32 $6.400000000e+01, v3  }
0xa6: {  	s9 =	simm.s32 $0x0;
	v3 =	vld [tilespmem:s3+$0xFFFFFFF0];
	v6 =	vmul.f32 $6.400000000e+01, v5  }
0xa7: {  	s11 =	simm.s32 $0xAF0;
	s2 =	simm.s32 $0x770;
	v5 =	vld [tilespmem:s3+$0xFFFFFF90];
	v7 =	vmul.f32 $6.400000000e+01, v7;
	s3 =	simm.s32 $0xC770;
	[tilespmem:s0+$0x0] =	vst v8  }
.LBB2_13:
0xa8: {  	v8 =	vld [tilespmem:s11+$0x0];
	s9 =	sadd.s32 $0x8, s9;
	[tilespmem:s0+$0xFFFFFFA0] =	vst v6;
	v4 =	vmul.f32 $6.400000000e+01, v4  }
0xa9: {  	v6 =	vld [tilespmem:s11+$0xFFFFFFA0];
	p2 =	slt.u32 s9, $0x38;
	[tilespmem:s0+$0xFFFFFFB0] =	vst v7;
	v2 =	vmul.f32 $6.400000000e+01, v2  }
0xaa: {  	v7 =	vld [tilespmem:s11+$0xFFFFFFB0];
	[tilespmem:s0+$0xFFFFFFC0] =	vst v4;
	v1 =	vmul.f32 $6.400000000e+01, v1  }
.Ltmp9:
0xab: {  	v4 =	vld [tilespmem:s11+$0xFFFFFFC0];
	[tilespmem:s0+$0xFFFFFFD0] =	vst v2;
	v3 =	vmul.f32 $6.400000000e+01, v3;
	(pc) =	sbr.rel @p2 .LBB2_13-.Ltmp9, $4  }
0xac: {  	v2 =	vld [tilespmem:s11+$0xFFFFFFD0];
	v5 =	vmul.f32 $6.400000000e+01, v5;
	[tilespmem:s0+$0xFFFFFFE0] =	vst v1  }
0xad: {  	v1 =	vld [tilespmem:s11+$0xFFFFFFE0];
	v8 =	vmul.f32 $6.400000000e+01, v8;
	[tilespmem:s0+$0xFFFFFFF0] =	vst v3  }
0xae: {  	v6 =	vmul.f32 $6.400000000e+01, v6;
	v3 =	vld [tilespmem:s11+$0xFFFFFFF0];
	[tilespmem:s0+$0xFFFFFF90] =	vst v5;
	s0 =	sadd.s32 $0x400, s0  }
0xaf: {  	v5 =	vld [tilespmem:s11+$0xFFFFFF90];
	v7 =	vmul.f32 $6.400000000e+01, v7;
	[tilespmem:s0+$0x0] =	vst v8;
	s11 =	sadd.s32 $0x400, s11  }
0xb0: {  	[tilespmem:s0+$0xFFFFFFA0] =	vst v6;
	v4 =	vmul.f32 $6.400000000e+01, v4  }
0xb1: {  	[tilespmem:s0+$0xFFFFFFB0] =	vst v7;
	v2 =	vmul.f32 $6.400000000e+01, v2  }
0xb2: {  	[tilespmem:s0+$0xFFFFFFC0] =	vst v4;
	v1 =	vmul.f32 $6.400000000e+01, v1  }
0xb3: {  	[tilespmem:s0+$0xFFFFFFD0] =	vst v2;
	v2 =	vmul.f32 $6.400000000e+01, v3  }
0xb4: {  	v3 =	vmul.f32 $6.400000000e+01, v5;
	[tilespmem:s0+$0xFFFFFFE0] =	vst v1  }
0xb5: {  	[tilespmem:s0+$0xFFFFFFF0] =	vst v2  }
0xb6: {  	[tilespmem:s0+$0xFFFFFF90] =	vst v3  }
0xb7: {  	v3 =	vld [tilespmem:s2+$0x0]  }
0xb8: {  	v5 =	vld [tilespmem:s2+$0xFFFFFFA0]  }
0xb9: {  	v7 =	vld [tilespmem:s2+$0xFFFFFFB0]  }
0xba: {  	v4 =	vld [tilespmem:s2+$0xFFFFFFC0]  }
0xbb: {  	v2 =	vld [tilespmem:s2+$0xFFFFFFD0]  }
0xbc: {  	v1 =	vld [tilespmem:s2+$0xFFFFFFE0];
	v8 =	vmul.f32 $6.400000000e+01, v3  }
0xbd: {  	s11 =	simm.s32 $0xB70;
	v3 =	vld [tilespmem:s2+$0xFFFFFFF0];
	v6 =	vmul.f32 $6.400000000e+01, v5  }
0xbe: {  	s9 =	simm.s32 $0x7F0;
	s0 =	simm.s32 $0x0;
	v5 =	vld [tilespmem:s2+$0xFFFFFF90];
	v7 =	vmul.f32 $6.400000000e+01, v7;
	s2 =	simm.s32 $0xC7F0;
	[tilespmem:s3+$0x0] =	vst v8  }
.LBB2_15:
0xbf: {  	v8 =	vld [tilespmem:s11+$0x0];
	s0 =	sadd.s32 $0x8, s0;
	[tilespmem:s3+$0xFFFFFFA0] =	vst v6;
	v4 =	vmul.f32 $6.400000000e+01, v4  }
0xc0: {  	v6 =	vld [tilespmem:s11+$0xFFFFFFA0];
	p2 =	slt.u32 s0, $0x38;
	[tilespmem:s3+$0xFFFFFFB0] =	vst v7;
	v2 =	vmul.f32 $6.400000000e+01, v2  }
0xc1: {  	v7 =	vld [tilespmem:s11+$0xFFFFFFB0];
	[tilespmem:s3+$0xFFFFFFC0] =	vst v4;
	v1 =	vmul.f32 $6.400000000e+01, v1  }
.Ltmp10:
0xc2: {  	v4 =	vld [tilespmem:s11+$0xFFFFFFC0];
	[tilespmem:s3+$0xFFFFFFD0] =	vst v2;
	v3 =	vmul.f32 $6.400000000e+01, v3;
	(pc) =	sbr.rel @p2 .LBB2_15-.Ltmp10, $4  }
0xc3: {  	v2 =	vld [tilespmem:s11+$0xFFFFFFD0];
	v5 =	vmul.f32 $6.400000000e+01, v5;
	[tilespmem:s3+$0xFFFFFFE0] =	vst v1  }
0xc4: {  	v1 =	vld [tilespmem:s11+$0xFFFFFFE0];
	v8 =	vmul.f32 $6.400000000e+01, v8;
	[tilespmem:s3+$0xFFFFFFF0] =	vst v3  }
0xc5: {  	v6 =	vmul.f32 $6.400000000e+01, v6;
	v3 =	vld [tilespmem:s11+$0xFFFFFFF0];
	[tilespmem:s3+$0xFFFFFF90] =	vst v5;
	s3 =	sadd.s32 $0x400, s3  }
0xc6: {  	v5 =	vld [tilespmem:s11+$0xFFFFFF90];
	v7 =	vmul.f32 $6.400000000e+01, v7;
	[tilespmem:s3+$0x0] =	vst v8;
	s11 =	sadd.s32 $0x400, s11  }
0xc7: {  	[tilespmem:s3+$0xFFFFFFA0] =	vst v6;
	v4 =	vmul.f32 $6.400000000e+01, v4  }
0xc8: {  	[tilespmem:s3+$0xFFFFFFB0] =	vst v7;
	v2 =	vmul.f32 $6.400000000e+01, v2  }
0xc9: {  	[tilespmem:s3+$0xFFFFFFC0] =	vst v4;
	v1 =	vmul.f32 $6.400000000e+01, v1  }
0xca: {  	[tilespmem:s3+$0xFFFFFFD0] =	vst v2;
	v2 =	vmul.f32 $6.400000000e+01, v3  }
0xcb: {  	v3 =	vmul.f32 $6.400000000e+01, v5;
	[tilespmem:s3+$0xFFFFFFE0] =	vst v1  }
0xcc: {  	[tilespmem:s3+$0xFFFFFFF0] =	vst v2  }
0xcd: {  	[tilespmem:s3+$0xFFFFFF90] =	vst v3  }
0xce: {  	v3 =	vld [tilespmem:s9+$0x0]  }
0xcf: {  	v5 =	vld [tilespmem:s9+$0xFFFFFFA0]  }
0xd0: {  	v7 =	vld [tilespmem:s9+$0xFFFFFFB0]  }
0xd1: {  	v4 =	vld [tilespmem:s9+$0xFFFFFFC0]  }
0xd2: {  	v2 =	vld [tilespmem:s9+$0xFFFFFFD0]  }
0xd3: {  	v1 =	vld [tilespmem:s9+$0xFFFFFFE0];
	v8 =	vmul.f32 $6.400000000e+01, v3  }
0xd4: {  	s11 =	simm.s32 $0x0;
	v3 =	vld [tilespmem:s9+$0xFFFFFFF0];
	v6 =	vmul.f32 $6.400000000e+01, v5  }
0xd5: {  	s0 =	simm.s32 $0xE470;
	s3 =	simm.s32 $0x2470;
	v5 =	vld [tilespmem:s9+$0xFFFFFF90];
	v7 =	vmul.f32 $6.400000000e+01, v7;
	s9 =	simm.s32 $0xBF0;
	[tilespmem:s2+$0x0] =	vst v8  }
.LBB2_17:
0xd6: {  	v8 =	vld [tilespmem:s9+$0x0];
	s11 =	sadd.s32 $0x8, s11;
	[tilespmem:s2+$0xFFFFFFA0] =	vst v6;
	v4 =	vmul.f32 $6.400000000e+01, v4  }
0xd7: {  	v6 =	vld [tilespmem:s9+$0xFFFFFFA0];
	p2 =	slt.u32 s11, $0x38;
	[tilespmem:s2+$0xFFFFFFB0] =	vst v7;
	v2 =	vmul.f32 $6.400000000e+01, v2  }
0xd8: {  	v7 =	vld [tilespmem:s9+$0xFFFFFFB0];
	[tilespmem:s2+$0xFFFFFFC0] =	vst v4;
	v1 =	vmul.f32 $6.400000000e+01, v1  }
.Ltmp11:
0xd9: {  	v4 =	vld [tilespmem:s9+$0xFFFFFFC0];
	[tilespmem:s2+$0xFFFFFFD0] =	vst v2;
	v3 =	vmul.f32 $6.400000000e+01, v3;
	(pc) =	sbr.rel @p2 .LBB2_17-.Ltmp11, $4  }
0xda: {  	v2 =	vld [tilespmem:s9+$0xFFFFFFD0];
	v5 =	vmul.f32 $6.400000000e+01, v5;
	[tilespmem:s2+$0xFFFFFFE0] =	vst v1  }
0xdb: {  	v1 =	vld [tilespmem:s9+$0xFFFFFFE0];
	v8 =	vmul.f32 $6.400000000e+01, v8;
	[tilespmem:s2+$0xFFFFFFF0] =	vst v3  }
0xdc: {  	v6 =	vmul.f32 $6.400000000e+01, v6;
	v3 =	vld [tilespmem:s9+$0xFFFFFFF0];
	[tilespmem:s2+$0xFFFFFF90] =	vst v5;
	s2 =	sadd.s32 $0x400, s2  }
0xdd: {  	v5 =	vld [tilespmem:s9+$0xFFFFFF90];
	v7 =	vmul.f32 $6.400000000e+01, v7;
	[tilespmem:s2+$0x0] =	vst v8;
	s9 =	sadd.s32 $0x400, s9  }
0xde: {  	[tilespmem:s2+$0xFFFFFFA0] =	vst v6;
	v4 =	vmul.f32 $6.400000000e+01, v4  }
0xdf: {  	[tilespmem:s2+$0xFFFFFFB0] =	vst v7;
	v2 =	vmul.f32 $6.400000000e+01, v2  }
0xe0: {  	[tilespmem:s2+$0xFFFFFFC0] =	vst v4;
	v1 =	vmul.f32 $6.400000000e+01, v1  }
0xe1: {  	[tilespmem:s2+$0xFFFFFFD0] =	vst v2;
	v2 =	vmul.f32 $6.400000000e+01, v3  }
0xe2: {  	v3 =	vmul.f32 $6.400000000e+01, v5;
	[tilespmem:s2+$0xFFFFFFE0] =	vst v1  }
0xe3: {  	[tilespmem:s2+$0xFFFFFFF0] =	vst v2  }
0xe4: {  	[tilespmem:s2+$0xFFFFFF90] =	vst v3  }
0xe5: {  	v3 =	vld [tilespmem:s3+$0x0]  }
0xe6: {  	v5 =	vld [tilespmem:s3+$0xFFFFFFA0]  }
0xe7: {  	v7 =	vld [tilespmem:s3+$0xFFFFFFB0]  }
0xe8: {  	v4 =	vld [tilespmem:s3+$0xFFFFFFC0]  }
0xe9: {  	v2 =	vld [tilespmem:s3+$0xFFFFFFD0]  }
0xea: {  	v1 =	vld [tilespmem:s3+$0xFFFFFFE0];
	v8 =	vmul.f32 $6.400000000e+01, v3  }
0xeb: {  	s9 =	simm.s32 $0x0;
	v3 =	vld [tilespmem:s3+$0xFFFFFFF0];
	v6 =	vmul.f32 $6.400000000e+01, v5  }
0xec: {  	s11 =	simm.s32 $0x2870;
	s2 =	simm.s32 $0xE4F0;
	v5 =	vld [tilespmem:s3+$0xFFFFFF90];
	v7 =	vmul.f32 $6.400000000e+01, v7;
	s3 =	simm.s32 $0x24F0;
	[tilespmem:s0+$0x0] =	vst v8  }
.LBB2_19:
0xed: {  	v8 =	vld [tilespmem:s11+$0x0];
	s9 =	sadd.s32 $0x8, s9;
	[tilespmem:s0+$0xFFFFFFA0] =	vst v6;
	v4 =	vmul.f32 $6.400000000e+01, v4  }
0xee: {  	v6 =	vld [tilespmem:s11+$0xFFFFFFA0];
	p2 =	slt.u32 s9, $0x38;
	[tilespmem:s0+$0xFFFFFFB0] =	vst v7;
	v2 =	vmul.f32 $6.400000000e+01, v2  }
0xef: {  	v7 =	vld [tilespmem:s11+$0xFFFFFFB0];
	[tilespmem:s0+$0xFFFFFFC0] =	vst v4;
	v1 =	vmul.f32 $6.400000000e+01, v1  }
.Ltmp12:
0xf0: {  	v4 =	vld [tilespmem:s11+$0xFFFFFFC0];
	[tilespmem:s0+$0xFFFFFFD0] =	vst v2;
	v3 =	vmul.f32 $6.400000000e+01, v3;
	(pc) =	sbr.rel @p2 .LBB2_19-.Ltmp12, $4  }
0xf1: {  	v2 =	vld [tilespmem:s11+$0xFFFFFFD0];
	v5 =	vmul.f32 $6.400000000e+01, v5;
	[tilespmem:s0+$0xFFFFFFE0] =	vst v1  }
0xf2: {  	v1 =	vld [tilespmem:s11+$0xFFFFFFE0];
	v8 =	vmul.f32 $6.400000000e+01, v8;
	[tilespmem:s0+$0xFFFFFFF0] =	vst v3  }
0xf3: {  	v6 =	vmul.f32 $6.400000000e+01, v6;
	v3 =	vld [tilespmem:s11+$0xFFFFFFF0];
	[tilespmem:s0+$0xFFFFFF90] =	vst v5;
	s0 =	sadd.s32 $0x400, s0  }
0xf4: {  	v5 =	vld [tilespmem:s11+$0xFFFFFF90];
	v7 =	vmul.f32 $6.400000000e+01, v7;
	[tilespmem:s0+$0x0] =	vst v8;
	s11 =	sadd.s32 $0x400, s11  }
0xf5: {  	[tilespmem:s0+$0xFFFFFFA0] =	vst v6;
	v4 =	vmul.f32 $6.400000000e+01, v4  }
0xf6: {  	[tilespmem:s0+$0xFFFFFFB0] =	vst v7;
	v2 =	vmul.f32 $6.400000000e+01, v2  }
0xf7: {  	[tilespmem:s0+$0xFFFFFFC0] =	vst v4;
	v1 =	vmul.f32 $6.400000000e+01, v1  }
0xf8: {  	[tilespmem:s0+$0xFFFFFFD0] =	vst v2;
	v2 =	vmul.f32 $6.400000000e+01, v3  }
0xf9: {  	v3 =	vmul.f32 $6.400000000e+01, v5;
	[tilespmem:s0+$0xFFFFFFE0] =	vst v1  }
0xfa: {  	[tilespmem:s0+$0xFFFFFFF0] =	vst v2  }
0xfb: {  	[tilespmem:s0+$0xFFFFFF90] =	vst v3  }
0xfc: {  	v3 =	vld [tilespmem:s3+$0x0]  }
0xfd: {  	v5 =	vld [tilespmem:s3+$0xFFFFFFA0]  }
0xfe: {  	v7 =	vld [tilespmem:s3+$0xFFFFFFB0]  }
0xff: {  	v4 =	vld [tilespmem:s3+$0xFFFFFFC0]  }
0x100: {  	v2 =	vld [tilespmem:s3+$0xFFFFFFD0]  }
0x101: {  	v1 =	vld [tilespmem:s3+$0xFFFFFFE0];
	v8 =	vmul.f32 $6.400000000e+01, v3  }
0x102: {  	s9 =	simm.s32 $0x0;
	v3 =	vld [tilespmem:s3+$0xFFFFFFF0];
	v6 =	vmul.f32 $6.400000000e+01, v5  }
0x103: {  	s11 =	simm.s32 $0x28F0;
	s0 =	simm.s32 $0xE570;
	v5 =	vld [tilespmem:s3+$0xFFFFFF90];
	v7 =	vmul.f32 $6.400000000e+01, v7;
	s3 =	simm.s32 $0x2570;
	[tilespmem:s2+$0x0] =	vst v8  }
.LBB2_21:
0x104: {  	v8 =	vld [tilespmem:s11+$0x0];
	s9 =	sadd.s32 $0x8, s9;
	[tilespmem:s2+$0xFFFFFFA0] =	vst v6;
	v4 =	vmul.f32 $6.400000000e+01, v4  }
0x105: {  	v6 =	vld [tilespmem:s11+$0xFFFFFFA0];
	p2 =	slt.u32 s9, $0x38;
	[tilespmem:s2+$0xFFFFFFB0] =	vst v7;
	v2 =	vmul.f32 $6.400000000e+01, v2  }
0x106: {  	v7 =	vld [tilespmem:s11+$0xFFFFFFB0];
	[tilespmem:s2+$0xFFFFFFC0] =	vst v4;
	v1 =	vmul.f32 $6.400000000e+01, v1  }
.Ltmp13:
0x107: {  	v4 =	vld [tilespmem:s11+$0xFFFFFFC0];
	[tilespmem:s2+$0xFFFFFFD0] =	vst v2;
	v3 =	vmul.f32 $6.400000000e+01, v3;
	(pc) =	sbr.rel @p2 .LBB2_21-.Ltmp13, $4  }
0x108: {  	v2 =	vld [tilespmem:s11+$0xFFFFFFD0];
	v5 =	vmul.f32 $6.400000000e+01, v5;
	[tilespmem:s2+$0xFFFFFFE0] =	vst v1  }
0x109: {  	v1 =	vld [tilespmem:s11+$0xFFFFFFE0];
	v8 =	vmul.f32 $6.400000000e+01, v8;
	[tilespmem:s2+$0xFFFFFFF0] =	vst v3  }
0x10a: {  	v6 =	vmul.f32 $6.400000000e+01, v6;
	v3 =	vld [tilespmem:s11+$0xFFFFFFF0];
	[tilespmem:s2+$0xFFFFFF90] =	vst v5;
	s2 =	sadd.s32 $0x400, s2  }
0x10b: {  	v5 =	vld [tilespmem:s11+$0xFFFFFF90];
	v7 =	vmul.f32 $6.400000000e+01, v7;
	[tilespmem:s2+$0x0] =	vst v8;
	s11 =	sadd.s32 $0x400, s11  }
0x10c: {  	[tilespmem:s2+$0xFFFFFFA0] =	vst v6;
	v4 =	vmul.f32 $6.400000000e+01, v4  }
0x10d: {  	[tilespmem:s2+$0xFFFFFFB0] =	vst v7;
	v2 =	vmul.f32 $6.400000000e+01, v2  }
0x10e: {  	[tilespmem:s2+$0xFFFFFFC0] =	vst v4;
	v1 =	vmul.f32 $6.400000000e+01, v1  }
0x10f: {  	[tilespmem:s2+$0xFFFFFFD0] =	vst v2;
	v2 =	vmul.f32 $6.400000000e+01, v3  }
0x110: {  	v3 =	vmul.f32 $6.400000000e+01, v5;
	[tilespmem:s2+$0xFFFFFFE0] =	vst v1  }
0x111: {  	[tilespmem:s2+$0xFFFFFFF0] =	vst v2  }
0x112: {  	[tilespmem:s2+$0xFFFFFF90] =	vst v3  }
0x113: {  	v3 =	vld [tilespmem:s3+$0x0]  }
0x114: {  	v5 =	vld [tilespmem:s3+$0xFFFFFFA0]  }
0x115: {  	v7 =	vld [tilespmem:s3+$0xFFFFFFB0]  }
0x116: {  	v4 =	vld [tilespmem:s3+$0xFFFFFFC0]  }
0x117: {  	v2 =	vld [tilespmem:s3+$0xFFFFFFD0]  }
0x118: {  	v1 =	vld [tilespmem:s3+$0xFFFFFFE0];
	v8 =	vmul.f32 $6.400000000e+01, v3  }
0x119: {  	s9 =	simm.s32 $0x0;
	v3 =	vld [tilespmem:s3+$0xFFFFFFF0];
	v6 =	vmul.f32 $6.400000000e+01, v5  }
0x11a: {  	s11 =	simm.s32 $0x2970;
	s2 =	simm.s32 $0xE5F0;
	v5 =	vld [tilespmem:s3+$0xFFFFFF90];
	v7 =	vmul.f32 $6.400000000e+01, v7;
	s3 =	simm.s32 $0x25F0;
	[tilespmem:s0+$0x0] =	vst v8  }
.LBB2_23:
0x11b: {  	v8 =	vld [tilespmem:s11+$0x0];
	s9 =	sadd.s32 $0x8, s9;
	[tilespmem:s0+$0xFFFFFFA0] =	vst v6;
	v4 =	vmul.f32 $6.400000000e+01, v4  }
0x11c: {  	v6 =	vld [tilespmem:s11+$0xFFFFFFA0];
	p2 =	slt.u32 s9, $0x38;
	[tilespmem:s0+$0xFFFFFFB0] =	vst v7;
	v2 =	vmul.f32 $6.400000000e+01, v2  }
0x11d: {  	v7 =	vld [tilespmem:s11+$0xFFFFFFB0];
	[tilespmem:s0+$0xFFFFFFC0] =	vst v4;
	v1 =	vmul.f32 $6.400000000e+01, v1  }
.Ltmp14:
0x11e: {  	v4 =	vld [tilespmem:s11+$0xFFFFFFC0];
	[tilespmem:s0+$0xFFFFFFD0] =	vst v2;
	v3 =	vmul.f32 $6.400000000e+01, v3;
	(pc) =	sbr.rel @p2 .LBB2_23-.Ltmp14, $4  }
0x11f: {  	v2 =	vld [tilespmem:s11+$0xFFFFFFD0];
	v5 =	vmul.f32 $6.400000000e+01, v5;
	[tilespmem:s0+$0xFFFFFFE0] =	vst v1  }
0x120: {  	v1 =	vld [tilespmem:s11+$0xFFFFFFE0];
	v8 =	vmul.f32 $6.400000000e+01, v8;
	[tilespmem:s0+$0xFFFFFFF0] =	vst v3  }
0x121: {  	v6 =	vmul.f32 $6.400000000e+01, v6;
	v3 =	vld [tilespmem:s11+$0xFFFFFFF0];
	[tilespmem:s0+$0xFFFFFF90] =	vst v5;
	s0 =	sadd.s32 $0x400, s0  }
0x122: {  	v5 =	vld [tilespmem:s11+$0xFFFFFF90];
	v7 =	vmul.f32 $6.400000000e+01, v7;
	[tilespmem:s0+$0x0] =	vst v8;
	s11 =	sadd.s32 $0x400, s11  }
0x123: {  	[tilespmem:s0+$0xFFFFFFA0] =	vst v6;
	v4 =	vmul.f32 $6.400000000e+01, v4  }
0x124: {  	[tilespmem:s0+$0xFFFFFFB0] =	vst v7;
	v2 =	vmul.f32 $6.400000000e+01, v2  }
0x125: {  	[tilespmem:s0+$0xFFFFFFC0] =	vst v4;
	v1 =	vmul.f32 $6.400000000e+01, v1  }
0x126: {  	[tilespmem:s0+$0xFFFFFFD0] =	vst v2;
	v2 =	vmul.f32 $6.400000000e+01, v3  }
0x127: {  	v3 =	vmul.f32 $6.400000000e+01, v5;
	[tilespmem:s0+$0xFFFFFFE0] =	vst v1  }
0x128: {  	[tilespmem:s0+$0xFFFFFFF0] =	vst v2  }
0x129: {  	[tilespmem:s0+$0xFFFFFF90] =	vst v3  }
0x12a: {  	v3 =	vld [tilespmem:s3+$0x0]  }
0x12b: {  	v5 =	vld [tilespmem:s3+$0xFFFFFFA0]  }
0x12c: {  	v7 =	vld [tilespmem:s3+$0xFFFFFFB0]  }
0x12d: {  	v4 =	vld [tilespmem:s3+$0xFFFFFFC0]  }
0x12e: {  	v2 =	vld [tilespmem:s3+$0xFFFFFFD0]  }
0x12f: {  	v1 =	vld [tilespmem:s3+$0xFFFFFFE0];
	v8 =	vmul.f32 $6.400000000e+01, v3  }
0x130: {  	s9 =	simm.s32 $0x0;
	v3 =	vld [tilespmem:s3+$0xFFFFFFF0];
	v6 =	vmul.f32 $6.400000000e+01, v5  }
0x131: {  	s11 =	simm.s32 $0x29F0;
	s0 =	simm.s32 $0xE670;
	v5 =	vld [tilespmem:s3+$0xFFFFFF90];
	v7 =	vmul.f32 $6.400000000e+01, v7;
	s3 =	simm.s32 $0x2670;
	[tilespmem:s2+$0x0] =	vst v8  }
.LBB2_25:
0x132: {  	v8 =	vld [tilespmem:s11+$0x0];
	s9 =	sadd.s32 $0x8, s9;
	[tilespmem:s2+$0xFFFFFFA0] =	vst v6;
	v4 =	vmul.f32 $6.400000000e+01, v4  }
0x133: {  	v6 =	vld [tilespmem:s11+$0xFFFFFFA0];
	p2 =	slt.u32 s9, $0x38;
	[tilespmem:s2+$0xFFFFFFB0] =	vst v7;
	v2 =	vmul.f32 $6.400000000e+01, v2  }
0x134: {  	v7 =	vld [tilespmem:s11+$0xFFFFFFB0];
	[tilespmem:s2+$0xFFFFFFC0] =	vst v4;
	v1 =	vmul.f32 $6.400000000e+01, v1  }
.Ltmp15:
0x135: {  	v4 =	vld [tilespmem:s11+$0xFFFFFFC0];
	[tilespmem:s2+$0xFFFFFFD0] =	vst v2;
	v3 =	vmul.f32 $6.400000000e+01, v3;
	(pc) =	sbr.rel @p2 .LBB2_25-.Ltmp15, $4  }
0x136: {  	v2 =	vld [tilespmem:s11+$0xFFFFFFD0];
	v5 =	vmul.f32 $6.400000000e+01, v5;
	[tilespmem:s2+$0xFFFFFFE0] =	vst v1  }
0x137: {  	v1 =	vld [tilespmem:s11+$0xFFFFFFE0];
	v8 =	vmul.f32 $6.400000000e+01, v8;
	[tilespmem:s2+$0xFFFFFFF0] =	vst v3  }
0x138: {  	v6 =	vmul.f32 $6.400000000e+01, v6;
	v3 =	vld [tilespmem:s11+$0xFFFFFFF0];
	[tilespmem:s2+$0xFFFFFF90] =	vst v5;
	s2 =	sadd.s32 $0x400, s2  }
0x139: {  	v5 =	vld [tilespmem:s11+$0xFFFFFF90];
	v7 =	vmul.f32 $6.400000000e+01, v7;
	[tilespmem:s2+$0x0] =	vst v8;
	s11 =	sadd.s32 $0x400, s11  }
0x13a: {  	[tilespmem:s2+$0xFFFFFFA0] =	vst v6;
	v4 =	vmul.f32 $6.400000000e+01, v4  }
0x13b: {  	[tilespmem:s2+$0xFFFFFFB0] =	vst v7;
	v2 =	vmul.f32 $6.400000000e+01, v2  }
0x13c: {  	[tilespmem:s2+$0xFFFFFFC0] =	vst v4;
	v1 =	vmul.f32 $6.400000000e+01, v1  }
0x13d: {  	[tilespmem:s2+$0xFFFFFFD0] =	vst v2;
	v2 =	vmul.f32 $6.400000000e+01, v3  }
0x13e: {  	v3 =	vmul.f32 $6.400000000e+01, v5;
	[tilespmem:s2+$0xFFFFFFE0] =	vst v1  }
0x13f: {  	[tilespmem:s2+$0xFFFFFFF0] =	vst v2  }
0x140: {  	[tilespmem:s2+$0xFFFFFF90] =	vst v3  }
0x141: {  	v3 =	vld [tilespmem:s3+$0x0]  }
0x142: {  	v5 =	vld [tilespmem:s3+$0xFFFFFFA0]  }
0x143: {  	v7 =	vld [tilespmem:s3+$0xFFFFFFB0]  }
0x144: {  	v4 =	vld [tilespmem:s3+$0xFFFFFFC0]  }
0x145: {  	v2 =	vld [tilespmem:s3+$0xFFFFFFD0]  }
0x146: {  	v1 =	vld [tilespmem:s3+$0xFFFFFFE0];
	v8 =	vmul.f32 $6.400000000e+01, v3  }
0x147: {  	s9 =	simm.s32 $0x0;
	v3 =	vld [tilespmem:s3+$0xFFFFFFF0];
	v6 =	vmul.f32 $6.400000000e+01, v5  }
0x148: {  	s11 =	simm.s32 $0x2A70;
	s2 =	simm.s32 $0xE6F0;
	v5 =	vld [tilespmem:s3+$0xFFFFFF90];
	v7 =	vmul.f32 $6.400000000e+01, v7;
	s3 =	simm.s32 $0x26F0;
	[tilespmem:s0+$0x0] =	vst v8  }
.LBB2_27:
0x149: {  	v8 =	vld [tilespmem:s11+$0x0];
	s9 =	sadd.s32 $0x8, s9;
	[tilespmem:s0+$0xFFFFFFA0] =	vst v6;
	v4 =	vmul.f32 $6.400000000e+01, v4  }
0x14a: {  	v6 =	vld [tilespmem:s11+$0xFFFFFFA0];
	p2 =	slt.u32 s9, $0x38;
	[tilespmem:s0+$0xFFFFFFB0] =	vst v7;
	v2 =	vmul.f32 $6.400000000e+01, v2  }
0x14b: {  	v7 =	vld [tilespmem:s11+$0xFFFFFFB0];
	[tilespmem:s0+$0xFFFFFFC0] =	vst v4;
	v1 =	vmul.f32 $6.400000000e+01, v1  }
.Ltmp16:
0x14c: {  	v4 =	vld [tilespmem:s11+$0xFFFFFFC0];
	[tilespmem:s0+$0xFFFFFFD0] =	vst v2;
	v3 =	vmul.f32 $6.400000000e+01, v3;
	(pc) =	sbr.rel @p2 .LBB2_27-.Ltmp16, $4  }
0x14d: {  	v2 =	vld [tilespmem:s11+$0xFFFFFFD0];
	v5 =	vmul.f32 $6.400000000e+01, v5;
	[tilespmem:s0+$0xFFFFFFE0] =	vst v1  }
0x14e: {  	v1 =	vld [tilespmem:s11+$0xFFFFFFE0];
	v8 =	vmul.f32 $6.400000000e+01, v8;
	[tilespmem:s0+$0xFFFFFFF0] =	vst v3  }
0x14f: {  	v6 =	vmul.f32 $6.400000000e+01, v6;
	v3 =	vld [tilespmem:s11+$0xFFFFFFF0];
	[tilespmem:s0+$0xFFFFFF90] =	vst v5;
	s0 =	sadd.s32 $0x400, s0  }
0x150: {  	v5 =	vld [tilespmem:s11+$0xFFFFFF90];
	v7 =	vmul.f32 $6.400000000e+01, v7;
	[tilespmem:s0+$0x0] =	vst v8;
	s11 =	sadd.s32 $0x400, s11  }
0x151: {  	[tilespmem:s0+$0xFFFFFFA0] =	vst v6;
	v4 =	vmul.f32 $6.400000000e+01, v4  }
0x152: {  	[tilespmem:s0+$0xFFFFFFB0] =	vst v7;
	v2 =	vmul.f32 $6.400000000e+01, v2  }
0x153: {  	[tilespmem:s0+$0xFFFFFFC0] =	vst v4;
	v1 =	vmul.f32 $6.400000000e+01, v1  }
0x154: {  	[tilespmem:s0+$0xFFFFFFD0] =	vst v2;
	v2 =	vmul.f32 $6.400000000e+01, v3  }
0x155: {  	v3 =	vmul.f32 $6.400000000e+01, v5;
	[tilespmem:s0+$0xFFFFFFE0] =	vst v1  }
0x156: {  	[tilespmem:s0+$0xFFFFFFF0] =	vst v2  }
0x157: {  	[tilespmem:s0+$0xFFFFFF90] =	vst v3  }
0x158: {  	v3 =	vld [tilespmem:s3+$0x0]  }
0x159: {  	v5 =	vld [tilespmem:s3+$0xFFFFFFA0]  }
0x15a: {  	v7 =	vld [tilespmem:s3+$0xFFFFFFB0]  }
0x15b: {  	v4 =	vld [tilespmem:s3+$0xFFFFFFC0]  }
0x15c: {  	v2 =	vld [tilespmem:s3+$0xFFFFFFD0]  }
0x15d: {  	v1 =	vld [tilespmem:s3+$0xFFFFFFE0];
	v8 =	vmul.f32 $6.400000000e+01, v3  }
0x15e: {  	s9 =	simm.s32 $0x0;
	v3 =	vld [tilespmem:s3+$0xFFFFFFF0];
	v6 =	vmul.f32 $6.400000000e+01, v5  }
0x15f: {  	s11 =	simm.s32 $0x2AF0;
	s0 =	simm.s32 $0xE770;
	v5 =	vld [tilespmem:s3+$0xFFFFFF90];
	v7 =	vmul.f32 $6.400000000e+01, v7;
	s3 =	simm.s32 $0x2770;
	[tilespmem:s2+$0x0] =	vst v8  }
.LBB2_29:
0x160: {  	v8 =	vld [tilespmem:s11+$0x0];
	s9 =	sadd.s32 $0x8, s9;
	[tilespmem:s2+$0xFFFFFFA0] =	vst v6;
	v4 =	vmul.f32 $6.400000000e+01, v4  }
0x161: {  	v6 =	vld [tilespmem:s11+$0xFFFFFFA0];
	p2 =	slt.u32 s9, $0x38;
	[tilespmem:s2+$0xFFFFFFB0] =	vst v7;
	v2 =	vmul.f32 $6.400000000e+01, v2  }
0x162: {  	v7 =	vld [tilespmem:s11+$0xFFFFFFB0];
	[tilespmem:s2+$0xFFFFFFC0] =	vst v4;
	v1 =	vmul.f32 $6.400000000e+01, v1  }
.Ltmp17:
0x163: {  	v4 =	vld [tilespmem:s11+$0xFFFFFFC0];
	[tilespmem:s2+$0xFFFFFFD0] =	vst v2;
	v3 =	vmul.f32 $6.400000000e+01, v3;
	(pc) =	sbr.rel @p2 .LBB2_29-.Ltmp17, $4  }
0x164: {  	v2 =	vld [tilespmem:s11+$0xFFFFFFD0];
	v5 =	vmul.f32 $6.400000000e+01, v5;
	[tilespmem:s2+$0xFFFFFFE0] =	vst v1  }
0x165: {  	v1 =	vld [tilespmem:s11+$0xFFFFFFE0];
	v8 =	vmul.f32 $6.400000000e+01, v8;
	[tilespmem:s2+$0xFFFFFFF0] =	vst v3  }
0x166: {  	v6 =	vmul.f32 $6.400000000e+01, v6;
	v3 =	vld [tilespmem:s11+$0xFFFFFFF0];
	[tilespmem:s2+$0xFFFFFF90] =	vst v5;
	s2 =	sadd.s32 $0x400, s2  }
0x167: {  	v5 =	vld [tilespmem:s11+$0xFFFFFF90];
	v7 =	vmul.f32 $6.400000000e+01, v7;
	[tilespmem:s2+$0x0] =	vst v8;
	s11 =	sadd.s32 $0x400, s11  }
0x168: {  	[tilespmem:s2+$0xFFFFFFA0] =	vst v6;
	v4 =	vmul.f32 $6.400000000e+01, v4  }
0x169: {  	[tilespmem:s2+$0xFFFFFFB0] =	vst v7;
	v2 =	vmul.f32 $6.400000000e+01, v2  }
0x16a: {  	[tilespmem:s2+$0xFFFFFFC0] =	vst v4;
	v1 =	vmul.f32 $6.400000000e+01, v1  }
0x16b: {  	[tilespmem:s2+$0xFFFFFFD0] =	vst v2;
	v2 =	vmul.f32 $6.400000000e+01, v3  }
0x16c: {  	v3 =	vmul.f32 $6.400000000e+01, v5;
	[tilespmem:s2+$0xFFFFFFE0] =	vst v1  }
0x16d: {  	[tilespmem:s2+$0xFFFFFFF0] =	vst v2  }
0x16e: {  	[tilespmem:s2+$0xFFFFFF90] =	vst v3  }
0x16f: {  	v3 =	vld [tilespmem:s3+$0x0]  }
0x170: {  	v5 =	vld [tilespmem:s3+$0xFFFFFFA0]  }
0x171: {  	v7 =	vld [tilespmem:s3+$0xFFFFFFB0]  }
0x172: {  	v4 =	vld [tilespmem:s3+$0xFFFFFFC0]  }
0x173: {  	v2 =	vld [tilespmem:s3+$0xFFFFFFD0]  }
0x174: {  	v1 =	vld [tilespmem:s3+$0xFFFFFFE0];
	v8 =	vmul.f32 $6.400000000e+01, v3  }
0x175: {  	s9 =	simm.s32 $0x0;
	v3 =	vld [tilespmem:s3+$0xFFFFFFF0];
	v6 =	vmul.f32 $6.400000000e+01, v5  }
0x176: {  	s11 =	simm.s32 $0x2B70;
	s2 =	simm.s32 $0xE7F0;
	v5 =	vld [tilespmem:s3+$0xFFFFFF90];
	v7 =	vmul.f32 $6.400000000e+01, v7;
	s3 =	simm.s32 $0x27F0;
	[tilespmem:s0+$0x0] =	vst v8  }
.LBB2_31:
0x177: {  	v8 =	vld [tilespmem:s11+$0x0];
	s9 =	sadd.s32 $0x8, s9;
	[tilespmem:s0+$0xFFFFFFA0] =	vst v6;
	v4 =	vmul.f32 $6.400000000e+01, v4  }
0x178: {  	v6 =	vld [tilespmem:s11+$0xFFFFFFA0];
	p2 =	slt.u32 s9, $0x38;
	[tilespmem:s0+$0xFFFFFFB0] =	vst v7;
	v2 =	vmul.f32 $6.400000000e+01, v2  }
0x179: {  	v7 =	vld [tilespmem:s11+$0xFFFFFFB0];
	[tilespmem:s0+$0xFFFFFFC0] =	vst v4;
	v1 =	vmul.f32 $6.400000000e+01, v1  }
.Ltmp18:
0x17a: {  	v4 =	vld [tilespmem:s11+$0xFFFFFFC0];
	[tilespmem:s0+$0xFFFFFFD0] =	vst v2;
	v3 =	vmul.f32 $6.400000000e+01, v3;
	(pc) =	sbr.rel @p2 .LBB2_31-.Ltmp18, $4  }
0x17b: {  	v2 =	vld [tilespmem:s11+$0xFFFFFFD0];
	v5 =	vmul.f32 $6.400000000e+01, v5;
	[tilespmem:s0+$0xFFFFFFE0] =	vst v1  }
0x17c: {  	v1 =	vld [tilespmem:s11+$0xFFFFFFE0];
	v8 =	vmul.f32 $6.400000000e+01, v8;
	[tilespmem:s0+$0xFFFFFFF0] =	vst v3  }
0x17d: {  	v6 =	vmul.f32 $6.400000000e+01, v6;
	v3 =	vld [tilespmem:s11+$0xFFFFFFF0];
	[tilespmem:s0+$0xFFFFFF90] =	vst v5;
	s0 =	sadd.s32 $0x400, s0  }
0x17e: {  	v5 =	vld [tilespmem:s11+$0xFFFFFF90];
	v7 =	vmul.f32 $6.400000000e+01, v7;
	[tilespmem:s0+$0x0] =	vst v8;
	s11 =	sadd.s32 $0x400, s11  }
0x17f: {  	[tilespmem:s0+$0xFFFFFFA0] =	vst v6;
	v4 =	vmul.f32 $6.400000000e+01, v4  }
0x180: {  	[tilespmem:s0+$0xFFFFFFB0] =	vst v7;
	v2 =	vmul.f32 $6.400000000e+01, v2  }
0x181: {  	[tilespmem:s0+$0xFFFFFFC0] =	vst v4;
	v1 =	vmul.f32 $6.400000000e+01, v1  }
0x182: {  	[tilespmem:s0+$0xFFFFFFD0] =	vst v2;
	v2 =	vmul.f32 $6.400000000e+01, v3  }
0x183: {  	v3 =	vmul.f32 $6.400000000e+01, v5;
	[tilespmem:s0+$0xFFFFFFE0] =	vst v1  }
0x184: {  	[tilespmem:s0+$0xFFFFFFF0] =	vst v2  }
0x185: {  	[tilespmem:s0+$0xFFFFFF90] =	vst v3  }
0x186: {  	v3 =	vld [tilespmem:s3+$0x0]  }
0x187: {  	v5 =	vld [tilespmem:s3+$0xFFFFFFA0]  }
0x188: {  	v7 =	vld [tilespmem:s3+$0xFFFFFFB0]  }
0x189: {  	v4 =	vld [tilespmem:s3+$0xFFFFFFC0]  }
0x18a: {  	v2 =	vld [tilespmem:s3+$0xFFFFFFD0]  }
0x18b: {  	v1 =	vld [tilespmem:s3+$0xFFFFFFE0];
	v8 =	vmul.f32 $6.400000000e+01, v3  }
0x18c: {  	v3 =	vld [tilespmem:s3+$0xFFFFFFF0];
	v6 =	vmul.f32 $6.400000000e+01, v5  }
0x18d: {  	s0 =	simm.s32 $0x0;
	v5 =	vld [tilespmem:s3+$0xFFFFFF90];
	v7 =	vmul.f32 $6.400000000e+01, v7;
	s3 =	simm.s32 $0x2BF0;
	[tilespmem:s2+$0x0] =	vst v8  }
.LBB2_33:
0x18e: {  	v8 =	vld [tilespmem:s3+$0x0];
	s0 =	sadd.s32 $0x8, s0;
	[tilespmem:s2+$0xFFFFFFA0] =	vst v6;
	v4 =	vmul.f32 $6.400000000e+01, v4  }
0x18f: {  	v6 =	vld [tilespmem:s3+$0xFFFFFFA0];
	p2 =	slt.u32 s0, $0x38;
	[tilespmem:s2+$0xFFFFFFB0] =	vst v7;
	v2 =	vmul.f32 $6.400000000e+01, v2  }
0x190: {  	v7 =	vld [tilespmem:s3+$0xFFFFFFB0];
	[tilespmem:s2+$0xFFFFFFC0] =	vst v4;
	v1 =	vmul.f32 $6.400000000e+01, v1  }
.Ltmp19:
0x191: {  	v4 =	vld [tilespmem:s3+$0xFFFFFFC0];
	[tilespmem:s2+$0xFFFFFFD0] =	vst v2;
	v3 =	vmul.f32 $6.400000000e+01, v3;
	(pc) =	sbr.rel @p2 .LBB2_33-.Ltmp19, $4  }
0x192: {  	v2 =	vld [tilespmem:s3+$0xFFFFFFD0];
	v5 =	vmul.f32 $6.400000000e+01, v5;
	[tilespmem:s2+$0xFFFFFFE0] =	vst v1  }
0x193: {  	v1 =	vld [tilespmem:s3+$0xFFFFFFE0];
	v8 =	vmul.f32 $6.400000000e+01, v8;
	[tilespmem:s2+$0xFFFFFFF0] =	vst v3  }
0x194: {  	v6 =	vmul.f32 $6.400000000e+01, v6;
	v3 =	vld [tilespmem:s3+$0xFFFFFFF0];
	[tilespmem:s2+$0xFFFFFF90] =	vst v5;
	s2 =	sadd.s32 $0x400, s2  }
0x195: {  	v5 =	vld [tilespmem:s3+$0xFFFFFF90];
	v7 =	vmul.f32 $6.400000000e+01, v7;
	[tilespmem:s2+$0x0] =	vst v8;
	s3 =	sadd.s32 $0x400, s3  }
0x196: {  	[tilespmem:s2+$0xFFFFFFA0] =	vst v6;
	v4 =	vmul.f32 $6.400000000e+01, v4  }
0x197: {  	[tilespmem:s2+$0xFFFFFFB0] =	vst v7;
	v2 =	vmul.f32 $6.400000000e+01, v2  }
0x198: {  	[tilespmem:s2+$0xFFFFFFC0] =	vst v4;
	v1 =	vmul.f32 $6.400000000e+01, v1  }
0x199: {  	[tilespmem:s2+$0xFFFFFFD0] =	vst v2;
	v2 =	vmul.f32 $6.400000000e+01, v3  }
0x19a: {  	v3 =	vmul.f32 $6.400000000e+01, v5;
	[tilespmem:s2+$0xFFFFFFE0] =	vst v1  }
0x19b: {  	[tilespmem:s2+$0xFFFFFFF0] =	vst v2  }
0x19c: {  	s0 =	simm.s32 $0x0;
	[tilespmem:s2+$0xFFFFFF90] =	vst v3  }
0x19d: {  	v4 =	vld [tilespmem:s0+$0x4470]  }
0x19e: {  	v6 =	vld [tilespmem:s0+$0x4400]  }
0x19f: {  	v5 =	vld [tilespmem:s0+$0x4410]  }
0x1a0: {  	v3 =	vld [tilespmem:s0+$0x4420]  }
0x1a1: {  	v2 =	vld [tilespmem:s0+$0x4430]  }
0x1a2: {  	v1 =	vld [tilespmem:s0+$0x4440];
	v7 =	vmul.f32 $6.400000000e+01, v4  }
0x1a3: {  	s3 =	simm.s32 $0x0;
	s9 =	simm.s32 $0x1000;
	s2 =	simm.s32 $0x0;
	v6 =	vmul.f32 $6.400000000e+01, v6;
	v4 =	vld [tilespmem:s0+$0x4450]  }
.LBB2_35:
0x1a4: {  	s11 =	sshra.s32 s9, $0x2;
	s3 =	sadd.s32 $0x8, s3;
	v5 =	vmul.f32 $6.400000000e+01, v5;
	v8 =	vld [tilespmem:s2+$0x4460];
	[tilespmem:s2+$0x10470] =	vst v7  }
0x1a5: {  	v7 =	vld [tilespmem:s11+$0x4470];
	p2 =	slt.u32 s3, $0x38;
	[tilespmem:s2+$0x10400] =	vst v6;
	v3 =	vmul.f32 $6.400000000e+01, v3  }
0x1a6: {  	v6 =	vld [tilespmem:s11+$0x4400];
	[tilespmem:s2+$0x10410] =	vst v5;
	v2 =	vmul.f32 $6.400000000e+01, v2  }
.Ltmp20:
0x1a7: {  	v5 =	vld [tilespmem:s11+$0x4410];
	[tilespmem:s2+$0x10420] =	vst v3;
	v1 =	vmul.f32 $6.400000000e+01, v1;
	(pc) =	sbr.rel @p2 .LBB2_35-.Ltmp20, $4  }
0x1a8: {  	v3 =	vld [tilespmem:s11+$0x4420];
	[tilespmem:s2+$0x10430] =	vst v2;
	v4 =	vmul.f32 $6.400000000e+01, v4  }
0x1a9: {  	v2 =	vld [tilespmem:s11+$0x4430];
	[tilespmem:s2+$0x10440] =	vst v1;
	v8 =	vmul.f32 $6.400000000e+01, v8  }
0x1aa: {  	v1 =	vld [tilespmem:s11+$0x4440];
	v7 =	vmul.f32 $6.400000000e+01, v7;
	[tilespmem:s2+$0x10450] =	vst v4  }
0x1ab: {  	s9 =	sadd.s32 $0x1000, s9;
	v6 =	vmul.f32 $6.400000000e+01, v6;
	v4 =	vld [tilespmem:s11+$0x4450];
	[tilespmem:s2+$0x10460] =	vst v8;
	s2 =	smov.u32 s11  }
0x1ac: {  	v5 =	vmul.f32 $6.400000000e+01, v5;
	v8 =	vld [tilespmem:s2+$0x4460];
	[tilespmem:s2+$0x10470] =	vst v7  }
0x1ad: {  	[tilespmem:s2+$0x10400] =	vst v6;
	v3 =	vmul.f32 $6.400000000e+01, v3  }
0x1ae: {  	[tilespmem:s2+$0x10410] =	vst v5;
	v2 =	vmul.f32 $6.400000000e+01, v2  }
0x1af: {  	[tilespmem:s2+$0x10420] =	vst v3;
	v1 =	vmul.f32 $6.400000000e+01, v1  }
0x1b0: {  	[tilespmem:s2+$0x10430] =	vst v2;
	v2 =	vmul.f32 $6.400000000e+01, v4  }
0x1b1: {  	[tilespmem:s2+$0x10440] =	vst v1;
	v1 =	vmul.f32 $6.400000000e+01, v8  }
0x1b2: {  	[tilespmem:s2+$0x10450] =	vst v2  }
0x1b3: {  	[tilespmem:s2+$0x10460] =	vst v1  }
0x1b4: {  	v4 =	vld [tilespmem:s0+$0x44F0]  }
0x1b5: {  	v6 =	vld [tilespmem:s0+$0x4480]  }
0x1b6: {  	v5 =	vld [tilespmem:s0+$0x4490]  }
0x1b7: {  	v3 =	vld [tilespmem:s0+$0x44A0]  }
0x1b8: {  	v2 =	vld [tilespmem:s0+$0x44B0]  }
0x1b9: {  	v1 =	vld [tilespmem:s0+$0x44C0];
	v7 =	vmul.f32 $6.400000000e+01, v4  }
0x1ba: {  	s3 =	simm.s32 $0x1000;
	s2 =	simm.s32 $0x0;
	v6 =	vmul.f32 $6.400000000e+01, v6;
	v4 =	vld [tilespmem:s0+$0x44D0]  }
.LBB2_37:
0x1bb: {  	s9 =	sshra.s32 s3, $0x2;
	s2 =	sadd.s32 $0x8, s2;
	v5 =	vmul.f32 $6.400000000e+01, v5;
	v8 =	vld [tilespmem:s0+$0x44E0];
	[tilespmem:s0+$0x104F0] =	vst v7  }
0x1bc: {  	v7 =	vld [tilespmem:s9+$0x44F0];
	p2 =	slt.u32 s2, $0x38;
	[tilespmem:s0+$0x10480] =	vst v6;
	v3 =	vmul.f32 $6.400000000e+01, v3  }
0x1bd: {  	v6 =	vld [tilespmem:s9+$0x4480];
	[tilespmem:s0+$0x10490] =	vst v5;
	v2 =	vmul.f32 $6.400000000e+01, v2  }
.Ltmp21:
0x1be: {  	v5 =	vld [tilespmem:s9+$0x4490];
	[tilespmem:s0+$0x104A0] =	vst v3;
	v1 =	vmul.f32 $6.400000000e+01, v1;
	(pc) =	sbr.rel @p2 .LBB2_37-.Ltmp21, $4  }
0x1bf: {  	v3 =	vld [tilespmem:s9+$0x44A0];
	[tilespmem:s0+$0x104B0] =	vst v2;
	v4 =	vmul.f32 $6.400000000e+01, v4  }
0x1c0: {  	v2 =	vld [tilespmem:s9+$0x44B0];
	[tilespmem:s0+$0x104C0] =	vst v1;
	v8 =	vmul.f32 $6.400000000e+01, v8  }
0x1c1: {  	v1 =	vld [tilespmem:s9+$0x44C0];
	v7 =	vmul.f32 $6.400000000e+01, v7;
	[tilespmem:s0+$0x104D0] =	vst v4  }
0x1c2: {  	s3 =	sadd.s32 $0x1000, s3;
	v6 =	vmul.f32 $6.400000000e+01, v6;
	v4 =	vld [tilespmem:s9+$0x44D0];
	[tilespmem:s0+$0x104E0] =	vst v8;
	s0 =	smov.u32 s9  }
0x1c3: {  	v5 =	vmul.f32 $6.400000000e+01, v5;
	v8 =	vld [tilespmem:s0+$0x44E0];
	[tilespmem:s0+$0x104F0] =	vst v7  }
0x1c4: {  	[tilespmem:s0+$0x10480] =	vst v6;
	v3 =	vmul.f32 $6.400000000e+01, v3  }
0x1c5: {  	[tilespmem:s0+$0x10490] =	vst v5;
	v2 =	vmul.f32 $6.400000000e+01, v2  }
0x1c6: {  	[tilespmem:s0+$0x104A0] =	vst v3;
	v1 =	vmul.f32 $6.400000000e+01, v1  }
0x1c7: {  	[tilespmem:s0+$0x104B0] =	vst v2;
	v2 =	vmul.f32 $6.400000000e+01, v4  }
0x1c8: {  	[tilespmem:s0+$0x104C0] =	vst v1;
	v1 =	vmul.f32 $6.400000000e+01, v8  }
0x1c9: {  	[tilespmem:s0+$0x104D0] =	vst v2  }
0x1ca: {  	[tilespmem:s0+$0x104E0] =	vst v1;
	s0 =	simm.s32 $0x0  }
0x1cb: {  	v4 =	vld [tilespmem:s0+$0x4570]  }
0x1cc: {  	v6 =	vld [tilespmem:s0+$0x4500]  }
0x1cd: {  	v5 =	vld [tilespmem:s0+$0x4510]  }
0x1ce: {  	v3 =	vld [tilespmem:s0+$0x4520]  }
0x1cf: {  	v2 =	vld [tilespmem:s0+$0x4530]  }
0x1d0: {  	v1 =	vld [tilespmem:s0+$0x4540];
	v7 =	vmul.f32 $6.400000000e+01, v4  }
0x1d1: {  	s3 =	simm.s32 $0x0;
	s9 =	simm.s32 $0x1000;
	s2 =	simm.s32 $0x0;
	v6 =	vmul.f32 $6.400000000e+01, v6;
	v4 =	vld [tilespmem:s0+$0x4550]  }
.LBB2_39:
0x1d2: {  	s11 =	sshra.s32 s9, $0x2;
	s3 =	sadd.s32 $0x8, s3;
	v5 =	vmul.f32 $6.400000000e+01, v5;
	v8 =	vld [tilespmem:s2+$0x4560];
	[tilespmem:s2+$0x10570] =	vst v7  }
0x1d3: {  	v7 =	vld [tilespmem:s11+$0x4570];
	p2 =	slt.u32 s3, $0x38;
	[tilespmem:s2+$0x10500] =	vst v6;
	v3 =	vmul.f32 $6.400000000e+01, v3  }
0x1d4: {  	v6 =	vld [tilespmem:s11+$0x4500];
	[tilespmem:s2+$0x10510] =	vst v5;
	v2 =	vmul.f32 $6.400000000e+01, v2  }
.Ltmp22:
0x1d5: {  	v5 =	vld [tilespmem:s11+$0x4510];
	[tilespmem:s2+$0x10520] =	vst v3;
	v1 =	vmul.f32 $6.400000000e+01, v1;
	(pc) =	sbr.rel @p2 .LBB2_39-.Ltmp22, $4  }
0x1d6: {  	v3 =	vld [tilespmem:s11+$0x4520];
	[tilespmem:s2+$0x10530] =	vst v2;
	v4 =	vmul.f32 $6.400000000e+01, v4  }
0x1d7: {  	v2 =	vld [tilespmem:s11+$0x4530];
	[tilespmem:s2+$0x10540] =	vst v1;
	v8 =	vmul.f32 $6.400000000e+01, v8  }
0x1d8: {  	v1 =	vld [tilespmem:s11+$0x4540];
	v7 =	vmul.f32 $6.400000000e+01, v7;
	[tilespmem:s2+$0x10550] =	vst v4  }
0x1d9: {  	s9 =	sadd.s32 $0x1000, s9;
	v6 =	vmul.f32 $6.400000000e+01, v6;
	v4 =	vld [tilespmem:s11+$0x4550];
	[tilespmem:s2+$0x10560] =	vst v8;
	s2 =	smov.u32 s11  }
0x1da: {  	v5 =	vmul.f32 $6.400000000e+01, v5;
	v8 =	vld [tilespmem:s2+$0x4560];
	[tilespmem:s2+$0x10570] =	vst v7  }
0x1db: {  	[tilespmem:s2+$0x10500] =	vst v6;
	v3 =	vmul.f32 $6.400000000e+01, v3  }
0x1dc: {  	[tilespmem:s2+$0x10510] =	vst v5;
	v2 =	vmul.f32 $6.400000000e+01, v2  }
0x1dd: {  	[tilespmem:s2+$0x10520] =	vst v3;
	v1 =	vmul.f32 $6.400000000e+01, v1  }
0x1de: {  	[tilespmem:s2+$0x10530] =	vst v2;
	v2 =	vmul.f32 $6.400000000e+01, v4  }
0x1df: {  	[tilespmem:s2+$0x10540] =	vst v1;
	v1 =	vmul.f32 $6.400000000e+01, v8  }
0x1e0: {  	[tilespmem:s2+$0x10550] =	vst v2  }
0x1e1: {  	[tilespmem:s2+$0x10560] =	vst v1  }
0x1e2: {  	v4 =	vld [tilespmem:s0+$0x45F0]  }
0x1e3: {  	v6 =	vld [tilespmem:s0+$0x4580]  }
0x1e4: {  	v5 =	vld [tilespmem:s0+$0x4590]  }
0x1e5: {  	v3 =	vld [tilespmem:s0+$0x45A0]  }
0x1e6: {  	v2 =	vld [tilespmem:s0+$0x45B0]  }
0x1e7: {  	v1 =	vld [tilespmem:s0+$0x45C0];
	v7 =	vmul.f32 $6.400000000e+01, v4  }
0x1e8: {  	s3 =	simm.s32 $0x1000;
	s2 =	simm.s32 $0x0;
	v6 =	vmul.f32 $6.400000000e+01, v6;
	v4 =	vld [tilespmem:s0+$0x45D0]  }
.LBB2_41:
0x1e9: {  	s9 =	sshra.s32 s3, $0x2;
	s2 =	sadd.s32 $0x8, s2;
	v5 =	vmul.f32 $6.400000000e+01, v5;
	v8 =	vld [tilespmem:s0+$0x45E0];
	[tilespmem:s0+$0x105F0] =	vst v7  }
0x1ea: {  	v7 =	vld [tilespmem:s9+$0x45F0];
	p2 =	slt.u32 s2, $0x38;
	[tilespmem:s0+$0x10580] =	vst v6;
	v3 =	vmul.f32 $6.400000000e+01, v3  }
0x1eb: {  	v6 =	vld [tilespmem:s9+$0x4580];
	[tilespmem:s0+$0x10590] =	vst v5;
	v2 =	vmul.f32 $6.400000000e+01, v2  }
.Ltmp23:
0x1ec: {  	v5 =	vld [tilespmem:s9+$0x4590];
	[tilespmem:s0+$0x105A0] =	vst v3;
	v1 =	vmul.f32 $6.400000000e+01, v1;
	(pc) =	sbr.rel @p2 .LBB2_41-.Ltmp23, $4  }
0x1ed: {  	v3 =	vld [tilespmem:s9+$0x45A0];
	[tilespmem:s0+$0x105B0] =	vst v2;
	v4 =	vmul.f32 $6.400000000e+01, v4  }
0x1ee: {  	v2 =	vld [tilespmem:s9+$0x45B0];
	[tilespmem:s0+$0x105C0] =	vst v1;
	v8 =	vmul.f32 $6.400000000e+01, v8  }
0x1ef: {  	v1 =	vld [tilespmem:s9+$0x45C0];
	v7 =	vmul.f32 $6.400000000e+01, v7;
	[tilespmem:s0+$0x105D0] =	vst v4  }
0x1f0: {  	s3 =	sadd.s32 $0x1000, s3;
	v6 =	vmul.f32 $6.400000000e+01, v6;
	v4 =	vld [tilespmem:s9+$0x45D0];
	[tilespmem:s0+$0x105E0] =	vst v8;
	s0 =	smov.u32 s9  }
0x1f1: {  	v5 =	vmul.f32 $6.400000000e+01, v5;
	v8 =	vld [tilespmem:s0+$0x45E0];
	[tilespmem:s0+$0x105F0] =	vst v7  }
0x1f2: {  	[tilespmem:s0+$0x10580] =	vst v6;
	v3 =	vmul.f32 $6.400000000e+01, v3  }
0x1f3: {  	[tilespmem:s0+$0x10590] =	vst v5;
	v2 =	vmul.f32 $6.400000000e+01, v2  }
0x1f4: {  	[tilespmem:s0+$0x105A0] =	vst v3;
	v1 =	vmul.f32 $6.400000000e+01, v1  }
0x1f5: {  	[tilespmem:s0+$0x105B0] =	vst v2;
	v2 =	vmul.f32 $6.400000000e+01, v4  }
0x1f6: {  	[tilespmem:s0+$0x105C0] =	vst v1;
	v1 =	vmul.f32 $6.400000000e+01, v8  }
0x1f7: {  	[tilespmem:s0+$0x105D0] =	vst v2  }
0x1f8: {  	[tilespmem:s0+$0x105E0] =	vst v1;
	s0 =	simm.s32 $0x0  }
0x1f9: {  	v4 =	vld [tilespmem:s0+$0x4670]  }
0x1fa: {  	v6 =	vld [tilespmem:s0+$0x4600]  }
0x1fb: {  	v5 =	vld [tilespmem:s0+$0x4610]  }
0x1fc: {  	v3 =	vld [tilespmem:s0+$0x4620]  }
0x1fd: {  	v2 =	vld [tilespmem:s0+$0x4630]  }
0x1fe: {  	v1 =	vld [tilespmem:s0+$0x4640];
	v7 =	vmul.f32 $6.400000000e+01, v4  }
0x1ff: {  	s3 =	simm.s32 $0x0;
	s9 =	simm.s32 $0x1000;
	s2 =	simm.s32 $0x0;
	v6 =	vmul.f32 $6.400000000e+01, v6;
	v4 =	vld [tilespmem:s0+$0x4650]  }
.LBB2_43:
0x200: {  	s11 =	sshra.s32 s9, $0x2;
	s3 =	sadd.s32 $0x8, s3;
	v5 =	vmul.f32 $6.400000000e+01, v5;
	v8 =	vld [tilespmem:s2+$0x4660];
	[tilespmem:s2+$0x10670] =	vst v7  }
0x201: {  	v7 =	vld [tilespmem:s11+$0x4670];
	p2 =	slt.u32 s3, $0x38;
	[tilespmem:s2+$0x10600] =	vst v6;
	v3 =	vmul.f32 $6.400000000e+01, v3  }
0x202: {  	v6 =	vld [tilespmem:s11+$0x4600];
	[tilespmem:s2+$0x10610] =	vst v5;
	v2 =	vmul.f32 $6.400000000e+01, v2  }
.Ltmp24:
0x203: {  	v5 =	vld [tilespmem:s11+$0x4610];
	[tilespmem:s2+$0x10620] =	vst v3;
	v1 =	vmul.f32 $6.400000000e+01, v1;
	(pc) =	sbr.rel @p2 .LBB2_43-.Ltmp24, $4  }
0x204: {  	v3 =	vld [tilespmem:s11+$0x4620];
	[tilespmem:s2+$0x10630] =	vst v2;
	v4 =	vmul.f32 $6.400000000e+01, v4  }
0x205: {  	v2 =	vld [tilespmem:s11+$0x4630];
	[tilespmem:s2+$0x10640] =	vst v1;
	v8 =	vmul.f32 $6.400000000e+01, v8  }
0x206: {  	v1 =	vld [tilespmem:s11+$0x4640];
	v7 =	vmul.f32 $6.400000000e+01, v7;
	[tilespmem:s2+$0x10650] =	vst v4  }
0x207: {  	s9 =	sadd.s32 $0x1000, s9;
	v6 =	vmul.f32 $6.400000000e+01, v6;
	v4 =	vld [tilespmem:s11+$0x4650];
	[tilespmem:s2+$0x10660] =	vst v8;
	s2 =	smov.u32 s11  }
0x208: {  	v5 =	vmul.f32 $6.400000000e+01, v5;
	v8 =	vld [tilespmem:s2+$0x4660];
	[tilespmem:s2+$0x10670] =	vst v7  }
0x209: {  	[tilespmem:s2+$0x10600] =	vst v6;
	v3 =	vmul.f32 $6.400000000e+01, v3  }
0x20a: {  	[tilespmem:s2+$0x10610] =	vst v5;
	v2 =	vmul.f32 $6.400000000e+01, v2  }
0x20b: {  	[tilespmem:s2+$0x10620] =	vst v3;
	v1 =	vmul.f32 $6.400000000e+01, v1  }
0x20c: {  	[tilespmem:s2+$0x10630] =	vst v2;
	v2 =	vmul.f32 $6.400000000e+01, v4  }
0x20d: {  	[tilespmem:s2+$0x10640] =	vst v1;
	v1 =	vmul.f32 $6.400000000e+01, v8  }
0x20e: {  	[tilespmem:s2+$0x10650] =	vst v2  }
0x20f: {  	[tilespmem:s2+$0x10660] =	vst v1  }
0x210: {  	v4 =	vld [tilespmem:s0+$0x46F0]  }
0x211: {  	v6 =	vld [tilespmem:s0+$0x4680]  }
0x212: {  	v5 =	vld [tilespmem:s0+$0x4690]  }
0x213: {  	v3 =	vld [tilespmem:s0+$0x46A0]  }
0x214: {  	v2 =	vld [tilespmem:s0+$0x46B0]  }
0x215: {  	v1 =	vld [tilespmem:s0+$0x46C0];
	v7 =	vmul.f32 $6.400000000e+01, v4  }
0x216: {  	s3 =	simm.s32 $0x1000;
	s2 =	simm.s32 $0x0;
	v6 =	vmul.f32 $6.400000000e+01, v6;
	v4 =	vld [tilespmem:s0+$0x46D0]  }
.LBB2_45:
0x217: {  	s9 =	sshra.s32 s3, $0x2;
	s2 =	sadd.s32 $0x8, s2;
	v5 =	vmul.f32 $6.400000000e+01, v5;
	v8 =	vld [tilespmem:s0+$0x46E0];
	[tilespmem:s0+$0x106F0] =	vst v7  }
0x218: {  	v7 =	vld [tilespmem:s9+$0x46F0];
	p2 =	slt.u32 s2, $0x38;
	[tilespmem:s0+$0x10680] =	vst v6;
	v3 =	vmul.f32 $6.400000000e+01, v3  }
0x219: {  	v6 =	vld [tilespmem:s9+$0x4680];
	[tilespmem:s0+$0x10690] =	vst v5;
	v2 =	vmul.f32 $6.400000000e+01, v2  }
.Ltmp25:
0x21a: {  	v5 =	vld [tilespmem:s9+$0x4690];
	[tilespmem:s0+$0x106A0] =	vst v3;
	v1 =	vmul.f32 $6.400000000e+01, v1;
	(pc) =	sbr.rel @p2 .LBB2_45-.Ltmp25, $4  }
0x21b: {  	v3 =	vld [tilespmem:s9+$0x46A0];
	[tilespmem:s0+$0x106B0] =	vst v2;
	v4 =	vmul.f32 $6.400000000e+01, v4  }
0x21c: {  	v2 =	vld [tilespmem:s9+$0x46B0];
	[tilespmem:s0+$0x106C0] =	vst v1;
	v8 =	vmul.f32 $6.400000000e+01, v8  }
0x21d: {  	v1 =	vld [tilespmem:s9+$0x46C0];
	v7 =	vmul.f32 $6.400000000e+01, v7;
	[tilespmem:s0+$0x106D0] =	vst v4  }
0x21e: {  	s3 =	sadd.s32 $0x1000, s3;
	v6 =	vmul.f32 $6.400000000e+01, v6;
	v4 =	vld [tilespmem:s9+$0x46D0];
	[tilespmem:s0+$0x106E0] =	vst v8;
	s0 =	smov.u32 s9  }
0x21f: {  	v5 =	vmul.f32 $6.400000000e+01, v5;
	v8 =	vld [tilespmem:s0+$0x46E0];
	[tilespmem:s0+$0x106F0] =	vst v7  }
0x220: {  	[tilespmem:s0+$0x10680] =	vst v6;
	v3 =	vmul.f32 $6.400000000e+01, v3  }
0x221: {  	[tilespmem:s0+$0x10690] =	vst v5;
	v2 =	vmul.f32 $6.400000000e+01, v2  }
0x222: {  	[tilespmem:s0+$0x106A0] =	vst v3;
	v1 =	vmul.f32 $6.400000000e+01, v1  }
0x223: {  	[tilespmem:s0+$0x106B0] =	vst v2;
	v2 =	vmul.f32 $6.400000000e+01, v4  }
0x224: {  	[tilespmem:s0+$0x106C0] =	vst v1;
	v1 =	vmul.f32 $6.400000000e+01, v8  }
0x225: {  	[tilespmem:s0+$0x106D0] =	vst v2  }
0x226: {  	[tilespmem:s0+$0x106E0] =	vst v1;
	s0 =	simm.s32 $0x0  }
0x227: {  	v4 =	vld [tilespmem:s0+$0x4770]  }
0x228: {  	v6 =	vld [tilespmem:s0+$0x4700]  }
0x229: {  	v5 =	vld [tilespmem:s0+$0x4710]  }
0x22a: {  	v3 =	vld [tilespmem:s0+$0x4720]  }
0x22b: {  	v2 =	vld [tilespmem:s0+$0x4730]  }
0x22c: {  	v1 =	vld [tilespmem:s0+$0x4740];
	v7 =	vmul.f32 $6.400000000e+01, v4  }
0x22d: {  	s3 =	simm.s32 $0x0;
	s9 =	simm.s32 $0x1000;
	s2 =	simm.s32 $0x0;
	v6 =	vmul.f32 $6.400000000e+01, v6;
	v4 =	vld [tilespmem:s0+$0x4750]  }
.LBB2_47:
0x22e: {  	s11 =	sshra.s32 s9, $0x2;
	s3 =	sadd.s32 $0x8, s3;
	v5 =	vmul.f32 $6.400000000e+01, v5;
	v8 =	vld [tilespmem:s2+$0x4760];
	[tilespmem:s2+$0x10770] =	vst v7  }
0x22f: {  	v7 =	vld [tilespmem:s11+$0x4770];
	p2 =	slt.u32 s3, $0x38;
	[tilespmem:s2+$0x10700] =	vst v6;
	v3 =	vmul.f32 $6.400000000e+01, v3  }
0x230: {  	v6 =	vld [tilespmem:s11+$0x4700];
	[tilespmem:s2+$0x10710] =	vst v5;
	v2 =	vmul.f32 $6.400000000e+01, v2  }
.Ltmp26:
0x231: {  	v5 =	vld [tilespmem:s11+$0x4710];
	[tilespmem:s2+$0x10720] =	vst v3;
	v1 =	vmul.f32 $6.400000000e+01, v1;
	(pc) =	sbr.rel @p2 .LBB2_47-.Ltmp26, $4  }
0x232: {  	v3 =	vld [tilespmem:s11+$0x4720];
	[tilespmem:s2+$0x10730] =	vst v2;
	v4 =	vmul.f32 $6.400000000e+01, v4  }
0x233: {  	v2 =	vld [tilespmem:s11+$0x4730];
	[tilespmem:s2+$0x10740] =	vst v1;
	v8 =	vmul.f32 $6.400000000e+01, v8  }
0x234: {  	v1 =	vld [tilespmem:s11+$0x4740];
	v7 =	vmul.f32 $6.400000000e+01, v7;
	[tilespmem:s2+$0x10750] =	vst v4  }
0x235: {  	s9 =	sadd.s32 $0x1000, s9;
	v6 =	vmul.f32 $6.400000000e+01, v6;
	v4 =	vld [tilespmem:s11+$0x4750];
	[tilespmem:s2+$0x10760] =	vst v8;
	s2 =	smov.u32 s11  }
0x236: {  	v5 =	vmul.f32 $6.400000000e+01, v5;
	v8 =	vld [tilespmem:s2+$0x4760];
	[tilespmem:s2+$0x10770] =	vst v7  }
0x237: {  	[tilespmem:s2+$0x10700] =	vst v6;
	v3 =	vmul.f32 $6.400000000e+01, v3  }
0x238: {  	[tilespmem:s2+$0x10710] =	vst v5;
	v2 =	vmul.f32 $6.400000000e+01, v2  }
0x239: {  	[tilespmem:s2+$0x10720] =	vst v3;
	v1 =	vmul.f32 $6.400000000e+01, v1  }
0x23a: {  	[tilespmem:s2+$0x10730] =	vst v2;
	v2 =	vmul.f32 $6.400000000e+01, v4  }
0x23b: {  	[tilespmem:s2+$0x10740] =	vst v1;
	v1 =	vmul.f32 $6.400000000e+01, v8  }
0x23c: {  	[tilespmem:s2+$0x10750] =	vst v2  }
0x23d: {  	[tilespmem:s2+$0x10760] =	vst v1  }
0x23e: {  	v4 =	vld [tilespmem:s0+$0x47F0]  }
0x23f: {  	v6 =	vld [tilespmem:s0+$0x4780]  }
0x240: {  	v5 =	vld [tilespmem:s0+$0x4790]  }
0x241: {  	v3 =	vld [tilespmem:s0+$0x47A0]  }
0x242: {  	v2 =	vld [tilespmem:s0+$0x47B0]  }
0x243: {  	v1 =	vld [tilespmem:s0+$0x47C0];
	v7 =	vmul.f32 $6.400000000e+01, v4  }
0x244: {  	s3 =	simm.s32 $0x1000;
	s2 =	simm.s32 $0x0;
	v6 =	vmul.f32 $6.400000000e+01, v6;
	v4 =	vld [tilespmem:s0+$0x47D0]  }
.LBB2_49:
0x245: {  	s9 =	sshra.s32 s3, $0x2;
	s2 =	sadd.s32 $0x8, s2;
	v5 =	vmul.f32 $6.400000000e+01, v5;
	v8 =	vld [tilespmem:s0+$0x47E0];
	[tilespmem:s0+$0x107F0] =	vst v7  }
0x246: {  	v7 =	vld [tilespmem:s9+$0x47F0];
	p2 =	slt.u32 s2, $0x38;
	[tilespmem:s0+$0x10780] =	vst v6;
	v3 =	vmul.f32 $6.400000000e+01, v3  }
0x247: {  	v6 =	vld [tilespmem:s9+$0x4780];
	[tilespmem:s0+$0x10790] =	vst v5;
	v2 =	vmul.f32 $6.400000000e+01, v2  }
.Ltmp27:
0x248: {  	v5 =	vld [tilespmem:s9+$0x4790];
	[tilespmem:s0+$0x107A0] =	vst v3;
	v1 =	vmul.f32 $6.400000000e+01, v1;
	(pc) =	sbr.rel @p2 .LBB2_49-.Ltmp27, $4  }
0x249: {  	v3 =	vld [tilespmem:s9+$0x47A0];
	[tilespmem:s0+$0x107B0] =	vst v2;
	v4 =	vmul.f32 $6.400000000e+01, v4  }
0x24a: {  	v2 =	vld [tilespmem:s9+$0x47B0];
	[tilespmem:s0+$0x107C0] =	vst v1;
	v8 =	vmul.f32 $6.400000000e+01, v8  }
0x24b: {  	v1 =	vld [tilespmem:s9+$0x47C0];
	v7 =	vmul.f32 $6.400000000e+01, v7;
	[tilespmem:s0+$0x107D0] =	vst v4  }
0x24c: {  	s3 =	sadd.s32 $0x1000, s3;
	v6 =	vmul.f32 $6.400000000e+01, v6;
	v4 =	vld [tilespmem:s9+$0x47D0];
	[tilespmem:s0+$0x107E0] =	vst v8;
	s0 =	smov.u32 s9  }
0x24d: {  	v5 =	vmul.f32 $6.400000000e+01, v5;
	v8 =	vld [tilespmem:s0+$0x47E0];
	[tilespmem:s0+$0x107F0] =	vst v7  }
0x24e: {  	[tilespmem:s0+$0x10780] =	vst v6;
	v3 =	vmul.f32 $6.400000000e+01, v3  }
0x24f: {  	[tilespmem:s0+$0x10790] =	vst v5;
	v2 =	vmul.f32 $6.400000000e+01, v2  }
0x250: {  	[tilespmem:s0+$0x107A0] =	vst v3;
	v1 =	vmul.f32 $6.400000000e+01, v1  }
0x251: {  	[tilespmem:s0+$0x107B0] =	vst v2;
	v2 =	vmul.f32 $6.400000000e+01, v4  }
0x252: {  	[tilespmem:s0+$0x107C0] =	vst v1;
	v1 =	vmul.f32 $6.400000000e+01, v8  }
0x253: {  	[tilespmem:s0+$0x107D0] =	vst v2  }
0x254: {  	s2 =	simm.s32 $0x0;
	[tilespmem:s0+$0x107E0] =	vst v1  }
0x255: {  	v4 =	vld [tilespmem:s2+$0x0];
	_ =	sdelay $0x2  }
0x256: {  	v3 =	vmov s26;
	v2 =	vimm.s32 $0xFFFFFFFF;
	v1 =	vimm.s32 $0x2710;
	s0 =	simm.s32 $0x40  }
.LBB2_51:
0x257: {  	p2 =	sne.s32 s0, $0xFC0  }
.Ltmp28:
0x258: {  	s2 =	sshra.s32 s0, $0x2;
	s0 =	sadd.s32 $0x40, s0;
	v5 =	vsub.s32 v4, v3;
	(pc) =	sbr.rel @p2 .LBB2_51-.Ltmp28, $4  }
0x259: {  	v4 =	vld [tilespmem:s2+$0x0];
	vm0 =	vlt.u32 v5, $0x18  }
0x25a: {  	v6 =	vnsel vm0, $0x2710, v5;
	v5 =	vnsel vm0, $0xFFFFFFFF, v5  }
0x25b: {  	vm0 =	vlt.s32 v1, v6;
	vm1 =	vgt.s32 v2, v5  }
0x25c: {  	v1 =	vsel vm0, v1, v6;
	v2 =	vsel vm1, v2, v5  }
0x25d: {  	_ = 	snop  }
0x25e: {  	v3 =	vsub.s32 v4, v3  }
0x25f: {  	vm0 =	vlt.u32 v3, $0x18  }
0x260: {  	v4 =	vnsel vm0, $0x2710, v3  }
0x261: {  	v3 =	vnsel vm0, $0xFFFFFFFF, v3;
	vm15 =	vlt.s32 v1, v4  }
0x262: {  	vm1 =	vgt.s32 v2, v3;
	v1 =	vsel vm15, v1, v4  }
0x263: {  	v2 =	vsel vm1, v2, v3;
	(v2sf) =	vpush v1, $0x0  }
0x264: {  	(v2sf) =	vpush v2, $0x0  }
0x265: {  	(v2sf) =	vpush v1, $0x1  }
0x266: {  	(v2sf) =	vpush v2, $0x1  }
0x267: {  	(v2sf) =	vpush v1, $0x2  }
0x268: {  	(v2sf) =	vpush v2, $0x2  }
0x269: {  	(v2sf) =	vpush v1, $0x3  }
0x26a: {  	(v2sf) =	vpush v2, $0x3  }
0x26b: {  	(v2sf) =	vpush v1, $0x4  }
0x26c: {  	(v2sf) =	vpush v2, $0x4  }
0x26d: {  	(v2sf) =	vpush v1, $0x5  }
0x26e: {  	(v2sf) =	vpush v2, $0x5  }
0x26f: {  	(v2sf) =	vpush v1, $0x6  }
0x270: {  	(v2sf) =	vpush v2, $0x6  }
0x271: {  	(v2sf) =	vpush v1, $0x7  }
0x272: {  	s0 =	spop (v2sf);
	(v2sf) =	vpush v2, $0x7  }
0x273: {  	s2 =	spop (v2sf);
	(v2sf) =	vpush v1, $0x8  }
0x274: {  	s3 =	spop (v2sf);
	(v2sf) =	vpush v2, $0x8  }
0x275: {  	p2 =	slt.s32 s0, s3;
	s9 =	spop (v2sf);
	(v2sf) =	vpush v1, $0x9  }
0x276: {  	s3 =	smov.u32 @p2 s0;
	p2 =	sgt.s32 s2, s9;
	s0 =	spop (v2sf);
	(v2sf) =	vpush v2, $0x9  }
0x277: {  	s9 =	smov.u32 @p2 s2;
	p2 =	slt.s32 s3, s0;
	s2 =	spop (v2sf);
	(v2sf) =	vpush v1, $0xA  }
0x278: {  	s0 =	smov.u32 @p2 s3;
	p2 =	sgt.s32 s9, s2;
	s3 =	spop (v2sf);
	(v2sf) =	vpush v2, $0xA  }
0x279: {  	s2 =	smov.u32 @p2 s9;
	p2 =	slt.s32 s0, s3;
	s9 =	spop (v2sf);
	(v2sf) =	vpush v1, $0xB  }
0x27a: {  	s3 =	smov.u32 @p2 s0;
	p2 =	sgt.s32 s2, s9;
	s0 =	spop (v2sf);
	(v2sf) =	vpush v2, $0xB  }
0x27b: {  	s9 =	smov.u32 @p2 s2;
	p2 =	slt.s32 s3, s0;
	s2 =	spop (v2sf);
	(v2sf) =	vpush v1, $0xC  }
0x27c: {  	s0 =	smov.u32 @p2 s3;
	p2 =	sgt.s32 s9, s2;
	s3 =	spop (v2sf);
	(v2sf) =	vpush v2, $0xC  }
0x27d: {  	s2 =	smov.u32 @p2 s9;
	p2 =	slt.s32 s0, s3;
	s9 =	spop (v2sf);
	(v2sf) =	vpush v1, $0xD  }
0x27e: {  	s3 =	smov.u32 @p2 s0;
	p2 =	sgt.s32 s2, s9;
	s0 =	spop (v2sf);
	(v2sf) =	vpush v2, $0xD  }
0x27f: {  	s9 =	smov.u32 @p2 s2;
	p2 =	slt.s32 s3, s0;
	s2 =	spop (v2sf);
	(v2sf) =	vpush v1, $0xE  }
0x280: {  	s0 =	smov.u32 @p2 s3;
	p2 =	sgt.s32 s9, s2;
	s3 =	spop (v2sf);
	(v2sf) =	vpush v2, $0xE  }
0x281: {  	s2 =	smov.u32 @p2 s9;
	p2 =	slt.s32 s0, s3;
	s9 =	spop (v2sf);
	(v2sf) =	vpush v1, $0xF  }
0x282: {  	s3 =	smov.u32 @p2 s0;
	p2 =	sgt.s32 s2, s9;
	s0 =	spop (v2sf);
	(v2sf) =	vpush v2, $0xF  }
0x283: {  	s9 =	smov.u32 @p2 s2;
	s2 =	spop (v2sf);
	p2 =	slt.s32 s3, s0  }
0x284: {  	s0 =	smov.u32 @p2 s3;
	s3 =	spop (v2sf);
	p2 =	sgt.s32 s9, s2  }
0x285: {  	s2 =	smov.u32 @p2 s9;
	s9 =	spop (v2sf);
	p2 =	slt.s32 s0, s3  }
0x286: {  	s3 =	smov.u32 @p2 s0;
	s0 =	spop (v2sf);
	p2 =	sgt.s32 s2, s9  }
0x287: {  	s9 =	smov.u32 @p2 s2;
	s2 =	spop (v2sf);
	p2 =	slt.s32 s3, s0  }
0x288: {  	s0 =	smov.u32 @p2 s3;
	s3 =	spop (v2sf);
	p2 =	sgt.s32 s9, s2  }
0x289: {  	s2 =	smov.u32 @p2 s9;
	s9 =	spop (v2sf);
	p2 =	slt.s32 s0, s3  }
0x28a: {  	s3 =	smov.u32 @p2 s0;
	s0 =	spop (v2sf);
	p2 =	sgt.s32 s2, s9  }
0x28b: {  	s9 =	smov.u32 @p2 s2;
	s2 =	spop (v2sf);
	p2 =	slt.s32 s3, s0  }
0x28c: {  	s0 =	smov.u32 @p2 s3;
	s3 =	spop (v2sf);
	p2 =	sgt.s32 s9, s2  }
0x28d: {  	s2 =	smov.u32 @p2 s9;
	s9 =	spop (v2sf);
	p2 =	slt.s32 s0, s3  }
0x28e: {  	s3 =	smov.u32 @p2 s0;
	s0 =	spop (v2sf);
	p2 =	sgt.s32 s2, s9  }
0x28f: {  	s9 =	smov.u32 @p2 s2;
	s2 =	spop (v2sf);
	p2 =	slt.s32 s3, s0  }
0x290: {  	s0 =	smov.u32 @p2 s3;
	s28 =	spop (v2sf);
	p2 =	sgt.s32 s9, s2  }
0x291: {  	s2 =	smov.u32 @p2 s9;
	s3 =	spop (v2sf)  }
0x292: {  	p2 =	slt.s32 s0, s28;
	p3 =	sgt.s32 s2, s3  }
0x293: {  	s28 =	smov.u32 @p2 s0;
	s3 =	smov.u32 @p3 s2  }
0x294: {  	p2 =	slt.s32 s3, s28  }
0x295: {  	s29 =	ssub.s32 @!p2 s3, s28  }
0x296: {  	p3 =	sgt.u32 @!p2 s29, $0x7FFFFFFE  }
0x297: {  	p3 =	por p2, p3  }
.Ltmp29:
0x298: {  	_ = 	snop;
	(pc) =	sbr.rel @p3 .LBB2_56-.Ltmp29, $2  }
0x299: {  	_ =	sdelay $0x2  }
0x29a: {  	s30 =	simm.s32 @!p2 $0x0  }
.LBB2_53:
0x29b: {  	s12 =	sadd.s32 s28, s30  }
0x29c: {  	s0 =	sshll.u32 s12, $0xA;
	s2 =	sshll.u32 s12, $0x7  }
0x29d: {  	s3 =	simm.s32 $0x0;
	s0 =	sand.u32 $0xFFFFE000, s0;
	s2 =	sand.u32 $0x380, s2  }
0x29e: {  	s15 =	sand.u32 $0x1C00, s3;
	s11 =	sor.u32 s0, s2  }
0x29f: {  	s16 =	sand.u32 $0x70, s3;
	s0 =	sor.u32 s15, s11  }
0x2a0: {  	s16 =	sor.u32 s16, s0  }
0x2a1: {  	v5 =	vld [tilespmem:s16+$0x400];
	_ =	sdelay $0x4  }
0x2a2: {  	v1 =	vmul.f32 v5, v5  }
0x2a3: {  	s2 =	simm.s32 $0x80  }
0x2a4: {  	s7 =	simm.s32 $0x10;
	s0 =	sand.u32 $0x1C00, s2;
	v1 =	vsub.f32 $1.000000000e+00, v1  }
0x2a5: {  	s2 =	sand.u32 $0x70, s7;
	s0 =	sor.u32 s0, s11  }
0x2a6: {  	s31 =	sor.u32 s2, s0;
	v6 =	vmax.f32 v1, $9.999999960e-13  }
0x2a7: {  	v2 =	vld [tilespmem:s31+$0x400];
	v1 =	vshra.s32 v6, $0x1;
	v4 =	vmul.f32 $5.000000000e-01, v6  }
0x2a8: {  	v1 =	vsub.s32 $0x5F3759DF, v1  }
0x2a9: {  	v3 =	vmul.f32 v1, v4;
	_ =	sdelay $0x1  }
0x2aa: {  	v3 =	vmul.f32 v1, v3  }
0x2ab: {  	s9 =	simm.s32 $0x100;
	v7 =	vmul.f32 v2, v2  }
0x2ac: {  	s13 =	simm.s32 $0x20;
	s0 =	sand.u32 $0x1C00, s9;
	v3 =	vsub.f32 $1.500000000e+00, v3  }
0x2ad: {  	s2 =	sand.u32 $0x70, s13;
	s0 =	sor.u32 s0, s11;
	v7 =	vsub.f32 $1.000000000e+00, v7  }
0x2ae: {  	s2 =	sor.u32 s2, s0;
	v1 =	vmul.f32 v1, v3  }
0x2af: {  	v8 =	vmax.f32 v7, $9.999999960e-13;
	v3 =	vld [tilespmem:s2+$0x400]  }
0x2b0: {  	v7 =	vshra.s32 v8, $0x1;
	v11 =	vmul.f32 $5.000000000e-01, v8;
	v9 =	vmul.f32 v1, v4  }
0x2b1: {  	v10 =	vsub.s32 $0x5F3759DF, v7  }
0x2b2: {  	v7 =	vmul.f32 v10, v11;
	v9 =	vmul.f32 v9, v1;
	_ =	sdelay $0x1  }
0x2b3: {  	s15 =	simm.s32 $0x180;
	v7 =	vmul.f32 v10, v7;
	v12 =	vmul.f32 v3, v3;
	v9 =	vsub.f32 $1.500000000e+00, v9  }
0x2b4: {  	s9 =	simm.s32 $0x30;
	s0 =	sand.u32 $0x1C00, s15  }
0x2b5: {  	s9 =	sand.u32 $0x70, s9;
	s0 =	sor.u32 s0, s11;
	v13 =	vsub.f32 $1.500000000e+00, v7;
	v12 =	vsub.f32 $1.000000000e+00, v12;
	v9 =	vmul.f32 v9, v1  }
0x2b6: {  	s0 =	sor.u32 s9, s0  }
0x2b7: {  	v1 =	vld [tilespmem:s0+$0x400];
	v7 =	vmax.f32 v12, $9.999999960e-13;
	v12 =	vmul.f32 v10, v13;
	v4 =	vmul.f32 v9, v4  }
0x2b8: {  	v13 =	vshra.s32 v7, $0x1;
	v10 =	vmul.f32 $5.000000000e-01, v7  }
0x2b9: {  	v14 =	vsub.s32 $0x5F3759DF, v13;
	v13 =	vmul.f32 v12, v11;
	v4 =	vmul.f32 v4, v9  }
0x2ba: {  	v15 =	vmul.f32 v14, v10  }
0x2bb: {  	v13 =	vmul.f32 v13, v12;
	v4 =	vsub.f32 $1.500000000e+00, v4  }
0x2bc: {  	s15 =	simm.s32 $0x200;
	v16 =	vmul.f32 v1, v1;
	v15 =	vmul.f32 v14, v15  }
0x2bd: {  	s7 =	simm.s32 $0x40;
	s13 =	sand.u32 $0x1C00, s15;
	v13 =	vsub.f32 $1.500000000e+00, v13;
	v9 =	vmul.f32 v4, v9  }
0x2be: {  	s12 =	sadd.s32 s26, s12;
	s9 =	sand.u32 $0x70, s7;
	s13 =	sor.u32 s13, s11;
	v16 =	vsub.f32 $1.000000000e+00, v16;
	v17 =	vsub.f32 $1.500000000e+00, v15  }
0x2bf: {  	v4 =	vmov s12;
	s12 =	sor.u32 s9, s13;
	v13 =	vmul.f32 v13, v12;
	v15 =	vmul.f32 v9, v6  }
0x2c0: {  	s9 =	simm.s32 $0x50;
	v6 =	vld [tilespmem:s12+$0x400];
	v9 =	vmax.f32 v16, $9.999999960e-13;
	v12 =	vmul.f32 v14, v17;
	v14 =	vmul.f32 $9.553365110e-01, v5  }
.LBB2_54:
0x2c1: {  	p2 =	sne.s32 s9, $0x3F0;
	v16 =	vshra.s32 v9, $0x1;
	v17 =	vmul.f32 v13, v11;
	v18 =	vld [tilespmem:s3+$0x0];
	v15 =	vmul.f32 $-2.955202160e-01, v15;
	v11 =	vmovc v10;
	s13 =	smov.u32 s31;
	s31 =	smov.u32 s2  }
0x2c2: {  	v10 =	vmul.f32 $5.000000000e-01, v9;
	s2 =	smov.u32 s0;
	s0 =	smov.u32 s12;
	v16 =	vsub.s32 $0x5F3759DF, v16  }
0x2c3: {  	v19 =	vmul.f32 v12, v11;
	v17 =	vmul.f32 v17, v13;
	v14 =	vadd.f32 v15, v14  }
0x2c4: {  	v15 =	vmul.f32 v16, v10  }
0x2c5: {  	v19 =	vmul.f32 v19, v12;
	v17 =	vsub.f32 $1.500000000e+00, v17;
	v14 =	vadd.f32 $-2.000000030e-01, v14  }
.Ltmp30:
0x2c6: {  	s15 =	sadd.s32 $0x80, s15;
	v20 =	vmul.f32 v6, v6;
	v15 =	vmul.f32 v16, v15;
	vm0 =	veq.s32 v18, v4;
	(pc) =	sbr.rel @p2 .LBB2_54-.Ltmp30, $4  }
0x2c7: {  	s12 =	sand.u32 $0x1C00, s15;
	v18 =	vsub.f32 $1.500000000e+00, v19;
	v17 =	vmul.f32 v17, v13;
	v13 =	vsel vm0, v14, v5;
	v5 =	vmovc v2;
	v2 =	vmovc v3  }
0x2c8: {  	s7 =	sand.u32 $0x70, s9;
	s12 =	sor.u32 s12, s11;
	v14 =	vsub.f32 $1.000000000e+00, v20;
	v19 =	vsub.f32 $1.500000000e+00, v15;
	v3 =	vmovc v1;
	v1 =	vmovc v6;
	v20 =	vmul.f32 $6.400000000e+01, v13  }
0x2c9: {  	s12 =	sor.u32 s7, s12;
	v13 =	vmul.f32 v18, v12;
	v15 =	vmul.f32 v17, v8;
	v8 =	vmovc v7;
	v7 =	vmov v9  }
0x2ca: {  	s9 =	sadd.s32 $0x10, s9;
	s3 =	sadd.s32 $0x10, s3;
	v9 =	vmax.f32 v14, $9.999999960e-13;
	v12 =	vmul.f32 v16, v19;
	v14 =	vmul.f32 $9.553365110e-01, v5;
	v6 =	vld [tilespmem:s12+$0x400];
	[tilespmem:s16+$0xC400] =	vst v20;
	s16 =	smov.u32 s13  }
0x2cb: {  	v16 =	vshra.s32 v9, $0x1;
	v11 =	vmul.f32 v13, v11;
	v17 =	vld [tilespmem:s3+$0x0];
	v15 =	vmul.f32 $-2.955202160e-01, v15  }
0x2cc: {  	v18 =	vmul.f32 $5.000000000e-01, v9;
	v16 =	vsub.s32 $0x5F3759DF, v16  }
0x2cd: {  	v19 =	vmul.f32 v12, v10;
	v11 =	vmul.f32 v11, v13;
	v14 =	vadd.f32 v15, v14  }
0x2ce: {  	v41 =	vmul.f32 v16, v18  }
0x2cf: {  	v19 =	vmul.f32 v19, v12;
	v11 =	vsub.f32 $1.500000000e+00, v11;
	v14 =	vadd.f32 $-2.000000030e-01, v14  }
0x2d0: {  	v20 =	vmul.f32 v6, v6;
	v15 =	vmul.f32 v16, v41;
	vm0 =	veq.s32 v17, v4  }
0x2d1: {  	v42 =	vsub.f32 $1.500000000e+00, v19;
	v11 =	vmul.f32 v11, v13;
	v5 =	vsel vm0, v14, v5  }
0x2d2: {  	v43 =	vsub.f32 $1.000000000e+00, v20;
	v44 =	vsub.f32 $1.500000000e+00, v15;
	v5 =	vmul.f32 $6.400000000e+01, v5  }
0x2d3: {  	v45 =	vmul.f32 v42, v12;
	v8 =	vmul.f32 v11, v8  }
0x2d4: {  	v48 =	vmul.f32 $9.553365110e-01, v2;
	s13 =	sadd.s32 $0x10, s3;
	v46 =	vmax.f32 v43, $9.999999960e-13;
	v47 =	vmul.f32 v16, v44;
	[tilespmem:s16+$0xC400] =	vst v5  }
0x2d5: {  	v49 =	vshra.s32 v46, $0x1;
	v50 =	vmul.f32 v45, v10;
	v51 =	vld [tilespmem:s13+$0x0];
	v8 =	vmul.f32 $-2.955202160e-01, v8  }
0x2d6: {  	v52 =	vmul.f32 $5.000000000e-01, v46;
	v5 =	vsub.s32 $0x5F3759DF, v49  }
0x2d7: {  	v53 =	vmul.f32 v47, v18;
	v10 =	vmul.f32 v50, v45;
	v8 =	vadd.f32 v8, v48  }
0x2d8: {  	v54 =	vmul.f32 v5, v52  }
0x2d9: {  	v17 =	vmul.f32 v53, v47;
	v10 =	vsub.f32 $1.500000000e+00, v10;
	v8 =	vadd.f32 $-2.000000030e-01, v8  }
0x2da: {  	v14 =	vmul.f32 v5, v54;
	vm12 =	veq.s32 v51, v4  }
0x2db: {  	v55 =	vsub.f32 $1.500000000e+00, v17;
	v10 =	vmul.f32 v10, v45;
	v2 =	vsel vm12, v8, v2  }
0x2dc: {  	v56 =	vsub.f32 $1.500000000e+00, v14;
	v2 =	vmul.f32 $6.400000000e+01, v2  }
0x2dd: {  	v57 =	vmul.f32 v55, v47;
	v7 =	vmul.f32 v10, v7  }
0x2de: {  	v58 =	vmul.f32 $9.553365110e-01, v3;
	s3 =	sadd.s32 $0x10, s13;
	v5 =	vmul.f32 v5, v56;
	[tilespmem:s31+$0xC400] =	vst v2  }
0x2df: {  	v2 =	vmul.f32 v57, v18;
	v7 =	vmul.f32 $-2.955202160e-01, v7;
	v59 =	vld [tilespmem:s3+$0x0];
	_ =	sdelay $0x1  }
0x2e0: {  	v60 =	vmul.f32 v5, v52;
	v2 =	vmul.f32 v2, v57;
	v7 =	vadd.f32 v7, v58;
	_ =	sdelay $0x1  }
0x2e1: {  	v61 =	vmul.f32 v60, v5;
	v2 =	vsub.f32 $1.500000000e+00, v2;
	v7 =	vadd.f32 $-2.000000030e-01, v7  }
0x2e2: {  	vm13 =	veq.s32 v59, v4  }
0x2e3: {  	v8 =	vsub.f32 $1.500000000e+00, v61;
	v2 =	vmul.f32 v2, v57;
	v3 =	vsel vm13, v7, v3  }
0x2e4: {  	v3 =	vmul.f32 $6.400000000e+01, v3  }
0x2e5: {  	v5 =	vmul.f32 v8, v5;
	v2 =	vmul.f32 v2, v9  }
0x2e6: {  	v62 =	vmul.f32 $9.553365110e-01, v1;
	s15 =	sadd.s32 $0x10, s3;
	[tilespmem:s2+$0xC400] =	vst v3  }
0x2e7: {  	v3 =	vmul.f32 v5, v52;
	v2 =	vmul.f32 $-2.955202160e-01, v2;
	v63 =	vld [tilespmem:s15+$0x0];
	_ =	sdelay $0x1  }
0x2e8: {  	v3 =	vmul.f32 v3, v5;
	v2 =	vadd.f32 v2, v62;
	_ =	sdelay $0x1  }
0x2e9: {  	v3 =	vsub.f32 $1.500000000e+00, v3;
	v2 =	vadd.f32 $-2.000000030e-01, v2  }
0x2ea: {  	vm14 =	veq.s32 v63, v4  }
0x2eb: {  	v3 =	vmul.f32 v3, v5;
	v1 =	vsel vm14, v2, v1  }
0x2ec: {  	v1 =	vmul.f32 $6.400000000e+01, v1  }
0x2ed: {  	v2 =	vmul.f32 v3, v46  }
0x2ee: {  	s16 =	sadd.s32 $0x10, s15;
	[tilespmem:s0+$0xC400] =	vst v1  }
0x2ef: {  	v1 =	vmul.f32 $9.553365110e-01, v6;
	v2 =	vmul.f32 $-2.955202160e-01, v2;
	v3 =	vld [tilespmem:s16+$0x0];
	_ =	sdelay $0x1  }
0x2f0: {  	v1 =	vadd.f32 v2, v1;
	_ =	sdelay $0x1  }
0x2f1: {  	p2 =	sne.s32 s30, s29;
	v1 =	vadd.f32 $-2.000000030e-01, v1  }
.Ltmp31:
0x2f2: {  	vm15 =	veq.s32 v3, v4;
	(pc) =	sbr.rel @p2 .LBB2_53-.Ltmp31, $4  }
0x2f3: {  	v1 =	vsel vm15, v1, v6  }
0x2f4: {  	v1 =	vmul.f32 $6.400000000e+01, v1  }
0x2f5: {  	s31 =	sadd.s32 $0x1, s30  }
0x2f6: {  	s30 =	smov.u32 s31;
	[tilespmem:s12+$0xC400] =	vst v1  }
.LBB2_56:
0x2f7: {  	p2 =	seq.s32 s24, $0x40  }
0x2f8: {  	s0 =	sshll.u32 @!p2 s26, $0x7  }
0x2f9: {  	s0 =	sand.u32 @!p2 $0x1FFFFF80, s0  }
0x2fa: {  	s30 =	sshll.u32 s26, $0x7;
	s0 =	sadd.s32 @!p2 s1, s0  }
0x2fb: {  	s2 =	simm.s32 @!p2 $0x0;
	s3 =	simm.s32 @!p2 $0x400;
	s0 =	sadd.s32 @!p2 $0x1800, s0  }
0x2fc: {  	[tilespmem:s3], [sflag:$0x1] =	stream.linear.gather @!p2 [hbm4b:s0+s2], $0x6000, $0x38;
	[tilespmem:$0x18400] =	vst v63  }
0x2fd: {  	s0 =	sadd.s32 s4, s30  }
0x2fe: {  	[hbm4b:s0+s5] =	stream.linear.scatter [tilespmem:s18], [sflag:$0x3], $0x6000, $0x38;
	[tilespmem:$0x18400] =	vst v63  }
0x2ff: {  	_ =	swait.ge [sflag:s19], $0x6000  }
0x300: {  	[sflag:s19] =	ssyncset.done $0x0  }
0x301: {  	s0 =	simm.s32 @!p1 $0x4;
	[sflag:s19] =	ssyncadd.s32 $0xFFFFA000  }
0x302: {  	_ =	swait.ge @!p1 [sflag:s0], $0x6000  }
0x303: {  	[sflag:s0] =	ssyncset.done @!p1 $0x0  }
0x304: {  	s31 =	simm.s32 $0x6440;
	[sflag:s0] =	ssyncadd.s32 @!p1 $0xFFFFA000  }
0x305: {  	v4 =	vld [tilespmem:s31+$0x30]  }
0x306: {  	v5 =	vld [tilespmem:s31+$0xFFFFFFD0]  }
0x307: {  	v7 =	vld [tilespmem:s31+$0xFFFFFFE0]  }
0x308: {  	v3 =	vld [tilespmem:s31+$0xFFFFFFF0]  }
0x309: {  	v2 =	vld [tilespmem:s31+$0x0]  }
0x30a: {  	v1 =	vld [tilespmem:s31+$0x10];
	v8 =	vmul.f32 $6.400000000e+01, v4  }
0x30b: {  	s25 =	sadd.s32 s25, s10;
	s9 =	simm.s32 $0x0;
	s3 =	simm.s32 $0x12440;
	v4 =	vld [tilespmem:s31+$0x20];
	v6 =	vmul.f32 $6.400000000e+01, v5  }
0x30c: {  	s11 =	simm.s32 $0x6840;
	s2 =	simm.s32 $0x64F0;
	s0 =	simm.s32 $0x124F0;
	v5 =	vld [tilespmem:s31+$0xFFFFFFC0];
	v7 =	vmul.f32 $6.400000000e+01, v7;
	[tilespmem:s3+$0x30] =	vst v8  }
.LBB2_57:
0x30d: {  	v8 =	vld [tilespmem:s11+$0x30];
	s9 =	sadd.s32 $0x8, s9;
	[tilespmem:s3+$0xFFFFFFD0] =	vst v6;
	v3 =	vmul.f32 $6.400000000e+01, v3  }
0x30e: {  	v6 =	vld [tilespmem:s11+$0xFFFFFFD0];
	p1 =	slt.u32 s9, $0x38;
	[tilespmem:s3+$0xFFFFFFE0] =	vst v7;
	v2 =	vmul.f32 $6.400000000e+01, v2  }
0x30f: {  	v7 =	vld [tilespmem:s11+$0xFFFFFFE0];
	[tilespmem:s3+$0xFFFFFFF0] =	vst v3;
	v1 =	vmul.f32 $6.400000000e+01, v1  }
.Ltmp32:
0x310: {  	v3 =	vld [tilespmem:s11+$0xFFFFFFF0];
	[tilespmem:s3+$0x0] =	vst v2;
	v4 =	vmul.f32 $6.400000000e+01, v4;
	(pc) =	sbr.rel @p1 .LBB2_57-.Ltmp32, $4  }
0x311: {  	v2 =	vld [tilespmem:s11+$0x0];
	v5 =	vmul.f32 $6.400000000e+01, v5;
	[tilespmem:s3+$0x10] =	vst v1  }
0x312: {  	v1 =	vld [tilespmem:s11+$0x10];
	v8 =	vmul.f32 $6.400000000e+01, v8;
	[tilespmem:s3+$0x20] =	vst v4  }
0x313: {  	v6 =	vmul.f32 $6.400000000e+01, v6;
	v4 =	vld [tilespmem:s11+$0x20];
	[tilespmem:s3+$0xFFFFFFC0] =	vst v5;
	s3 =	sadd.s32 $0x400, s3  }
0x314: {  	v5 =	vld [tilespmem:s11+$0xFFFFFFC0];
	v7 =	vmul.f32 $6.400000000e+01, v7;
	[tilespmem:s3+$0x30] =	vst v8;
	s11 =	sadd.s32 $0x400, s11  }
0x315: {  	[tilespmem:s3+$0xFFFFFFD0] =	vst v6;
	v3 =	vmul.f32 $6.400000000e+01, v3  }
0x316: {  	[tilespmem:s3+$0xFFFFFFE0] =	vst v7;
	v2 =	vmul.f32 $6.400000000e+01, v2  }
0x317: {  	[tilespmem:s3+$0xFFFFFFF0] =	vst v3;
	v1 =	vmul.f32 $6.400000000e+01, v1  }
0x318: {  	[tilespmem:s3+$0x0] =	vst v2;
	v2 =	vmul.f32 $6.400000000e+01, v4  }
0x319: {  	v3 =	vmul.f32 $6.400000000e+01, v5;
	[tilespmem:s3+$0x10] =	vst v1  }
0x31a: {  	[tilespmem:s3+$0x20] =	vst v2  }
0x31b: {  	[tilespmem:s3+$0xFFFFFFC0] =	vst v3  }
0x31c: {  	v3 =	vld [tilespmem:s2+$0x0]  }
0x31d: {  	v5 =	vld [tilespmem:s2+$0xFFFFFFA0]  }
0x31e: {  	v7 =	vld [tilespmem:s2+$0xFFFFFFB0]  }
0x31f: {  	v4 =	vld [tilespmem:s2+$0xFFFFFFC0]  }
0x320: {  	v2 =	vld [tilespmem:s2+$0xFFFFFFD0]  }
0x321: {  	v1 =	vld [tilespmem:s2+$0xFFFFFFE0];
	v8 =	vmul.f32 $6.400000000e+01, v3  }
0x322: {  	s9 =	simm.s32 $0x0;
	v3 =	vld [tilespmem:s2+$0xFFFFFFF0];
	v6 =	vmul.f32 $6.400000000e+01, v5  }
0x323: {  	s11 =	simm.s32 $0x68F0;
	s3 =	simm.s32 $0x6570;
	v5 =	vld [tilespmem:s2+$0xFFFFFF90];
	v7 =	vmul.f32 $6.400000000e+01, v7;
	s2 =	simm.s32 $0x12570;
	[tilespmem:s0+$0x0] =	vst v8  }
.LBB2_59:
0x324: {  	v8 =	vld [tilespmem:s11+$0x0];
	s9 =	sadd.s32 $0x8, s9;
	[tilespmem:s0+$0xFFFFFFA0] =	vst v6;
	v4 =	vmul.f32 $6.400000000e+01, v4  }
0x325: {  	v6 =	vld [tilespmem:s11+$0xFFFFFFA0];
	p1 =	slt.u32 s9, $0x38;
	[tilespmem:s0+$0xFFFFFFB0] =	vst v7;
	v2 =	vmul.f32 $6.400000000e+01, v2  }
0x326: {  	v7 =	vld [tilespmem:s11+$0xFFFFFFB0];
	[tilespmem:s0+$0xFFFFFFC0] =	vst v4;
	v1 =	vmul.f32 $6.400000000e+01, v1  }
.Ltmp33:
0x327: {  	v4 =	vld [tilespmem:s11+$0xFFFFFFC0];
	[tilespmem:s0+$0xFFFFFFD0] =	vst v2;
	v3 =	vmul.f32 $6.400000000e+01, v3;
	(pc) =	sbr.rel @p1 .LBB2_59-.Ltmp33, $4  }
0x328: {  	v2 =	vld [tilespmem:s11+$0xFFFFFFD0];
	v5 =	vmul.f32 $6.400000000e+01, v5;
	[tilespmem:s0+$0xFFFFFFE0] =	vst v1  }
0x329: {  	v1 =	vld [tilespmem:s11+$0xFFFFFFE0];
	v8 =	vmul.f32 $6.400000000e+01, v8;
	[tilespmem:s0+$0xFFFFFFF0] =	vst v3  }
0x32a: {  	v6 =	vmul.f32 $6.400000000e+01, v6;
	v3 =	vld [tilespmem:s11+$0xFFFFFFF0];
	[tilespmem:s0+$0xFFFFFF90] =	vst v5;
	s0 =	sadd.s32 $0x400, s0  }
0x32b: {  	v5 =	vld [tilespmem:s11+$0xFFFFFF90];
	v7 =	vmul.f32 $6.400000000e+01, v7;
	[tilespmem:s0+$0x0] =	vst v8;
	s11 =	sadd.s32 $0x400, s11  }
0x32c: {  	[tilespmem:s0+$0xFFFFFFA0] =	vst v6;
	v4 =	vmul.f32 $6.400000000e+01, v4  }
0x32d: {  	[tilespmem:s0+$0xFFFFFFB0] =	vst v7;
	v2 =	vmul.f32 $6.400000000e+01, v2  }
0x32e: {  	[tilespmem:s0+$0xFFFFFFC0] =	vst v4;
	v1 =	vmul.f32 $6.400000000e+01, v1  }
0x32f: {  	[tilespmem:s0+$0xFFFFFFD0] =	vst v2;
	v2 =	vmul.f32 $6.400000000e+01, v3  }
0x330: {  	v3 =	vmul.f32 $6.400000000e+01, v5;
	[tilespmem:s0+$0xFFFFFFE0] =	vst v1  }
0x331: {  	[tilespmem:s0+$0xFFFFFFF0] =	vst v2  }
0x332: {  	[tilespmem:s0+$0xFFFFFF90] =	vst v3  }
0x333: {  	v3 =	vld [tilespmem:s3+$0x0]  }
0x334: {  	v5 =	vld [tilespmem:s3+$0xFFFFFFA0]  }
0x335: {  	v7 =	vld [tilespmem:s3+$0xFFFFFFB0]  }
0x336: {  	v4 =	vld [tilespmem:s3+$0xFFFFFFC0]  }
0x337: {  	v2 =	vld [tilespmem:s3+$0xFFFFFFD0]  }
0x338: {  	v1 =	vld [tilespmem:s3+$0xFFFFFFE0];
	v8 =	vmul.f32 $6.400000000e+01, v3  }
0x339: {  	s11 =	simm.s32 $0x0;
	v3 =	vld [tilespmem:s3+$0xFFFFFFF0];
	v6 =	vmul.f32 $6.400000000e+01, v5  }
0x33a: {  	s9 =	simm.s32 $0x65F0;
	s0 =	simm.s32 $0x125F0;
	v5 =	vld [tilespmem:s3+$0xFFFFFF90];
	v7 =	vmul.f32 $6.400000000e+01, v7;
	s3 =	simm.s32 $0x6970;
	[tilespmem:s2+$0x0] =	vst v8  }
.LBB2_61:
0x33b: {  	v8 =	vld [tilespmem:s3+$0x0];
	s11 =	sadd.s32 $0x8, s11;
	[tilespmem:s2+$0xFFFFFFA0] =	vst v6;
	v4 =	vmul.f32 $6.400000000e+01, v4  }
0x33c: {  	v6 =	vld [tilespmem:s3+$0xFFFFFFA0];
	p1 =	slt.u32 s11, $0x38;
	[tilespmem:s2+$0xFFFFFFB0] =	vst v7;
	v2 =	vmul.f32 $6.400000000e+01, v2  }
0x33d: {  	v7 =	vld [tilespmem:s3+$0xFFFFFFB0];
	[tilespmem:s2+$0xFFFFFFC0] =	vst v4;
	v1 =	vmul.f32 $6.400000000e+01, v1  }
.Ltmp34:
0x33e: {  	v4 =	vld [tilespmem:s3+$0xFFFFFFC0];
	[tilespmem:s2+$0xFFFFFFD0] =	vst v2;
	v3 =	vmul.f32 $6.400000000e+01, v3;
	(pc) =	sbr.rel @p1 .LBB2_61-.Ltmp34, $4  }
0x33f: {  	v2 =	vld [tilespmem:s3+$0xFFFFFFD0];
	v5 =	vmul.f32 $6.400000000e+01, v5;
	[tilespmem:s2+$0xFFFFFFE0] =	vst v1  }
0x340: {  	v1 =	vld [tilespmem:s3+$0xFFFFFFE0];
	v8 =	vmul.f32 $6.400000000e+01, v8;
	[tilespmem:s2+$0xFFFFFFF0] =	vst v3  }
0x341: {  	v6 =	vmul.f32 $6.400000000e+01, v6;
	v3 =	vld [tilespmem:s3+$0xFFFFFFF0];
	[tilespmem:s2+$0xFFFFFF90] =	vst v5;
	s2 =	sadd.s32 $0x400, s2  }
0x342: {  	v5 =	vld [tilespmem:s3+$0xFFFFFF90];
	v7 =	vmul.f32 $6.400000000e+01, v7;
	[tilespmem:s2+$0x0] =	vst v8;
	s3 =	sadd.s32 $0x400, s3  }
0x343: {  	[tilespmem:s2+$0xFFFFFFA0] =	vst v6;
	v4 =	vmul.f32 $6.400000000e+01, v4  }
0x344: {  	[tilespmem:s2+$0xFFFFFFB0] =	vst v7;
	v2 =	vmul.f32 $6.400000000e+01, v2  }
0x345: {  	[tilespmem:s2+$0xFFFFFFC0] =	vst v4;
	v1 =	vmul.f32 $6.400000000e+01, v1  }
0x346: {  	[tilespmem:s2+$0xFFFFFFD0] =	vst v2;
	v2 =	vmul.f32 $6.400000000e+01, v3  }
0x347: {  	v3 =	vmul.f32 $6.400000000e+01, v5;
	[tilespmem:s2+$0xFFFFFFE0] =	vst v1  }
0x348: {  	[tilespmem:s2+$0xFFFFFFF0] =	vst v2  }
0x349: {  	[tilespmem:s2+$0xFFFFFF90] =	vst v3  }
0x34a: {  	v3 =	vld [tilespmem:s9+$0x0]  }
0x34b: {  	v5 =	vld [tilespmem:s9+$0xFFFFFFA0]  }
0x34c: {  	v7 =	vld [tilespmem:s9+$0xFFFFFFB0]  }
0x34d: {  	v4 =	vld [tilespmem:s9+$0xFFFFFFC0]  }
0x34e: {  	v2 =	vld [tilespmem:s9+$0xFFFFFFD0]  }
0x34f: {  	v1 =	vld [tilespmem:s9+$0xFFFFFFE0];
	v8 =	vmul.f32 $6.400000000e+01, v3  }
0x350: {  	s11 =	simm.s32 $0x0;
	v3 =	vld [tilespmem:s9+$0xFFFFFFF0];
	v6 =	vmul.f32 $6.400000000e+01, v5  }
0x351: {  	s3 =	simm.s32 $0x6670;
	s2 =	simm.s32 $0x12670;
	v5 =	vld [tilespmem:s9+$0xFFFFFF90];
	v7 =	vmul.f32 $6.400000000e+01, v7;
	s9 =	simm.s32 $0x69F0;
	[tilespmem:s0+$0x0] =	vst v8  }
.LBB2_63:
0x352: {  	v8 =	vld [tilespmem:s9+$0x0];
	s11 =	sadd.s32 $0x8, s11;
	[tilespmem:s0+$0xFFFFFFA0] =	vst v6;
	v4 =	vmul.f32 $6.400000000e+01, v4  }
0x353: {  	v6 =	vld [tilespmem:s9+$0xFFFFFFA0];
	p1 =	slt.u32 s11, $0x38;
	[tilespmem:s0+$0xFFFFFFB0] =	vst v7;
	v2 =	vmul.f32 $6.400000000e+01, v2  }
0x354: {  	v7 =	vld [tilespmem:s9+$0xFFFFFFB0];
	[tilespmem:s0+$0xFFFFFFC0] =	vst v4;
	v1 =	vmul.f32 $6.400000000e+01, v1  }
.Ltmp35:
0x355: {  	v4 =	vld [tilespmem:s9+$0xFFFFFFC0];
	[tilespmem:s0+$0xFFFFFFD0] =	vst v2;
	v3 =	vmul.f32 $6.400000000e+01, v3;
	(pc) =	sbr.rel @p1 .LBB2_63-.Ltmp35, $4  }
0x356: {  	v2 =	vld [tilespmem:s9+$0xFFFFFFD0];
	v5 =	vmul.f32 $6.400000000e+01, v5;
	[tilespmem:s0+$0xFFFFFFE0] =	vst v1  }
0x357: {  	v1 =	vld [tilespmem:s9+$0xFFFFFFE0];
	v8 =	vmul.f32 $6.400000000e+01, v8;
	[tilespmem:s0+$0xFFFFFFF0] =	vst v3  }
0x358: {  	v6 =	vmul.f32 $6.400000000e+01, v6;
	v3 =	vld [tilespmem:s9+$0xFFFFFFF0];
	[tilespmem:s0+$0xFFFFFF90] =	vst v5;
	s0 =	sadd.s32 $0x400, s0  }
0x359: {  	v5 =	vld [tilespmem:s9+$0xFFFFFF90];
	v7 =	vmul.f32 $6.400000000e+01, v7;
	[tilespmem:s0+$0x0] =	vst v8;
	s9 =	sadd.s32 $0x400, s9  }
0x35a: {  	[tilespmem:s0+$0xFFFFFFA0] =	vst v6;
	v4 =	vmul.f32 $6.400000000e+01, v4  }
0x35b: {  	[tilespmem:s0+$0xFFFFFFB0] =	vst v7;
	v2 =	vmul.f32 $6.400000000e+01, v2  }
0x35c: {  	[tilespmem:s0+$0xFFFFFFC0] =	vst v4;
	v1 =	vmul.f32 $6.400000000e+01, v1  }
0x35d: {  	[tilespmem:s0+$0xFFFFFFD0] =	vst v2;
	v2 =	vmul.f32 $6.400000000e+01, v3  }
0x35e: {  	v3 =	vmul.f32 $6.400000000e+01, v5;
	[tilespmem:s0+$0xFFFFFFE0] =	vst v1  }
0x35f: {  	[tilespmem:s0+$0xFFFFFFF0] =	vst v2  }
0x360: {  	[tilespmem:s0+$0xFFFFFF90] =	vst v3  }
0x361: {  	v3 =	vld [tilespmem:s3+$0x0]  }
0x362: {  	v5 =	vld [tilespmem:s3+$0xFFFFFFA0]  }
0x363: {  	v7 =	vld [tilespmem:s3+$0xFFFFFFB0]  }
0x364: {  	v4 =	vld [tilespmem:s3+$0xFFFFFFC0]  }
0x365: {  	v2 =	vld [tilespmem:s3+$0xFFFFFFD0]  }
0x366: {  	v1 =	vld [tilespmem:s3+$0xFFFFFFE0];
	v8 =	vmul.f32 $6.400000000e+01, v3  }
0x367: {  	s9 =	simm.s32 $0x0;
	v3 =	vld [tilespmem:s3+$0xFFFFFFF0];
	v6 =	vmul.f32 $6.400000000e+01, v5  }
0x368: {  	s11 =	simm.s32 $0x6A70;
	s0 =	simm.s32 $0x126F0;
	v5 =	vld [tilespmem:s3+$0xFFFFFF90];
	v7 =	vmul.f32 $6.400000000e+01, v7;
	s3 =	simm.s32 $0x66F0;
	[tilespmem:s2+$0x0] =	vst v8  }
.LBB2_65:
0x369: {  	v8 =	vld [tilespmem:s11+$0x0];
	s9 =	sadd.s32 $0x8, s9;
	[tilespmem:s2+$0xFFFFFFA0] =	vst v6;
	v4 =	vmul.f32 $6.400000000e+01, v4  }
0x36a: {  	v6 =	vld [tilespmem:s11+$0xFFFFFFA0];
	p1 =	slt.u32 s9, $0x38;
	[tilespmem:s2+$0xFFFFFFB0] =	vst v7;
	v2 =	vmul.f32 $6.400000000e+01, v2  }
0x36b: {  	v7 =	vld [tilespmem:s11+$0xFFFFFFB0];
	[tilespmem:s2+$0xFFFFFFC0] =	vst v4;
	v1 =	vmul.f32 $6.400000000e+01, v1  }
.Ltmp36:
0x36c: {  	v4 =	vld [tilespmem:s11+$0xFFFFFFC0];
	[tilespmem:s2+$0xFFFFFFD0] =	vst v2;
	v3 =	vmul.f32 $6.400000000e+01, v3;
	(pc) =	sbr.rel @p1 .LBB2_65-.Ltmp36, $4  }
0x36d: {  	v2 =	vld [tilespmem:s11+$0xFFFFFFD0];
	v5 =	vmul.f32 $6.400000000e+01, v5;
	[tilespmem:s2+$0xFFFFFFE0] =	vst v1  }
0x36e: {  	v1 =	vld [tilespmem:s11+$0xFFFFFFE0];
	v8 =	vmul.f32 $6.400000000e+01, v8;
	[tilespmem:s2+$0xFFFFFFF0] =	vst v3  }
0x36f: {  	v6 =	vmul.f32 $6.400000000e+01, v6;
	v3 =	vld [tilespmem:s11+$0xFFFFFFF0];
	[tilespmem:s2+$0xFFFFFF90] =	vst v5;
	s2 =	sadd.s32 $0x400, s2  }
0x370: {  	v5 =	vld [tilespmem:s11+$0xFFFFFF90];
	v7 =	vmul.f32 $6.400000000e+01, v7;
	[tilespmem:s2+$0x0] =	vst v8;
	s11 =	sadd.s32 $0x400, s11  }
0x371: {  	[tilespmem:s2+$0xFFFFFFA0] =	vst v6;
	v4 =	vmul.f32 $6.400000000e+01, v4  }
0x372: {  	[tilespmem:s2+$0xFFFFFFB0] =	vst v7;
	v2 =	vmul.f32 $6.400000000e+01, v2  }
0x373: {  	[tilespmem:s2+$0xFFFFFFC0] =	vst v4;
	v1 =	vmul.f32 $6.400000000e+01, v1  }
0x374: {  	[tilespmem:s2+$0xFFFFFFD0] =	vst v2;
	v2 =	vmul.f32 $6.400000000e+01, v3  }
0x375: {  	v3 =	vmul.f32 $6.400000000e+01, v5;
	[tilespmem:s2+$0xFFFFFFE0] =	vst v1  }
0x376: {  	[tilespmem:s2+$0xFFFFFFF0] =	vst v2  }
0x377: {  	[tilespmem:s2+$0xFFFFFF90] =	vst v3  }
0x378: {  	v3 =	vld [tilespmem:s3+$0x0]  }
0x379: {  	v5 =	vld [tilespmem:s3+$0xFFFFFFA0]  }
0x37a: {  	v7 =	vld [tilespmem:s3+$0xFFFFFFB0]  }
0x37b: {  	v4 =	vld [tilespmem:s3+$0xFFFFFFC0]  }
0x37c: {  	v2 =	vld [tilespmem:s3+$0xFFFFFFD0]  }
0x37d: {  	v1 =	vld [tilespmem:s3+$0xFFFFFFE0];
	v8 =	vmul.f32 $6.400000000e+01, v3  }
0x37e: {  	s9 =	simm.s32 $0x0;
	v3 =	vld [tilespmem:s3+$0xFFFFFFF0];
	v6 =	vmul.f32 $6.400000000e+01, v5  }
0x37f: {  	s11 =	simm.s32 $0x6AF0;
	s2 =	simm.s32 $0x6770;
	v5 =	vld [tilespmem:s3+$0xFFFFFF90];
	v7 =	vmul.f32 $6.400000000e+01, v7;
	s3 =	simm.s32 $0x12770;
	[tilespmem:s0+$0x0] =	vst v8  }
.LBB2_67:
0x380: {  	v8 =	vld [tilespmem:s11+$0x0];
	s9 =	sadd.s32 $0x8, s9;
	[tilespmem:s0+$0xFFFFFFA0] =	vst v6;
	v4 =	vmul.f32 $6.400000000e+01, v4  }
0x381: {  	v6 =	vld [tilespmem:s11+$0xFFFFFFA0];
	p1 =	slt.u32 s9, $0x38;
	[tilespmem:s0+$0xFFFFFFB0] =	vst v7;
	v2 =	vmul.f32 $6.400000000e+01, v2  }
0x382: {  	v7 =	vld [tilespmem:s11+$0xFFFFFFB0];
	[tilespmem:s0+$0xFFFFFFC0] =	vst v4;
	v1 =	vmul.f32 $6.400000000e+01, v1  }
.Ltmp37:
0x383: {  	v4 =	vld [tilespmem:s11+$0xFFFFFFC0];
	[tilespmem:s0+$0xFFFFFFD0] =	vst v2;
	v3 =	vmul.f32 $6.400000000e+01, v3;
	(pc) =	sbr.rel @p1 .LBB2_67-.Ltmp37, $4  }
0x384: {  	v2 =	vld [tilespmem:s11+$0xFFFFFFD0];
	v5 =	vmul.f32 $6.400000000e+01, v5;
	[tilespmem:s0+$0xFFFFFFE0] =	vst v1  }
0x385: {  	v1 =	vld [tilespmem:s11+$0xFFFFFFE0];
	v8 =	vmul.f32 $6.400000000e+01, v8;
	[tilespmem:s0+$0xFFFFFFF0] =	vst v3  }
0x386: {  	v6 =	vmul.f32 $6.400000000e+01, v6;
	v3 =	vld [tilespmem:s11+$0xFFFFFFF0];
	[tilespmem:s0+$0xFFFFFF90] =	vst v5;
	s0 =	sadd.s32 $0x400, s0  }
0x387: {  	v5 =	vld [tilespmem:s11+$0xFFFFFF90];
	v7 =	vmul.f32 $6.400000000e+01, v7;
	[tilespmem:s0+$0x0] =	vst v8;
	s11 =	sadd.s32 $0x400, s11  }
0x388: {  	[tilespmem:s0+$0xFFFFFFA0] =	vst v6;
	v4 =	vmul.f32 $6.400000000e+01, v4  }
0x389: {  	[tilespmem:s0+$0xFFFFFFB0] =	vst v7;
	v2 =	vmul.f32 $6.400000000e+01, v2  }
0x38a: {  	[tilespmem:s0+$0xFFFFFFC0] =	vst v4;
	v1 =	vmul.f32 $6.400000000e+01, v1  }
0x38b: {  	[tilespmem:s0+$0xFFFFFFD0] =	vst v2;
	v2 =	vmul.f32 $6.400000000e+01, v3  }
0x38c: {  	v3 =	vmul.f32 $6.400000000e+01, v5;
	[tilespmem:s0+$0xFFFFFFE0] =	vst v1  }
0x38d: {  	[tilespmem:s0+$0xFFFFFFF0] =	vst v2  }
0x38e: {  	[tilespmem:s0+$0xFFFFFF90] =	vst v3  }
0x38f: {  	v3 =	vld [tilespmem:s2+$0x0]  }
0x390: {  	v5 =	vld [tilespmem:s2+$0xFFFFFFA0]  }
0x391: {  	v7 =	vld [tilespmem:s2+$0xFFFFFFB0]  }
0x392: {  	v4 =	vld [tilespmem:s2+$0xFFFFFFC0]  }
0x393: {  	v2 =	vld [tilespmem:s2+$0xFFFFFFD0]  }
0x394: {  	v1 =	vld [tilespmem:s2+$0xFFFFFFE0];
	v8 =	vmul.f32 $6.400000000e+01, v3  }
0x395: {  	s11 =	simm.s32 $0x6B70;
	v3 =	vld [tilespmem:s2+$0xFFFFFFF0];
	v6 =	vmul.f32 $6.400000000e+01, v5  }
0x396: {  	s9 =	simm.s32 $0x67F0;
	s0 =	simm.s32 $0x0;
	v5 =	vld [tilespmem:s2+$0xFFFFFF90];
	v7 =	vmul.f32 $6.400000000e+01, v7;
	s2 =	simm.s32 $0x127F0;
	[tilespmem:s3+$0x0] =	vst v8  }
.LBB2_69:
0x397: {  	v8 =	vld [tilespmem:s11+$0x0];
	s0 =	sadd.s32 $0x8, s0;
	[tilespmem:s3+$0xFFFFFFA0] =	vst v6;
	v4 =	vmul.f32 $6.400000000e+01, v4  }
0x398: {  	v6 =	vld [tilespmem:s11+$0xFFFFFFA0];
	p1 =	slt.u32 s0, $0x38;
	[tilespmem:s3+$0xFFFFFFB0] =	vst v7;
	v2 =	vmul.f32 $6.400000000e+01, v2  }
0x399: {  	v7 =	vld [tilespmem:s11+$0xFFFFFFB0];
	[tilespmem:s3+$0xFFFFFFC0] =	vst v4;
	v1 =	vmul.f32 $6.400000000e+01, v1  }
.Ltmp38:
0x39a: {  	v4 =	vld [tilespmem:s11+$0xFFFFFFC0];
	[tilespmem:s3+$0xFFFFFFD0] =	vst v2;
	v3 =	vmul.f32 $6.400000000e+01, v3;
	(pc) =	sbr.rel @p1 .LBB2_69-.Ltmp38, $4  }
0x39b: {  	v2 =	vld [tilespmem:s11+$0xFFFFFFD0];
	v5 =	vmul.f32 $6.400000000e+01, v5;
	[tilespmem:s3+$0xFFFFFFE0] =	vst v1  }
0x39c: {  	v1 =	vld [tilespmem:s11+$0xFFFFFFE0];
	v8 =	vmul.f32 $6.400000000e+01, v8;
	[tilespmem:s3+$0xFFFFFFF0] =	vst v3  }
0x39d: {  	v6 =	vmul.f32 $6.400000000e+01, v6;
	v3 =	vld [tilespmem:s11+$0xFFFFFFF0];
	[tilespmem:s3+$0xFFFFFF90] =	vst v5;
	s3 =	sadd.s32 $0x400, s3  }
0x39e: {  	v5 =	vld [tilespmem:s11+$0xFFFFFF90];
	v7 =	vmul.f32 $6.400000000e+01, v7;
	[tilespmem:s3+$0x0] =	vst v8;
	s11 =	sadd.s32 $0x400, s11  }
0x39f: {  	[tilespmem:s3+$0xFFFFFFA0] =	vst v6;
	v4 =	vmul.f32 $6.400000000e+01, v4  }
0x3a0: {  	[tilespmem:s3+$0xFFFFFFB0] =	vst v7;
	v2 =	vmul.f32 $6.400000000e+01, v2  }
0x3a1: {  	[tilespmem:s3+$0xFFFFFFC0] =	vst v4;
	v1 =	vmul.f32 $6.400000000e+01, v1  }
0x3a2: {  	[tilespmem:s3+$0xFFFFFFD0] =	vst v2;
	v2 =	vmul.f32 $6.400000000e+01, v3  }
0x3a3: {  	v3 =	vmul.f32 $6.400000000e+01, v5;
	[tilespmem:s3+$0xFFFFFFE0] =	vst v1  }
0x3a4: {  	[tilespmem:s3+$0xFFFFFFF0] =	vst v2  }
0x3a5: {  	[tilespmem:s3+$0xFFFFFF90] =	vst v3  }
0x3a6: {  	v3 =	vld [tilespmem:s9+$0x0]  }
0x3a7: {  	v5 =	vld [tilespmem:s9+$0xFFFFFFA0]  }
0x3a8: {  	v7 =	vld [tilespmem:s9+$0xFFFFFFB0]  }
0x3a9: {  	v4 =	vld [tilespmem:s9+$0xFFFFFFC0]  }
0x3aa: {  	v2 =	vld [tilespmem:s9+$0xFFFFFFD0]  }
0x3ab: {  	v1 =	vld [tilespmem:s9+$0xFFFFFFE0];
	v8 =	vmul.f32 $6.400000000e+01, v3  }
0x3ac: {  	s11 =	simm.s32 $0x0;
	v3 =	vld [tilespmem:s9+$0xFFFFFFF0];
	v6 =	vmul.f32 $6.400000000e+01, v5  }
0x3ad: {  	s0 =	simm.s32 $0x14470;
	s3 =	simm.s32 $0x8470;
	v5 =	vld [tilespmem:s9+$0xFFFFFF90];
	v7 =	vmul.f32 $6.400000000e+01, v7;
	s9 =	simm.s32 $0x6BF0;
	[tilespmem:s2+$0x0] =	vst v8  }
.LBB2_71:
0x3ae: {  	v8 =	vld [tilespmem:s9+$0x0];
	s11 =	sadd.s32 $0x8, s11;
	[tilespmem:s2+$0xFFFFFFA0] =	vst v6;
	v4 =	vmul.f32 $6.400000000e+01, v4  }
0x3af: {  	v6 =	vld [tilespmem:s9+$0xFFFFFFA0];
	p1 =	slt.u32 s11, $0x38;
	[tilespmem:s2+$0xFFFFFFB0] =	vst v7;
	v2 =	vmul.f32 $6.400000000e+01, v2  }
0x3b0: {  	v7 =	vld [tilespmem:s9+$0xFFFFFFB0];
	[tilespmem:s2+$0xFFFFFFC0] =	vst v4;
	v1 =	vmul.f32 $6.400000000e+01, v1  }
.Ltmp39:
0x3b1: {  	v4 =	vld [tilespmem:s9+$0xFFFFFFC0];
	[tilespmem:s2+$0xFFFFFFD0] =	vst v2;
	v3 =	vmul.f32 $6.400000000e+01, v3;
	(pc) =	sbr.rel @p1 .LBB2_71-.Ltmp39, $4  }
0x3b2: {  	v2 =	vld [tilespmem:s9+$0xFFFFFFD0];
	v5 =	vmul.f32 $6.400000000e+01, v5;
	[tilespmem:s2+$0xFFFFFFE0] =	vst v1  }
0x3b3: {  	v1 =	vld [tilespmem:s9+$0xFFFFFFE0];
	v8 =	vmul.f32 $6.400000000e+01, v8;
	[tilespmem:s2+$0xFFFFFFF0] =	vst v3  }
0x3b4: {  	v6 =	vmul.f32 $6.400000000e+01, v6;
	v3 =	vld [tilespmem:s9+$0xFFFFFFF0];
	[tilespmem:s2+$0xFFFFFF90] =	vst v5;
	s2 =	sadd.s32 $0x400, s2  }
0x3b5: {  	v5 =	vld [tilespmem:s9+$0xFFFFFF90];
	v7 =	vmul.f32 $6.400000000e+01, v7;
	[tilespmem:s2+$0x0] =	vst v8;
	s9 =	sadd.s32 $0x400, s9  }
0x3b6: {  	[tilespmem:s2+$0xFFFFFFA0] =	vst v6;
	v4 =	vmul.f32 $6.400000000e+01, v4  }
0x3b7: {  	[tilespmem:s2+$0xFFFFFFB0] =	vst v7;
	v2 =	vmul.f32 $6.400000000e+01, v2  }
0x3b8: {  	[tilespmem:s2+$0xFFFFFFC0] =	vst v4;
	v1 =	vmul.f32 $6.400000000e+01, v1  }
0x3b9: {  	[tilespmem:s2+$0xFFFFFFD0] =	vst v2;
	v2 =	vmul.f32 $6.400000000e+01, v3  }
0x3ba: {  	v3 =	vmul.f32 $6.400000000e+01, v5;
	[tilespmem:s2+$0xFFFFFFE0] =	vst v1  }
0x3bb: {  	[tilespmem:s2+$0xFFFFFFF0] =	vst v2  }
0x3bc: {  	[tilespmem:s2+$0xFFFFFF90] =	vst v3  }
0x3bd: {  	v3 =	vld [tilespmem:s3+$0x0]  }
0x3be: {  	v5 =	vld [tilespmem:s3+$0xFFFFFFA0]  }
0x3bf: {  	v7 =	vld [tilespmem:s3+$0xFFFFFFB0]  }
0x3c0: {  	v4 =	vld [tilespmem:s3+$0xFFFFFFC0]  }
0x3c1: {  	v2 =	vld [tilespmem:s3+$0xFFFFFFD0]  }
0x3c2: {  	v1 =	vld [tilespmem:s3+$0xFFFFFFE0];
	v8 =	vmul.f32 $6.400000000e+01, v3  }
0x3c3: {  	s9 =	simm.s32 $0x0;
	v3 =	vld [tilespmem:s3+$0xFFFFFFF0];
	v6 =	vmul.f32 $6.400000000e+01, v5  }
0x3c4: {  	s11 =	simm.s32 $0x8870;
	s2 =	simm.s32 $0x144F0;
	v5 =	vld [tilespmem:s3+$0xFFFFFF90];
	v7 =	vmul.f32 $6.400000000e+01, v7;
	s3 =	simm.s32 $0x84F0;
	[tilespmem:s0+$0x0] =	vst v8  }
.LBB2_73:
0x3c5: {  	v8 =	vld [tilespmem:s11+$0x0];
	s9 =	sadd.s32 $0x8, s9;
	[tilespmem:s0+$0xFFFFFFA0] =	vst v6;
	v4 =	vmul.f32 $6.400000000e+01, v4  }
0x3c6: {  	v6 =	vld [tilespmem:s11+$0xFFFFFFA0];
	p1 =	slt.u32 s9, $0x38;
	[tilespmem:s0+$0xFFFFFFB0] =	vst v7;
	v2 =	vmul.f32 $6.400000000e+01, v2  }
0x3c7: {  	v7 =	vld [tilespmem:s11+$0xFFFFFFB0];
	[tilespmem:s0+$0xFFFFFFC0] =	vst v4;
	v1 =	vmul.f32 $6.400000000e+01, v1  }
.Ltmp40:
0x3c8: {  	v4 =	vld [tilespmem:s11+$0xFFFFFFC0];
	[tilespmem:s0+$0xFFFFFFD0] =	vst v2;
	v3 =	vmul.f32 $6.400000000e+01, v3;
	(pc) =	sbr.rel @p1 .LBB2_73-.Ltmp40, $4  }
0x3c9: {  	v2 =	vld [tilespmem:s11+$0xFFFFFFD0];
	v5 =	vmul.f32 $6.400000000e+01, v5;
	[tilespmem:s0+$0xFFFFFFE0] =	vst v1  }
0x3ca: {  	v1 =	vld [tilespmem:s11+$0xFFFFFFE0];
	v8 =	vmul.f32 $6.400000000e+01, v8;
	[tilespmem:s0+$0xFFFFFFF0] =	vst v3  }
0x3cb: {  	v6 =	vmul.f32 $6.400000000e+01, v6;
	v3 =	vld [tilespmem:s11+$0xFFFFFFF0];
	[tilespmem:s0+$0xFFFFFF90] =	vst v5;
	s0 =	sadd.s32 $0x400, s0  }
0x3cc: {  	v5 =	vld [tilespmem:s11+$0xFFFFFF90];
	v7 =	vmul.f32 $6.400000000e+01, v7;
	[tilespmem:s0+$0x0] =	vst v8;
	s11 =	sadd.s32 $0x400, s11  }
0x3cd: {  	[tilespmem:s0+$0xFFFFFFA0] =	vst v6;
	v4 =	vmul.f32 $6.400000000e+01, v4  }
0x3ce: {  	[tilespmem:s0+$0xFFFFFFB0] =	vst v7;
	v2 =	vmul.f32 $6.400000000e+01, v2  }
0x3cf: {  	[tilespmem:s0+$0xFFFFFFC0] =	vst v4;
	v1 =	vmul.f32 $6.400000000e+01, v1  }
0x3d0: {  	[tilespmem:s0+$0xFFFFFFD0] =	vst v2;
	v2 =	vmul.f32 $6.400000000e+01, v3  }
0x3d1: {  	v3 =	vmul.f32 $6.400000000e+01, v5;
	[tilespmem:s0+$0xFFFFFFE0] =	vst v1  }
0x3d2: {  	[tilespmem:s0+$0xFFFFFFF0] =	vst v2  }
0x3d3: {  	[tilespmem:s0+$0xFFFFFF90] =	vst v3  }
0x3d4: {  	v3 =	vld [tilespmem:s3+$0x0]  }
0x3d5: {  	v5 =	vld [tilespmem:s3+$0xFFFFFFA0]  }
0x3d6: {  	v7 =	vld [tilespmem:s3+$0xFFFFFFB0]  }
0x3d7: {  	v4 =	vld [tilespmem:s3+$0xFFFFFFC0]  }
0x3d8: {  	v2 =	vld [tilespmem:s3+$0xFFFFFFD0]  }
0x3d9: {  	v1 =	vld [tilespmem:s3+$0xFFFFFFE0];
	v8 =	vmul.f32 $6.400000000e+01, v3  }
0x3da: {  	s9 =	simm.s32 $0x0;
	v3 =	vld [tilespmem:s3+$0xFFFFFFF0];
	v6 =	vmul.f32 $6.400000000e+01, v5  }
0x3db: {  	s11 =	simm.s32 $0x88F0;
	s0 =	simm.s32 $0x14570;
	v5 =	vld [tilespmem:s3+$0xFFFFFF90];
	v7 =	vmul.f32 $6.400000000e+01, v7;
	s3 =	simm.s32 $0x8570;
	[tilespmem:s2+$0x0] =	vst v8  }
.LBB2_75:
0x3dc: {  	v8 =	vld [tilespmem:s11+$0x0];
	s9 =	sadd.s32 $0x8, s9;
	[tilespmem:s2+$0xFFFFFFA0] =	vst v6;
	v4 =	vmul.f32 $6.400000000e+01, v4  }
0x3dd: {  	v6 =	vld [tilespmem:s11+$0xFFFFFFA0];
	p1 =	slt.u32 s9, $0x38;
	[tilespmem:s2+$0xFFFFFFB0] =	vst v7;
	v2 =	vmul.f32 $6.400000000e+01, v2  }
0x3de: {  	v7 =	vld [tilespmem:s11+$0xFFFFFFB0];
	[tilespmem:s2+$0xFFFFFFC0] =	vst v4;
	v1 =	vmul.f32 $6.400000000e+01, v1  }
.Ltmp41:
0x3df: {  	v4 =	vld [tilespmem:s11+$0xFFFFFFC0];
	[tilespmem:s2+$0xFFFFFFD0] =	vst v2;
	v3 =	vmul.f32 $6.400000000e+01, v3;
	(pc) =	sbr.rel @p1 .LBB2_75-.Ltmp41, $4  }
0x3e0: {  	v2 =	vld [tilespmem:s11+$0xFFFFFFD0];
	v5 =	vmul.f32 $6.400000000e+01, v5;
	[tilespmem:s2+$0xFFFFFFE0] =	vst v1  }
0x3e1: {  	v1 =	vld [tilespmem:s11+$0xFFFFFFE0];
	v8 =	vmul.f32 $6.400000000e+01, v8;
	[tilespmem:s2+$0xFFFFFFF0] =	vst v3  }
0x3e2: {  	v6 =	vmul.f32 $6.400000000e+01, v6;
	v3 =	vld [tilespmem:s11+$0xFFFFFFF0];
	[tilespmem:s2+$0xFFFFFF90] =	vst v5;
	s2 =	sadd.s32 $0x400, s2  }
0x3e3: {  	v5 =	vld [tilespmem:s11+$0xFFFFFF90];
	v7 =	vmul.f32 $6.400000000e+01, v7;
	[tilespmem:s2+$0x0] =	vst v8;
	s11 =	sadd.s32 $0x400, s11  }
0x3e4: {  	[tilespmem:s2+$0xFFFFFFA0] =	vst v6;
	v4 =	vmul.f32 $6.400000000e+01, v4  }
0x3e5: {  	[tilespmem:s2+$0xFFFFFFB0] =	vst v7;
	v2 =	vmul.f32 $6.400000000e+01, v2  }
0x3e6: {  	[tilespmem:s2+$0xFFFFFFC0] =	vst v4;
	v1 =	vmul.f32 $6.400000000e+01, v1  }
0x3e7: {  	[tilespmem:s2+$0xFFFFFFD0] =	vst v2;
	v2 =	vmul.f32 $6.400000000e+01, v3  }
0x3e8: {  	v3 =	vmul.f32 $6.400000000e+01, v5;
	[tilespmem:s2+$0xFFFFFFE0] =	vst v1  }
0x3e9: {  	[tilespmem:s2+$0xFFFFFFF0] =	vst v2  }
0x3ea: {  	[tilespmem:s2+$0xFFFFFF90] =	vst v3  }
0x3eb: {  	v3 =	vld [tilespmem:s3+$0x0]  }
0x3ec: {  	v5 =	vld [tilespmem:s3+$0xFFFFFFA0]  }
0x3ed: {  	v7 =	vld [tilespmem:s3+$0xFFFFFFB0]  }
0x3ee: {  	v4 =	vld [tilespmem:s3+$0xFFFFFFC0]  }
0x3ef: {  	v2 =	vld [tilespmem:s3+$0xFFFFFFD0]  }
0x3f0: {  	v1 =	vld [tilespmem:s3+$0xFFFFFFE0];
	v8 =	vmul.f32 $6.400000000e+01, v3  }
0x3f1: {  	s9 =	simm.s32 $0x0;
	v3 =	vld [tilespmem:s3+$0xFFFFFFF0];
	v6 =	vmul.f32 $6.400000000e+01, v5  }
0x3f2: {  	s11 =	simm.s32 $0x8970;
	s2 =	simm.s32 $0x145F0;
	v5 =	vld [tilespmem:s3+$0xFFFFFF90];
	v7 =	vmul.f32 $6.400000000e+01, v7;
	s3 =	simm.s32 $0x85F0;
	[tilespmem:s0+$0x0] =	vst v8  }
.LBB2_77:
0x3f3: {  	v8 =	vld [tilespmem:s11+$0x0];
	s9 =	sadd.s32 $0x8, s9;
	[tilespmem:s0+$0xFFFFFFA0] =	vst v6;
	v4 =	vmul.f32 $6.400000000e+01, v4  }
0x3f4: {  	v6 =	vld [tilespmem:s11+$0xFFFFFFA0];
	p1 =	slt.u32 s9, $0x38;
	[tilespmem:s0+$0xFFFFFFB0] =	vst v7;
	v2 =	vmul.f32 $6.400000000e+01, v2  }
0x3f5: {  	v7 =	vld [tilespmem:s11+$0xFFFFFFB0];
	[tilespmem:s0+$0xFFFFFFC0] =	vst v4;
	v1 =	vmul.f32 $6.400000000e+01, v1  }
.Ltmp42:
0x3f6: {  	v4 =	vld [tilespmem:s11+$0xFFFFFFC0];
	[tilespmem:s0+$0xFFFFFFD0] =	vst v2;
	v3 =	vmul.f32 $6.400000000e+01, v3;
	(pc) =	sbr.rel @p1 .LBB2_77-.Ltmp42, $4  }
0x3f7: {  	v2 =	vld [tilespmem:s11+$0xFFFFFFD0];
	v5 =	vmul.f32 $6.400000000e+01, v5;
	[tilespmem:s0+$0xFFFFFFE0] =	vst v1  }
0x3f8: {  	v1 =	vld [tilespmem:s11+$0xFFFFFFE0];
	v8 =	vmul.f32 $6.400000000e+01, v8;
	[tilespmem:s0+$0xFFFFFFF0] =	vst v3  }
0x3f9: {  	v6 =	vmul.f32 $6.400000000e+01, v6;
	v3 =	vld [tilespmem:s11+$0xFFFFFFF0];
	[tilespmem:s0+$0xFFFFFF90] =	vst v5;
	s0 =	sadd.s32 $0x400, s0  }
0x3fa: {  	v5 =	vld [tilespmem:s11+$0xFFFFFF90];
	v7 =	vmul.f32 $6.400000000e+01, v7;
	[tilespmem:s0+$0x0] =	vst v8;
	s11 =	sadd.s32 $0x400, s11  }
0x3fb: {  	[tilespmem:s0+$0xFFFFFFA0] =	vst v6;
	v4 =	vmul.f32 $6.400000000e+01, v4  }
0x3fc: {  	[tilespmem:s0+$0xFFFFFFB0] =	vst v7;
	v2 =	vmul.f32 $6.400000000e+01, v2  }
0x3fd: {  	[tilespmem:s0+$0xFFFFFFC0] =	vst v4;
	v1 =	vmul.f32 $6.400000000e+01, v1  }
0x3fe: {  	[tilespmem:s0+$0xFFFFFFD0] =	vst v2;
	v2 =	vmul.f32 $6.400000000e+01, v3  }
0x3ff: {  	v3 =	vmul.f32 $6.400000000e+01, v5;
	[tilespmem:s0+$0xFFFFFFE0] =	vst v1  }
0x400: {  	[tilespmem:s0+$0xFFFFFFF0] =	vst v2  }
0x401: {  	[tilespmem:s0+$0xFFFFFF90] =	vst v3  }
0x402: {  	v3 =	vld [tilespmem:s3+$0x0]  }
0x403: {  	v5 =	vld [tilespmem:s3+$0xFFFFFFA0]  }
0x404: {  	v7 =	vld [tilespmem:s3+$0xFFFFFFB0]  }
0x405: {  	v4 =	vld [tilespmem:s3+$0xFFFFFFC0]  }
0x406: {  	v2 =	vld [tilespmem:s3+$0xFFFFFFD0]  }
0x407: {  	v1 =	vld [tilespmem:s3+$0xFFFFFFE0];
	v8 =	vmul.f32 $6.400000000e+01, v3  }
0x408: {  	s9 =	simm.s32 $0x0;
	v3 =	vld [tilespmem:s3+$0xFFFFFFF0];
	v6 =	vmul.f32 $6.400000000e+01, v5  }
0x409: {  	s11 =	simm.s32 $0x89F0;
	s0 =	simm.s32 $0x14670;
	v5 =	vld [tilespmem:s3+$0xFFFFFF90];
	v7 =	vmul.f32 $6.400000000e+01, v7;
	s3 =	simm.s32 $0x8670;
	[tilespmem:s2+$0x0] =	vst v8  }
.LBB2_79:
0x40a: {  	v8 =	vld [tilespmem:s11+$0x0];
	s9 =	sadd.s32 $0x8, s9;
	[tilespmem:s2+$0xFFFFFFA0] =	vst v6;
	v4 =	vmul.f32 $6.400000000e+01, v4  }
0x40b: {  	v6 =	vld [tilespmem:s11+$0xFFFFFFA0];
	p1 =	slt.u32 s9, $0x38;
	[tilespmem:s2+$0xFFFFFFB0] =	vst v7;
	v2 =	vmul.f32 $6.400000000e+01, v2  }
0x40c: {  	v7 =	vld [tilespmem:s11+$0xFFFFFFB0];
	[tilespmem:s2+$0xFFFFFFC0] =	vst v4;
	v1 =	vmul.f32 $6.400000000e+01, v1  }
.Ltmp43:
0x40d: {  	v4 =	vld [tilespmem:s11+$0xFFFFFFC0];
	[tilespmem:s2+$0xFFFFFFD0] =	vst v2;
	v3 =	vmul.f32 $6.400000000e+01, v3;
	(pc) =	sbr.rel @p1 .LBB2_79-.Ltmp43, $4  }
0x40e: {  	v2 =	vld [tilespmem:s11+$0xFFFFFFD0];
	v5 =	vmul.f32 $6.400000000e+01, v5;
	[tilespmem:s2+$0xFFFFFFE0] =	vst v1  }
0x40f: {  	v1 =	vld [tilespmem:s11+$0xFFFFFFE0];
	v8 =	vmul.f32 $6.400000000e+01, v8;
	[tilespmem:s2+$0xFFFFFFF0] =	vst v3  }
0x410: {  	v6 =	vmul.f32 $6.400000000e+01, v6;
	v3 =	vld [tilespmem:s11+$0xFFFFFFF0];
	[tilespmem:s2+$0xFFFFFF90] =	vst v5;
	s2 =	sadd.s32 $0x400, s2  }
0x411: {  	v5 =	vld [tilespmem:s11+$0xFFFFFF90];
	v7 =	vmul.f32 $6.400000000e+01, v7;
	[tilespmem:s2+$0x0] =	vst v8;
	s11 =	sadd.s32 $0x400, s11  }
0x412: {  	[tilespmem:s2+$0xFFFFFFA0] =	vst v6;
	v4 =	vmul.f32 $6.400000000e+01, v4  }
0x413: {  	[tilespmem:s2+$0xFFFFFFB0] =	vst v7;
	v2 =	vmul.f32 $6.400000000e+01, v2  }
0x414: {  	[tilespmem:s2+$0xFFFFFFC0] =	vst v4;
	v1 =	vmul.f32 $6.400000000e+01, v1  }
0x415: {  	[tilespmem:s2+$0xFFFFFFD0] =	vst v2;
	v2 =	vmul.f32 $6.400000000e+01, v3  }
0x416: {  	v3 =	vmul.f32 $6.400000000e+01, v5;
	[tilespmem:s2+$0xFFFFFFE0] =	vst v1  }
0x417: {  	[tilespmem:s2+$0xFFFFFFF0] =	vst v2  }
0x418: {  	[tilespmem:s2+$0xFFFFFF90] =	vst v3  }
0x419: {  	v3 =	vld [tilespmem:s3+$0x0]  }
0x41a: {  	v5 =	vld [tilespmem:s3+$0xFFFFFFA0]  }
0x41b: {  	v7 =	vld [tilespmem:s3+$0xFFFFFFB0]  }
0x41c: {  	v4 =	vld [tilespmem:s3+$0xFFFFFFC0]  }
0x41d: {  	v2 =	vld [tilespmem:s3+$0xFFFFFFD0]  }
0x41e: {  	v1 =	vld [tilespmem:s3+$0xFFFFFFE0];
	v8 =	vmul.f32 $6.400000000e+01, v3  }
0x41f: {  	s9 =	simm.s32 $0x0;
	v3 =	vld [tilespmem:s3+$0xFFFFFFF0];
	v6 =	vmul.f32 $6.400000000e+01, v5  }
0x420: {  	s11 =	simm.s32 $0x8A70;
	s2 =	simm.s32 $0x146F0;
	v5 =	vld [tilespmem:s3+$0xFFFFFF90];
	v7 =	vmul.f32 $6.400000000e+01, v7;
	s3 =	simm.s32 $0x86F0;
	[tilespmem:s0+$0x0] =	vst v8  }
.LBB2_81:
0x421: {  	v8 =	vld [tilespmem:s11+$0x0];
	s9 =	sadd.s32 $0x8, s9;
	[tilespmem:s0+$0xFFFFFFA0] =	vst v6;
	v4 =	vmul.f32 $6.400000000e+01, v4  }
0x422: {  	v6 =	vld [tilespmem:s11+$0xFFFFFFA0];
	p1 =	slt.u32 s9, $0x38;
	[tilespmem:s0+$0xFFFFFFB0] =	vst v7;
	v2 =	vmul.f32 $6.400000000e+01, v2  }
0x423: {  	v7 =	vld [tilespmem:s11+$0xFFFFFFB0];
	[tilespmem:s0+$0xFFFFFFC0] =	vst v4;
	v1 =	vmul.f32 $6.400000000e+01, v1  }
.Ltmp44:
0x424: {  	v4 =	vld [tilespmem:s11+$0xFFFFFFC0];
	[tilespmem:s0+$0xFFFFFFD0] =	vst v2;
	v3 =	vmul.f32 $6.400000000e+01, v3;
	(pc) =	sbr.rel @p1 .LBB2_81-.Ltmp44, $4  }
0x425: {  	v2 =	vld [tilespmem:s11+$0xFFFFFFD0];
	v5 =	vmul.f32 $6.400000000e+01, v5;
	[tilespmem:s0+$0xFFFFFFE0] =	vst v1  }
0x426: {  	v1 =	vld [tilespmem:s11+$0xFFFFFFE0];
	v8 =	vmul.f32 $6.400000000e+01, v8;
	[tilespmem:s0+$0xFFFFFFF0] =	vst v3  }
0x427: {  	v6 =	vmul.f32 $6.400000000e+01, v6;
	v3 =	vld [tilespmem:s11+$0xFFFFFFF0];
	[tilespmem:s0+$0xFFFFFF90] =	vst v5;
	s0 =	sadd.s32 $0x400, s0  }
0x428: {  	v5 =	vld [tilespmem:s11+$0xFFFFFF90];
	v7 =	vmul.f32 $6.400000000e+01, v7;
	[tilespmem:s0+$0x0] =	vst v8;
	s11 =	sadd.s32 $0x400, s11  }
0x429: {  	[tilespmem:s0+$0xFFFFFFA0] =	vst v6;
	v4 =	vmul.f32 $6.400000000e+01, v4  }
0x42a: {  	[tilespmem:s0+$0xFFFFFFB0] =	vst v7;
	v2 =	vmul.f32 $6.400000000e+01, v2  }
0x42b: {  	[tilespmem:s0+$0xFFFFFFC0] =	vst v4;
	v1 =	vmul.f32 $6.400000000e+01, v1  }
0x42c: {  	[tilespmem:s0+$0xFFFFFFD0] =	vst v2;
	v2 =	vmul.f32 $6.400000000e+01, v3  }
0x42d: {  	v3 =	vmul.f32 $6.400000000e+01, v5;
	[tilespmem:s0+$0xFFFFFFE0] =	vst v1  }
0x42e: {  	[tilespmem:s0+$0xFFFFFFF0] =	vst v2  }
0x42f: {  	[tilespmem:s0+$0xFFFFFF90] =	vst v3  }
0x430: {  	v3 =	vld [tilespmem:s3+$0x0]  }
0x431: {  	v5 =	vld [tilespmem:s3+$0xFFFFFFA0]  }
0x432: {  	v7 =	vld [tilespmem:s3+$0xFFFFFFB0]  }
0x433: {  	v4 =	vld [tilespmem:s3+$0xFFFFFFC0]  }
0x434: {  	v2 =	vld [tilespmem:s3+$0xFFFFFFD0]  }
0x435: {  	v1 =	vld [tilespmem:s3+$0xFFFFFFE0];
	v8 =	vmul.f32 $6.400000000e+01, v3  }
0x436: {  	s9 =	simm.s32 $0x0;
	v3 =	vld [tilespmem:s3+$0xFFFFFFF0];
	v6 =	vmul.f32 $6.400000000e+01, v5  }
0x437: {  	s11 =	simm.s32 $0x8AF0;
	s0 =	simm.s32 $0x14770;
	v5 =	vld [tilespmem:s3+$0xFFFFFF90];
	v7 =	vmul.f32 $6.400000000e+01, v7;
	s3 =	simm.s32 $0x8770;
	[tilespmem:s2+$0x0] =	vst v8  }
.LBB2_83:
0x438: {  	v8 =	vld [tilespmem:s11+$0x0];
	s9 =	sadd.s32 $0x8, s9;
	[tilespmem:s2+$0xFFFFFFA0] =	vst v6;
	v4 =	vmul.f32 $6.400000000e+01, v4  }
0x439: {  	v6 =	vld [tilespmem:s11+$0xFFFFFFA0];
	p1 =	slt.u32 s9, $0x38;
	[tilespmem:s2+$0xFFFFFFB0] =	vst v7;
	v2 =	vmul.f32 $6.400000000e+01, v2  }
0x43a: {  	v7 =	vld [tilespmem:s11+$0xFFFFFFB0];
	[tilespmem:s2+$0xFFFFFFC0] =	vst v4;
	v1 =	vmul.f32 $6.400000000e+01, v1  }
.Ltmp45:
0x43b: {  	v4 =	vld [tilespmem:s11+$0xFFFFFFC0];
	[tilespmem:s2+$0xFFFFFFD0] =	vst v2;
	v3 =	vmul.f32 $6.400000000e+01, v3;
	(pc) =	sbr.rel @p1 .LBB2_83-.Ltmp45, $4  }
0x43c: {  	v2 =	vld [tilespmem:s11+$0xFFFFFFD0];
	v5 =	vmul.f32 $6.400000000e+01, v5;
	[tilespmem:s2+$0xFFFFFFE0] =	vst v1  }
0x43d: {  	v1 =	vld [tilespmem:s11+$0xFFFFFFE0];
	v8 =	vmul.f32 $6.400000000e+01, v8;
	[tilespmem:s2+$0xFFFFFFF0] =	vst v3  }
0x43e: {  	v6 =	vmul.f32 $6.400000000e+01, v6;
	v3 =	vld [tilespmem:s11+$0xFFFFFFF0];
	[tilespmem:s2+$0xFFFFFF90] =	vst v5;
	s2 =	sadd.s32 $0x400, s2  }
0x43f: {  	v5 =	vld [tilespmem:s11+$0xFFFFFF90];
	v7 =	vmul.f32 $6.400000000e+01, v7;
	[tilespmem:s2+$0x0] =	vst v8;
	s11 =	sadd.s32 $0x400, s11  }
0x440: {  	[tilespmem:s2+$0xFFFFFFA0] =	vst v6;
	v4 =	vmul.f32 $6.400000000e+01, v4  }
0x441: {  	[tilespmem:s2+$0xFFFFFFB0] =	vst v7;
	v2 =	vmul.f32 $6.400000000e+01, v2  }
0x442: {  	[tilespmem:s2+$0xFFFFFFC0] =	vst v4;
	v1 =	vmul.f32 $6.400000000e+01, v1  }
0x443: {  	[tilespmem:s2+$0xFFFFFFD0] =	vst v2;
	v2 =	vmul.f32 $6.400000000e+01, v3  }
0x444: {  	v3 =	vmul.f32 $6.400000000e+01, v5;
	[tilespmem:s2+$0xFFFFFFE0] =	vst v1  }
0x445: {  	[tilespmem:s2+$0xFFFFFFF0] =	vst v2  }
0x446: {  	[tilespmem:s2+$0xFFFFFF90] =	vst v3  }
0x447: {  	v3 =	vld [tilespmem:s3+$0x0]  }
0x448: {  	v5 =	vld [tilespmem:s3+$0xFFFFFFA0]  }
0x449: {  	v7 =	vld [tilespmem:s3+$0xFFFFFFB0]  }
0x44a: {  	v4 =	vld [tilespmem:s3+$0xFFFFFFC0]  }
0x44b: {  	v2 =	vld [tilespmem:s3+$0xFFFFFFD0]  }
0x44c: {  	v1 =	vld [tilespmem:s3+$0xFFFFFFE0];
	v8 =	vmul.f32 $6.400000000e+01, v3  }
0x44d: {  	s9 =	simm.s32 $0x0;
	v3 =	vld [tilespmem:s3+$0xFFFFFFF0];
	v6 =	vmul.f32 $6.400000000e+01, v5  }
0x44e: {  	s11 =	simm.s32 $0x8B70;
	s2 =	simm.s32 $0x147F0;
	v5 =	vld [tilespmem:s3+$0xFFFFFF90];
	v7 =	vmul.f32 $6.400000000e+01, v7;
	s3 =	simm.s32 $0x87F0;
	[tilespmem:s0+$0x0] =	vst v8  }
.LBB2_85:
0x44f: {  	v8 =	vld [tilespmem:s11+$0x0];
	s9 =	sadd.s32 $0x8, s9;
	[tilespmem:s0+$0xFFFFFFA0] =	vst v6;
	v4 =	vmul.f32 $6.400000000e+01, v4  }
0x450: {  	v6 =	vld [tilespmem:s11+$0xFFFFFFA0];
	p1 =	slt.u32 s9, $0x38;
	[tilespmem:s0+$0xFFFFFFB0] =	vst v7;
	v2 =	vmul.f32 $6.400000000e+01, v2  }
0x451: {  	v7 =	vld [tilespmem:s11+$0xFFFFFFB0];
	[tilespmem:s0+$0xFFFFFFC0] =	vst v4;
	v1 =	vmul.f32 $6.400000000e+01, v1  }
.Ltmp46:
0x452: {  	v4 =	vld [tilespmem:s11+$0xFFFFFFC0];
	[tilespmem:s0+$0xFFFFFFD0] =	vst v2;
	v3 =	vmul.f32 $6.400000000e+01, v3;
	(pc) =	sbr.rel @p1 .LBB2_85-.Ltmp46, $4  }
0x453: {  	v2 =	vld [tilespmem:s11+$0xFFFFFFD0];
	v5 =	vmul.f32 $6.400000000e+01, v5;
	[tilespmem:s0+$0xFFFFFFE0] =	vst v1  }
0x454: {  	v1 =	vld [tilespmem:s11+$0xFFFFFFE0];
	v8 =	vmul.f32 $6.400000000e+01, v8;
	[tilespmem:s0+$0xFFFFFFF0] =	vst v3  }
0x455: {  	v6 =	vmul.f32 $6.400000000e+01, v6;
	v3 =	vld [tilespmem:s11+$0xFFFFFFF0];
	[tilespmem:s0+$0xFFFFFF90] =	vst v5;
	s0 =	sadd.s32 $0x400, s0  }
0x456: {  	v5 =	vld [tilespmem:s11+$0xFFFFFF90];
	v7 =	vmul.f32 $6.400000000e+01, v7;
	[tilespmem:s0+$0x0] =	vst v8;
	s11 =	sadd.s32 $0x400, s11  }
0x457: {  	[tilespmem:s0+$0xFFFFFFA0] =	vst v6;
	v4 =	vmul.f32 $6.400000000e+01, v4  }
0x458: {  	[tilespmem:s0+$0xFFFFFFB0] =	vst v7;
	v2 =	vmul.f32 $6.400000000e+01, v2  }
0x459: {  	[tilespmem:s0+$0xFFFFFFC0] =	vst v4;
	v1 =	vmul.f32 $6.400000000e+01, v1  }
0x45a: {  	[tilespmem:s0+$0xFFFFFFD0] =	vst v2;
	v2 =	vmul.f32 $6.400000000e+01, v3  }
0x45b: {  	v3 =	vmul.f32 $6.400000000e+01, v5;
	[tilespmem:s0+$0xFFFFFFE0] =	vst v1  }
0x45c: {  	[tilespmem:s0+$0xFFFFFFF0] =	vst v2  }
0x45d: {  	[tilespmem:s0+$0xFFFFFF90] =	vst v3  }
0x45e: {  	v3 =	vld [tilespmem:s3+$0x0]  }
0x45f: {  	v5 =	vld [tilespmem:s3+$0xFFFFFFA0]  }
0x460: {  	v7 =	vld [tilespmem:s3+$0xFFFFFFB0]  }
0x461: {  	v4 =	vld [tilespmem:s3+$0xFFFFFFC0]  }
0x462: {  	v2 =	vld [tilespmem:s3+$0xFFFFFFD0]  }
0x463: {  	v1 =	vld [tilespmem:s3+$0xFFFFFFE0];
	v8 =	vmul.f32 $6.400000000e+01, v3  }
0x464: {  	v3 =	vld [tilespmem:s3+$0xFFFFFFF0];
	v6 =	vmul.f32 $6.400000000e+01, v5  }
0x465: {  	s0 =	simm.s32 $0x0;
	v5 =	vld [tilespmem:s3+$0xFFFFFF90];
	v7 =	vmul.f32 $6.400000000e+01, v7;
	s3 =	simm.s32 $0x8BF0;
	[tilespmem:s2+$0x0] =	vst v8  }
.LBB2_87:
0x466: {  	v8 =	vld [tilespmem:s3+$0x0];
	s0 =	sadd.s32 $0x8, s0;
	[tilespmem:s2+$0xFFFFFFA0] =	vst v6;
	v4 =	vmul.f32 $6.400000000e+01, v4  }
0x467: {  	v6 =	vld [tilespmem:s3+$0xFFFFFFA0];
	p1 =	slt.u32 s0, $0x38;
	[tilespmem:s2+$0xFFFFFFB0] =	vst v7;
	v2 =	vmul.f32 $6.400000000e+01, v2  }
0x468: {  	v7 =	vld [tilespmem:s3+$0xFFFFFFB0];
	[tilespmem:s2+$0xFFFFFFC0] =	vst v4;
	v1 =	vmul.f32 $6.400000000e+01, v1  }
.Ltmp47:
0x469: {  	v4 =	vld [tilespmem:s3+$0xFFFFFFC0];
	[tilespmem:s2+$0xFFFFFFD0] =	vst v2;
	v3 =	vmul.f32 $6.400000000e+01, v3;
	(pc) =	sbr.rel @p1 .LBB2_87-.Ltmp47, $4  }
0x46a: {  	v2 =	vld [tilespmem:s3+$0xFFFFFFD0];
	v5 =	vmul.f32 $6.400000000e+01, v5;
	[tilespmem:s2+$0xFFFFFFE0] =	vst v1  }
0x46b: {  	v1 =	vld [tilespmem:s3+$0xFFFFFFE0];
	v8 =	vmul.f32 $6.400000000e+01, v8;
	[tilespmem:s2+$0xFFFFFFF0] =	vst v3  }
0x46c: {  	v6 =	vmul.f32 $6.400000000e+01, v6;
	v3 =	vld [tilespmem:s3+$0xFFFFFFF0];
	[tilespmem:s2+$0xFFFFFF90] =	vst v5;
	s2 =	sadd.s32 $0x400, s2  }
0x46d: {  	v5 =	vld [tilespmem:s3+$0xFFFFFF90];
	v7 =	vmul.f32 $6.400000000e+01, v7;
	[tilespmem:s2+$0x0] =	vst v8;
	s3 =	sadd.s32 $0x400, s3  }
0x46e: {  	[tilespmem:s2+$0xFFFFFFA0] =	vst v6;
	v4 =	vmul.f32 $6.400000000e+01, v4  }
0x46f: {  	[tilespmem:s2+$0xFFFFFFB0] =	vst v7;
	v2 =	vmul.f32 $6.400000000e+01, v2  }
0x470: {  	[tilespmem:s2+$0xFFFFFFC0] =	vst v4;
	v1 =	vmul.f32 $6.400000000e+01, v1  }
0x471: {  	[tilespmem:s2+$0xFFFFFFD0] =	vst v2;
	v2 =	vmul.f32 $6.400000000e+01, v3  }
0x472: {  	v3 =	vmul.f32 $6.400000000e+01, v5;
	[tilespmem:s2+$0xFFFFFFE0] =	vst v1  }
0x473: {  	[tilespmem:s2+$0xFFFFFFF0] =	vst v2  }
0x474: {  	s0 =	simm.s32 $0x0;
	[tilespmem:s2+$0xFFFFFF90] =	vst v3  }
0x475: {  	v4 =	vld [tilespmem:s0+$0xA470]  }
0x476: {  	v6 =	vld [tilespmem:s0+$0xA400]  }
0x477: {  	v5 =	vld [tilespmem:s0+$0xA410]  }
0x478: {  	v3 =	vld [tilespmem:s0+$0xA420]  }
0x479: {  	v2 =	vld [tilespmem:s0+$0xA430]  }
0x47a: {  	v1 =	vld [tilespmem:s0+$0xA440];
	v7 =	vmul.f32 $6.400000000e+01, v4  }
0x47b: {  	s3 =	simm.s32 $0x0;
	s9 =	simm.s32 $0x1000;
	s2 =	simm.s32 $0x0;
	v6 =	vmul.f32 $6.400000000e+01, v6;
	v4 =	vld [tilespmem:s0+$0xA450]  }
.LBB2_89:
0x47c: {  	s7 =	sshra.s32 s9, $0x2;
	s3 =	sadd.s32 $0x8, s3;
	v5 =	vmul.f32 $6.400000000e+01, v5;
	v8 =	vld [tilespmem:s2+$0xA460];
	[tilespmem:s2+$0x16470] =	vst v7  }
0x47d: {  	v7 =	vld [tilespmem:s7+$0xA470];
	p1 =	slt.u32 s3, $0x38;
	[tilespmem:s2+$0x16400] =	vst v6;
	v3 =	vmul.f32 $6.400000000e+01, v3  }
0x47e: {  	v6 =	vld [tilespmem:s7+$0xA400];
	[tilespmem:s2+$0x16410] =	vst v5;
	v2 =	vmul.f32 $6.400000000e+01, v2  }
.Ltmp48:
0x47f: {  	v5 =	vld [tilespmem:s7+$0xA410];
	[tilespmem:s2+$0x16420] =	vst v3;
	v1 =	vmul.f32 $6.400000000e+01, v1;
	(pc) =	sbr.rel @p1 .LBB2_89-.Ltmp48, $4  }
0x480: {  	v3 =	vld [tilespmem:s7+$0xA420];
	[tilespmem:s2+$0x16430] =	vst v2;
	v4 =	vmul.f32 $6.400000000e+01, v4  }
0x481: {  	v2 =	vld [tilespmem:s7+$0xA430];
	[tilespmem:s2+$0x16440] =	vst v1;
	v8 =	vmul.f32 $6.400000000e+01, v8  }
0x482: {  	v1 =	vld [tilespmem:s7+$0xA440];
	v7 =	vmul.f32 $6.400000000e+01, v7;
	[tilespmem:s2+$0x16450] =	vst v4  }
0x483: {  	s9 =	sadd.s32 $0x1000, s9;
	v6 =	vmul.f32 $6.400000000e+01, v6;
	v4 =	vld [tilespmem:s7+$0xA450];
	[tilespmem:s2+$0x16460] =	vst v8;
	s2 =	smov.u32 s7  }
0x484: {  	v5 =	vmul.f32 $6.400000000e+01, v5;
	v8 =	vld [tilespmem:s2+$0xA460];
	[tilespmem:s2+$0x16470] =	vst v7  }
0x485: {  	[tilespmem:s2+$0x16400] =	vst v6;
	v3 =	vmul.f32 $6.400000000e+01, v3  }
0x486: {  	[tilespmem:s2+$0x16410] =	vst v5;
	v2 =	vmul.f32 $6.400000000e+01, v2  }
0x487: {  	[tilespmem:s2+$0x16420] =	vst v3;
	v1 =	vmul.f32 $6.400000000e+01, v1  }
0x488: {  	[tilespmem:s2+$0x16430] =	vst v2;
	v2 =	vmul.f32 $6.400000000e+01, v4  }
0x489: {  	[tilespmem:s2+$0x16440] =	vst v1;
	v1 =	vmul.f32 $6.400000000e+01, v8  }
0x48a: {  	[tilespmem:s2+$0x16450] =	vst v2  }
0x48b: {  	[tilespmem:s2+$0x16460] =	vst v1  }
0x48c: {  	v4 =	vld [tilespmem:s0+$0xA4F0]  }
0x48d: {  	v6 =	vld [tilespmem:s0+$0xA480]  }
0x48e: {  	v5 =	vld [tilespmem:s0+$0xA490]  }
0x48f: {  	v3 =	vld [tilespmem:s0+$0xA4A0]  }
0x490: {  	v2 =	vld [tilespmem:s0+$0xA4B0]  }
0x491: {  	v1 =	vld [tilespmem:s0+$0xA4C0];
	v7 =	vmul.f32 $6.400000000e+01, v4  }
0x492: {  	s3 =	simm.s32 $0x1000;
	s2 =	simm.s32 $0x0;
	v6 =	vmul.f32 $6.400000000e+01, v6;
	v4 =	vld [tilespmem:s0+$0xA4D0]  }
.LBB2_91:
0x493: {  	s7 =	sshra.s32 s3, $0x2;
	s2 =	sadd.s32 $0x8, s2;
	v5 =	vmul.f32 $6.400000000e+01, v5;
	v8 =	vld [tilespmem:s0+$0xA4E0];
	[tilespmem:s0+$0x164F0] =	vst v7  }
0x494: {  	v7 =	vld [tilespmem:s7+$0xA4F0];
	p1 =	slt.u32 s2, $0x38;
	[tilespmem:s0+$0x16480] =	vst v6;
	v3 =	vmul.f32 $6.400000000e+01, v3  }
0x495: {  	v6 =	vld [tilespmem:s7+$0xA480];
	[tilespmem:s0+$0x16490] =	vst v5;
	v2 =	vmul.f32 $6.400000000e+01, v2  }
.Ltmp49:
0x496: {  	v5 =	vld [tilespmem:s7+$0xA490];
	[tilespmem:s0+$0x164A0] =	vst v3;
	v1 =	vmul.f32 $6.400000000e+01, v1;
	(pc) =	sbr.rel @p1 .LBB2_91-.Ltmp49, $4  }
0x497: {  	v3 =	vld [tilespmem:s7+$0xA4A0];
	[tilespmem:s0+$0x164B0] =	vst v2;
	v4 =	vmul.f32 $6.400000000e+01, v4  }
0x498: {  	v2 =	vld [tilespmem:s7+$0xA4B0];
	[tilespmem:s0+$0x164C0] =	vst v1;
	v8 =	vmul.f32 $6.400000000e+01, v8  }
0x499: {  	v1 =	vld [tilespmem:s7+$0xA4C0];
	v7 =	vmul.f32 $6.400000000e+01, v7;
	[tilespmem:s0+$0x164D0] =	vst v4  }
0x49a: {  	s3 =	sadd.s32 $0x1000, s3;
	v6 =	vmul.f32 $6.400000000e+01, v6;
	v4 =	vld [tilespmem:s7+$0xA4D0];
	[tilespmem:s0+$0x164E0] =	vst v8;
	s0 =	smov.u32 s7  }
0x49b: {  	v5 =	vmul.f32 $6.400000000e+01, v5;
	v8 =	vld [tilespmem:s0+$0xA4E0];
	[tilespmem:s0+$0x164F0] =	vst v7  }
0x49c: {  	[tilespmem:s0+$0x16480] =	vst v6;
	v3 =	vmul.f32 $6.400000000e+01, v3  }
0x49d: {  	[tilespmem:s0+$0x16490] =	vst v5;
	v2 =	vmul.f32 $6.400000000e+01, v2  }
0x49e: {  	[tilespmem:s0+$0x164A0] =	vst v3;
	v1 =	vmul.f32 $6.400000000e+01, v1  }
0x49f: {  	[tilespmem:s0+$0x164B0] =	vst v2;
	v2 =	vmul.f32 $6.400000000e+01, v4  }
0x4a0: {  	[tilespmem:s0+$0x164C0] =	vst v1;
	v1 =	vmul.f32 $6.400000000e+01, v8  }
0x4a1: {  	[tilespmem:s0+$0x164D0] =	vst v2  }
0x4a2: {  	[tilespmem:s0+$0x164E0] =	vst v1;
	s0 =	simm.s32 $0x0  }
0x4a3: {  	v4 =	vld [tilespmem:s0+$0xA570]  }
0x4a4: {  	v6 =	vld [tilespmem:s0+$0xA500]  }
0x4a5: {  	v5 =	vld [tilespmem:s0+$0xA510]  }
0x4a6: {  	v3 =	vld [tilespmem:s0+$0xA520]  }
0x4a7: {  	v2 =	vld [tilespmem:s0+$0xA530]  }
0x4a8: {  	v1 =	vld [tilespmem:s0+$0xA540];
	v7 =	vmul.f32 $6.400000000e+01, v4  }
0x4a9: {  	s3 =	simm.s32 $0x0;
	s9 =	simm.s32 $0x1000;
	s2 =	simm.s32 $0x0;
	v6 =	vmul.f32 $6.400000000e+01, v6;
	v4 =	vld [tilespmem:s0+$0xA550]  }
.LBB2_93:
0x4aa: {  	s7 =	sshra.s32 s9, $0x2;
	s3 =	sadd.s32 $0x8, s3;
	v5 =	vmul.f32 $6.400000000e+01, v5;
	v8 =	vld [tilespmem:s2+$0xA560];
	[tilespmem:s2+$0x16570] =	vst v7  }
0x4ab: {  	v7 =	vld [tilespmem:s7+$0xA570];
	p1 =	slt.u32 s3, $0x38;
	[tilespmem:s2+$0x16500] =	vst v6;
	v3 =	vmul.f32 $6.400000000e+01, v3  }
0x4ac: {  	v6 =	vld [tilespmem:s7+$0xA500];
	[tilespmem:s2+$0x16510] =	vst v5;
	v2 =	vmul.f32 $6.400000000e+01, v2  }
.Ltmp50:
0x4ad: {  	v5 =	vld [tilespmem:s7+$0xA510];
	[tilespmem:s2+$0x16520] =	vst v3;
	v1 =	vmul.f32 $6.400000000e+01, v1;
	(pc) =	sbr.rel @p1 .LBB2_93-.Ltmp50, $4  }
0x4ae: {  	v3 =	vld [tilespmem:s7+$0xA520];
	[tilespmem:s2+$0x16530] =	vst v2;
	v4 =	vmul.f32 $6.400000000e+01, v4  }
0x4af: {  	v2 =	vld [tilespmem:s7+$0xA530];
	[tilespmem:s2+$0x16540] =	vst v1;
	v8 =	vmul.f32 $6.400000000e+01, v8  }
0x4b0: {  	v1 =	vld [tilespmem:s7+$0xA540];
	v7 =	vmul.f32 $6.400000000e+01, v7;
	[tilespmem:s2+$0x16550] =	vst v4  }
0x4b1: {  	s9 =	sadd.s32 $0x1000, s9;
	v6 =	vmul.f32 $6.400000000e+01, v6;
	v4 =	vld [tilespmem:s7+$0xA550];
	[tilespmem:s2+$0x16560] =	vst v8;
	s2 =	smov.u32 s7  }
0x4b2: {  	v5 =	vmul.f32 $6.400000000e+01, v5;
	v8 =	vld [tilespmem:s2+$0xA560];
	[tilespmem:s2+$0x16570] =	vst v7  }
0x4b3: {  	[tilespmem:s2+$0x16500] =	vst v6;
	v3 =	vmul.f32 $6.400000000e+01, v3  }
0x4b4: {  	[tilespmem:s2+$0x16510] =	vst v5;
	v2 =	vmul.f32 $6.400000000e+01, v2  }
0x4b5: {  	[tilespmem:s2+$0x16520] =	vst v3;
	v1 =	vmul.f32 $6.400000000e+01, v1  }
0x4b6: {  	[tilespmem:s2+$0x16530] =	vst v2;
	v2 =	vmul.f32 $6.400000000e+01, v4  }
0x4b7: {  	[tilespmem:s2+$0x16540] =	vst v1;
	v1 =	vmul.f32 $6.400000000e+01, v8  }
0x4b8: {  	[tilespmem:s2+$0x16550] =	vst v2  }
0x4b9: {  	[tilespmem:s2+$0x16560] =	vst v1  }
0x4ba: {  	v4 =	vld [tilespmem:s0+$0xA5F0]  }
0x4bb: {  	v6 =	vld [tilespmem:s0+$0xA580]  }
0x4bc: {  	v5 =	vld [tilespmem:s0+$0xA590]  }
0x4bd: {  	v3 =	vld [tilespmem:s0+$0xA5A0]  }
0x4be: {  	v2 =	vld [tilespmem:s0+$0xA5B0]  }
0x4bf: {  	v1 =	vld [tilespmem:s0+$0xA5C0];
	v7 =	vmul.f32 $6.400000000e+01, v4  }
0x4c0: {  	s3 =	simm.s32 $0x1000;
	s2 =	simm.s32 $0x0;
	v6 =	vmul.f32 $6.400000000e+01, v6;
	v4 =	vld [tilespmem:s0+$0xA5D0]  }
.LBB2_95:
0x4c1: {  	s7 =	sshra.s32 s3, $0x2;
	s2 =	sadd.s32 $0x8, s2;
	v5 =	vmul.f32 $6.400000000e+01, v5;
	v8 =	vld [tilespmem:s0+$0xA5E0];
	[tilespmem:s0+$0x165F0] =	vst v7  }
0x4c2: {  	v7 =	vld [tilespmem:s7+$0xA5F0];
	p1 =	slt.u32 s2, $0x38;
	[tilespmem:s0+$0x16580] =	vst v6;
	v3 =	vmul.f32 $6.400000000e+01, v3  }
0x4c3: {  	v6 =	vld [tilespmem:s7+$0xA580];
	[tilespmem:s0+$0x16590] =	vst v5;
	v2 =	vmul.f32 $6.400000000e+01, v2  }
.Ltmp51:
0x4c4: {  	v5 =	vld [tilespmem:s7+$0xA590];
	[tilespmem:s0+$0x165A0] =	vst v3;
	v1 =	vmul.f32 $6.400000000e+01, v1;
	(pc) =	sbr.rel @p1 .LBB2_95-.Ltmp51, $4  }
0x4c5: {  	v3 =	vld [tilespmem:s7+$0xA5A0];
	[tilespmem:s0+$0x165B0] =	vst v2;
	v4 =	vmul.f32 $6.400000000e+01, v4  }
0x4c6: {  	v2 =	vld [tilespmem:s7+$0xA5B0];
	[tilespmem:s0+$0x165C0] =	vst v1;
	v8 =	vmul.f32 $6.400000000e+01, v8  }
0x4c7: {  	v1 =	vld [tilespmem:s7+$0xA5C0];
	v7 =	vmul.f32 $6.400000000e+01, v7;
	[tilespmem:s0+$0x165D0] =	vst v4  }
0x4c8: {  	s3 =	sadd.s32 $0x1000, s3;
	v6 =	vmul.f32 $6.400000000e+01, v6;
	v4 =	vld [tilespmem:s7+$0xA5D0];
	[tilespmem:s0+$0x165E0] =	vst v8;
	s0 =	smov.u32 s7  }
0x4c9: {  	v5 =	vmul.f32 $6.400000000e+01, v5;
	v8 =	vld [tilespmem:s0+$0xA5E0];
	[tilespmem:s0+$0x165F0] =	vst v7  }
0x4ca: {  	[tilespmem:s0+$0x16580] =	vst v6;
	v3 =	vmul.f32 $6.400000000e+01, v3  }
0x4cb: {  	[tilespmem:s0+$0x16590] =	vst v5;
	v2 =	vmul.f32 $6.400000000e+01, v2  }
0x4cc: {  	[tilespmem:s0+$0x165A0] =	vst v3;
	v1 =	vmul.f32 $6.400000000e+01, v1  }
0x4cd: {  	[tilespmem:s0+$0x165B0] =	vst v2;
	v2 =	vmul.f32 $6.400000000e+01, v4  }
0x4ce: {  	[tilespmem:s0+$0x165C0] =	vst v1;
	v1 =	vmul.f32 $6.400000000e+01, v8  }
0x4cf: {  	[tilespmem:s0+$0x165D0] =	vst v2  }
0x4d0: {  	[tilespmem:s0+$0x165E0] =	vst v1;
	s0 =	simm.s32 $0x0  }
0x4d1: {  	v4 =	vld [tilespmem:s0+$0xA670]  }
0x4d2: {  	v6 =	vld [tilespmem:s0+$0xA600]  }
0x4d3: {  	v5 =	vld [tilespmem:s0+$0xA610]  }
0x4d4: {  	v3 =	vld [tilespmem:s0+$0xA620]  }
0x4d5: {  	v2 =	vld [tilespmem:s0+$0xA630]  }
0x4d6: {  	v1 =	vld [tilespmem:s0+$0xA640];
	v7 =	vmul.f32 $6.400000000e+01, v4  }
0x4d7: {  	s3 =	simm.s32 $0x0;
	s9 =	simm.s32 $0x1000;
	s2 =	simm.s32 $0x0;
	v6 =	vmul.f32 $6.400000000e+01, v6;
	v4 =	vld [tilespmem:s0+$0xA650]  }
.LBB2_97:
0x4d8: {  	s7 =	sshra.s32 s9, $0x2;
	s3 =	sadd.s32 $0x8, s3;
	v5 =	vmul.f32 $6.400000000e+01, v5;
	v8 =	vld [tilespmem:s2+$0xA660];
	[tilespmem:s2+$0x16670] =	vst v7  }
0x4d9: {  	v7 =	vld [tilespmem:s7+$0xA670];
	p1 =	slt.u32 s3, $0x38;
	[tilespmem:s2+$0x16600] =	vst v6;
	v3 =	vmul.f32 $6.400000000e+01, v3  }
0x4da: {  	v6 =	vld [tilespmem:s7+$0xA600];
	[tilespmem:s2+$0x16610] =	vst v5;
	v2 =	vmul.f32 $6.400000000e+01, v2  }
.Ltmp52:
0x4db: {  	v5 =	vld [tilespmem:s7+$0xA610];
	[tilespmem:s2+$0x16620] =	vst v3;
	v1 =	vmul.f32 $6.400000000e+01, v1;
	(pc) =	sbr.rel @p1 .LBB2_97-.Ltmp52, $4  }
0x4dc: {  	v3 =	vld [tilespmem:s7+$0xA620];
	[tilespmem:s2+$0x16630] =	vst v2;
	v4 =	vmul.f32 $6.400000000e+01, v4  }
0x4dd: {  	v2 =	vld [tilespmem:s7+$0xA630];
	[tilespmem:s2+$0x16640] =	vst v1;
	v8 =	vmul.f32 $6.400000000e+01, v8  }
0x4de: {  	v1 =	vld [tilespmem:s7+$0xA640];
	v7 =	vmul.f32 $6.400000000e+01, v7;
	[tilespmem:s2+$0x16650] =	vst v4  }
0x4df: {  	s9 =	sadd.s32 $0x1000, s9;
	v6 =	vmul.f32 $6.400000000e+01, v6;
	v4 =	vld [tilespmem:s7+$0xA650];
	[tilespmem:s2+$0x16660] =	vst v8;
	s2 =	smov.u32 s7  }
0x4e0: {  	v5 =	vmul.f32 $6.400000000e+01, v5;
	v8 =	vld [tilespmem:s2+$0xA660];
	[tilespmem:s2+$0x16670] =	vst v7  }
0x4e1: {  	[tilespmem:s2+$0x16600] =	vst v6;
	v3 =	vmul.f32 $6.400000000e+01, v3  }
0x4e2: {  	[tilespmem:s2+$0x16610] =	vst v5;
	v2 =	vmul.f32 $6.400000000e+01, v2  }
0x4e3: {  	[tilespmem:s2+$0x16620] =	vst v3;
	v1 =	vmul.f32 $6.400000000e+01, v1  }
0x4e4: {  	[tilespmem:s2+$0x16630] =	vst v2;
	v2 =	vmul.f32 $6.400000000e+01, v4  }
0x4e5: {  	[tilespmem:s2+$0x16640] =	vst v1;
	v1 =	vmul.f32 $6.400000000e+01, v8  }
0x4e6: {  	[tilespmem:s2+$0x16650] =	vst v2  }
0x4e7: {  	[tilespmem:s2+$0x16660] =	vst v1  }
0x4e8: {  	v4 =	vld [tilespmem:s0+$0xA6F0]  }
0x4e9: {  	v6 =	vld [tilespmem:s0+$0xA680]  }
0x4ea: {  	v5 =	vld [tilespmem:s0+$0xA690]  }
0x4eb: {  	v3 =	vld [tilespmem:s0+$0xA6A0]  }
0x4ec: {  	v2 =	vld [tilespmem:s0+$0xA6B0]  }
0x4ed: {  	v1 =	vld [tilespmem:s0+$0xA6C0];
	v7 =	vmul.f32 $6.400000000e+01, v4  }
0x4ee: {  	s3 =	simm.s32 $0x1000;
	s2 =	simm.s32 $0x0;
	v6 =	vmul.f32 $6.400000000e+01, v6;
	v4 =	vld [tilespmem:s0+$0xA6D0]  }
.LBB2_99:
0x4ef: {  	s7 =	sshra.s32 s3, $0x2;
	s2 =	sadd.s32 $0x8, s2;
	v5 =	vmul.f32 $6.400000000e+01, v5;
	v8 =	vld [tilespmem:s0+$0xA6E0];
	[tilespmem:s0+$0x166F0] =	vst v7  }
0x4f0: {  	v7 =	vld [tilespmem:s7+$0xA6F0];
	p1 =	slt.u32 s2, $0x38;
	[tilespmem:s0+$0x16680] =	vst v6;
	v3 =	vmul.f32 $6.400000000e+01, v3  }
0x4f1: {  	v6 =	vld [tilespmem:s7+$0xA680];
	[tilespmem:s0+$0x16690] =	vst v5;
	v2 =	vmul.f32 $6.400000000e+01, v2  }
.Ltmp53:
0x4f2: {  	v5 =	vld [tilespmem:s7+$0xA690];
	[tilespmem:s0+$0x166A0] =	vst v3;
	v1 =	vmul.f32 $6.400000000e+01, v1;
	(pc) =	sbr.rel @p1 .LBB2_99-.Ltmp53, $4  }
0x4f3: {  	v3 =	vld [tilespmem:s7+$0xA6A0];
	[tilespmem:s0+$0x166B0] =	vst v2;
	v4 =	vmul.f32 $6.400000000e+01, v4  }
0x4f4: {  	v2 =	vld [tilespmem:s7+$0xA6B0];
	[tilespmem:s0+$0x166C0] =	vst v1;
	v8 =	vmul.f32 $6.400000000e+01, v8  }
0x4f5: {  	v1 =	vld [tilespmem:s7+$0xA6C0];
	v7 =	vmul.f32 $6.400000000e+01, v7;
	[tilespmem:s0+$0x166D0] =	vst v4  }
0x4f6: {  	s3 =	sadd.s32 $0x1000, s3;
	v6 =	vmul.f32 $6.400000000e+01, v6;
	v4 =	vld [tilespmem:s7+$0xA6D0];
	[tilespmem:s0+$0x166E0] =	vst v8;
	s0 =	smov.u32 s7  }
0x4f7: {  	v5 =	vmul.f32 $6.400000000e+01, v5;
	v8 =	vld [tilespmem:s0+$0xA6E0];
	[tilespmem:s0+$0x166F0] =	vst v7  }
0x4f8: {  	[tilespmem:s0+$0x16680] =	vst v6;
	v3 =	vmul.f32 $6.400000000e+01, v3  }
0x4f9: {  	[tilespmem:s0+$0x16690] =	vst v5;
	v2 =	vmul.f32 $6.400000000e+01, v2  }
0x4fa: {  	[tilespmem:s0+$0x166A0] =	vst v3;
	v1 =	vmul.f32 $6.400000000e+01, v1  }
0x4fb: {  	[tilespmem:s0+$0x166B0] =	vst v2;
	v2 =	vmul.f32 $6.400000000e+01, v4  }
0x4fc: {  	[tilespmem:s0+$0x166C0] =	vst v1;
	v1 =	vmul.f32 $6.400000000e+01, v8  }
0x4fd: {  	[tilespmem:s0+$0x166D0] =	vst v2  }
0x4fe: {  	[tilespmem:s0+$0x166E0] =	vst v1;
	s0 =	simm.s32 $0x0  }
0x4ff: {  	v4 =	vld [tilespmem:s0+$0xA770]  }
0x500: {  	v6 =	vld [tilespmem:s0+$0xA700]  }
0x501: {  	v5 =	vld [tilespmem:s0+$0xA710]  }
0x502: {  	v3 =	vld [tilespmem:s0+$0xA720]  }
0x503: {  	v2 =	vld [tilespmem:s0+$0xA730]  }
0x504: {  	v1 =	vld [tilespmem:s0+$0xA740];
	v7 =	vmul.f32 $6.400000000e+01, v4  }
0x505: {  	s3 =	simm.s32 $0x0;
	s9 =	simm.s32 $0x1000;
	s2 =	simm.s32 $0x0;
	v6 =	vmul.f32 $6.400000000e+01, v6;
	v4 =	vld [tilespmem:s0+$0xA750]  }
.LBB2_101:
0x506: {  	s7 =	sshra.s32 s9, $0x2;
	s3 =	sadd.s32 $0x8, s3;
	v5 =	vmul.f32 $6.400000000e+01, v5;
	v8 =	vld [tilespmem:s2+$0xA760];
	[tilespmem:s2+$0x16770] =	vst v7  }
0x507: {  	v7 =	vld [tilespmem:s7+$0xA770];
	p1 =	slt.u32 s3, $0x38;
	[tilespmem:s2+$0x16700] =	vst v6;
	v3 =	vmul.f32 $6.400000000e+01, v3  }
0x508: {  	v6 =	vld [tilespmem:s7+$0xA700];
	[tilespmem:s2+$0x16710] =	vst v5;
	v2 =	vmul.f32 $6.400000000e+01, v2  }
.Ltmp54:
0x509: {  	v5 =	vld [tilespmem:s7+$0xA710];
	[tilespmem:s2+$0x16720] =	vst v3;
	v1 =	vmul.f32 $6.400000000e+01, v1;
	(pc) =	sbr.rel @p1 .LBB2_101-.Ltmp54, $4  }
0x50a: {  	v3 =	vld [tilespmem:s7+$0xA720];
	[tilespmem:s2+$0x16730] =	vst v2;
	v4 =	vmul.f32 $6.400000000e+01, v4  }
0x50b: {  	v2 =	vld [tilespmem:s7+$0xA730];
	[tilespmem:s2+$0x16740] =	vst v1;
	v8 =	vmul.f32 $6.400000000e+01, v8  }
0x50c: {  	v1 =	vld [tilespmem:s7+$0xA740];
	v7 =	vmul.f32 $6.400000000e+01, v7;
	[tilespmem:s2+$0x16750] =	vst v4  }
0x50d: {  	s9 =	sadd.s32 $0x1000, s9;
	v6 =	vmul.f32 $6.400000000e+01, v6;
	v4 =	vld [tilespmem:s7+$0xA750];
	[tilespmem:s2+$0x16760] =	vst v8;
	s2 =	smov.u32 s7  }
0x50e: {  	v5 =	vmul.f32 $6.400000000e+01, v5;
	v8 =	vld [tilespmem:s2+$0xA760];
	[tilespmem:s2+$0x16770] =	vst v7  }
0x50f: {  	[tilespmem:s2+$0x16700] =	vst v6;
	v3 =	vmul.f32 $6.400000000e+01, v3  }
0x510: {  	[tilespmem:s2+$0x16710] =	vst v5;
	v2 =	vmul.f32 $6.400000000e+01, v2  }
0x511: {  	[tilespmem:s2+$0x16720] =	vst v3;
	v1 =	vmul.f32 $6.400000000e+01, v1  }
0x512: {  	[tilespmem:s2+$0x16730] =	vst v2;
	v2 =	vmul.f32 $6.400000000e+01, v4  }
0x513: {  	[tilespmem:s2+$0x16740] =	vst v1;
	v1 =	vmul.f32 $6.400000000e+01, v8  }
0x514: {  	[tilespmem:s2+$0x16750] =	vst v2  }
0x515: {  	[tilespmem:s2+$0x16760] =	vst v1  }
0x516: {  	v4 =	vld [tilespmem:s0+$0xA7F0]  }
0x517: {  	v6 =	vld [tilespmem:s0+$0xA780]  }
0x518: {  	v5 =	vld [tilespmem:s0+$0xA790]  }
0x519: {  	v3 =	vld [tilespmem:s0+$0xA7A0]  }
0x51a: {  	v2 =	vld [tilespmem:s0+$0xA7B0]  }
0x51b: {  	v1 =	vld [tilespmem:s0+$0xA7C0];
	v7 =	vmul.f32 $6.400000000e+01, v4  }
0x51c: {  	s3 =	simm.s32 $0x1000;
	s2 =	simm.s32 $0x0;
	v6 =	vmul.f32 $6.400000000e+01, v6;
	v4 =	vld [tilespmem:s0+$0xA7D0]  }
.LBB2_103:
0x51d: {  	s7 =	sshra.s32 s3, $0x2;
	s2 =	sadd.s32 $0x8, s2;
	v5 =	vmul.f32 $6.400000000e+01, v5;
	v8 =	vld [tilespmem:s0+$0xA7E0];
	[tilespmem:s0+$0x167F0] =	vst v7  }
0x51e: {  	v7 =	vld [tilespmem:s7+$0xA7F0];
	p1 =	slt.u32 s2, $0x38;
	[tilespmem:s0+$0x16780] =	vst v6;
	v3 =	vmul.f32 $6.400000000e+01, v3  }
0x51f: {  	v6 =	vld [tilespmem:s7+$0xA780];
	[tilespmem:s0+$0x16790] =	vst v5;
	v2 =	vmul.f32 $6.400000000e+01, v2  }
.Ltmp55:
0x520: {  	v5 =	vld [tilespmem:s7+$0xA790];
	[tilespmem:s0+$0x167A0] =	vst v3;
	v1 =	vmul.f32 $6.400000000e+01, v1;
	(pc) =	sbr.rel @p1 .LBB2_103-.Ltmp55, $4  }
0x521: {  	v3 =	vld [tilespmem:s7+$0xA7A0];
	[tilespmem:s0+$0x167B0] =	vst v2;
	v4 =	vmul.f32 $6.400000000e+01, v4  }
0x522: {  	v2 =	vld [tilespmem:s7+$0xA7B0];
	[tilespmem:s0+$0x167C0] =	vst v1;
	v8 =	vmul.f32 $6.400000000e+01, v8  }
0x523: {  	v1 =	vld [tilespmem:s7+$0xA7C0];
	v7 =	vmul.f32 $6.400000000e+01, v7;
	[tilespmem:s0+$0x167D0] =	vst v4  }
0x524: {  	s3 =	sadd.s32 $0x1000, s3;
	v6 =	vmul.f32 $6.400000000e+01, v6;
	v4 =	vld [tilespmem:s7+$0xA7D0];
	[tilespmem:s0+$0x167E0] =	vst v8;
	s0 =	smov.u32 s7  }
0x525: {  	v5 =	vmul.f32 $6.400000000e+01, v5;
	v8 =	vld [tilespmem:s0+$0xA7E0];
	[tilespmem:s0+$0x167F0] =	vst v7  }
0x526: {  	[tilespmem:s0+$0x16780] =	vst v6;
	v3 =	vmul.f32 $6.400000000e+01, v3  }
0x527: {  	[tilespmem:s0+$0x16790] =	vst v5;
	v2 =	vmul.f32 $6.400000000e+01, v2  }
0x528: {  	[tilespmem:s0+$0x167A0] =	vst v3;
	v1 =	vmul.f32 $6.400000000e+01, v1  }
0x529: {  	[tilespmem:s0+$0x167B0] =	vst v2;
	v2 =	vmul.f32 $6.400000000e+01, v4  }
0x52a: {  	[tilespmem:s0+$0x167C0] =	vst v1;
	v1 =	vmul.f32 $6.400000000e+01, v8  }
0x52b: {  	[tilespmem:s0+$0x167D0] =	vst v2  }
0x52c: {  	s2 =	simm.s32 $0x0;
	[tilespmem:s0+$0x167E0] =	vst v1  }
0x52d: {  	v4 =	vld [tilespmem:s2+$0x0];
	_ =	sdelay $0x2  }
0x52e: {  	v3 =	vmov s25;
	v2 =	vimm.s32 $0xFFFFFFFF;
	v1 =	vimm.s32 $0x2710;
	s0 =	simm.s32 $0x40  }
.LBB2_105:
0x52f: {  	p1 =	sne.s32 s0, $0xFC0  }
.Ltmp56:
0x530: {  	s2 =	sshra.s32 s0, $0x2;
	s0 =	sadd.s32 $0x40, s0;
	v5 =	vsub.s32 v4, v3;
	(pc) =	sbr.rel @p1 .LBB2_105-.Ltmp56, $4  }
0x531: {  	v4 =	vld [tilespmem:s2+$0x0];
	vm0 =	vlt.u32 v5, $0x18  }
0x532: {  	v6 =	vnsel vm0, $0x2710, v5;
	v5 =	vnsel vm0, $0xFFFFFFFF, v5  }
0x533: {  	vm0 =	vlt.s32 v1, v6;
	vm1 =	vgt.s32 v2, v5  }
0x534: {  	v1 =	vsel vm0, v1, v6;
	v2 =	vsel vm1, v2, v5  }
0x535: {  	_ = 	snop  }
0x536: {  	v3 =	vsub.s32 v4, v3  }
0x537: {  	vm0 =	vlt.u32 v3, $0x18  }
0x538: {  	v4 =	vnsel vm0, $0x2710, v3  }
0x539: {  	v3 =	vnsel vm0, $0xFFFFFFFF, v3;
	vm15 =	vlt.s32 v1, v4  }
0x53a: {  	vm1 =	vgt.s32 v2, v3;
	v1 =	vsel vm15, v1, v4  }
0x53b: {  	v2 =	vsel vm1, v2, v3;
	(v2sf) =	vpush v1, $0x0  }
0x53c: {  	(v2sf) =	vpush v2, $0x0  }
0x53d: {  	(v2sf) =	vpush v1, $0x1  }
0x53e: {  	(v2sf) =	vpush v2, $0x1  }
0x53f: {  	(v2sf) =	vpush v1, $0x2  }
0x540: {  	(v2sf) =	vpush v2, $0x2  }
0x541: {  	(v2sf) =	vpush v1, $0x3  }
0x542: {  	(v2sf) =	vpush v2, $0x3  }
0x543: {  	(v2sf) =	vpush v1, $0x4  }
0x544: {  	(v2sf) =	vpush v2, $0x4  }
0x545: {  	(v2sf) =	vpush v1, $0x5  }
0x546: {  	(v2sf) =	vpush v2, $0x5  }
0x547: {  	(v2sf) =	vpush v1, $0x6  }
0x548: {  	(v2sf) =	vpush v2, $0x6  }
0x549: {  	(v2sf) =	vpush v1, $0x7  }
0x54a: {  	s0 =	spop (v2sf);
	(v2sf) =	vpush v2, $0x7  }
0x54b: {  	s2 =	spop (v2sf);
	(v2sf) =	vpush v1, $0x8  }
0x54c: {  	s3 =	spop (v2sf);
	(v2sf) =	vpush v2, $0x8  }
0x54d: {  	p1 =	slt.s32 s0, s3;
	s7 =	spop (v2sf);
	(v2sf) =	vpush v1, $0x9  }
0x54e: {  	s3 =	smov.u32 @p1 s0;
	p1 =	sgt.s32 s2, s7;
	s0 =	spop (v2sf);
	(v2sf) =	vpush v2, $0x9  }
0x54f: {  	s7 =	smov.u32 @p1 s2;
	p1 =	slt.s32 s3, s0;
	s2 =	spop (v2sf);
	(v2sf) =	vpush v1, $0xA  }
0x550: {  	s0 =	smov.u32 @p1 s3;
	p1 =	sgt.s32 s7, s2;
	s3 =	spop (v2sf);
	(v2sf) =	vpush v2, $0xA  }
0x551: {  	s2 =	smov.u32 @p1 s7;
	p1 =	slt.s32 s0, s3;
	s7 =	spop (v2sf);
	(v2sf) =	vpush v1, $0xB  }
0x552: {  	s3 =	smov.u32 @p1 s0;
	p1 =	sgt.s32 s2, s7;
	s0 =	spop (v2sf);
	(v2sf) =	vpush v2, $0xB  }
0x553: {  	s7 =	smov.u32 @p1 s2;
	p1 =	slt.s32 s3, s0;
	s2 =	spop (v2sf);
	(v2sf) =	vpush v1, $0xC  }
0x554: {  	s0 =	smov.u32 @p1 s3;
	p1 =	sgt.s32 s7, s2;
	s3 =	spop (v2sf);
	(v2sf) =	vpush v2, $0xC  }
0x555: {  	s2 =	smov.u32 @p1 s7;
	p1 =	slt.s32 s0, s3;
	s7 =	spop (v2sf);
	(v2sf) =	vpush v1, $0xD  }
0x556: {  	s3 =	smov.u32 @p1 s0;
	p1 =	sgt.s32 s2, s7;
	s0 =	spop (v2sf);
	(v2sf) =	vpush v2, $0xD  }
0x557: {  	s7 =	smov.u32 @p1 s2;
	p1 =	slt.s32 s3, s0;
	s2 =	spop (v2sf);
	(v2sf) =	vpush v1, $0xE  }
0x558: {  	s0 =	smov.u32 @p1 s3;
	p1 =	sgt.s32 s7, s2;
	s3 =	spop (v2sf);
	(v2sf) =	vpush v2, $0xE  }
0x559: {  	s2 =	smov.u32 @p1 s7;
	p1 =	slt.s32 s0, s3;
	s7 =	spop (v2sf);
	(v2sf) =	vpush v1, $0xF  }
0x55a: {  	s3 =	smov.u32 @p1 s0;
	p1 =	sgt.s32 s2, s7;
	s0 =	spop (v2sf);
	(v2sf) =	vpush v2, $0xF  }
0x55b: {  	s7 =	smov.u32 @p1 s2;
	s2 =	spop (v2sf);
	p1 =	slt.s32 s3, s0  }
0x55c: {  	s0 =	smov.u32 @p1 s3;
	s3 =	spop (v2sf);
	p1 =	sgt.s32 s7, s2  }
0x55d: {  	s2 =	smov.u32 @p1 s7;
	s7 =	spop (v2sf);
	p1 =	slt.s32 s0, s3  }
0x55e: {  	s3 =	smov.u32 @p1 s0;
	s0 =	spop (v2sf);
	p1 =	sgt.s32 s2, s7  }
0x55f: {  	s7 =	smov.u32 @p1 s2;
	s2 =	spop (v2sf);
	p1 =	slt.s32 s3, s0  }
0x560: {  	s0 =	smov.u32 @p1 s3;
	s3 =	spop (v2sf);
	p1 =	sgt.s32 s7, s2  }
0x561: {  	s2 =	smov.u32 @p1 s7;
	s7 =	spop (v2sf);
	p1 =	slt.s32 s0, s3  }
0x562: {  	s3 =	smov.u32 @p1 s0;
	s0 =	spop (v2sf);
	p1 =	sgt.s32 s2, s7  }
0x563: {  	s7 =	smov.u32 @p1 s2;
	s2 =	spop (v2sf);
	p1 =	slt.s32 s3, s0  }
0x564: {  	s0 =	smov.u32 @p1 s3;
	s3 =	spop (v2sf);
	p1 =	sgt.s32 s7, s2  }
0x565: {  	s2 =	smov.u32 @p1 s7;
	s7 =	spop (v2sf);
	p1 =	slt.s32 s0, s3  }
0x566: {  	s3 =	smov.u32 @p1 s0;
	s0 =	spop (v2sf);
	p1 =	sgt.s32 s2, s7  }
0x567: {  	s7 =	smov.u32 @p1 s2;
	s2 =	spop (v2sf);
	p1 =	slt.s32 s3, s0  }
0x568: {  	s0 =	smov.u32 @p1 s3;
	s26 =	spop (v2sf);
	p1 =	sgt.s32 s7, s2  }
0x569: {  	s2 =	smov.u32 @p1 s7;
	s3 =	spop (v2sf)  }
0x56a: {  	p1 =	slt.s32 s0, s26;
	p3 =	sgt.s32 s2, s3  }
0x56b: {  	s26 =	smov.u32 @p1 s0;
	s3 =	smov.u32 @p3 s2  }
0x56c: {  	p1 =	slt.s32 s3, s26  }
0x56d: {  	s28 =	ssub.s32 @!p1 s3, s26  }
0x56e: {  	p3 =	sgt.u32 @!p1 s28, $0x7FFFFFFE  }
0x56f: {  	p3 =	por p1, p3  }
.Ltmp57:
0x570: {  	_ = 	snop;
	(pc) =	sbr.rel @p3 .LBB2_110-.Ltmp57, $2  }
0x571: {  	_ =	sdelay $0x2  }
0x572: {  	s29 =	simm.s32 @!p1 $0x0  }
.LBB2_107:
0x573: {  	s12 =	sadd.s32 s26, s29  }
0x574: {  	s0 =	sshll.u32 s12, $0xA;
	s2 =	sshll.u32 s12, $0x7  }
0x575: {  	s3 =	simm.s32 $0x0;
	s0 =	sand.u32 $0xFFFFE000, s0;
	s2 =	sand.u32 $0x380, s2  }
0x576: {  	s16 =	sand.u32 $0x1C00, s3;
	s11 =	sor.u32 s0, s2  }
0x577: {  	s31 =	sand.u32 $0x70, s3;
	s0 =	sor.u32 s16, s11  }
0x578: {  	s16 =	sor.u32 s31, s0  }
0x579: {  	v5 =	vld [tilespmem:s16+$0x6400];
	_ =	sdelay $0x4  }
0x57a: {  	v1 =	vmul.f32 v5, v5  }
0x57b: {  	s2 =	simm.s32 $0x80  }
0x57c: {  	s7 =	simm.s32 $0x10;
	s0 =	sand.u32 $0x1C00, s2;
	v1 =	vsub.f32 $1.000000000e+00, v1  }
0x57d: {  	s2 =	sand.u32 $0x70, s7;
	s0 =	sor.u32 s0, s11  }
0x57e: {  	s2 =	sor.u32 s2, s0;
	v6 =	vmax.f32 v1, $9.999999960e-13  }
0x57f: {  	v2 =	vld [tilespmem:s2+$0x6400];
	v1 =	vshra.s32 v6, $0x1;
	v4 =	vmul.f32 $5.000000000e-01, v6  }
0x580: {  	v1 =	vsub.s32 $0x5F3759DF, v1  }
0x581: {  	v3 =	vmul.f32 v1, v4;
	_ =	sdelay $0x1  }
0x582: {  	v3 =	vmul.f32 v1, v3  }
0x583: {  	s9 =	simm.s32 $0x100;
	v7 =	vmul.f32 v2, v2  }
0x584: {  	s7 =	simm.s32 $0x20;
	s0 =	sand.u32 $0x1C00, s9;
	v3 =	vsub.f32 $1.500000000e+00, v3  }
0x585: {  	s7 =	sand.u32 $0x70, s7;
	s0 =	sor.u32 s0, s11;
	v7 =	vsub.f32 $1.000000000e+00, v7  }
0x586: {  	s30 =	sor.u32 s7, s0;
	v1 =	vmul.f32 v1, v3  }
0x587: {  	v8 =	vmax.f32 v7, $9.999999960e-13;
	v3 =	vld [tilespmem:s30+$0x6400]  }
0x588: {  	v7 =	vshra.s32 v8, $0x1;
	v11 =	vmul.f32 $5.000000000e-01, v8;
	v9 =	vmul.f32 v1, v4  }
0x589: {  	v10 =	vsub.s32 $0x5F3759DF, v7  }
0x58a: {  	v7 =	vmul.f32 v10, v11;
	v9 =	vmul.f32 v9, v1;
	_ =	sdelay $0x1  }
0x58b: {  	s13 =	simm.s32 $0x180;
	v7 =	vmul.f32 v10, v7;
	v12 =	vmul.f32 v3, v3;
	v9 =	vsub.f32 $1.500000000e+00, v9  }
0x58c: {  	s15 =	simm.s32 $0x30;
	s0 =	sand.u32 $0x1C00, s13  }
0x58d: {  	s7 =	sand.u32 $0x70, s15;
	s0 =	sor.u32 s0, s11;
	v13 =	vsub.f32 $1.500000000e+00, v7;
	v12 =	vsub.f32 $1.000000000e+00, v12;
	v9 =	vmul.f32 v9, v1  }
0x58e: {  	s0 =	sor.u32 s7, s0  }
0x58f: {  	v1 =	vld [tilespmem:s0+$0x6400];
	v7 =	vmax.f32 v12, $9.999999960e-13;
	v12 =	vmul.f32 v10, v13;
	v4 =	vmul.f32 v9, v4  }
0x590: {  	v13 =	vshra.s32 v7, $0x1;
	v10 =	vmul.f32 $5.000000000e-01, v7  }
0x591: {  	v14 =	vsub.s32 $0x5F3759DF, v13;
	v13 =	vmul.f32 v12, v11;
	v4 =	vmul.f32 v4, v9  }
0x592: {  	v15 =	vmul.f32 v14, v10  }
0x593: {  	v13 =	vmul.f32 v13, v12;
	v4 =	vsub.f32 $1.500000000e+00, v4  }
0x594: {  	s15 =	simm.s32 $0x200;
	v16 =	vmul.f32 v1, v1;
	v15 =	vmul.f32 v14, v15  }
0x595: {  	s31 =	simm.s32 $0x40;
	s9 =	sand.u32 $0x1C00, s15;
	v13 =	vsub.f32 $1.500000000e+00, v13;
	v9 =	vmul.f32 v4, v9  }
0x596: {  	s12 =	sadd.s32 s25, s12;
	s7 =	sand.u32 $0x70, s31;
	s9 =	sor.u32 s9, s11;
	v16 =	vsub.f32 $1.000000000e+00, v16;
	v17 =	vsub.f32 $1.500000000e+00, v15  }
0x597: {  	v4 =	vmov s12;
	s12 =	sor.u32 s7, s9;
	v13 =	vmul.f32 v13, v12;
	v15 =	vmul.f32 v9, v6  }
0x598: {  	s9 =	simm.s32 $0x50;
	v6 =	vld [tilespmem:s12+$0x6400];
	v9 =	vmax.f32 v16, $9.999999960e-13;
	v12 =	vmul.f32 v14, v17;
	v14 =	vmul.f32 $9.553365110e-01, v5  }
.LBB2_108:
0x599: {  	p1 =	sne.s32 s9, $0x3F0;
	v16 =	vshra.s32 v9, $0x1;
	v17 =	vmul.f32 v13, v11;
	v18 =	vld [tilespmem:s3+$0x0];
	v15 =	vmul.f32 $-2.955202160e-01, v15;
	v11 =	vmovc v10;
	s7 =	smov.u32 s2;
	s2 =	smov.u32 s30  }
0x59a: {  	v10 =	vmul.f32 $5.000000000e-01, v9;
	s30 =	smov.u32 s0;
	s0 =	smov.u32 s12;
	v16 =	vsub.s32 $0x5F3759DF, v16  }
0x59b: {  	v19 =	vmul.f32 v12, v11;
	v17 =	vmul.f32 v17, v13;
	v14 =	vadd.f32 v15, v14  }
0x59c: {  	v15 =	vmul.f32 v16, v10  }
0x59d: {  	v19 =	vmul.f32 v19, v12;
	v17 =	vsub.f32 $1.500000000e+00, v17;
	v14 =	vadd.f32 $-2.000000030e-01, v14  }
.Ltmp58:
0x59e: {  	s15 =	sadd.s32 $0x80, s15;
	v20 =	vmul.f32 v6, v6;
	v15 =	vmul.f32 v16, v15;
	vm0 =	veq.s32 v18, v4;
	(pc) =	sbr.rel @p1 .LBB2_108-.Ltmp58, $4  }
0x59f: {  	s12 =	sand.u32 $0x1C00, s15;
	v18 =	vsub.f32 $1.500000000e+00, v19;
	v17 =	vmul.f32 v17, v13;
	v13 =	vsel vm0, v14, v5;
	v5 =	vmovc v2;
	v2 =	vmovc v3  }
0x5a0: {  	s13 =	sand.u32 $0x70, s9;
	s12 =	sor.u32 s12, s11;
	v14 =	vsub.f32 $1.000000000e+00, v20;
	v19 =	vsub.f32 $1.500000000e+00, v15;
	v3 =	vmovc v1;
	v1 =	vmovc v6;
	v20 =	vmul.f32 $6.400000000e+01, v13  }
0x5a1: {  	s12 =	sor.u32 s13, s12;
	v13 =	vmul.f32 v18, v12;
	v15 =	vmul.f32 v17, v8;
	v8 =	vmovc v7;
	v7 =	vmov v9  }
0x5a2: {  	s9 =	sadd.s32 $0x10, s9;
	s3 =	sadd.s32 $0x10, s3;
	v9 =	vmax.f32 v14, $9.999999960e-13;
	v12 =	vmul.f32 v16, v19;
	v14 =	vmul.f32 $9.553365110e-01, v5;
	v6 =	vld [tilespmem:s12+$0x6400];
	[tilespmem:s16+$0x12400] =	vst v20;
	s16 =	smov.u32 s7  }
0x5a3: {  	v16 =	vshra.s32 v9, $0x1;
	v11 =	vmul.f32 v13, v11;
	v17 =	vld [tilespmem:s3+$0x0];
	v15 =	vmul.f32 $-2.955202160e-01, v15  }
0x5a4: {  	v18 =	vmul.f32 $5.000000000e-01, v9;
	v16 =	vsub.s32 $0x5F3759DF, v16  }
0x5a5: {  	v19 =	vmul.f32 v12, v10;
	v11 =	vmul.f32 v11, v13;
	v14 =	vadd.f32 v15, v14  }
0x5a6: {  	v41 =	vmul.f32 v16, v18  }
0x5a7: {  	v19 =	vmul.f32 v19, v12;
	v11 =	vsub.f32 $1.500000000e+00, v11;
	v14 =	vadd.f32 $-2.000000030e-01, v14  }
0x5a8: {  	v20 =	vmul.f32 v6, v6;
	v15 =	vmul.f32 v16, v41;
	vm0 =	veq.s32 v17, v4  }
0x5a9: {  	v42 =	vsub.f32 $1.500000000e+00, v19;
	v11 =	vmul.f32 v11, v13;
	v5 =	vsel vm0, v14, v5  }
0x5aa: {  	v43 =	vsub.f32 $1.000000000e+00, v20;
	v44 =	vsub.f32 $1.500000000e+00, v15;
	v5 =	vmul.f32 $6.400000000e+01, v5  }
0x5ab: {  	v45 =	vmul.f32 v42, v12;
	v8 =	vmul.f32 v11, v8  }
0x5ac: {  	v48 =	vmul.f32 $9.553365110e-01, v2;
	s15 =	sadd.s32 $0x10, s3;
	v46 =	vmax.f32 v43, $9.999999960e-13;
	v47 =	vmul.f32 v16, v44;
	[tilespmem:s16+$0x12400] =	vst v5  }
0x5ad: {  	v49 =	vshra.s32 v46, $0x1;
	v50 =	vmul.f32 v45, v10;
	v51 =	vld [tilespmem:s15+$0x0];
	v8 =	vmul.f32 $-2.955202160e-01, v8  }
0x5ae: {  	v52 =	vmul.f32 $5.000000000e-01, v46;
	v5 =	vsub.s32 $0x5F3759DF, v49  }
0x5af: {  	v53 =	vmul.f32 v47, v18;
	v10 =	vmul.f32 v50, v45;
	v8 =	vadd.f32 v8, v48  }
0x5b0: {  	v54 =	vmul.f32 v5, v52  }
0x5b1: {  	v17 =	vmul.f32 v53, v47;
	v10 =	vsub.f32 $1.500000000e+00, v10;
	v8 =	vadd.f32 $-2.000000030e-01, v8  }
0x5b2: {  	v14 =	vmul.f32 v5, v54;
	vm12 =	veq.s32 v51, v4  }
0x5b3: {  	v55 =	vsub.f32 $1.500000000e+00, v17;
	v10 =	vmul.f32 v10, v45;
	v2 =	vsel vm12, v8, v2  }
0x5b4: {  	v56 =	vsub.f32 $1.500000000e+00, v14;
	v2 =	vmul.f32 $6.400000000e+01, v2  }
0x5b5: {  	v57 =	vmul.f32 v55, v47;
	v7 =	vmul.f32 v10, v7  }
0x5b6: {  	v58 =	vmul.f32 $9.553365110e-01, v3;
	s16 =	sadd.s32 $0x10, s15;
	v5 =	vmul.f32 v5, v56;
	[tilespmem:s2+$0x12400] =	vst v2  }
0x5b7: {  	v2 =	vmul.f32 v57, v18;
	v7 =	vmul.f32 $-2.955202160e-01, v7;
	v59 =	vld [tilespmem:s16+$0x0];
	_ =	sdelay $0x1  }
0x5b8: {  	v60 =	vmul.f32 v5, v52;
	v2 =	vmul.f32 v2, v57;
	v7 =	vadd.f32 v7, v58;
	_ =	sdelay $0x1  }
0x5b9: {  	v61 =	vmul.f32 v60, v5;
	v2 =	vsub.f32 $1.500000000e+00, v2;
	v7 =	vadd.f32 $-2.000000030e-01, v7  }
0x5ba: {  	vm13 =	veq.s32 v59, v4  }
0x5bb: {  	v8 =	vsub.f32 $1.500000000e+00, v61;
	v2 =	vmul.f32 v2, v57;
	v3 =	vsel vm13, v7, v3  }
0x5bc: {  	v3 =	vmul.f32 $6.400000000e+01, v3  }
0x5bd: {  	v5 =	vmul.f32 v8, v5;
	v2 =	vmul.f32 v2, v9  }
0x5be: {  	v62 =	vmul.f32 $9.553365110e-01, v1;
	s2 =	sadd.s32 $0x10, s16;
	[tilespmem:s30+$0x12400] =	vst v3  }
0x5bf: {  	v3 =	vmul.f32 v5, v52;
	v2 =	vmul.f32 $-2.955202160e-01, v2;
	v63 =	vld [tilespmem:s2+$0x0];
	_ =	sdelay $0x1  }
0x5c0: {  	v3 =	vmul.f32 v3, v5;
	v2 =	vadd.f32 v2, v62;
	_ =	sdelay $0x1  }
0x5c1: {  	v3 =	vsub.f32 $1.500000000e+00, v3;
	v2 =	vadd.f32 $-2.000000030e-01, v2  }
0x5c2: {  	vm14 =	veq.s32 v63, v4  }
0x5c3: {  	v3 =	vmul.f32 v3, v5;
	v1 =	vsel vm14, v2, v1  }
0x5c4: {  	v1 =	vmul.f32 $6.400000000e+01, v1  }
0x5c5: {  	v2 =	vmul.f32 v3, v46  }
0x5c6: {  	s30 =	sadd.s32 $0x10, s2;
	[tilespmem:s0+$0x12400] =	vst v1  }
0x5c7: {  	v1 =	vmul.f32 $9.553365110e-01, v6;
	v2 =	vmul.f32 $-2.955202160e-01, v2;
	v3 =	vld [tilespmem:s30+$0x0];
	_ =	sdelay $0x1  }
0x5c8: {  	v1 =	vadd.f32 v2, v1;
	_ =	sdelay $0x1  }
0x5c9: {  	p1 =	sne.s32 s29, s28;
	v1 =	vadd.f32 $-2.000000030e-01, v1  }
.Ltmp59:
0x5ca: {  	vm15 =	veq.s32 v3, v4;
	(pc) =	sbr.rel @p1 .LBB2_107-.Ltmp59, $4  }
.Ltmp60:
0x5cb: {  	v1 =	vsel vm15, v1, v6;
	(pc) =	sbr.rel @!p1 .LBB2_110-.Ltmp60, $4  }
0x5cc: {  	v1 =	vmul.f32 $6.400000000e+01, v1  }
0x5cd: {  	s31 =	sadd.s32 $0x1, s29  }
0x5ce: {  	s29 =	smov.u32 s31;
	[tilespmem:s12+$0x12400] =	vst v1  }
0x5cf: {  	_ = 	snop  }
.LBB2_111:
0x5d0: {  	_ =	swait.ge [sflag:s21], $0x6000  }
.Ltmp61:
0x5d1: {  	[sflag:s21] =	ssyncset.done $0x0;
	(pc) =	sbr.rel @p0 .LBB2_135-.Ltmp61, $4  }
0x5d2: {  	[sflag:s21] =	ssyncadd.s32 $0xFFFFA000  }
0x5d3: {  	_ =	swait.ge [sflag:s22], $0x6000  }
0x5d4: {  	[sflag:s22] =	ssyncset.done $0x0  }
0x5d5: {  	[sflag:s22] =	ssyncadd.s32 $0xFFFFA000  }
0x5d6: {  	s0 =	rddreg [dreg:$0x6];
	s2 =	simm.s32 $0x400  }
0x5d7: {  	[tilespmem:s2], [sflag:$0x5] =	stream.linear.gather [hbm4b:s0+s5], $0x2000, $0x38;
	[tilespmem:$0x18400] =	vst v63  }
0x5d8: {  	_ =	swait.ge [sflag:s14], $0x2000  }
0x5d9: {  	[sflag:s14] =	ssyncset.done $0x0  }
0x5da: {  	s31 =	simm.s32 $0x440;
	[sflag:s14] =	ssyncadd.s32 $0xFFFFE000  }
0x5db: {  	v3 =	vld [tilespmem:s31+$0x30]  }
0x5dc: {  	v5 =	vld [tilespmem:s31+$0xFFFFFFD0]  }
0x5dd: {  	v7 =	vld [tilespmem:s31+$0xFFFFFFE0]  }
0x5de: {  	v4 =	vld [tilespmem:s31+$0xFFFFFFF0]  }
0x5df: {  	v2 =	vld [tilespmem:s31+$0x0]  }
0x5e0: {  	v1 =	vld [tilespmem:s31+$0x10];
	v8 =	vmul.f32 $6.400000000e+01, v3  }
0x5e1: {  	s2 =	simm.s32 $0xC440;
	v3 =	vld [tilespmem:s31+$0x20];
	v6 =	vmul.f32 $6.400000000e+01, v5  }
0x5e2: {  	s3 =	simm.s32 $0x0;
	s9 =	simm.s32 $0x840;
	v5 =	vld [tilespmem:s31+$0xFFFFFFC0];
	v7 =	vmul.f32 $6.400000000e+01, v7;
	[tilespmem:s2+$0x30] =	vst v8  }
.LBB2_113:
0x5e3: {  	v8 =	vld [tilespmem:s9+$0x30];
	s3 =	sadd.s32 $0x8, s3;
	[tilespmem:s2+$0xFFFFFFD0] =	vst v6;
	v4 =	vmul.f32 $6.400000000e+01, v4  }
0x5e4: {  	v6 =	vld [tilespmem:s9+$0xFFFFFFD0];
	p1 =	slt.u32 s3, $0x38;
	[tilespmem:s2+$0xFFFFFFE0] =	vst v7;
	v2 =	vmul.f32 $6.400000000e+01, v2  }
0x5e5: {  	v7 =	vld [tilespmem:s9+$0xFFFFFFE0];
	[tilespmem:s2+$0xFFFFFFF0] =	vst v4;
	v1 =	vmul.f32 $6.400000000e+01, v1  }
.Ltmp62:
0x5e6: {  	v4 =	vld [tilespmem:s9+$0xFFFFFFF0];
	[tilespmem:s2+$0x0] =	vst v2;
	v3 =	vmul.f32 $6.400000000e+01, v3;
	(pc) =	sbr.rel @p1 .LBB2_113-.Ltmp62, $4  }
0x5e7: {  	v2 =	vld [tilespmem:s9+$0x0];
	v5 =	vmul.f32 $6.400000000e+01, v5;
	[tilespmem:s2+$0x10] =	vst v1  }
0x5e8: {  	v1 =	vld [tilespmem:s9+$0x10];
	v8 =	vmul.f32 $6.400000000e+01, v8;
	[tilespmem:s2+$0x20] =	vst v3  }
0x5e9: {  	v6 =	vmul.f32 $6.400000000e+01, v6;
	v3 =	vld [tilespmem:s9+$0x20];
	[tilespmem:s2+$0xFFFFFFC0] =	vst v5;
	s2 =	sadd.s32 $0x400, s2  }
0x5ea: {  	s0 =	simm.s32 $0xC4F0;
	s11 =	simm.s32 $0x4F0;
	v5 =	vld [tilespmem:s9+$0xFFFFFFC0];
	v7 =	vmul.f32 $6.400000000e+01, v7;
	[tilespmem:s2+$0x30] =	vst v8;
	s9 =	sadd.s32 $0x400, s9  }
0x5eb: {  	[tilespmem:s2+$0xFFFFFFD0] =	vst v6;
	v4 =	vmul.f32 $6.400000000e+01, v4  }
0x5ec: {  	[tilespmem:s2+$0xFFFFFFE0] =	vst v7;
	v2 =	vmul.f32 $6.400000000e+01, v2  }
0x5ed: {  	[tilespmem:s2+$0xFFFFFFF0] =	vst v4;
	v1 =	vmul.f32 $6.400000000e+01, v1  }
0x5ee: {  	[tilespmem:s2+$0x0] =	vst v2;
	v2 =	vmul.f32 $6.400000000e+01, v3  }
0x5ef: {  	v3 =	vmul.f32 $6.400000000e+01, v5;
	[tilespmem:s2+$0x10] =	vst v1  }
0x5f0: {  	[tilespmem:s2+$0x20] =	vst v2  }
0x5f1: {  	[tilespmem:s2+$0xFFFFFFC0] =	vst v3  }
0x5f2: {  	v3 =	vld [tilespmem:s11+$0x0]  }
0x5f3: {  	v5 =	vld [tilespmem:s11+$0xFFFFFFA0]  }
0x5f4: {  	v7 =	vld [tilespmem:s11+$0xFFFFFFB0]  }
0x5f5: {  	v4 =	vld [tilespmem:s11+$0xFFFFFFC0]  }
0x5f6: {  	v2 =	vld [tilespmem:s11+$0xFFFFFFD0]  }
0x5f7: {  	v1 =	vld [tilespmem:s11+$0xFFFFFFE0];
	v8 =	vmul.f32 $6.400000000e+01, v3  }
0x5f8: {  	v3 =	vld [tilespmem:s11+$0xFFFFFFF0];
	v6 =	vmul.f32 $6.400000000e+01, v5  }
0x5f9: {  	s3 =	simm.s32 $0x0;
	s9 =	simm.s32 $0x8F0;
	v5 =	vld [tilespmem:s11+$0xFFFFFF90];
	v7 =	vmul.f32 $6.400000000e+01, v7;
	[tilespmem:s0+$0x0] =	vst v8  }
.LBB2_115:
0x5fa: {  	v8 =	vld [tilespmem:s9+$0x0];
	s3 =	sadd.s32 $0x8, s3;
	[tilespmem:s0+$0xFFFFFFA0] =	vst v6;
	v4 =	vmul.f32 $6.400000000e+01, v4  }
0x5fb: {  	v6 =	vld [tilespmem:s9+$0xFFFFFFA0];
	p1 =	slt.u32 s3, $0x38;
	[tilespmem:s0+$0xFFFFFFB0] =	vst v7;
	v2 =	vmul.f32 $6.400000000e+01, v2  }
0x5fc: {  	v7 =	vld [tilespmem:s9+$0xFFFFFFB0];
	[tilespmem:s0+$0xFFFFFFC0] =	vst v4;
	v1 =	vmul.f32 $6.400000000e+01, v1  }
.Ltmp63:
0x5fd: {  	v4 =	vld [tilespmem:s9+$0xFFFFFFC0];
	[tilespmem:s0+$0xFFFFFFD0] =	vst v2;
	v3 =	vmul.f32 $6.400000000e+01, v3;
	(pc) =	sbr.rel @p1 .LBB2_115-.Ltmp63, $4  }
0x5fe: {  	v2 =	vld [tilespmem:s9+$0xFFFFFFD0];
	v5 =	vmul.f32 $6.400000000e+01, v5;
	[tilespmem:s0+$0xFFFFFFE0] =	vst v1  }
0x5ff: {  	v1 =	vld [tilespmem:s9+$0xFFFFFFE0];
	v8 =	vmul.f32 $6.400000000e+01, v8;
	[tilespmem:s0+$0xFFFFFFF0] =	vst v3  }
0x600: {  	s11 =	simm.s32 $0x570;
	v6 =	vmul.f32 $6.400000000e+01, v6;
	v3 =	vld [tilespmem:s9+$0xFFFFFFF0];
	[tilespmem:s0+$0xFFFFFF90] =	vst v5;
	s0 =	sadd.s32 $0x400, s0  }
0x601: {  	s2 =	simm.s32 $0xC570;
	v5 =	vld [tilespmem:s9+$0xFFFFFF90];
	v7 =	vmul.f32 $6.400000000e+01, v7;
	[tilespmem:s0+$0x0] =	vst v8;
	s9 =	sadd.s32 $0x400, s9  }
0x602: {  	[tilespmem:s0+$0xFFFFFFA0] =	vst v6;
	v4 =	vmul.f32 $6.400000000e+01, v4  }
0x603: {  	[tilespmem:s0+$0xFFFFFFB0] =	vst v7;
	v2 =	vmul.f32 $6.400000000e+01, v2  }
0x604: {  	[tilespmem:s0+$0xFFFFFFC0] =	vst v4;
	v1 =	vmul.f32 $6.400000000e+01, v1  }
0x605: {  	[tilespmem:s0+$0xFFFFFFD0] =	vst v2;
	v2 =	vmul.f32 $6.400000000e+01, v3  }
0x606: {  	v3 =	vmul.f32 $6.400000000e+01, v5;
	[tilespmem:s0+$0xFFFFFFE0] =	vst v1  }
0x607: {  	[tilespmem:s0+$0xFFFFFFF0] =	vst v2  }
0x608: {  	[tilespmem:s0+$0xFFFFFF90] =	vst v3  }
0x609: {  	v3 =	vld [tilespmem:s11+$0x0]  }
0x60a: {  	v5 =	vld [tilespmem:s11+$0xFFFFFFA0]  }
0x60b: {  	v7 =	vld [tilespmem:s11+$0xFFFFFFB0]  }
0x60c: {  	v4 =	vld [tilespmem:s11+$0xFFFFFFC0]  }
0x60d: {  	v2 =	vld [tilespmem:s11+$0xFFFFFFD0]  }
0x60e: {  	v1 =	vld [tilespmem:s11+$0xFFFFFFE0];
	v8 =	vmul.f32 $6.400000000e+01, v3  }
0x60f: {  	v3 =	vld [tilespmem:s11+$0xFFFFFFF0];
	v6 =	vmul.f32 $6.400000000e+01, v5  }
0x610: {  	s3 =	simm.s32 $0x0;
	s9 =	simm.s32 $0x970;
	v5 =	vld [tilespmem:s11+$0xFFFFFF90];
	v7 =	vmul.f32 $6.400000000e+01, v7;
	[tilespmem:s2+$0x0] =	vst v8  }
.LBB2_117:
0x611: {  	v8 =	vld [tilespmem:s9+$0x0];
	s3 =	sadd.s32 $0x8, s3;
	[tilespmem:s2+$0xFFFFFFA0] =	vst v6;
	v4 =	vmul.f32 $6.400000000e+01, v4  }
0x612: {  	v6 =	vld [tilespmem:s9+$0xFFFFFFA0];
	p1 =	slt.u32 s3, $0x38;
	[tilespmem:s2+$0xFFFFFFB0] =	vst v7;
	v2 =	vmul.f32 $6.400000000e+01, v2  }
0x613: {  	v7 =	vld [tilespmem:s9+$0xFFFFFFB0];
	[tilespmem:s2+$0xFFFFFFC0] =	vst v4;
	v1 =	vmul.f32 $6.400000000e+01, v1  }
.Ltmp64:
0x614: {  	v4 =	vld [tilespmem:s9+$0xFFFFFFC0];
	[tilespmem:s2+$0xFFFFFFD0] =	vst v2;
	v3 =	vmul.f32 $6.400000000e+01, v3;
	(pc) =	sbr.rel @p1 .LBB2_117-.Ltmp64, $4  }
0x615: {  	v2 =	vld [tilespmem:s9+$0xFFFFFFD0];
	v5 =	vmul.f32 $6.400000000e+01, v5;
	[tilespmem:s2+$0xFFFFFFE0] =	vst v1  }
0x616: {  	v1 =	vld [tilespmem:s9+$0xFFFFFFE0];
	v8 =	vmul.f32 $6.400000000e+01, v8;
	[tilespmem:s2+$0xFFFFFFF0] =	vst v3  }
0x617: {  	v6 =	vmul.f32 $6.400000000e+01, v6;
	v3 =	vld [tilespmem:s9+$0xFFFFFFF0];
	[tilespmem:s2+$0xFFFFFF90] =	vst v5;
	s2 =	sadd.s32 $0x400, s2  }
0x618: {  	s0 =	simm.s32 $0xC5F0;
	s11 =	simm.s32 $0x5F0;
	v5 =	vld [tilespmem:s9+$0xFFFFFF90];
	v7 =	vmul.f32 $6.400000000e+01, v7;
	[tilespmem:s2+$0x0] =	vst v8;
	s9 =	sadd.s32 $0x400, s9  }
0x619: {  	[tilespmem:s2+$0xFFFFFFA0] =	vst v6;
	v4 =	vmul.f32 $6.400000000e+01, v4  }
0x61a: {  	[tilespmem:s2+$0xFFFFFFB0] =	vst v7;
	v2 =	vmul.f32 $6.400000000e+01, v2  }
0x61b: {  	[tilespmem:s2+$0xFFFFFFC0] =	vst v4;
	v1 =	vmul.f32 $6.400000000e+01, v1  }
0x61c: {  	[tilespmem:s2+$0xFFFFFFD0] =	vst v2;
	v2 =	vmul.f32 $6.400000000e+01, v3  }
0x61d: {  	v3 =	vmul.f32 $6.400000000e+01, v5;
	[tilespmem:s2+$0xFFFFFFE0] =	vst v1  }
0x61e: {  	[tilespmem:s2+$0xFFFFFFF0] =	vst v2  }
0x61f: {  	[tilespmem:s2+$0xFFFFFF90] =	vst v3  }
0x620: {  	v3 =	vld [tilespmem:s11+$0x0]  }
0x621: {  	v5 =	vld [tilespmem:s11+$0xFFFFFFA0]  }
0x622: {  	v7 =	vld [tilespmem:s11+$0xFFFFFFB0]  }
0x623: {  	v4 =	vld [tilespmem:s11+$0xFFFFFFC0]  }
0x624: {  	v2 =	vld [tilespmem:s11+$0xFFFFFFD0]  }
0x625: {  	v1 =	vld [tilespmem:s11+$0xFFFFFFE0];
	v8 =	vmul.f32 $6.400000000e+01, v3  }
0x626: {  	v3 =	vld [tilespmem:s11+$0xFFFFFFF0];
	v6 =	vmul.f32 $6.400000000e+01, v5  }
0x627: {  	s3 =	simm.s32 $0x0;
	s9 =	simm.s32 $0x9F0;
	v5 =	vld [tilespmem:s11+$0xFFFFFF90];
	v7 =	vmul.f32 $6.400000000e+01, v7;
	[tilespmem:s0+$0x0] =	vst v8  }
.LBB2_119:
0x628: {  	v8 =	vld [tilespmem:s9+$0x0];
	s3 =	sadd.s32 $0x8, s3;
	[tilespmem:s0+$0xFFFFFFA0] =	vst v6;
	v4 =	vmul.f32 $6.400000000e+01, v4  }
0x629: {  	v6 =	vld [tilespmem:s9+$0xFFFFFFA0];
	p1 =	slt.u32 s3, $0x38;
	[tilespmem:s0+$0xFFFFFFB0] =	vst v7;
	v2 =	vmul.f32 $6.400000000e+01, v2  }
0x62a: {  	v7 =	vld [tilespmem:s9+$0xFFFFFFB0];
	[tilespmem:s0+$0xFFFFFFC0] =	vst v4;
	v1 =	vmul.f32 $6.400000000e+01, v1  }
.Ltmp65:
0x62b: {  	v4 =	vld [tilespmem:s9+$0xFFFFFFC0];
	[tilespmem:s0+$0xFFFFFFD0] =	vst v2;
	v3 =	vmul.f32 $6.400000000e+01, v3;
	(pc) =	sbr.rel @p1 .LBB2_119-.Ltmp65, $4  }
0x62c: {  	v2 =	vld [tilespmem:s9+$0xFFFFFFD0];
	v5 =	vmul.f32 $6.400000000e+01, v5;
	[tilespmem:s0+$0xFFFFFFE0] =	vst v1  }
0x62d: {  	v1 =	vld [tilespmem:s9+$0xFFFFFFE0];
	v8 =	vmul.f32 $6.400000000e+01, v8;
	[tilespmem:s0+$0xFFFFFFF0] =	vst v3  }
0x62e: {  	s11 =	simm.s32 $0x670;
	v6 =	vmul.f32 $6.400000000e+01, v6;
	v3 =	vld [tilespmem:s9+$0xFFFFFFF0];
	[tilespmem:s0+$0xFFFFFF90] =	vst v5;
	s0 =	sadd.s32 $0x400, s0  }
0x62f: {  	s2 =	simm.s32 $0xC670;
	v5 =	vld [tilespmem:s9+$0xFFFFFF90];
	v7 =	vmul.f32 $6.400000000e+01, v7;
	[tilespmem:s0+$0x0] =	vst v8;
	s9 =	sadd.s32 $0x400, s9  }
0x630: {  	[tilespmem:s0+$0xFFFFFFA0] =	vst v6;
	v4 =	vmul.f32 $6.400000000e+01, v4  }
0x631: {  	[tilespmem:s0+$0xFFFFFFB0] =	vst v7;
	v2 =	vmul.f32 $6.400000000e+01, v2  }
0x632: {  	[tilespmem:s0+$0xFFFFFFC0] =	vst v4;
	v1 =	vmul.f32 $6.400000000e+01, v1  }
0x633: {  	[tilespmem:s0+$0xFFFFFFD0] =	vst v2;
	v2 =	vmul.f32 $6.400000000e+01, v3  }
0x634: {  	v3 =	vmul.f32 $6.400000000e+01, v5;
	[tilespmem:s0+$0xFFFFFFE0] =	vst v1  }
0x635: {  	[tilespmem:s0+$0xFFFFFFF0] =	vst v2  }
0x636: {  	[tilespmem:s0+$0xFFFFFF90] =	vst v3  }
0x637: {  	v3 =	vld [tilespmem:s11+$0x0]  }
0x638: {  	v5 =	vld [tilespmem:s11+$0xFFFFFFA0]  }
0x639: {  	v7 =	vld [tilespmem:s11+$0xFFFFFFB0]  }
0x63a: {  	v4 =	vld [tilespmem:s11+$0xFFFFFFC0]  }
0x63b: {  	v2 =	vld [tilespmem:s11+$0xFFFFFFD0]  }
0x63c: {  	v1 =	vld [tilespmem:s11+$0xFFFFFFE0];
	v8 =	vmul.f32 $6.400000000e+01, v3  }
0x63d: {  	v3 =	vld [tilespmem:s11+$0xFFFFFFF0];
	v6 =	vmul.f32 $6.400000000e+01, v5  }
0x63e: {  	s3 =	simm.s32 $0x0;
	s9 =	simm.s32 $0xA70;
	v5 =	vld [tilespmem:s11+$0xFFFFFF90];
	v7 =	vmul.f32 $6.400000000e+01, v7;
	[tilespmem:s2+$0x0] =	vst v8  }
.LBB2_121:
0x63f: {  	v8 =	vld [tilespmem:s9+$0x0];
	s3 =	sadd.s32 $0x8, s3;
	[tilespmem:s2+$0xFFFFFFA0] =	vst v6;
	v4 =	vmul.f32 $6.400000000e+01, v4  }
0x640: {  	v6 =	vld [tilespmem:s9+$0xFFFFFFA0];
	p1 =	slt.u32 s3, $0x38;
	[tilespmem:s2+$0xFFFFFFB0] =	vst v7;
	v2 =	vmul.f32 $6.400000000e+01, v2  }
0x641: {  	v7 =	vld [tilespmem:s9+$0xFFFFFFB0];
	[tilespmem:s2+$0xFFFFFFC0] =	vst v4;
	v1 =	vmul.f32 $6.400000000e+01, v1  }
.Ltmp66:
0x642: {  	v4 =	vld [tilespmem:s9+$0xFFFFFFC0];
	[tilespmem:s2+$0xFFFFFFD0] =	vst v2;
	v3 =	vmul.f32 $6.400000000e+01, v3;
	(pc) =	sbr.rel @p1 .LBB2_121-.Ltmp66, $4  }
0x643: {  	v2 =	vld [tilespmem:s9+$0xFFFFFFD0];
	v5 =	vmul.f32 $6.400000000e+01, v5;
	[tilespmem:s2+$0xFFFFFFE0] =	vst v1  }
0x644: {  	v1 =	vld [tilespmem:s9+$0xFFFFFFE0];
	v8 =	vmul.f32 $6.400000000e+01, v8;
	[tilespmem:s2+$0xFFFFFFF0] =	vst v3  }
0x645: {  	v6 =	vmul.f32 $6.400000000e+01, v6;
	v3 =	vld [tilespmem:s9+$0xFFFFFFF0];
	[tilespmem:s2+$0xFFFFFF90] =	vst v5;
	s2 =	sadd.s32 $0x400, s2  }
0x646: {  	s0 =	simm.s32 $0xC6F0;
	s11 =	simm.s32 $0x6F0;
	v5 =	vld [tilespmem:s9+$0xFFFFFF90];
	v7 =	vmul.f32 $6.400000000e+01, v7;
	[tilespmem:s2+$0x0] =	vst v8;
	s9 =	sadd.s32 $0x400, s9  }
0x647: {  	[tilespmem:s2+$0xFFFFFFA0] =	vst v6;
	v4 =	vmul.f32 $6.400000000e+01, v4  }
0x648: {  	[tilespmem:s2+$0xFFFFFFB0] =	vst v7;
	v2 =	vmul.f32 $6.400000000e+01, v2  }
0x649: {  	[tilespmem:s2+$0xFFFFFFC0] =	vst v4;
	v1 =	vmul.f32 $6.400000000e+01, v1  }
0x64a: {  	[tilespmem:s2+$0xFFFFFFD0] =	vst v2;
	v2 =	vmul.f32 $6.400000000e+01, v3  }
0x64b: {  	v3 =	vmul.f32 $6.400000000e+01, v5;
	[tilespmem:s2+$0xFFFFFFE0] =	vst v1  }
0x64c: {  	[tilespmem:s2+$0xFFFFFFF0] =	vst v2  }
0x64d: {  	[tilespmem:s2+$0xFFFFFF90] =	vst v3  }
0x64e: {  	v3 =	vld [tilespmem:s11+$0x0]  }
0x64f: {  	v5 =	vld [tilespmem:s11+$0xFFFFFFA0]  }
0x650: {  	v7 =	vld [tilespmem:s11+$0xFFFFFFB0]  }
0x651: {  	v4 =	vld [tilespmem:s11+$0xFFFFFFC0]  }
0x652: {  	v2 =	vld [tilespmem:s11+$0xFFFFFFD0]  }
0x653: {  	v1 =	vld [tilespmem:s11+$0xFFFFFFE0];
	v8 =	vmul.f32 $6.400000000e+01, v3  }
0x654: {  	v3 =	vld [tilespmem:s11+$0xFFFFFFF0];
	v6 =	vmul.f32 $6.400000000e+01, v5  }
0x655: {  	s3 =	simm.s32 $0x0;
	s9 =	simm.s32 $0xAF0;
	v5 =	vld [tilespmem:s11+$0xFFFFFF90];
	v7 =	vmul.f32 $6.400000000e+01, v7;
	[tilespmem:s0+$0x0] =	vst v8  }
.LBB2_123:
0x656: {  	v8 =	vld [tilespmem:s9+$0x0];
	s3 =	sadd.s32 $0x8, s3;
	[tilespmem:s0+$0xFFFFFFA0] =	vst v6;
	v4 =	vmul.f32 $6.400000000e+01, v4  }
0x657: {  	v6 =	vld [tilespmem:s9+$0xFFFFFFA0];
	p1 =	slt.u32 s3, $0x38;
	[tilespmem:s0+$0xFFFFFFB0] =	vst v7;
	v2 =	vmul.f32 $6.400000000e+01, v2  }
0x658: {  	v7 =	vld [tilespmem:s9+$0xFFFFFFB0];
	[tilespmem:s0+$0xFFFFFFC0] =	vst v4;
	v1 =	vmul.f32 $6.400000000e+01, v1  }
.Ltmp67:
0x659: {  	v4 =	vld [tilespmem:s9+$0xFFFFFFC0];
	[tilespmem:s0+$0xFFFFFFD0] =	vst v2;
	v3 =	vmul.f32 $6.400000000e+01, v3;
	(pc) =	sbr.rel @p1 .LBB2_123-.Ltmp67, $4  }
0x65a: {  	v2 =	vld [tilespmem:s9+$0xFFFFFFD0];
	v5 =	vmul.f32 $6.400000000e+01, v5;
	[tilespmem:s0+$0xFFFFFFE0] =	vst v1  }
0x65b: {  	v1 =	vld [tilespmem:s9+$0xFFFFFFE0];
	v8 =	vmul.f32 $6.400000000e+01, v8;
	[tilespmem:s0+$0xFFFFFFF0] =	vst v3  }
0x65c: {  	s11 =	simm.s32 $0x770;
	v6 =	vmul.f32 $6.400000000e+01, v6;
	v3 =	vld [tilespmem:s9+$0xFFFFFFF0];
	[tilespmem:s0+$0xFFFFFF90] =	vst v5;
	s0 =	sadd.s32 $0x400, s0  }
0x65d: {  	s2 =	simm.s32 $0xC770;
	v5 =	vld [tilespmem:s9+$0xFFFFFF90];
	v7 =	vmul.f32 $6.400000000e+01, v7;
	[tilespmem:s0+$0x0] =	vst v8;
	s9 =	sadd.s32 $0x400, s9  }
0x65e: {  	[tilespmem:s0+$0xFFFFFFA0] =	vst v6;
	v4 =	vmul.f32 $6.400000000e+01, v4  }
0x65f: {  	[tilespmem:s0+$0xFFFFFFB0] =	vst v7;
	v2 =	vmul.f32 $6.400000000e+01, v2  }
0x660: {  	[tilespmem:s0+$0xFFFFFFC0] =	vst v4;
	v1 =	vmul.f32 $6.400000000e+01, v1  }
0x661: {  	[tilespmem:s0+$0xFFFFFFD0] =	vst v2;
	v2 =	vmul.f32 $6.400000000e+01, v3  }
0x662: {  	v3 =	vmul.f32 $6.400000000e+01, v5;
	[tilespmem:s0+$0xFFFFFFE0] =	vst v1  }
0x663: {  	[tilespmem:s0+$0xFFFFFFF0] =	vst v2  }
0x664: {  	[tilespmem:s0+$0xFFFFFF90] =	vst v3  }
0x665: {  	v3 =	vld [tilespmem:s11+$0x0]  }
0x666: {  	v5 =	vld [tilespmem:s11+$0xFFFFFFA0]  }
0x667: {  	v7 =	vld [tilespmem:s11+$0xFFFFFFB0]  }
0x668: {  	v4 =	vld [tilespmem:s11+$0xFFFFFFC0]  }
0x669: {  	v2 =	vld [tilespmem:s11+$0xFFFFFFD0]  }
0x66a: {  	v1 =	vld [tilespmem:s11+$0xFFFFFFE0];
	v8 =	vmul.f32 $6.400000000e+01, v3  }
0x66b: {  	v3 =	vld [tilespmem:s11+$0xFFFFFFF0];
	v6 =	vmul.f32 $6.400000000e+01, v5  }
0x66c: {  	s3 =	simm.s32 $0x0;
	s9 =	simm.s32 $0xB70;
	v5 =	vld [tilespmem:s11+$0xFFFFFF90];
	v7 =	vmul.f32 $6.400000000e+01, v7;
	[tilespmem:s2+$0x0] =	vst v8  }
.LBB2_125:
0x66d: {  	v8 =	vld [tilespmem:s9+$0x0];
	s3 =	sadd.s32 $0x8, s3;
	[tilespmem:s2+$0xFFFFFFA0] =	vst v6;
	v4 =	vmul.f32 $6.400000000e+01, v4  }
0x66e: {  	v6 =	vld [tilespmem:s9+$0xFFFFFFA0];
	p1 =	slt.u32 s3, $0x38;
	[tilespmem:s2+$0xFFFFFFB0] =	vst v7;
	v2 =	vmul.f32 $6.400000000e+01, v2  }
0x66f: {  	v7 =	vld [tilespmem:s9+$0xFFFFFFB0];
	[tilespmem:s2+$0xFFFFFFC0] =	vst v4;
	v1 =	vmul.f32 $6.400000000e+01, v1  }
.Ltmp68:
0x670: {  	v4 =	vld [tilespmem:s9+$0xFFFFFFC0];
	[tilespmem:s2+$0xFFFFFFD0] =	vst v2;
	v3 =	vmul.f32 $6.400000000e+01, v3;
	(pc) =	sbr.rel @p1 .LBB2_125-.Ltmp68, $4  }
0x671: {  	v2 =	vld [tilespmem:s9+$0xFFFFFFD0];
	v5 =	vmul.f32 $6.400000000e+01, v5;
	[tilespmem:s2+$0xFFFFFFE0] =	vst v1  }
0x672: {  	v1 =	vld [tilespmem:s9+$0xFFFFFFE0];
	v8 =	vmul.f32 $6.400000000e+01, v8;
	[tilespmem:s2+$0xFFFFFFF0] =	vst v3  }
0x673: {  	v6 =	vmul.f32 $6.400000000e+01, v6;
	v3 =	vld [tilespmem:s9+$0xFFFFFFF0];
	[tilespmem:s2+$0xFFFFFF90] =	vst v5;
	s2 =	sadd.s32 $0x400, s2  }
0x674: {  	s0 =	simm.s32 $0xC7F0;
	s11 =	simm.s32 $0x7F0;
	v5 =	vld [tilespmem:s9+$0xFFFFFF90];
	v7 =	vmul.f32 $6.400000000e+01, v7;
	[tilespmem:s2+$0x0] =	vst v8;
	s9 =	sadd.s32 $0x400, s9  }
0x675: {  	[tilespmem:s2+$0xFFFFFFA0] =	vst v6;
	v4 =	vmul.f32 $6.400000000e+01, v4  }
0x676: {  	[tilespmem:s2+$0xFFFFFFB0] =	vst v7;
	v2 =	vmul.f32 $6.400000000e+01, v2  }
0x677: {  	[tilespmem:s2+$0xFFFFFFC0] =	vst v4;
	v1 =	vmul.f32 $6.400000000e+01, v1  }
0x678: {  	[tilespmem:s2+$0xFFFFFFD0] =	vst v2;
	v2 =	vmul.f32 $6.400000000e+01, v3  }
0x679: {  	v3 =	vmul.f32 $6.400000000e+01, v5;
	[tilespmem:s2+$0xFFFFFFE0] =	vst v1  }
0x67a: {  	[tilespmem:s2+$0xFFFFFFF0] =	vst v2  }
0x67b: {  	[tilespmem:s2+$0xFFFFFF90] =	vst v3  }
0x67c: {  	v1 =	vld [tilespmem:s11+$0x0]  }
0x67d: {  	v2 =	vld [tilespmem:s11+$0xFFFFFFA0]  }
0x67e: {  	v9 =	vld [tilespmem:s11+$0xFFFFFFB0]  }
0x67f: {  	v6 =	vld [tilespmem:s11+$0xFFFFFFC0]  }
0x680: {  	v4 =	vld [tilespmem:s11+$0xFFFFFFD0]  }
0x681: {  	v3 =	vld [tilespmem:s11+$0xFFFFFFE0];
	v1 =	vmul.f32 $6.400000000e+01, v1  }
0x682: {  	v5 =	vld [tilespmem:s11+$0xFFFFFFF0];
	v8 =	vmul.f32 $6.400000000e+01, v2  }
0x683: {  	s3 =	simm.s32 $0xBF0;
	s2 =	simm.s32 $0x0;
	v7 =	vld [tilespmem:s11+$0xFFFFFF90];
	v9 =	vmul.f32 $6.400000000e+01, v9;
	[tilespmem:s0+$0x0] =	vst v1  }
.LBB2_127:
0x684: {  	v1 =	vld [tilespmem:s3+$0x0];
	s2 =	sadd.s32 $0x8, s2;
	[tilespmem:s0+$0xFFFFFFA0] =	vst v8;
	v2 =	vmul.f32 $6.400000000e+01, v6  }
0x685: {  	v8 =	vld [tilespmem:s3+$0xFFFFFFA0];
	p1 =	slt.u32 s2, $0x38;
	[tilespmem:s0+$0xFFFFFFB0] =	vst v9;
	v4 =	vmul.f32 $6.400000000e+01, v4  }
0x686: {  	v9 =	vld [tilespmem:s3+$0xFFFFFFB0];
	[tilespmem:s0+$0xFFFFFFC0] =	vst v2;
	v2 =	vmul.f32 $6.400000000e+01, v3  }
.Ltmp69:
0x687: {  	v6 =	vld [tilespmem:s3+$0xFFFFFFC0];
	[tilespmem:s0+$0xFFFFFFD0] =	vst v4;
	v5 =	vmul.f32 $6.400000000e+01, v5;
	(pc) =	sbr.rel @p1 .LBB2_127-.Ltmp69, $4  }
0x688: {  	v4 =	vld [tilespmem:s3+$0xFFFFFFD0];
	v7 =	vmul.f32 $6.400000000e+01, v7;
	[tilespmem:s0+$0xFFFFFFE0] =	vst v2  }
0x689: {  	v3 =	vld [tilespmem:s3+$0xFFFFFFE0];
	v1 =	vmul.f32 $6.400000000e+01, v1;
	[tilespmem:s0+$0xFFFFFFF0] =	vst v5  }
0x68a: {  	v8 =	vmul.f32 $6.400000000e+01, v8;
	v5 =	vld [tilespmem:s3+$0xFFFFFFF0];
	[tilespmem:s0+$0xFFFFFF90] =	vst v7;
	s0 =	sadd.s32 $0x400, s0  }
0x68b: {  	v2 =	vimm.s32 $0xFFFFFFFF;
	v7 =	vld [tilespmem:s3+$0xFFFFFF90];
	v9 =	vmul.f32 $6.400000000e+01, v9;
	[tilespmem:s0+$0x0] =	vst v1;
	s3 =	sadd.s32 $0x400, s3;
	v1 =	vimm.s32 $0x2710  }
0x68c: {  	[tilespmem:s0+$0xFFFFFFA0] =	vst v8;
	v6 =	vmul.f32 $6.400000000e+01, v6  }
0x68d: {  	[tilespmem:s0+$0xFFFFFFB0] =	vst v9;
	v4 =	vmul.f32 $6.400000000e+01, v4  }
0x68e: {  	[tilespmem:s0+$0xFFFFFFC0] =	vst v6;
	v3 =	vmul.f32 $6.400000000e+01, v3  }
0x68f: {  	[tilespmem:s0+$0xFFFFFFD0] =	vst v4;
	v4 =	vmul.f32 $6.400000000e+01, v5  }
0x690: {  	v5 =	vmul.f32 $6.400000000e+01, v7;
	[tilespmem:s0+$0xFFFFFFE0] =	vst v3  }
0x691: {  	[tilespmem:s0+$0xFFFFFFF0] =	vst v4  }
0x692: {  	s2 =	simm.s32 $0x0;
	[tilespmem:s0+$0xFFFFFF90] =	vst v5  }
0x693: {  	v3 =	vld [tilespmem:s2+$0x0];
	_ =	sdelay $0x2  }
0x694: {  	s0 =	simm.s32 $0x40  }
.LBB2_129:
0x695: {  	p1 =	sne.s32 s0, $0xFC0  }
.Ltmp70:
0x696: {  	s2 =	sshra.s32 s0, $0x2;
	s0 =	sadd.s32 $0x40, s0;
	v4 =	vsub.s32 v3, v0;
	(pc) =	sbr.rel @p1 .LBB2_129-.Ltmp70, $4  }
0x697: {  	v3 =	vld [tilespmem:s2+$0x0];
	vm0 =	vlt.u32 v4, $0x8  }
0x698: {  	v5 =	vnsel vm0, $0x2710, v4;
	v4 =	vnsel vm0, $0xFFFFFFFF, v4  }
0x699: {  	vm0 =	vlt.s32 v1, v5;
	vm1 =	vgt.s32 v2, v4  }
0x69a: {  	v1 =	vsel vm0, v1, v5;
	v2 =	vsel vm1, v2, v4  }
0x69b: {  	_ = 	snop  }
0x69c: {  	v3 =	vsub.s32 v3, v0  }
0x69d: {  	vm0 =	vlt.u32 v3, $0x8  }
0x69e: {  	v4 =	vnsel vm0, $0x2710, v3  }
0x69f: {  	v3 =	vnsel vm0, $0xFFFFFFFF, v3;
	vm15 =	vlt.s32 v1, v4  }
0x6a0: {  	vm1 =	vgt.s32 v2, v3;
	v1 =	vsel vm15, v1, v4  }
0x6a1: {  	v2 =	vsel vm1, v2, v3;
	(v2sf) =	vpush v1, $0x0  }
0x6a2: {  	(v2sf) =	vpush v2, $0x0  }
0x6a3: {  	(v2sf) =	vpush v1, $0x1  }
0x6a4: {  	(v2sf) =	vpush v2, $0x1  }
0x6a5: {  	(v2sf) =	vpush v1, $0x2  }
0x6a6: {  	(v2sf) =	vpush v2, $0x2  }
0x6a7: {  	(v2sf) =	vpush v1, $0x3  }
0x6a8: {  	(v2sf) =	vpush v2, $0x3  }
0x6a9: {  	(v2sf) =	vpush v1, $0x4  }
0x6aa: {  	(v2sf) =	vpush v2, $0x4  }
0x6ab: {  	(v2sf) =	vpush v1, $0x5  }
0x6ac: {  	(v2sf) =	vpush v2, $0x5  }
0x6ad: {  	(v2sf) =	vpush v1, $0x6  }
0x6ae: {  	(v2sf) =	vpush v2, $0x6  }
0x6af: {  	(v2sf) =	vpush v1, $0x7  }
0x6b0: {  	s0 =	spop (v2sf);
	(v2sf) =	vpush v2, $0x7  }
0x6b1: {  	s2 =	spop (v2sf);
	(v2sf) =	vpush v1, $0x8  }
0x6b2: {  	s3 =	spop (v2sf);
	(v2sf) =	vpush v2, $0x8  }
0x6b3: {  	p1 =	slt.s32 s0, s3;
	s7 =	spop (v2sf);
	(v2sf) =	vpush v1, $0x9  }
0x6b4: {  	s3 =	smov.u32 @p1 s0;
	p1 =	sgt.s32 s2, s7;
	s0 =	spop (v2sf);
	(v2sf) =	vpush v2, $0x9  }
0x6b5: {  	s7 =	smov.u32 @p1 s2;
	p1 =	slt.s32 s3, s0;
	s2 =	spop (v2sf);
	(v2sf) =	vpush v1, $0xA  }
0x6b6: {  	s0 =	smov.u32 @p1 s3;
	p1 =	sgt.s32 s7, s2;
	s3 =	spop (v2sf);
	(v2sf) =	vpush v2, $0xA  }
0x6b7: {  	s2 =	smov.u32 @p1 s7;
	p1 =	slt.s32 s0, s3;
	s7 =	spop (v2sf);
	(v2sf) =	vpush v1, $0xB  }
0x6b8: {  	s3 =	smov.u32 @p1 s0;
	p1 =	sgt.s32 s2, s7;
	s0 =	spop (v2sf);
	(v2sf) =	vpush v2, $0xB  }
0x6b9: {  	s7 =	smov.u32 @p1 s2;
	p1 =	slt.s32 s3, s0;
	s2 =	spop (v2sf);
	(v2sf) =	vpush v1, $0xC  }
0x6ba: {  	s0 =	smov.u32 @p1 s3;
	p1 =	sgt.s32 s7, s2;
	s3 =	spop (v2sf);
	(v2sf) =	vpush v2, $0xC  }
0x6bb: {  	s2 =	smov.u32 @p1 s7;
	p1 =	slt.s32 s0, s3;
	s7 =	spop (v2sf);
	(v2sf) =	vpush v1, $0xD  }
0x6bc: {  	s3 =	smov.u32 @p1 s0;
	p1 =	sgt.s32 s2, s7;
	s0 =	spop (v2sf);
	(v2sf) =	vpush v2, $0xD  }
0x6bd: {  	s7 =	smov.u32 @p1 s2;
	p1 =	slt.s32 s3, s0;
	s2 =	spop (v2sf);
	(v2sf) =	vpush v1, $0xE  }
0x6be: {  	s0 =	smov.u32 @p1 s3;
	p1 =	sgt.s32 s7, s2;
	s3 =	spop (v2sf);
	(v2sf) =	vpush v2, $0xE  }
0x6bf: {  	s2 =	smov.u32 @p1 s7;
	p1 =	slt.s32 s0, s3;
	s7 =	spop (v2sf);
	(v2sf) =	vpush v1, $0xF  }
0x6c0: {  	s3 =	smov.u32 @p1 s0;
	p1 =	sgt.s32 s2, s7;
	s0 =	spop (v2sf);
	(v2sf) =	vpush v2, $0xF  }
0x6c1: {  	s7 =	smov.u32 @p1 s2;
	s2 =	spop (v2sf);
	p1 =	slt.s32 s3, s0  }
0x6c2: {  	s0 =	smov.u32 @p1 s3;
	s3 =	spop (v2sf);
	p1 =	sgt.s32 s7, s2  }
0x6c3: {  	s2 =	smov.u32 @p1 s7;
	s7 =	spop (v2sf);
	p1 =	slt.s32 s0, s3  }
0x6c4: {  	s3 =	smov.u32 @p1 s0;
	s0 =	spop (v2sf);
	p1 =	sgt.s32 s2, s7  }
0x6c5: {  	s7 =	smov.u32 @p1 s2;
	s2 =	spop (v2sf);
	p1 =	slt.s32 s3, s0  }
0x6c6: {  	s0 =	smov.u32 @p1 s3;
	s3 =	spop (v2sf);
	p1 =	sgt.s32 s7, s2  }
0x6c7: {  	s2 =	smov.u32 @p1 s7;
	s7 =	spop (v2sf);
	p1 =	slt.s32 s0, s3  }
0x6c8: {  	s3 =	smov.u32 @p1 s0;
	s0 =	spop (v2sf);
	p1 =	sgt.s32 s2, s7  }
0x6c9: {  	s7 =	smov.u32 @p1 s2;
	s2 =	spop (v2sf);
	p1 =	slt.s32 s3, s0  }
0x6ca: {  	s0 =	smov.u32 @p1 s3;
	s3 =	spop (v2sf);
	p1 =	sgt.s32 s7, s2  }
0x6cb: {  	s2 =	smov.u32 @p1 s7;
	s7 =	spop (v2sf);
	p1 =	slt.s32 s0, s3  }
0x6cc: {  	s3 =	smov.u32 @p1 s0;
	s0 =	spop (v2sf);
	p1 =	sgt.s32 s2, s7  }
0x6cd: {  	s7 =	smov.u32 @p1 s2;
	s2 =	spop (v2sf);
	p1 =	slt.s32 s3, s0  }
0x6ce: {  	s0 =	smov.u32 @p1 s3;
	s24 =	spop (v2sf);
	p1 =	sgt.s32 s7, s2  }
0x6cf: {  	s2 =	smov.u32 @p1 s7;
	s3 =	spop (v2sf)  }
0x6d0: {  	p1 =	slt.s32 s0, s24;
	p2 =	sgt.s32 s2, s3  }
0x6d1: {  	s24 =	smov.u32 @p1 s0;
	s3 =	smov.u32 @p2 s2  }
0x6d2: {  	p1 =	slt.s32 s3, s24  }
0x6d3: {  	s25 =	ssub.s32 @!p1 s3, s24  }
0x6d4: {  	p2 =	sgt.u32 @!p1 s25, $0x7FFFFFFE  }
0x6d5: {  	p2 =	por p1, p2  }
.Ltmp71:
0x6d6: {  	_ = 	snop;
	(pc) =	sbr.rel @p2 .LBB2_134-.Ltmp71, $2  }
0x6d7: {  	_ =	sdelay $0x2  }
0x6d8: {  	s26 =	simm.s32 @!p1 $0x0  }
.LBB2_131:
0x6d9: {  	s12 =	sadd.s32 s24, s26  }
0x6da: {  	s0 =	sshll.u32 s12, $0xA;
	s2 =	sshll.u32 s12, $0x7  }
0x6db: {  	s3 =	simm.s32 $0x0;
	s0 =	sand.u32 $0xFFFFE000, s0;
	s2 =	sand.u32 $0x380, s2  }
0x6dc: {  	s11 =	sor.u32 s0, s2;
	s2 =	sand.u32 $0x1C00, s3  }
0x6dd: {  	s7 =	sand.u32 $0x70, s3;
	s0 =	sor.u32 s2, s11  }
0x6de: {  	s16 =	sor.u32 s7, s0  }
0x6df: {  	v5 =	vld [tilespmem:s16+$0x400];
	_ =	sdelay $0x4  }
0x6e0: {  	v1 =	vmul.f32 v5, v5  }
0x6e1: {  	s9 =	simm.s32 $0x80  }
0x6e2: {  	s13 =	simm.s32 $0x10;
	s0 =	sand.u32 $0x1C00, s9;
	v1 =	vsub.f32 $1.000000000e+00, v1  }
0x6e3: {  	s2 =	sand.u32 $0x70, s13;
	s0 =	sor.u32 s0, s11  }
0x6e4: {  	s2 =	sor.u32 s2, s0;
	v6 =	vmax.f32 v1, $9.999999960e-13  }
0x6e5: {  	v2 =	vld [tilespmem:s2+$0x400];
	v1 =	vshra.s32 v6, $0x1;
	v4 =	vmul.f32 $5.000000000e-01, v6  }
0x6e6: {  	v1 =	vsub.s32 $0x5F3759DF, v1  }
0x6e7: {  	v3 =	vmul.f32 v1, v4;
	_ =	sdelay $0x1  }
0x6e8: {  	v3 =	vmul.f32 v1, v3  }
0x6e9: {  	s15 =	simm.s32 $0x100;
	v7 =	vmul.f32 v2, v2  }
0x6ea: {  	s7 =	simm.s32 $0x20;
	s0 =	sand.u32 $0x1C00, s15;
	v3 =	vsub.f32 $1.500000000e+00, v3  }
0x6eb: {  	s7 =	sand.u32 $0x70, s7;
	s0 =	sor.u32 s0, s11;
	v7 =	vsub.f32 $1.000000000e+00, v7  }
0x6ec: {  	s28 =	sor.u32 s7, s0;
	v1 =	vmul.f32 v1, v3  }
0x6ed: {  	v8 =	vmax.f32 v7, $9.999999960e-13;
	v3 =	vld [tilespmem:s28+$0x400]  }
0x6ee: {  	v7 =	vshra.s32 v8, $0x1;
	v11 =	vmul.f32 $5.000000000e-01, v8;
	v9 =	vmul.f32 v1, v4  }
0x6ef: {  	v10 =	vsub.s32 $0x5F3759DF, v7  }
0x6f0: {  	v7 =	vmul.f32 v10, v11;
	v9 =	vmul.f32 v9, v1;
	_ =	sdelay $0x1  }
0x6f1: {  	s29 =	simm.s32 $0x180;
	v7 =	vmul.f32 v10, v7;
	v12 =	vmul.f32 v3, v3;
	v9 =	vsub.f32 $1.500000000e+00, v9  }
0x6f2: {  	s30 =	simm.s32 $0x30;
	s0 =	sand.u32 $0x1C00, s29  }
0x6f3: {  	s7 =	sand.u32 $0x70, s30;
	s0 =	sor.u32 s0, s11;
	v13 =	vsub.f32 $1.500000000e+00, v7;
	v12 =	vsub.f32 $1.000000000e+00, v12;
	v9 =	vmul.f32 v9, v1  }
0x6f4: {  	s0 =	sor.u32 s7, s0  }
0x6f5: {  	v1 =	vld [tilespmem:s0+$0x400];
	v7 =	vmax.f32 v12, $9.999999960e-13;
	v12 =	vmul.f32 v10, v13;
	v4 =	vmul.f32 v9, v4  }
0x6f6: {  	v13 =	vshra.s32 v7, $0x1;
	v10 =	vmul.f32 $5.000000000e-01, v7  }
0x6f7: {  	v14 =	vsub.s32 $0x5F3759DF, v13;
	v13 =	vmul.f32 v12, v11;
	v4 =	vmul.f32 v4, v9  }
0x6f8: {  	v15 =	vmul.f32 v14, v10  }
0x6f9: {  	v13 =	vmul.f32 v13, v12;
	v4 =	vsub.f32 $1.500000000e+00, v4  }
0x6fa: {  	s15 =	simm.s32 $0x200;
	v16 =	vmul.f32 v1, v1;
	v15 =	vmul.f32 v14, v15  }
0x6fb: {  	s31 =	simm.s32 $0x40;
	s9 =	sand.u32 $0x1C00, s15;
	v13 =	vsub.f32 $1.500000000e+00, v13;
	v9 =	vmul.f32 v4, v9  }
0x6fc: {  	s12 =	sadd.s32 s8, s12;
	s9 =	sor.u32 s9, s11;
	s7 =	sand.u32 $0x70, s31;
	v16 =	vsub.f32 $1.000000000e+00, v16;
	v17 =	vsub.f32 $1.500000000e+00, v15  }
0x6fd: {  	v4 =	vmov s12;
	s12 =	sor.u32 s7, s9;
	v13 =	vmul.f32 v13, v12;
	v15 =	vmul.f32 v9, v6  }
0x6fe: {  	s9 =	simm.s32 $0x50;
	v6 =	vld [tilespmem:s12+$0x400];
	v9 =	vmax.f32 v16, $9.999999960e-13;
	v12 =	vmul.f32 v14, v17;
	v14 =	vmul.f32 $9.553365110e-01, v5  }
.LBB2_132:
0x6ff: {  	p1 =	sne.s32 s9, $0x3F0;
	v16 =	vshra.s32 v9, $0x1;
	v17 =	vmul.f32 v13, v11;
	v18 =	vld [tilespmem:s3+$0x0];
	v15 =	vmul.f32 $-2.955202160e-01, v15;
	v11 =	vmovc v10;
	s7 =	smov.u32 s2;
	s2 =	smov.u32 s28  }
0x700: {  	v10 =	vmul.f32 $5.000000000e-01, v9;
	s28 =	smov.u32 s0;
	s0 =	smov.u32 s12;
	v16 =	vsub.s32 $0x5F3759DF, v16  }
0x701: {  	v19 =	vmul.f32 v12, v11;
	v17 =	vmul.f32 v17, v13;
	v14 =	vadd.f32 v15, v14  }
0x702: {  	v15 =	vmul.f32 v16, v10  }
0x703: {  	v19 =	vmul.f32 v19, v12;
	v17 =	vsub.f32 $1.500000000e+00, v17;
	v14 =	vadd.f32 $-2.000000030e-01, v14  }
.Ltmp72:
0x704: {  	s15 =	sadd.s32 $0x80, s15;
	v20 =	vmul.f32 v6, v6;
	v15 =	vmul.f32 v16, v15;
	vm0 =	veq.s32 v18, v4;
	(pc) =	sbr.rel @p1 .LBB2_132-.Ltmp72, $4  }
0x705: {  	s12 =	sand.u32 $0x1C00, s15;
	v18 =	vsub.f32 $1.500000000e+00, v19;
	v17 =	vmul.f32 v17, v13;
	v13 =	vsel vm0, v14, v5;
	v5 =	vmovc v2;
	v2 =	vmovc v3  }
0x706: {  	s13 =	sand.u32 $0x70, s9;
	s12 =	sor.u32 s12, s11;
	v14 =	vsub.f32 $1.000000000e+00, v20;
	v19 =	vsub.f32 $1.500000000e+00, v15;
	v3 =	vmovc v1;
	v1 =	vmovc v6;
	v20 =	vmul.f32 $6.400000000e+01, v13  }
0x707: {  	s12 =	sor.u32 s13, s12;
	v13 =	vmul.f32 v18, v12;
	v15 =	vmul.f32 v17, v8;
	v8 =	vmovc v7;
	v7 =	vmov v9  }
0x708: {  	s9 =	sadd.s32 $0x10, s9;
	s3 =	sadd.s32 $0x10, s3;
	v9 =	vmax.f32 v14, $9.999999960e-13;
	v12 =	vmul.f32 v16, v19;
	v14 =	vmul.f32 $9.553365110e-01, v5;
	v6 =	vld [tilespmem:s12+$0x400];
	[tilespmem:s16+$0xC400] =	vst v20;
	s16 =	smov.u32 s7  }
0x709: {  	v16 =	vshra.s32 v9, $0x1;
	v11 =	vmul.f32 v13, v11;
	v17 =	vld [tilespmem:s3+$0x0];
	v15 =	vmul.f32 $-2.955202160e-01, v15  }
0x70a: {  	v18 =	vmul.f32 $5.000000000e-01, v9;
	v16 =	vsub.s32 $0x5F3759DF, v16  }
0x70b: {  	v19 =	vmul.f32 v12, v10;
	v11 =	vmul.f32 v11, v13;
	v14 =	vadd.f32 v15, v14  }
0x70c: {  	v41 =	vmul.f32 v16, v18  }
0x70d: {  	v19 =	vmul.f32 v19, v12;
	v11 =	vsub.f32 $1.500000000e+00, v11;
	v14 =	vadd.f32 $-2.000000030e-01, v14  }
0x70e: {  	v20 =	vmul.f32 v6, v6;
	v15 =	vmul.f32 v16, v41;
	vm0 =	veq.s32 v17, v4  }
0x70f: {  	v42 =	vsub.f32 $1.500000000e+00, v19;
	v11 =	vmul.f32 v11, v13;
	v5 =	vsel vm0, v14, v5  }
0x710: {  	v43 =	vsub.f32 $1.000000000e+00, v20;
	v44 =	vsub.f32 $1.500000000e+00, v15;
	v5 =	vmul.f32 $6.400000000e+01, v5  }
0x711: {  	v45 =	vmul.f32 v42, v12;
	v8 =	vmul.f32 v11, v8  }
0x712: {  	v48 =	vmul.f32 $9.553365110e-01, v2;
	v46 =	vmax.f32 v43, $9.999999960e-13;
	v47 =	vmul.f32 v16, v44;
	[tilespmem:s16+$0xC400] =	vst v5;
	s16 =	sadd.s32 $0x10, s3  }
0x713: {  	v49 =	vshra.s32 v46, $0x1;
	v50 =	vmul.f32 v45, v10;
	v51 =	vld [tilespmem:s16+$0x0];
	v8 =	vmul.f32 $-2.955202160e-01, v8  }
0x714: {  	v52 =	vmul.f32 $5.000000000e-01, v46;
	v5 =	vsub.s32 $0x5F3759DF, v49  }
0x715: {  	v53 =	vmul.f32 v47, v18;
	v10 =	vmul.f32 v50, v45;
	v8 =	vadd.f32 v8, v48  }
0x716: {  	v54 =	vmul.f32 v5, v52  }
0x717: {  	v17 =	vmul.f32 v53, v47;
	v10 =	vsub.f32 $1.500000000e+00, v10;
	v8 =	vadd.f32 $-2.000000030e-01, v8  }
0x718: {  	v14 =	vmul.f32 v5, v54;
	vm12 =	veq.s32 v51, v4  }
0x719: {  	v55 =	vsub.f32 $1.500000000e+00, v17;
	v10 =	vmul.f32 v10, v45;
	v2 =	vsel vm12, v8, v2  }
0x71a: {  	v56 =	vsub.f32 $1.500000000e+00, v14;
	v2 =	vmul.f32 $6.400000000e+01, v2  }
0x71b: {  	v57 =	vmul.f32 v55, v47;
	v7 =	vmul.f32 v10, v7  }
0x71c: {  	v58 =	vmul.f32 $9.553365110e-01, v3;
	s29 =	sadd.s32 $0x10, s16;
	v5 =	vmul.f32 v5, v56;
	[tilespmem:s2+$0xC400] =	vst v2  }
0x71d: {  	v2 =	vmul.f32 v57, v18;
	v7 =	vmul.f32 $-2.955202160e-01, v7;
	v59 =	vld [tilespmem:s29+$0x0];
	_ =	sdelay $0x1  }
0x71e: {  	v60 =	vmul.f32 v5, v52;
	v2 =	vmul.f32 v2, v57;
	v7 =	vadd.f32 v7, v58;
	_ =	sdelay $0x1  }
0x71f: {  	v61 =	vmul.f32 v60, v5;
	v2 =	vsub.f32 $1.500000000e+00, v2;
	v7 =	vadd.f32 $-2.000000030e-01, v7  }
0x720: {  	vm13 =	veq.s32 v59, v4  }
0x721: {  	v8 =	vsub.f32 $1.500000000e+00, v61;
	v2 =	vmul.f32 v2, v57;
	v3 =	vsel vm13, v7, v3  }
0x722: {  	v3 =	vmul.f32 $6.400000000e+01, v3  }
0x723: {  	v5 =	vmul.f32 v8, v5;
	v2 =	vmul.f32 v2, v9  }
0x724: {  	v62 =	vmul.f32 $9.553365110e-01, v1;
	s2 =	sadd.s32 $0x10, s29;
	[tilespmem:s28+$0xC400] =	vst v3  }
0x725: {  	v3 =	vmul.f32 v5, v52;
	v2 =	vmul.f32 $-2.955202160e-01, v2;
	v63 =	vld [tilespmem:s2+$0x0];
	_ =	sdelay $0x1  }
0x726: {  	v3 =	vmul.f32 v3, v5;
	v2 =	vadd.f32 v2, v62;
	_ =	sdelay $0x1  }
0x727: {  	v3 =	vsub.f32 $1.500000000e+00, v3;
	v2 =	vadd.f32 $-2.000000030e-01, v2  }
0x728: {  	vm14 =	veq.s32 v63, v4  }
0x729: {  	v3 =	vmul.f32 v3, v5;
	v1 =	vsel vm14, v2, v1  }
0x72a: {  	v1 =	vmul.f32 $6.400000000e+01, v1  }
0x72b: {  	v2 =	vmul.f32 v3, v46  }
0x72c: {  	s30 =	sadd.s32 $0x10, s2;
	[tilespmem:s0+$0xC400] =	vst v1  }
0x72d: {  	v1 =	vmul.f32 $9.553365110e-01, v6;
	v2 =	vmul.f32 $-2.955202160e-01, v2;
	v3 =	vld [tilespmem:s30+$0x0];
	_ =	sdelay $0x1  }
0x72e: {  	v1 =	vadd.f32 v2, v1;
	_ =	sdelay $0x1  }
0x72f: {  	p1 =	sne.s32 s26, s25;
	v1 =	vadd.f32 $-2.000000030e-01, v1  }
.Ltmp73:
0x730: {  	vm15 =	veq.s32 v3, v4;
	(pc) =	sbr.rel @p1 .LBB2_131-.Ltmp73, $4  }
.Ltmp74:
0x731: {  	v1 =	vsel vm15, v1, v6;
	(pc) =	sbr.rel @!p1 .LBB2_134-.Ltmp74, $4  }
0x732: {  	v1 =	vmul.f32 $6.400000000e+01, v1  }
0x733: {  	s31 =	sadd.s32 $0x1, s26  }
0x734: {  	s26 =	smov.u32 s31;
	[tilespmem:s12+$0xC400] =	vst v1  }
0x735: {  	_ = 	snop  }
.LBB2_136:
0x736: {  	_ =	sfence.sel $0x180000  }
0x737: {  	[bflag:$0x0] =	sbarrier.arrive $0xFFFF  }
0x738: {  	_ =	strace $0x90000047  }
0x739: {  	s0 =	stileid.u32;
	[bflag:$0x2] =	sbarrier.arrive $0xFFFF  }
0x73a: {  	p0 =	sne.s32 s0, $0x0;
	s0 =	rddreg [dreg:$0x3]  }
0x73b: {  	s0 =	sadd.s32 @!p0 $0x100000, s0  }
0x73c: {  	[sflag:s0] =	ssyncadd.tile.s32 @!p0 $0x1;
	_ =	shalt  }
.Lfunc_end2:
_tile_overlayer_lowered:
.L_overlay_start_2:
0x73d: {  	(tag) =	ssettag $0x2  }
0x73e: {  	s0 =	rddreg [dreg:$0x0];
	s2 =	stileid.u32  }
0x73f: {  	s1 =	rddreg [dreg:$0x1];
	p0 =	sne.s32 s2, $0x0  }
0x740: {  	s3 =	rddreg [dreg:$0x2];
	[bflag:$0x3] =	sbarrier.arrive $0xFFFF;
	s2 =	simm.s32 @!p0 $0x1C05  }
0x741: {  	[timem:s3], [sflag:s2] =	dma.local @!p0 [hbm:s0], s1  }
0x742: {  	s0 =	simm.s32 @!p0 $0x5  }
0x743: {  	_ =	swait.ge @!p0 [sflag:s0], s1  }
0x744: {  	s1 =	ssub.s32 @!p0 $0x0, s1;
	[sflag:s0] =	ssyncset.done @!p0 $0x0  }
0x745: {  	[sflag:s0] =	ssyncadd.s32 @!p0 s1  }
0x746: {  	[bflag:$0x3] =	sbarrier.arrive $0xFFFF  }
0x747: {  	_ =	shalt  }

</sc_bundles>
